<compile_context>
chip_gen: v7x
topology: tpu7x:2x2x1
jax: 0.10.2.dev20260603
libtpu: 0.0.44.dev20260713+nightly
codegen_flags: <defaults>
</compile_context>

<pallas_src>
import functools

import numpy as np
import jax
import jax.numpy as jnp
from jax import lax
from jax.experimental import pallas as pl
from jax.experimental.pallas import tpu as pltpu
from jax.experimental.pallas import tpu_sc as plsc

B = 64
N = 13860
H = W = 512
NPAD = 14336
NB = 2048
HW = H * W
NQ = 4
QSIZE = HW // NQ
SENT = -(1 << 20)
NC, NS = 2, 16
NWORK = NC * NS
IMGS_PER_WORKER = B // NWORK

def _bf16_round(x):
    u = lax.bitcast_convert_type(x, jnp.uint32)
    r = (u + jnp.uint32(0x7FFF) + ((u >> 16) & jnp.uint32(1))) & jnp.uint32(0xFFFF0000)
    return lax.bitcast_convert_type(r, jnp.float32)


def _proj_body(v_ref, p_ref, pts_ref, idx_ref):
    j = pl.program_id(0)
    Vm = _bf16_round(v_ref[:])
    Pm = _bf16_round(p_ref[:])
    rows = []
    for i in (0, 1, 3):
        acc = None
        for k in range(4):
            term = Pm[:, 4 * i + k:4 * i + k + 1] * Vm[:, 4 * k:4 * k + 4]
            acc = term if acc is None else acc + term
        rows.append(_bf16_round(acc))
    vpx, vpy, vpw = rows
    px = _bf16_round(pts_ref[0:1, :])
    py = _bf16_round(pts_ref[1:2, :])
    pz = _bf16_round(pts_ref[2:3, :])

    def proj(c):
        return c[:, 0:1] * px + c[:, 1:2] * py + c[:, 2:3] * pz + c[:, 3:4]

    tx = proj(vpx)
    ty = proj(vpy)
    tw = proj(vpw)
    nz = tw != 0.0
    X = jnp.where(nz, tx / tw, tx)
    Y = jnp.where(nz, ty / tw, ty)
    xs = (X + 1.0) * 0.5 * float(W)
    ys = (1.0 - (Y + 1.0) * 0.5) * float(H)
    xr = jnp.round(xs)
    yr = jnp.round(ys)
    valid = (xr >= 0.0) & (xr <= float(W - 1)) & (yr >= 0.0) & (yr <= float(H - 1))
    col = j * NB + lax.broadcasted_iota(jnp.int32, (B, NB), 1)
    valid = valid & (col < N)
    flat = yr.astype(jnp.int32) * W + xr.astype(jnp.int32)
    idx_ref[:] = jnp.where(valid, flat, SENT)


_proj_call = pl.pallas_call(
    _proj_body,
    grid=(NPAD // NB,),
    in_specs=[
        pl.BlockSpec((B, 16), lambda j: (0, 0)),
        pl.BlockSpec((B, 16), lambda j: (0, 0)),
        pl.BlockSpec((8, NB), lambda j: (0, j)),
    ],
    out_specs=pl.BlockSpec((B, NB), lambda j: (0, j)),
    out_shape=jax.ShapeDtypeStruct((B, NPAD), jnp.int32),
)


QROWS = H // NQ


NSPLIT = 4
SEG = B // NSPLIT


def _make_sc_body(base):
    tpw = SEG * NQ // NWORK

    def _do_quarter(idx_v, qbuf, out_hbm, bl, q, lo):
        zeros16 = jnp.zeros((16,), jnp.float32)
        v255 = jnp.full((16,), 255.0, jnp.float32)

        @pl.loop(0, QROWS)
        def zero_body(i):
            for cc in range(W // 16):
                qbuf[i, pl.ds(cc * 16, 16)] = zeros16

        @pl.loop(0, NPAD // 16, unroll=8)
        def scan_body(i):
            v = idx_v[pl.ds(i * 16, 16)]
            u = v - lo
            m = lax.bitcast_convert_type(u, jnp.uint32) < jnp.uint32(QSIZE)
            row = u >> 9
            col = u & (W - 1)
            plsc.store_scatter(qbuf, [row, col], v255, mask=m)

        pltpu.sync_copy(qbuf, out_hbm.at[bl, pl.ds(q * QROWS, QROWS)])

    def _sc_scatter_body(idx_hbm, out_hbm, idx_v, qbuf):
        wid = lax.axis_index("s") * NC + lax.axis_index("c")
        if tpw >= NQ:
            for im in range(tpw // NQ):
                bl = wid * (tpw // NQ) + im
                pltpu.sync_copy(idx_hbm.at[base + bl], idx_v)
                for q in range(NQ):
                    _do_quarter(idx_v, qbuf, out_hbm, bl, q, q * QSIZE)
        else:
            nfrac = NQ // tpw
            bl = wid // nfrac
            q0 = (wid % nfrac) * tpw
            pltpu.sync_copy(idx_hbm.at[base + bl], idx_v)
            for t in range(tpw):
                q = q0 + t
                _do_quarter(idx_v, qbuf, out_hbm, bl, q, q * QSIZE)

    return _sc_scatter_body


@functools.lru_cache(maxsize=NSPLIT)
def _sc_scatter_call(base):
    mesh = plsc.VectorSubcoreMesh(
        core_axis_name="c", subcore_axis_name="s",
        num_cores=NC, num_subcores=NS)
    return pl.kernel(
        _make_sc_body(base),
        out_type=jax.ShapeDtypeStruct((SEG, H, W), jnp.float32),
        mesh=mesh,
        compiler_params=pltpu.CompilerParams(needs_layout_passes=False),
        scratch_types=[
            pltpu.VMEM((NPAD,), jnp.int32),
            pltpu.VMEM((QROWS, W), jnp.float32),
        ],
    )


def _gauss_weights():
    sigma = 0.3 * ((9 - 1) * 0.5 - 1.0) + 0.8
    x = np.arange(9, dtype=np.float32) - 4.0
    k = np.exp(-(x.astype(np.float32) ** 2) / np.float32(2.0 * sigma * sigma))
    k = k.astype(np.float32)
    k = k / k.sum(dtype=np.float32)
    return [float(v) for v in k]


_GW = _gauss_weights()


def _band_ones():
    i = np.arange(H)
    return (np.abs(i[:, None] - i[None, :]) <= 4).astype(np.float32)


def _gauss_op():
    g = np.zeros((H, H), np.float32)
    gw = np.asarray(_GW, np.float32)
    for i in range(H):
        for k in range(9):
            t = i + k - 4
            if t < 0:
                t = -t
            elif t > H - 1:
                t = 2 * (H - 1) - t
            g[i, t] += gw[k]
    return g


def _bf(x):
    return jnp.asarray(x).astype(jnp.bfloat16)


def _morph_body(bo_ref, ghi_ref, glo_ref, ghit_ref, glot_ref, r_ref, o_ref):
    m = r_ref[0]
    bo = bo_ref[:]
    f32 = jnp.float32
    mb = jnp.where(m > 0.0, 1.0, 0.0).astype(jnp.bfloat16)
    c = jnp.dot(bo, mb, preferred_element_type=f32).astype(jnp.bfloat16)
    c2 = jnp.dot(c, bo, preferred_element_type=f32)
    d = jnp.where(c2 > 0.5, 255.0, 0.0).astype(jnp.bfloat16)
    f32 = jnp.float32
    s1 = (jnp.dot(ghi_ref[:], d, preferred_element_type=f32)
          + jnp.dot(glo_ref[:], d, preferred_element_type=f32))
    s1hi = s1.astype(jnp.bfloat16)
    s1lo = (s1 - s1hi.astype(f32)).astype(jnp.bfloat16)
    s = (jnp.dot(s1hi, ghit_ref[:], preferred_element_type=f32)
         + jnp.dot(s1hi, glot_ref[:], preferred_element_type=f32)
         + jnp.dot(s1lo, ghit_ref[:], preferred_element_type=f32))
    ob = jnp.where(s > 100.0, 1.0, 0.0)
    o_ref[0, 0] = ob
    o_ref[0, 1] = ob
    o_ref[0, 2] = ob


_OP_SPECS = [pl.BlockSpec((H, H), lambda b: (0, 0)) for _ in range(5)]


def _morph_body_b(bo_ref, ghi_ref, glo_ref, ghit_ref, glot_ref, r_ref,
                  prev_ref, o_ref):
    del prev_ref
    _morph_body(bo_ref, ghi_ref, glo_ref, ghit_ref, glot_ref, r_ref, o_ref)


def _make_morph_call(base, aliased):
    in_specs = list(_OP_SPECS) + [pl.BlockSpec((1, H, W), lambda b: (b, 0, 0))]
    kwargs = {}
    if aliased:
        in_specs.append(pl.BlockSpec(memory_space=pl.ANY))
        kwargs["input_output_aliases"] = {6: 0}
    return pl.pallas_call(
        _morph_body_b if aliased else _morph_body,
        grid=(SEG,),
        in_specs=in_specs,
        out_specs=pl.BlockSpec(
            (1, 3, H, W), lambda b, base=base: (b + base, 0, 0, 0)),
        out_shape=jax.ShapeDtypeStruct((B, 3, H, W), jnp.float32),
        **kwargs,
    )


def kernel(V_matrix, P_matrix, raw_base_points):
    V16 = V_matrix.reshape(B, 16)
    P16 = P_matrix.reshape(B, 16)
    ptsT = jnp.zeros((8, NPAD), jnp.float32)
    ptsT = ptsT.at[0:3, 0:N].set(raw_base_points[:, 0:3].T)
    idx = _proj_call(V16, P16, ptsT)
    rasts = [_sc_scatter_call(k * SEG)(idx) for k in range(NSPLIT)]
    import ml_dtypes
    bo = jnp.asarray(_band_ones().astype(ml_dtypes.bfloat16))
    g = _gauss_op()
    ghi_np = g.astype(ml_dtypes.bfloat16)
    glo_np = (g - ghi_np.astype(np.float32)).astype(ml_dtypes.bfloat16)
    ghi = jnp.asarray(ghi_np)
    glo = jnp.asarray(glo_np)
    ghit = jnp.asarray(ghi_np.T.copy())
    glot = jnp.asarray(glo_np.T.copy())
    img = _make_morph_call(0, False)(bo, ghi, glo, ghit, glot, rasts[0])
    for k in range(1, NSPLIT):
        img = _make_morph_call(k * SEG, True)(
            bo, ghi, glo, ghit, glot, rasts[k], img)
    return img

# --- scband reference (transcript-rebuilt; emitter-appended) ---
"""Pipeline reference for scband-vpmatrix-points-v1-15187004359121 (READ-ONLY COPY).

The authoritative reference and input builder live on the scoring server;
editing this copy changes nothing except your own understanding.
"""

import jax, jax.numpy as jnp
import numpy as np
from jax import lax

B, N = 64, 13860
H, W = 512, 512


def _gauss_kernel2d(ksize=9):
    # cv2.GaussianBlur with sigma=0 computes sigma = 0.3*((ksize-1)*0.5 - 1) + 0.8
    sigma = 0.3 * ((ksize - 1) * 0.5 - 1.0) + 0.8
    x = jnp.arange(ksize, dtype=jnp.float32) - (ksize - 1) / 2.0
    k = jnp.exp(-(x ** 2) / (2.0 * sigma ** 2))
    k = k / jnp.sum(k)
    return jnp.outer(k, k)


def setup_inputs(seed: int = 0) -> dict:
    key = jax.random.key(seed)
    k1, k2, k3 = jax.random.split(key, 3)
    V = jax.random.normal(k1, (B, 4, 4), jnp.float32) * 0.1 + jnp.eye(4, dtype=jnp.float32)[None]
    P = jax.random.normal(k2, (B, 4, 4), jnp.float32) * 0.1 + jnp.eye(4, dtype=jnp.float32)[None]
    pts = jax.random.uniform(k3, (N, 4), jnp.float32, minval=-1.0, maxval=1.0)
    pts = pts.at[:, 3].set(1.0)  # homogeneous coordinate
    return {"V_matrix": V, "P_matrix": P, "raw_base_points": pts}


def reference(V_matrix, P_matrix, raw_base_points):
    Bsz = V_matrix.shape[0]
    Npts = raw_base_points.shape[0]
    VP = jnp.matmul(P_matrix, V_matrix)                                   # [B,4,4]
    pts = jnp.broadcast_to(raw_base_points[None], (Bsz, Npts, 4))
    tp = jnp.matmul(pts, jnp.swapaxes(VP, 1, 2))                          # [B,N,4]
    wcoord = tp[..., 3:4]
    xyz = jnp.where(wcoord != 0, tp[..., :3] / wcoord, tp[..., :3])
    xs = (xyz[..., 0] + 1.0) * 0.5 * W
    ys = (1.0 - (xyz[..., 1] + 1.0) * 0.5) * H
    xi = jnp.round(xs).astype(jnp.int32)
    yi = jnp.round(ys).astype(jnp.int32)
    valid = (xi >= 0) & (xi < W) & (yi >= 0) & (yi < H)
    xi_c = jnp.clip(xi, 0, W - 1)
    yi_c = jnp.clip(yi, 0, H - 1)
    vals = jnp.where(valid, 255.0, 0.0).astype(jnp.float32)
    b_idx = jnp.broadcast_to(jnp.arange(Bsz)[:, None], (Bsz, Npts))
    # image_array starts at 255, points set to 0; inverted = 255 - image -> scatter 255 at points
    inverted = jnp.zeros((Bsz, H, W), jnp.float32).at[b_idx, yi_c, xi_c].max(vals)
    # cv2.dilate with 9x9 ones kernel == 9x9 max filter
    dilated = lax.reduce_window(inverted, -jnp.inf, lax.max, (1, 9, 9), (1, 1, 1), 'SAME')
    # cv2.GaussianBlur (9,9), sigma 0 -> computed sigma, BORDER_REFLECT_101 == numpy 'reflect'
    padded = jnp.pad(dilated, ((0, 0), (4, 4), (4, 4)), mode='reflect')
    k2d = _gauss_kernel2d(9)[None, None]                                  # [1,1,9,9]
    smoothed = lax.conv_general_dilated(padded[:, None], k2d, (1, 1), 'VALID')[:, 0]
    # cv2.threshold(..., 100, 255, THRESH_BINARY): 255 where src > 100 else 0
    binary = jnp.where(smoothed > 100.0, 255.0, 0.0)
    img = jnp.broadcast_to(binary[:, None], (Bsz, 3, H, W))
    return img / 255.0

if __name__ == "__main__":
    import jax
    _d = setup_inputs()
    print(jax.jit(kernel)(*tuple(_d.values())))

</pallas_src>

<mosaic_0001>
#map = affine_map<(d0, d1) -> (0, 0)>
#map1 = affine_map<(d0, d1) -> (0, 0, 0)>
module attributes {stable_mosaic.version = 14 : i64} {
  func.func @_sc_scatter_body(%arg0: i32, %arg1: i32, %arg2: memref<64x14336xi32, #tpu.memory_space<hbm>>, %arg3: memref<16x512x512xf32, #tpu.memory_space<hbm>>, %arg4: memref<14336xi32, #tpu.memory_space<vmem>>, %arg5: memref<128x512xf32, #tpu.memory_space<vmem>>) attributes {dimension_semantics = [#tpu.dimension_semantics<core_parallel>, #tpu.dimension_semantics<subcore_parallel>], iteration_bounds = array<i64: 2, 16>, scalar_prefetch = 0 : i64, scratch_operands = 2 : i64, tpu.core_type = #tpu.core_type<sc_vector_subcore>, window_params = [{transform_indices = #map}, {transform_indices = #map1}]} {
    %mul3A = arith.constant 2 : i32
    %mul3A_0 = arith.muli %arg1, %mul3A : i32
    %add3A = arith.addi %mul3A_0, %arg0 : i32
    %jit3A = arith.constant 2 : i32
    %div3A = arith.divsi %add3A, %jit3A : i32
    %sign3A = arith.constant 0 : i32
    %sign3A_1 = arith.cmpi sgt, %add3A, %sign3A : i32
    %sign3A_2 = arith.extui %sign3A_1 : i1 to i32
    %sign3A_3 = arith.constant 0 : i32
    %sign3A_4 = arith.cmpi slt, %add3A, %sign3A_3 : i32
    %sign3A_5 = arith.extui %sign3A_4 : i1 to i32
    %sign3A_6 = arith.subi %sign3A_2, %sign3A_5 : i32
    %sign3A_7 = arith.constant 0 : i32
    %sign3A_8 = arith.cmpi sgt, %jit3A, %sign3A_7 : i32
    %sign3A_9 = arith.extui %sign3A_8 : i1 to i32
    %sign3A_10 = arith.constant 0 : i32
    %sign3A_11 = arith.cmpi slt, %jit3A, %sign3A_10 : i32
    %sign3A_12 = arith.extui %sign3A_11 : i1 to i32
    %sign3A_13 = arith.subi %sign3A_9, %sign3A_12 : i32
    %ne3A = arith.cmpi ne, %sign3A_6, %sign3A_13 : i32
    %rem3A = arith.remsi %add3A, %jit3A : i32
    %ne3A_14 = arith.constant 0 : i32
    %ne3A_15 = arith.cmpi ne, %rem3A, %ne3A_14 : i32
    %and3A = arith.andi %ne3A, %ne3A_15 : i1
    %sub3A = arith.constant 1 : i32
    %sub3A_16 = arith.subi %div3A, %sub3A : i32
    %select_n3A = arith.select %and3A, %sub3A_16, %div3A : i32
    %jit3A_17 = arith.constant 2 : i32
    %eq3A = arith.constant 0 : i32
    %eq3A_18 = arith.cmpi eq, %jit3A_17, %eq3A : i32
    %jit3A_19 = arith.constant 1 : i32
    %select_n3A_20 = arith.select %eq3A_18, %jit3A_19, %jit3A_17 : i32
    %rem3A_21 = arith.remsi %add3A, %select_n3A_20 : i32
    %ne3A_22 = arith.constant 0 : i32
    %ne3A_23 = arith.cmpi ne, %rem3A_21, %ne3A_22 : i32
    %lt3A = arith.constant 0 : i32
    %lt3A_24 = arith.cmpi slt, %rem3A_21, %lt3A : i32
    %lt3A_25 = arith.constant 0 : i32
    %lt3A_26 = arith.cmpi slt, %select_n3A_20, %lt3A_25 : i32
    %ne3A_27 = arith.xori %lt3A_24, %lt3A_26 : i1
    %and3A_28 = arith.andi %ne3A_27, %ne3A_23 : i1
    %add3A_29 = arith.addi %rem3A_21, %select_n3A_20 : i32
    %select_n3A_30 = arith.select %and3A_28, %add3A_29, %rem3A_21 : i32
    %mul3A_31 = arith.constant 2 : i32
    %mul3A_32 = arith.muli %select_n3A_30, %mul3A_31 : i32
    %add3A_33 = arith.constant 0 : i32
    %add3A_34 = arith.addi %add3A_33, %select_n3A : i32
    "tpu.region"() ({
      %run_scoped3A = tpu.sem_alloc : memref<!tpu.dma_semaphore, #tpu.memory_space<semaphore_mem>>
      %dma_start3A = arith.constant 0 : i32
      %dma_start3A_73 = tpu.memref_slice %arg2[%add3A_34, %dma_start3A] : memref<64x14336xi32, #tpu.memory_space<hbm>> -> memref<1x14336xi32, #tpu.memory_space<hbm>>
      %dma_start3A_74 = tpu.memref_squeeze %dma_start3A_73 : memref<1x14336xi32, #tpu.memory_space<hbm>> -> memref<14336xi32, #tpu.memory_space<hbm>>
      %dma_start3A_75 = arith.constant 0 : i32
      %dma_start3A_76 = tpu.memref_slice %arg2[%add3A_34, %dma_start3A_75] : memref<64x14336xi32, #tpu.memory_space<hbm>> -> memref<1x14336xi32, #tpu.memory_space<hbm>>
      %dma_start3A_77 = tpu.memref_squeeze %dma_start3A_76 : memref<1x14336xi32, #tpu.memory_space<hbm>> -> memref<14336xi32, #tpu.memory_space<hbm>>
      tpu.enqueue_dma source(%dma_start3A_77 : memref<14336xi32, #tpu.memory_space<hbm>>) target(%arg4 : memref<14336xi32, #tpu.memory_space<vmem>>) target_semaphore(%run_scoped3A : memref<!tpu.dma_semaphore, #tpu.memory_space<semaphore_mem>>)
      %dma_wait3A = arith.constant 0 : i32
      %dma_wait3A_78 = tpu.memref_slice %arg2[%add3A_34, %dma_wait3A] : memref<64x14336xi32, #tpu.memory_space<hbm>> -> memref<1x14336xi32, #tpu.memory_space<hbm>>
      %dma_wait3A_79 = tpu.memref_squeeze %dma_wait3A_78 : memref<1x14336xi32, #tpu.memory_space<hbm>> -> memref<14336xi32, #tpu.memory_space<hbm>>
      %dma_wait3A_80 = arith.constant 0 : i32
      %dma_wait3A_81 = tpu.memref_slice %arg2[%add3A_34, %dma_wait3A_80] : memref<64x14336xi32, #tpu.memory_space<hbm>> -> memref<1x14336xi32, #tpu.memory_space<hbm>>
      %dma_wait3A_82 = tpu.memref_squeeze %dma_wait3A_81 : memref<1x14336xi32, #tpu.memory_space<hbm>> -> memref<14336xi32, #tpu.memory_space<hbm>>
      tpu.wait_dma2 semaphore(%run_scoped3A : memref<!tpu.dma_semaphore, #tpu.memory_space<semaphore_mem>>) src(%dma_wait3A_82 : memref<14336xi32, #tpu.memory_space<hbm>>) dst(%arg4 : memref<14336xi32, #tpu.memory_space<vmem>>)
      tpu.yield
    }) : () -> ()
    %add3A_35 = arith.constant 0 : i32
    %add3A_36 = arith.addi %mul3A_32, %add3A_35 : i32
    %mul3A_37 = arith.constant 65536 : i32
    %mul3A_38 = arith.muli %add3A_36, %mul3A_37 : i32
    %broadcast_in_dim3A = arith.constant 0.000000e+00 : f32
    %broadcast_in_dim3A_39 = vector.broadcast %broadcast_in_dim3A : f32 to vector<16xf32>
    %broadcast_in_dim3A_40 = arith.constant 2.550000e+02 : f32
    %broadcast_in_dim3A_41 = vector.broadcast %broadcast_in_dim3A_40 : f32 to vector<16xf32>
    %scan3A = arith.constant 0 : i32
    %scan3A_42 = arith.constant 128 : i32
    %scan3A_43 = arith.addi %scan3A, %scan3A_42 : i32
    %scan3A_44 = arith.constant 1 : i32
    scf.for %scan3A_73 = %scan3A to %scan3A_43 step %scan3A_44  : i32 {
      %mul3A_74 = arith.constant 1 : i32
      %mul3A_75 = arith.muli %scan3A_73, %mul3A_74 : i32
      %add3A_76 = arith.constant 0 : i32
      %add3A_77 = arith.addi %add3A_76, %mul3A_75 : i32
      %swap3A = arith.index_cast %add3A_77 : i32 to index
      %swap3A_78 = arith.constant 0 : index
      %swap3A_79 = tpu.vector_load %arg5[%swap3A, %swap3A_78] {strides = array<i32>} : memref<128x512xf32, #tpu.memory_space<vmem>>, vector<16xf32>,
      tpu.vector_store %arg5[%swap3A, %swap3A_78], %broadcast_in_dim3A_39 {strides = array<i32>} : memref<128x512xf32, #tpu.memory_space<vmem>>, vector<16xf32>,
      %swap3A_80 = arith.index_cast %add3A_77 : i32 to index
      %swap3A_81 = arith.constant 16 : index
      %swap3A_82 = tpu.vector_load %arg5[%swap3A_80, %swap3A_81] {strides = array<i32>} : memref<128x512xf32, #tpu.memory_space<vmem>>, vector<16xf32>,
      tpu.vector_store %arg5[%swap3A_80, %swap3A_81], %broadcast_in_dim3A_39 {strides = array<i32>} : memref<128x512xf32, #tpu.memory_space<vmem>>, vector<16xf32>,
      %swap3A_83 = arith.index_cast %add3A_77 : i32 to index
      %swap3A_84 = arith.constant 32 : index
      %swap3A_85 = tpu.vector_load %arg5[%swap3A_83, %swap3A_84] {strides = array<i32>} : memref<128x512xf32, #tpu.memory_space<vmem>>, vector<16xf32>,
      tpu.vector_store %arg5[%swap3A_83, %swap3A_84], %broadcast_in_dim3A_39 {strides = array<i32>} : memref<128x512xf32, #tpu.memory_space<vmem>>, vector<16xf32>,
      %swap3A_86 = arith.index_cast %add3A_77 : i32 to index
      %swap3A_87 = arith.constant 48 : index
      %swap3A_88 = tpu.vector_load %arg5[%swap3A_86, %swap3A_87] {strides = array<i32>} : memref<128x512xf32, #tpu.memory_space<vmem>>, vector<16xf32>,
      tpu.vector_store %arg5[%swap3A_86, %swap3A_87], %broadcast_in_dim3A_39 {strides = array<i32>} : memref<128x512xf32, #tpu.memory_space<vmem>>, vector<16xf32>,
      %swap3A_89 = arith.index_cast %add3A_77 : i32 to index
      %swap3A_90 = arith.constant 64 : index
      %swap3A_91 = tpu.vector_load %arg5[%swap3A_89, %swap3A_90] {strides = array<i32>} : memref<128x512xf32, #tpu.memory_space<vmem>>, vector<16xf32>,
      tpu.vector_store %arg5[%swap3A_89, %swap3A_90], %broadcast_in_dim3A_39 {strides = array<i32>} : memref<128x512xf32, #tpu.memory_space<vmem>>, vector<16xf32>,
      %swap3A_92 = arith.index_cast %add3A_77 : i32 to index
      %swap3A_93 = arith.constant 80 : index
      %swap3A_94 = tpu.vector_load %arg5[%swap3A_92, %swap3A_93] {strides = array<i32>} : memref<128x512xf32, #tpu.memory_space<vmem>>, vector<16xf32>,
      tpu.vector_store %arg5[%swap3A_92, %swap3A_93], %broadcast_in_dim3A_39 {strides = array<i32>} : memref<128x512xf32, #tpu.memory_space<vmem>>, vector<16xf32>,
      %swap3A_95 = arith.index_cast %add3A_77 : i32 to index
      %swap3A_96 = arith.constant 96 : index
      %swap3A_97 = tpu.vector_load %arg5[%swap3A_95, %swap3A_96] {strides = array<i32>} : memref<128x512xf32, #tpu.memory_space<vmem>>, vector<16xf32>,
      tpu.vector_store %arg5[%swap3A_95, %swap3A_96], %broadcast_in_dim3A_39 {strides = array<i32>} : memref<128x512xf32, #tpu.memory_space<vmem>>, vector<16xf32>,
      %swap3A_98 = arith.index_cast %add3A_77 : i32 to index
      %swap3A_99 = arith.constant 112 : index
      %swap3A_100 = tpu.vector_load %arg5[%swap3A_98, %swap3A_99] {strides = array<i32>} : memref<128x512xf32, #tpu.memory_space<vmem>>, vector<16xf32>,
      tpu.vector_store %arg5[%swap3A_98, %swap3A_99], %broadcast_in_dim3A_39 {strides = array<i32>} : memref<128x512xf32, #tpu.memory_space<vmem>>, vector<16xf32>,
      %swap3A_101 = arith.index_cast %add3A_77 : i32 to index
      %swap3A_102 = arith.constant 128 : index
      %swap3A_103 = tpu.vector_load %arg5[%swap3A_101, %swap3A_102] {strides = array<i32>} : memref<128x512xf32, #tpu.memory_space<vmem>>, vector<16xf32>,
      tpu.vector_store %arg5[%swap3A_101, %swap3A_102], %broadcast_in_dim3A_39 {strides = array<i32>} : memref<128x512xf32, #tpu.memory_space<vmem>>, vector<16xf32>,
      %swap3A_104 = arith.index_cast %add3A_77 : i32 to index
      %swap3A_105 = arith.constant 144 : index
      %swap3A_106 = tpu.vector_load %arg5[%swap3A_104, %swap3A_105] {strides = array<i32>} : memref<128x512xf32, #tpu.memory_space<vmem>>, vector<16xf32>,
      tpu.vector_store %arg5[%swap3A_104, %swap3A_105], %broadcast_in_dim3A_39 {strides = array<i32>} : memref<128x512xf32, #tpu.memory_space<vmem>>, vector<16xf32>,
      %swap3A_107 = arith.index_cast %add3A_77 : i32 to index
      %swap3A_108 = arith.constant 160 : index
      %swap3A_109 = tpu.vector_load %arg5[%swap3A_107, %swap3A_108] {strides = array<i32>} : memref<128x512xf32, #tpu.memory_space<vmem>>, vector<16xf32>,
      tpu.vector_store %arg5[%swap3A_107, %swap3A_108], %broadcast_in_dim3A_39 {strides = array<i32>} : memref<128x512xf32, #tpu.memory_space<vmem>>, vector<16xf32>,
      %swap3A_110 = arith.index_cast %add3A_77 : i32 to index
      %swap3A_111 = arith.constant 176 : index
      %swap3A_112 = tpu.vector_load %arg5[%swap3A_110, %swap3A_111] {strides = array<i32>} : memref<128x512xf32, #tpu.memory_space<vmem>>, vector<16xf32>,
      tpu.vector_store %arg5[%swap3A_110, %swap3A_111], %broadcast_in_dim3A_39 {strides = array<i32>} : memref<128x512xf32, #tpu.memory_space<vmem>>, vector<16xf32>,
      %swap3A_113 = arith.index_cast %add3A_77 : i32 to index
      %swap3A_114 = arith.constant 192 : index
      %swap3A_115 = tpu.vector_load %arg5[%swap3A_113, %swap3A_114] {strides = array<i32>} : memref<128x512xf32, #tpu.memory_space<vmem>>, vector<16xf32>,
      tpu.vector_store %arg5[%swap3A_113, %swap3A_114], %broadcast_in_dim3A_39 {strides = array<i32>} : memref<128x512xf32, #tpu.memory_space<vmem>>, vector<16xf32>,
      %swap3A_116 = arith.index_cast %add3A_77 : i32 to index
      %swap3A_117 = arith.constant 208 : index
      %swap3A_118 = tpu.vector_load %arg5[%swap3A_116, %swap3A_117] {strides = array<i32>} : memref<128x512xf32, #tpu.memory_space<vmem>>, vector<16xf32>,
      tpu.vector_store %arg5[%swap3A_116, %swap3A_117], %broadcast_in_dim3A_39 {strides = array<i32>} : memref<128x512xf32, #tpu.memory_space<vmem>>, vector<16xf32>,
      %swap3A_119 = arith.index_cast %add3A_77 : i32 to index
      %swap3A_120 = arith.constant 224 : index
      %swap3A_121 = tpu.vector_load %arg5[%swap3A_119, %swap3A_120] {strides = array<i32>} : memref<128x512xf32, #tpu.memory_space<vmem>>, vector<16xf32>,
      tpu.vector_store %arg5[%swap3A_119, %swap3A_120], %broadcast_in_dim3A_39 {strides = array<i32>} : memref<128x512xf32, #tpu.memory_space<vmem>>, vector<16xf32>,
      %swap3A_122 = arith.index_cast %add3A_77 : i32 to index
      %swap3A_123 = arith.constant 240 : index
      %swap3A_124 = tpu.vector_load %arg5[%swap3A_122, %swap3A_123] {strides = array<i32>} : memref<128x512xf32, #tpu.memory_space<vmem>>, vector<16xf32>,
      tpu.vector_store %arg5[%swap3A_122, %swap3A_123], %broadcast_in_dim3A_39 {strides = array<i32>} : memref<128x512xf32, #tpu.memory_space<vmem>>, vector<16xf32>,
      %swap3A_125 = arith.index_cast %add3A_77 : i32 to index
      %swap3A_126 = arith.constant 256 : index
      %swap3A_127 = tpu.vector_load %arg5[%swap3A_125, %swap3A_126] {strides = array<i32>} : memref<128x512xf32, #tpu.memory_space<vmem>>, vector<16xf32>,
      tpu.vector_store %arg5[%swap3A_125, %swap3A_126], %broadcast_in_dim3A_39 {strides = array<i32>} : memref<128x512xf32, #tpu.memory_space<vmem>>, vector<16xf32>,
      %swap3A_128 = arith.index_cast %add3A_77 : i32 to index
      %swap3A_129 = arith.constant 272 : index
      %swap3A_130 = tpu.vector_load %arg5[%swap3A_128, %swap3A_129] {strides = array<i32>} : memref<128x512xf32, #tpu.memory_space<vmem>>, vector<16xf32>,
      tpu.vector_store %arg5[%swap3A_128, %swap3A_129], %broadcast_in_dim3A_39 {strides = array<i32>} : memref<128x512xf32, #tpu.memory_space<vmem>>, vector<16xf32>,
      %swap3A_131 = arith.index_cast %add3A_77 : i32 to index
      %swap3A_132 = arith.constant 288 : index
      %swap3A_133 = tpu.vector_load %arg5[%swap3A_131, %swap3A_132] {strides = array<i32>} : memref<128x512xf32, #tpu.memory_space<vmem>>, vector<16xf32>,
      tpu.vector_store %arg5[%swap3A_131, %swap3A_132], %broadcast_in_dim3A_39 {strides = array<i32>} : memref<128x512xf32, #tpu.memory_space<vmem>>, vector<16xf32>,
      %swap3A_134 = arith.index_cast %add3A_77 : i32 to index
      %swap3A_135 = arith.constant 304 : index
      %swap3A_136 = tpu.vector_load %arg5[%swap3A_134, %swap3A_135] {strides = array<i32>} : memref<128x512xf32, #tpu.memory_space<vmem>>, vector<16xf32>,
      tpu.vector_store %arg5[%swap3A_134, %swap3A_135], %broadcast_in_dim3A_39 {strides = array<i32>} : memref<128x512xf32, #tpu.memory_space<vmem>>, vector<16xf32>,
      %swap3A_137 = arith.index_cast %add3A_77 : i32 to index
      %swap3A_138 = arith.constant 320 : index
      %swap3A_139 = tpu.vector_load %arg5[%swap3A_137, %swap3A_138] {strides = array<i32>} : memref<128x512xf32, #tpu.memory_space<vmem>>, vector<16xf32>,
      tpu.vector_store %arg5[%swap3A_137, %swap3A_138], %broadcast_in_dim3A_39 {strides = array<i32>} : memref<128x512xf32, #tpu.memory_space<vmem>>, vector<16xf32>,
      %swap3A_140 = arith.index_cast %add3A_77 : i32 to index
      %swap3A_141 = arith.constant 336 : index
      %swap3A_142 = tpu.vector_load %arg5[%swap3A_140, %swap3A_141] {strides = array<i32>} : memref<128x512xf32, #tpu.memory_space<vmem>>, vector<16xf32>,
      tpu.vector_store %arg5[%swap3A_140, %swap3A_141], %broadcast_in_dim3A_39 {strides = array<i32>} : memref<128x512xf32, #tpu.memory_space<vmem>>, vector<16xf32>,
      %swap3A_143 = arith.index_cast %add3A_77 : i32 to index
      %swap3A_144 = arith.constant 352 : index
      %swap3A_145 = tpu.vector_load %arg5[%swap3A_143, %swap3A_144] {strides = array<i32>} : memref<128x512xf32, #tpu.memory_space<vmem>>, vector<16xf32>,
      tpu.vector_store %arg5[%swap3A_143, %swap3A_144], %broadcast_in_dim3A_39 {strides = array<i32>} : memref<128x512xf32, #tpu.memory_space<vmem>>, vector<16xf32>,
      %swap3A_146 = arith.index_cast %add3A_77 : i32 to index
      %swap3A_147 = arith.constant 368 : index
      %swap3A_148 = tpu.vector_load %arg5[%swap3A_146, %swap3A_147] {strides = array<i32>} : memref<128x512xf32, #tpu.memory_space<vmem>>, vector<16xf32>,
      tpu.vector_store %arg5[%swap3A_146, %swap3A_147], %broadcast_in_dim3A_39 {strides = array<i32>} : memref<128x512xf32, #tpu.memory_space<vmem>>, vector<16xf32>,
      %swap3A_149 = arith.index_cast %add3A_77 : i32 to index
      %swap3A_150 = arith.constant 384 : index
      %swap3A_151 = tpu.vector_load %arg5[%swap3A_149, %swap3A_150] {strides = array<i32>} : memref<128x512xf32, #tpu.memory_space<vmem>>, vector<16xf32>,
      tpu.vector_store %arg5[%swap3A_149, %swap3A_150], %broadcast_in_dim3A_39 {strides = array<i32>} : memref<128x512xf32, #tpu.memory_space<vmem>>, vector<16xf32>,
      %swap3A_152 = arith.index_cast %add3A_77 : i32 to index
      %swap3A_153 = arith.constant 400 : index
      %swap3A_154 = tpu.vector_load %arg5[%swap3A_152, %swap3A_153] {strides = array<i32>} : memref<128x512xf32, #tpu.memory_space<vmem>>, vector<16xf32>,
      tpu.vector_store %arg5[%swap3A_152, %swap3A_153], %broadcast_in_dim3A_39 {strides = array<i32>} : memref<128x512xf32, #tpu.memory_space<vmem>>, vector<16xf32>,
      %swap3A_155 = arith.index_cast %add3A_77 : i32 to index
      %swap3A_156 = arith.constant 416 : index
      %swap3A_157 = tpu.vector_load %arg5[%swap3A_155, %swap3A_156] {strides = array<i32>} : memref<128x512xf32, #tpu.memory_space<vmem>>, vector<16xf32>,
      tpu.vector_store %arg5[%swap3A_155, %swap3A_156], %broadcast_in_dim3A_39 {strides = array<i32>} : memref<128x512xf32, #tpu.memory_space<vmem>>, vector<16xf32>,
      %swap3A_158 = arith.index_cast %add3A_77 : i32 to index
      %swap3A_159 = arith.constant 432 : index
      %swap3A_160 = tpu.vector_load %arg5[%swap3A_158, %swap3A_159] {strides = array<i32>} : memref<128x512xf32, #tpu.memory_space<vmem>>, vector<16xf32>,
      tpu.vector_store %arg5[%swap3A_158, %swap3A_159], %broadcast_in_dim3A_39 {strides = array<i32>} : memref<128x512xf32, #tpu.memory_space<vmem>>, vector<16xf32>,
      %swap3A_161 = arith.index_cast %add3A_77 : i32 to index
      %swap3A_162 = arith.constant 448 : index
      %swap3A_163 = tpu.vector_load %arg5[%swap3A_161, %swap3A_162] {strides = array<i32>} : memref<128x512xf32, #tpu.memory_space<vmem>>, vector<16xf32>,
      tpu.vector_store %arg5[%swap3A_161, %swap3A_162], %broadcast_in_dim3A_39 {strides = array<i32>} : memref<128x512xf32, #tpu.memory_space<vmem>>, vector<16xf32>,
      %swap3A_164 = arith.index_cast %add3A_77 : i32 to index
      %swap3A_165 = arith.constant 464 : index
      %swap3A_166 = tpu.vector_load %arg5[%swap3A_164, %swap3A_165] {strides = array<i32>} : memref<128x512xf32, #tpu.memory_space<vmem>>, vector<16xf32>,
      tpu.vector_store %arg5[%swap3A_164, %swap3A_165], %broadcast_in_dim3A_39 {strides = array<i32>} : memref<128x512xf32, #tpu.memory_space<vmem>>, vector<16xf32>,
      %swap3A_167 = arith.index_cast %add3A_77 : i32 to index
      %swap3A_168 = arith.constant 480 : index
      %swap3A_169 = tpu.vector_load %arg5[%swap3A_167, %swap3A_168] {strides = array<i32>} : memref<128x512xf32, #tpu.memory_space<vmem>>, vector<16xf32>,
      tpu.vector_store %arg5[%swap3A_167, %swap3A_168], %broadcast_in_dim3A_39 {strides = array<i32>} : memref<128x512xf32, #tpu.memory_space<vmem>>, vector<16xf32>,
      %swap3A_170 = arith.index_cast %add3A_77 : i32 to index
      %swap3A_171 = arith.constant 496 : index
      %swap3A_172 = tpu.vector_load %arg5[%swap3A_170, %swap3A_171] {strides = array<i32>} : memref<128x512xf32, #tpu.memory_space<vmem>>, vector<16xf32>,
      tpu.vector_store %arg5[%swap3A_170, %swap3A_171], %broadcast_in_dim3A_39 {strides = array<i32>} : memref<128x512xf32, #tpu.memory_space<vmem>>, vector<16xf32>,
    }
    %scan3A_45 = arith.constant 128 : i32
    %scan3A_46 = arith.constant 0 : i32
    %scan3A_47 = arith.constant 896 : i32
    %scan3A_48 = arith.addi %scan3A_46, %scan3A_47 : i32
    %scan3A_49 = arith.constant 8 : i32
    scf.for %scan3A_73 = %scan3A_46 to %scan3A_48 step %scan3A_49  : i32 {
      %mul3A_74 = arith.constant 1 : i32
      %mul3A_75 = arith.muli %scan3A_73, %mul3A_74 : i32
      %add3A_76 = arith.constant 0 : i32
      %add3A_77 = arith.addi %add3A_76, %mul3A_75 : i32
      %mul3A_78 = arith.constant 16 : i32
      %mul3A_79 = arith.muli %add3A_77, %mul3A_78 : i32
      %get3A = arith.index_cast %mul3A_79 : i32 to index
      %get3A_80 = tpu.vector_load %arg4[%get3A] {strides = array<i32>} : memref<14336xi32, #tpu.memory_space<vmem>>, vector<16xi32>,
      %sub3A_81 = vector.broadcast %mul3A_38 : i32 to vector<16xi32>
      %sub3A_82 = arith.subi %get3A_80, %sub3A_81 : vector<16xi32>
      %bitcast_convert_type3A = tpu.bitcast %sub3A_82 : vector<16xi32> -> vector<16xi32>
      %lt3A_83 = arith.constant 65536 : i32
      %lt3A_84 = vector.broadcast %lt3A_83 : i32 to vector<16xi32>
      %lt3A_85 = arith.cmpi ult, %bitcast_convert_type3A, %lt3A_84 : vector<16xi32>
      %shift_right_arithmetic3A = arith.constant 9 : i32
      %shift_right_arithmetic3A_86 = vector.broadcast %shift_right_arithmetic3A : i32 to vector<16xi32>
      %shift_right_arithmetic3A_87 = arith.shrsi %sub3A_82, %shift_right_arithmetic3A_86 : vector<16xi32>
      %and3A_88 = arith.constant 511 : i32
      %and3A_89 = vector.broadcast %and3A_88 : i32 to vector<16xi32>
      %and3A_90 = arith.andi %sub3A_82, %and3A_89 : vector<16xi32>
      tpu.vector_store_idx %arg5[%shift_right_arithmetic3A_87, %and3A_90], %broadcast_in_dim3A_41 masked %lt3A_85 : memref<128x512xf32, #tpu.memory_space<vmem>>[vector<16xi32>, vector<16xi32>], vector<16xf32>, vector<16xi1>
      %scan3A_91 = arith.constant 1 : i32
      %scan3A_92 = arith.addi %scan3A_73, %scan3A_91 : i32
      %mul3A_93 = arith.constant 1 : i32
      %mul3A_94 = arith.muli %scan3A_92, %mul3A_93 : i32
      %add3A_95 = arith.constant 0 : i32
      %add3A_96 = arith.addi %add3A_95, %mul3A_94 : i32
      %mul3A_97 = arith.constant 16 : i32
      %mul3A_98 = arith.muli %add3A_96, %mul3A_97 : i32
      %get3A_99 = arith.index_cast %mul3A_98 : i32 to index
      %get3A_100 = tpu.vector_load %arg4[%get3A_99] {strides = array<i32>} : memref<14336xi32, #tpu.memory_space<vmem>>, vector<16xi32>,
      %sub3A_101 = vector.broadcast %mul3A_38 : i32 to vector<16xi32>
      %sub3A_102 = arith.subi %get3A_100, %sub3A_101 : vector<16xi32>
      %bitcast_convert_type3A_103 = tpu.bitcast %sub3A_102 : vector<16xi32> -> vector<16xi32>
      %lt3A_104 = arith.constant 65536 : i32
      %lt3A_105 = vector.broadcast %lt3A_104 : i32 to vector<16xi32>
      %lt3A_106 = arith.cmpi ult, %bitcast_convert_type3A_103, %lt3A_105 : vector<16xi32>
      %shift_right_arithmetic3A_107 = arith.constant 9 : i32
      %shift_right_arithmetic3A_108 = vector.broadcast %shift_right_arithmetic3A_107 : i32 to vector<16xi32>
      %shift_right_arithmetic3A_109 = arith.shrsi %sub3A_102, %shift_right_arithmetic3A_108 : vector<16xi32>
      %and3A_110 = arith.constant 511 : i32
      %and3A_111 = vector.broadcast %and3A_110 : i32 to vector<16xi32>
      %and3A_112 = arith.andi %sub3A_102, %and3A_111 : vector<16xi32>
      tpu.vector_store_idx %arg5[%shift_right_arithmetic3A_109, %and3A_112], %broadcast_in_dim3A_41 masked %lt3A_106 : memref<128x512xf32, #tpu.memory_space<vmem>>[vector<16xi32>, vector<16xi32>], vector<16xf32>, vector<16xi1>
      %scan3A_113 = arith.constant 2 : i32
      %scan3A_114 = arith.addi %scan3A_73, %scan3A_113 : i32
      %mul3A_115 = arith.constant 1 : i32
      %mul3A_116 = arith.muli %scan3A_114, %mul3A_115 : i32
      %add3A_117 = arith.constant 0 : i32
      %add3A_118 = arith.addi %add3A_117, %mul3A_116 : i32
      %mul3A_119 = arith.constant 16 : i32
      %mul3A_120 = arith.muli %add3A_118, %mul3A_119 : i32
      %get3A_121 = arith.index_cast %mul3A_120 : i32 to index
      %get3A_122 = tpu.vector_load %arg4[%get3A_121] {strides = array<i32>} : memref<14336xi32, #tpu.memory_space<vmem>>, vector<16xi32>,
      %sub3A_123 = vector.broadcast %mul3A_38 : i32 to vector<16xi32>
      %sub3A_124 = arith.subi %get3A_122, %sub3A_123 : vector<16xi32>
      %bitcast_convert_type3A_125 = tpu.bitcast %sub3A_124 : vector<16xi32> -> vector<16xi32>
      %lt3A_126 = arith.constant 65536 : i32
      %lt3A_127 = vector.broadcast %lt3A_126 : i32 to vector<16xi32>
      %lt3A_128 = arith.cmpi ult, %bitcast_convert_type3A_125, %lt3A_127 : vector<16xi32>
      %shift_right_arithmetic3A_129 = arith.constant 9 : i32
      %shift_right_arithmetic3A_130 = vector.broadcast %shift_right_arithmetic3A_129 : i32 to vector<16xi32>
      %shift_right_arithmetic3A_131 = arith.shrsi %sub3A_124, %shift_right_arithmetic3A_130 : vector<16xi32>
      %and3A_132 = arith.constant 511 : i32
      %and3A_133 = vector.broadcast %and3A_132 : i32 to vector<16xi32>
      %and3A_134 = arith.andi %sub3A_124, %and3A_133 : vector<16xi32>
      tpu.vector_store_idx %arg5[%shift_right_arithmetic3A_131, %and3A_134], %broadcast_in_dim3A_41 masked %lt3A_128 : memref<128x512xf32, #tpu.memory_space<vmem>>[vector<16xi32>, vector<16xi32>], vector<16xf32>, vector<16xi1>
      %scan3A_135 = arith.constant 3 : i32
      %scan3A_136 = arith.addi %scan3A_73, %scan3A_135 : i32
      %mul3A_137 = arith.constant 1 : i32
      %mul3A_138 = arith.muli %scan3A_136, %mul3A_137 : i32
      %add3A_139 = arith.constant 0 : i32
      %add3A_140 = arith.addi %add3A_139, %mul3A_138 : i32
      %mul3A_141 = arith.constant 16 : i32
      %mul3A_142 = arith.muli %add3A_140, %mul3A_141 : i32
      %get3A_143 = arith.index_cast %mul3A_142 : i32 to index
      %get3A_144 = tpu.vector_load %arg4[%get3A_143] {strides = array<i32>} : memref<14336xi32, #tpu.memory_space<vmem>>, vector<16xi32>,
      %sub3A_145 = vector.broadcast %mul3A_38 : i32 to vector<16xi32>
      %sub3A_146 = arith.subi %get3A_144, %sub3A_145 : vector<16xi32>
      %bitcast_convert_type3A_147 = tpu.bitcast %sub3A_146 : vector<16xi32> -> vector<16xi32>
      %lt3A_148 = arith.constant 65536 : i32
      %lt3A_149 = vector.broadcast %lt3A_148 : i32 to vector<16xi32>
      %lt3A_150 = arith.cmpi ult, %bitcast_convert_type3A_147, %lt3A_149 : vector<16xi32>
      %shift_right_arithmetic3A_151 = arith.constant 9 : i32
      %shift_right_arithmetic3A_152 = vector.broadcast %shift_right_arithmetic3A_151 : i32 to vector<16xi32>
      %shift_right_arithmetic3A_153 = arith.shrsi %sub3A_146, %shift_right_arithmetic3A_152 : vector<16xi32>
      %and3A_154 = arith.constant 511 : i32
      %and3A_155 = vector.broadcast %and3A_154 : i32 to vector<16xi32>
      %and3A_156 = arith.andi %sub3A_146, %and3A_155 : vector<16xi32>
      tpu.vector_store_idx %arg5[%shift_right_arithmetic3A_153, %and3A_156], %broadcast_in_dim3A_41 masked %lt3A_150 : memref<128x512xf32, #tpu.memory_space<vmem>>[vector<16xi32>, vector<16xi32>], vector<16xf32>, vector<16xi1>
      %scan3A_157 = arith.constant 4 : i32
      %scan3A_158 = arith.addi %scan3A_73, %scan3A_157 : i32
      %mul3A_159 = arith.constant 1 : i32
      %mul3A_160 = arith.muli %scan3A_158, %mul3A_159 : i32
      %add3A_161 = arith.constant 0 : i32
      %add3A_162 = arith.addi %add3A_161, %mul3A_160 : i32
      %mul3A_163 = arith.constant 16 : i32
      %mul3A_164 = arith.muli %add3A_162, %mul3A_163 : i32
      %get3A_165 = arith.index_cast %mul3A_164 : i32 to index
      %get3A_166 = tpu.vector_load %arg4[%get3A_165] {strides = array<i32>} : memref<14336xi32, #tpu.memory_space<vmem>>, vector<16xi32>,
      %sub3A_167 = vector.broadcast %mul3A_38 : i32 to vector<16xi32>
      %sub3A_168 = arith.subi %get3A_166, %sub3A_167 : vector<16xi32>
      %bitcast_convert_type3A_169 = tpu.bitcast %sub3A_168 : vector<16xi32> -> vector<16xi32>
      %lt3A_170 = arith.constant 65536 : i32
      %lt3A_171 = vector.broadcast %lt3A_170 : i32 to vector<16xi32>
      %lt3A_172 = arith.cmpi ult, %bitcast_convert_type3A_169, %lt3A_171 : vector<16xi32>
      %shift_right_arithmetic3A_173 = arith.constant 9 : i32
      %shift_right_arithmetic3A_174 = vector.broadcast %shift_right_arithmetic3A_173 : i32 to vector<16xi32>
      %shift_right_arithmetic3A_175 = arith.shrsi %sub3A_168, %shift_right_arithmetic3A_174 : vector<16xi32>
      %and3A_176 = arith.constant 511 : i32
      %and3A_177 = vector.broadcast %and3A_176 : i32 to vector<16xi32>
      %and3A_178 = arith.andi %sub3A_168, %and3A_177 : vector<16xi32>
      tpu.vector_store_idx %arg5[%shift_right_arithmetic3A_175, %and3A_178], %broadcast_in_dim3A_41 masked %lt3A_172 : memref<128x512xf32, #tpu.memory_space<vmem>>[vector<16xi32>, vector<16xi32>], vector<16xf32>, vector<16xi1>
      %scan3A_179 = arith.constant 5 : i32
      %scan3A_180 = arith.addi %scan3A_73, %scan3A_179 : i32
      %mul3A_181 = arith.constant 1 : i32
      %mul3A_182 = arith.muli %scan3A_180, %mul3A_181 : i32
      %add3A_183 = arith.constant 0 : i32
      %add3A_184 = arith.addi %add3A_183, %mul3A_182 : i32
      %mul3A_185 = arith.constant 16 : i32
      %mul3A_186 = arith.muli %add3A_184, %mul3A_185 : i32
      %get3A_187 = arith.index_cast %mul3A_186 : i32 to index
      %get3A_188 = tpu.vector_load %arg4[%get3A_187] {strides = array<i32>} : memref<14336xi32, #tpu.memory_space<vmem>>, vector<16xi32>,
      %sub3A_189 = vector.broadcast %mul3A_38 : i32 to vector<16xi32>
      %sub3A_190 = arith.subi %get3A_188, %sub3A_189 : vector<16xi32>
      %bitcast_convert_type3A_191 = tpu.bitcast %sub3A_190 : vector<16xi32> -> vector<16xi32>
      %lt3A_192 = arith.constant 65536 : i32
      %lt3A_193 = vector.broadcast %lt3A_192 : i32 to vector<16xi32>
      %lt3A_194 = arith.cmpi ult, %bitcast_convert_type3A_191, %lt3A_193 : vector<16xi32>
      %shift_right_arithmetic3A_195 = arith.constant 9 : i32
      %shift_right_arithmetic3A_196 = vector.broadcast %shift_right_arithmetic3A_195 : i32 to vector<16xi32>
      %shift_right_arithmetic3A_197 = arith.shrsi %sub3A_190, %shift_right_arithmetic3A_196 : vector<16xi32>
      %and3A_198 = arith.constant 511 : i32
      %and3A_199 = vector.broadcast %and3A_198 : i32 to vector<16xi32>
      %and3A_200 = arith.andi %sub3A_190, %and3A_199 : vector<16xi32>
      tpu.vector_store_idx %arg5[%shift_right_arithmetic3A_197, %and3A_200], %broadcast_in_dim3A_41 masked %lt3A_194 : memref<128x512xf32, #tpu.memory_space<vmem>>[vector<16xi32>, vector<16xi32>], vector<16xf32>, vector<16xi1>
      %scan3A_201 = arith.constant 6 : i32
      %scan3A_202 = arith.addi %scan3A_73, %scan3A_201 : i32
      %mul3A_203 = arith.constant 1 : i32
      %mul3A_204 = arith.muli %scan3A_202, %mul3A_203 : i32
      %add3A_205 = arith.constant 0 : i32
      %add3A_206 = arith.addi %add3A_205, %mul3A_204 : i32
      %mul3A_207 = arith.constant 16 : i32
      %mul3A_208 = arith.muli %add3A_206, %mul3A_207 : i32
      %get3A_209 = arith.index_cast %mul3A_208 : i32 to index
      %get3A_210 = tpu.vector_load %arg4[%get3A_209] {strides = array<i32>} : memref<14336xi32, #tpu.memory_space<vmem>>, vector<16xi32>,
      %sub3A_211 = vector.broadcast %mul3A_38 : i32 to vector<16xi32>
      %sub3A_212 = arith.subi %get3A_210, %sub3A_211 : vector<16xi32>
      %bitcast_convert_type3A_213 = tpu.bitcast %sub3A_212 : vector<16xi32> -> vector<16xi32>
      %lt3A_214 = arith.constant 65536 : i32
      %lt3A_215 = vector.broadcast %lt3A_214 : i32 to vector<16xi32>
      %lt3A_216 = arith.cmpi ult, %bitcast_convert_type3A_213, %lt3A_215 : vector<16xi32>
      %shift_right_arithmetic3A_217 = arith.constant 9 : i32
      %shift_right_arithmetic3A_218 = vector.broadcast %shift_right_arithmetic3A_217 : i32 to vector<16xi32>
      %shift_right_arithmetic3A_219 = arith.shrsi %sub3A_212, %shift_right_arithmetic3A_218 : vector<16xi32>
      %and3A_220 = arith.constant 511 : i32
      %and3A_221 = vector.broadcast %and3A_220 : i32 to vector<16xi32>
      %and3A_222 = arith.andi %sub3A_212, %and3A_221 : vector<16xi32>
      tpu.vector_store_idx %arg5[%shift_right_arithmetic3A_219, %and3A_222], %broadcast_in_dim3A_41 masked %lt3A_216 : memref<128x512xf32, #tpu.memory_space<vmem>>[vector<16xi32>, vector<16xi32>], vector<16xf32>, vector<16xi1>
      %scan3A_223 = arith.constant 7 : i32
      %scan3A_224 = arith.addi %scan3A_73, %scan3A_223 : i32
      %mul3A_225 = arith.constant 1 : i32
      %mul3A_226 = arith.muli %scan3A_224, %mul3A_225 : i32
      %add3A_227 = arith.constant 0 : i32
      %add3A_228 = arith.addi %add3A_227, %mul3A_226 : i32
      %mul3A_229 = arith.constant 16 : i32
      %mul3A_230 = arith.muli %add3A_228, %mul3A_229 : i32
      %get3A_231 = arith.index_cast %mul3A_230 : i32 to index
      %get3A_232 = tpu.vector_load %arg4[%get3A_231] {strides = array<i32>} : memref<14336xi32, #tpu.memory_space<vmem>>, vector<16xi32>,
      %sub3A_233 = vector.broadcast %mul3A_38 : i32 to vector<16xi32>
      %sub3A_234 = arith.subi %get3A_232, %sub3A_233 : vector<16xi32>
      %bitcast_convert_type3A_235 = tpu.bitcast %sub3A_234 : vector<16xi32> -> vector<16xi32>
      %lt3A_236 = arith.constant 65536 : i32
      %lt3A_237 = vector.broadcast %lt3A_236 : i32 to vector<16xi32>
      %lt3A_238 = arith.cmpi ult, %bitcast_convert_type3A_235, %lt3A_237 : vector<16xi32>
      %shift_right_arithmetic3A_239 = arith.constant 9 : i32
      %shift_right_arithmetic3A_240 = vector.broadcast %shift_right_arithmetic3A_239 : i32 to vector<16xi32>
      %shift_right_arithmetic3A_241 = arith.shrsi %sub3A_234, %shift_right_arithmetic3A_240 : vector<16xi32>
      %and3A_242 = arith.constant 511 : i32
      %and3A_243 = vector.broadcast %and3A_242 : i32 to vector<16xi32>
      %and3A_244 = arith.andi %sub3A_234, %and3A_243 : vector<16xi32>
      tpu.vector_store_idx %arg5[%shift_right_arithmetic3A_241, %and3A_244], %broadcast_in_dim3A_41 masked %lt3A_238 : memref<128x512xf32, #tpu.memory_space<vmem>>[vector<16xi32>, vector<16xi32>], vector<16xf32>, vector<16xi1>
    }
    %scan3A_50 = arith.constant 896 : i32
    %mul3A_51 = arith.constant 128 : i32
    %mul3A_52 = arith.muli %add3A_36, %mul3A_51 : i32
    "tpu.region"() ({
      %run_scoped3A = tpu.sem_alloc : memref<!tpu.dma_semaphore, #tpu.memory_space<semaphore_mem>>
      %dma_start3A = arith.constant 0 : i32
      %dma_start3A_73 = tpu.memref_slice %arg3[%select_n3A, %mul3A_52, %dma_start3A] : memref<16x512x512xf32, #tpu.memory_space<hbm>> -> memref<1x128x512xf32, #tpu.memory_space<hbm>>
      %dma_start3A_74 = tpu.memref_squeeze %dma_start3A_73 : memref<1x128x512xf32, #tpu.memory_space<hbm>> -> memref<128x512xf32, #tpu.memory_space<hbm>>
      %dma_start3A_75 = arith.constant 0 : i32
      %dma_start3A_76 = tpu.memref_slice %arg3[%select_n3A, %mul3A_52, %dma_start3A_75] : memref<16x512x512xf32, #tpu.memory_space<hbm>> -> memref<1x128x512xf32, #tpu.memory_space<hbm>>
      %dma_start3A_77 = tpu.memref_squeeze %dma_start3A_76 : memref<1x128x512xf32, #tpu.memory_space<hbm>> -> memref<128x512xf32, #tpu.memory_space<hbm>>
      tpu.enqueue_dma source(%arg5 : memref<128x512xf32, #tpu.memory_space<vmem>>) target(%dma_start3A_77 : memref<128x512xf32, #tpu.memory_space<hbm>>) target_semaphore(%run_scoped3A : memref<!tpu.dma_semaphore, #tpu.memory_space<semaphore_mem>>)
      %dma_wait3A = arith.constant 0 : i32
      %dma_wait3A_78 = tpu.memref_slice %arg3[%select_n3A, %mul3A_52, %dma_wait3A] : memref<16x512x512xf32, #tpu.memory_space<hbm>> -> memref<1x128x512xf32, #tpu.memory_space<hbm>>
      %dma_wait3A_79 = tpu.memref_squeeze %dma_wait3A_78 : memref<1x128x512xf32, #tpu.memory_space<hbm>> -> memref<128x512xf32, #tpu.memory_space<hbm>>
      %dma_wait3A_80 = arith.constant 0 : i32
      %dma_wait3A_81 = tpu.memref_slice %arg3[%select_n3A, %mul3A_52, %dma_wait3A_80] : memref<16x512x512xf32, #tpu.memory_space<hbm>> -> memref<1x128x512xf32, #tpu.memory_space<hbm>>
      %dma_wait3A_82 = tpu.memref_squeeze %dma_wait3A_81 : memref<1x128x512xf32, #tpu.memory_space<hbm>> -> memref<128x512xf32, #tpu.memory_space<hbm>>
      tpu.wait_dma2 semaphore(%run_scoped3A : memref<!tpu.dma_semaphore, #tpu.memory_space<semaphore_mem>>) src(%arg5 : memref<128x512xf32, #tpu.memory_space<vmem>>) dst(%dma_wait3A_82 : memref<128x512xf32, #tpu.memory_space<hbm>>)
      tpu.yield
    }) : () -> ()
    %add3A_53 = arith.constant 1 : i32
    %add3A_54 = arith.addi %mul3A_32, %add3A_53 : i32
    %mul3A_55 = arith.constant 65536 : i32
    %mul3A_56 = arith.muli %add3A_54, %mul3A_55 : i32
    %broadcast_in_dim3A_57 = arith.constant 0.000000e+00 : f32
    %broadcast_in_dim3A_58 = vector.broadcast %broadcast_in_dim3A_57 : f32 to vector<16xf32>
    %broadcast_in_dim3A_59 = arith.constant 2.550000e+02 : f32
    %broadcast_in_dim3A_60 = vector.broadcast %broadcast_in_dim3A_59 : f32 to vector<16xf32>
    %scan3A_61 = arith.constant 0 : i32
    %scan3A_62 = arith.constant 128 : i32
    %scan3A_63 = arith.addi %scan3A_61, %scan3A_62 : i32
    %scan3A_64 = arith.constant 1 : i32
    scf.for %scan3A_73 = %scan3A_61 to %scan3A_63 step %scan3A_64  : i32 {
      %mul3A_74 = arith.constant 1 : i32
      %mul3A_75 = arith.muli %scan3A_73, %mul3A_74 : i32
      %add3A_76 = arith.constant 0 : i32
      %add3A_77 = arith.addi %add3A_76, %mul3A_75 : i32
      %swap3A = arith.index_cast %add3A_77 : i32 to index
      %swap3A_78 = arith.constant 0 : index
      %swap3A_79 = tpu.vector_load %arg5[%swap3A, %swap3A_78] {strides = array<i32>} : memref<128x512xf32, #tpu.memory_space<vmem>>, vector<16xf32>,
      tpu.vector_store %arg5[%swap3A, %swap3A_78], %broadcast_in_dim3A_58 {strides = array<i32>} : memref<128x512xf32, #tpu.memory_space<vmem>>, vector<16xf32>,
      %swap3A_80 = arith.index_cast %add3A_77 : i32 to index
      %swap3A_81 = arith.constant 16 : index
      %swap3A_82 = tpu.vector_load %arg5[%swap3A_80, %swap3A_81] {strides = array<i32>} : memref<128x512xf32, #tpu.memory_space<vmem>>, vector<16xf32>,
      tpu.vector_store %arg5[%swap3A_80, %swap3A_81], %broadcast_in_dim3A_58 {strides = array<i32>} : memref<128x512xf32, #tpu.memory_space<vmem>>, vector<16xf32>,
      %swap3A_83 = arith.index_cast %add3A_77 : i32 to index
      %swap3A_84 = arith.constant 32 : index
      %swap3A_85 = tpu.vector_load %arg5[%swap3A_83, %swap3A_84] {strides = array<i32>} : memref<128x512xf32, #tpu.memory_space<vmem>>, vector<16xf32>,
      tpu.vector_store %arg5[%swap3A_83, %swap3A_84], %broadcast_in_dim3A_58 {strides = array<i32>} : memref<128x512xf32, #tpu.memory_space<vmem>>, vector<16xf32>,
      %swap3A_86 = arith.index_cast %add3A_77 : i32 to index
      %swap3A_87 = arith.constant 48 : index
      %swap3A_88 = tpu.vector_load %arg5[%swap3A_86, %swap3A_87] {strides = array<i32>} : memref<128x512xf32, #tpu.memory_space<vmem>>, vector<16xf32>,
      tpu.vector_store %arg5[%swap3A_86, %swap3A_87], %broadcast_in_dim3A_58 {strides = array<i32>} : memref<128x512xf32, #tpu.memory_space<vmem>>, vector<16xf32>,
      %swap3A_89 = arith.index_cast %add3A_77 : i32 to index
      %swap3A_90 = arith.constant 64 : index
      %swap3A_91 = tpu.vector_load %arg5[%swap3A_89, %swap3A_90] {strides = array<i32>} : memref<128x512xf32, #tpu.memory_space<vmem>>, vector<16xf32>,
      tpu.vector_store %arg5[%swap3A_89, %swap3A_90], %broadcast_in_dim3A_58 {strides = array<i32>} : memref<128x512xf32, #tpu.memory_space<vmem>>, vector<16xf32>,
      %swap3A_92 = arith.index_cast %add3A_77 : i32 to index
      %swap3A_93 = arith.constant 80 : index
      %swap3A_94 = tpu.vector_load %arg5[%swap3A_92, %swap3A_93] {strides = array<i32>} : memref<128x512xf32, #tpu.memory_space<vmem>>, vector<16xf32>,
      tpu.vector_store %arg5[%swap3A_92, %swap3A_93], %broadcast_in_dim3A_58 {strides = array<i32>} : memref<128x512xf32, #tpu.memory_space<vmem>>, vector<16xf32>,
      %swap3A_95 = arith.index_cast %add3A_77 : i32 to index
      %swap3A_96 = arith.constant 96 : index
      %swap3A_97 = tpu.vector_load %arg5[%swap3A_95, %swap3A_96] {strides = array<i32>} : memref<128x512xf32, #tpu.memory_space<vmem>>, vector<16xf32>,
      tpu.vector_store %arg5[%swap3A_95, %swap3A_96], %broadcast_in_dim3A_58 {strides = array<i32>} : memref<128x512xf32, #tpu.memory_space<vmem>>, vector<16xf32>,
      %swap3A_98 = arith.index_cast %add3A_77 : i32 to index
      %swap3A_99 = arith.constant 112 : index
      %swap3A_100 = tpu.vector_load %arg5[%swap3A_98, %swap3A_99] {strides = array<i32>} : memref<128x512xf32, #tpu.memory_space<vmem>>, vector<16xf32>,
      tpu.vector_store %arg5[%swap3A_98, %swap3A_99], %broadcast_in_dim3A_58 {strides = array<i32>} : memref<128x512xf32, #tpu.memory_space<vmem>>, vector<16xf32>,
      %swap3A_101 = arith.index_cast %add3A_77 : i32 to index
      %swap3A_102 = arith.constant 128 : index
      %swap3A_103 = tpu.vector_load %arg5[%swap3A_101, %swap3A_102] {strides = array<i32>} : memref<128x512xf32, #tpu.memory_space<vmem>>, vector<16xf32>,
      tpu.vector_store %arg5[%swap3A_101, %swap3A_102], %broadcast_in_dim3A_58 {strides = array<i32>} : memref<128x512xf32, #tpu.memory_space<vmem>>, vector<16xf32>,
      %swap3A_104 = arith.index_cast %add3A_77 : i32 to index
      %swap3A_105 = arith.constant 144 : index
      %swap3A_106 = tpu.vector_load %arg5[%swap3A_104, %swap3A_105] {strides = array<i32>} : memref<128x512xf32, #tpu.memory_space<vmem>>, vector<16xf32>,
      tpu.vector_store %arg5[%swap3A_104, %swap3A_105], %broadcast_in_dim3A_58 {strides = array<i32>} : memref<128x512xf32, #tpu.memory_space<vmem>>, vector<16xf32>,
      %swap3A_107 = arith.index_cast %add3A_77 : i32 to index
      %swap3A_108 = arith.constant 160 : index
      %swap3A_109 = tpu.vector_load %arg5[%swap3A_107, %swap3A_108] {strides = array<i32>} : memref<128x512xf32, #tpu.memory_space<vmem>>, vector<16xf32>,
      tpu.vector_store %arg5[%swap3A_107, %swap3A_108], %broadcast_in_dim3A_58 {strides = array<i32>} : memref<128x512xf32, #tpu.memory_space<vmem>>, vector<16xf32>,
      %swap3A_110 = arith.index_cast %add3A_77 : i32 to index
      %swap3A_111 = arith.constant 176 : index
      %swap3A_112 = tpu.vector_load %arg5[%swap3A_110, %swap3A_111] {strides = array<i32>} : memref<128x512xf32, #tpu.memory_space<vmem>>, vector<16xf32>,
      tpu.vector_store %arg5[%swap3A_110, %swap3A_111], %broadcast_in_dim3A_58 {strides = array<i32>} : memref<128x512xf32, #tpu.memory_space<vmem>>, vector<16xf32>,
      %swap3A_113 = arith.index_cast %add3A_77 : i32 to index
      %swap3A_114 = arith.constant 192 : index
      %swap3A_115 = tpu.vector_load %arg5[%swap3A_113, %swap3A_114] {strides = array<i32>} : memref<128x512xf32, #tpu.memory_space<vmem>>, vector<16xf32>,
      tpu.vector_store %arg5[%swap3A_113, %swap3A_114], %broadcast_in_dim3A_58 {strides = array<i32>} : memref<128x512xf32, #tpu.memory_space<vmem>>, vector<16xf32>,
      %swap3A_116 = arith.index_cast %add3A_77 : i32 to index
      %swap3A_117 = arith.constant 208 : index
      %swap3A_118 = tpu.vector_load %arg5[%swap3A_116, %swap3A_117] {strides = array<i32>} : memref<128x512xf32, #tpu.memory_space<vmem>>, vector<16xf32>,
      tpu.vector_store %arg5[%swap3A_116, %swap3A_117], %broadcast_in_dim3A_58 {strides = array<i32>} : memref<128x512xf32, #tpu.memory_space<vmem>>, vector<16xf32>,
      %swap3A_119 = arith.index_cast %add3A_77 : i32 to index
      %swap3A_120 = arith.constant 224 : index
      %swap3A_121 = tpu.vector_load %arg5[%swap3A_119, %swap3A_120] {strides = array<i32>} : memref<128x512xf32, #tpu.memory_space<vmem>>, vector<16xf32>,
      tpu.vector_store %arg5[%swap3A_119, %swap3A_120], %broadcast_in_dim3A_58 {strides = array<i32>} : memref<128x512xf32, #tpu.memory_space<vmem>>, vector<16xf32>,
      %swap3A_122 = arith.index_cast %add3A_77 : i32 to index
      %swap3A_123 = arith.constant 240 : index
      %swap3A_124 = tpu.vector_load %arg5[%swap3A_122, %swap3A_123] {strides = array<i32>} : memref<128x512xf32, #tpu.memory_space<vmem>>, vector<16xf32>,
      tpu.vector_store %arg5[%swap3A_122, %swap3A_123], %broadcast_in_dim3A_58 {strides = array<i32>} : memref<128x512xf32, #tpu.memory_space<vmem>>, vector<16xf32>,
      %swap3A_125 = arith.index_cast %add3A_77 : i32 to index
      %swap3A_126 = arith.constant 256 : index
      %swap3A_127 = tpu.vector_load %arg5[%swap3A_125, %swap3A_126] {strides = array<i32>} : memref<128x512xf32, #tpu.memory_space<vmem>>, vector<16xf32>,
      tpu.vector_store %arg5[%swap3A_125, %swap3A_126], %broadcast_in_dim3A_58 {strides = array<i32>} : memref<128x512xf32, #tpu.memory_space<vmem>>, vector<16xf32>,
      %swap3A_128 = arith.index_cast %add3A_77 : i32 to index
      %swap3A_129 = arith.constant 272 : index
      %swap3A_130 = tpu.vector_load %arg5[%swap3A_128, %swap3A_129] {strides = array<i32>} : memref<128x512xf32, #tpu.memory_space<vmem>>, vector<16xf32>,
      tpu.vector_store %arg5[%swap3A_128, %swap3A_129], %broadcast_in_dim3A_58 {strides = array<i32>} : memref<128x512xf32, #tpu.memory_space<vmem>>, vector<16xf32>,
      %swap3A_131 = arith.index_cast %add3A_77 : i32 to index
      %swap3A_132 = arith.constant 288 : index
      %swap3A_133 = tpu.vector_load %arg5[%swap3A_131, %swap3A_132] {strides = array<i32>} : memref<128x512xf32, #tpu.memory_space<vmem>>, vector<16xf32>,
      tpu.vector_store %arg5[%swap3A_131, %swap3A_132], %broadcast_in_dim3A_58 {strides = array<i32>} : memref<128x512xf32, #tpu.memory_space<vmem>>, vector<16xf32>,
      %swap3A_134 = arith.index_cast %add3A_77 : i32 to index
      %swap3A_135 = arith.constant 304 : index
      %swap3A_136 = tpu.vector_load %arg5[%swap3A_134, %swap3A_135] {strides = array<i32>} : memref<128x512xf32, #tpu.memory_space<vmem>>, vector<16xf32>,
      tpu.vector_store %arg5[%swap3A_134, %swap3A_135], %broadcast_in_dim3A_58 {strides = array<i32>} : memref<128x512xf32, #tpu.memory_space<vmem>>, vector<16xf32>,
      %swap3A_137 = arith.index_cast %add3A_77 : i32 to index
      %swap3A_138 = arith.constant 320 : index
      %swap3A_139 = tpu.vector_load %arg5[%swap3A_137, %swap3A_138] {strides = array<i32>} : memref<128x512xf32, #tpu.memory_space<vmem>>, vector<16xf32>,
      tpu.vector_store %arg5[%swap3A_137, %swap3A_138], %broadcast_in_dim3A_58 {strides = array<i32>} : memref<128x512xf32, #tpu.memory_space<vmem>>, vector<16xf32>,
      %swap3A_140 = arith.index_cast %add3A_77 : i32 to index
      %swap3A_141 = arith.constant 336 : index
      %swap3A_142 = tpu.vector_load %arg5[%swap3A_140, %swap3A_141] {strides = array<i32>} : memref<128x512xf32, #tpu.memory_space<vmem>>, vector<16xf32>,
      tpu.vector_store %arg5[%swap3A_140, %swap3A_141], %broadcast_in_dim3A_58 {strides = array<i32>} : memref<128x512xf32, #tpu.memory_space<vmem>>, vector<16xf32>,
      %swap3A_143 = arith.index_cast %add3A_77 : i32 to index
      %swap3A_144 = arith.constant 352 : index
      %swap3A_145 = tpu.vector_load %arg5[%swap3A_143, %swap3A_144] {strides = array<i32>} : memref<128x512xf32, #tpu.memory_space<vmem>>, vector<16xf32>,
      tpu.vector_store %arg5[%swap3A_143, %swap3A_144], %broadcast_in_dim3A_58 {strides = array<i32>} : memref<128x512xf32, #tpu.memory_space<vmem>>, vector<16xf32>,
      %swap3A_146 = arith.index_cast %add3A_77 : i32 to index
      %swap3A_147 = arith.constant 368 : index
      %swap3A_148 = tpu.vector_load %arg5[%swap3A_146, %swap3A_147] {strides = array<i32>} : memref<128x512xf32, #tpu.memory_space<vmem>>, vector<16xf32>,
      tpu.vector_store %arg5[%swap3A_146, %swap3A_147], %broadcast_in_dim3A_58 {strides = array<i32>} : memref<128x512xf32, #tpu.memory_space<vmem>>, vector<16xf32>,
      %swap3A_149 = arith.index_cast %add3A_77 : i32 to index
      %swap3A_150 = arith.constant 384 : index
      %swap3A_151 = tpu.vector_load %arg5[%swap3A_149, %swap3A_150] {strides = array<i32>} : memref<128x512xf32, #tpu.memory_space<vmem>>, vector<16xf32>,
      tpu.vector_store %arg5[%swap3A_149, %swap3A_150], %broadcast_in_dim3A_58 {strides = array<i32>} : memref<128x512xf32, #tpu.memory_space<vmem>>, vector<16xf32>,
      %swap3A_152 = arith.index_cast %add3A_77 : i32 to index
      %swap3A_153 = arith.constant 400 : index
      %swap3A_154 = tpu.vector_load %arg5[%swap3A_152, %swap3A_153] {strides = array<i32>} : memref<128x512xf32, #tpu.memory_space<vmem>>, vector<16xf32>,
      tpu.vector_store %arg5[%swap3A_152, %swap3A_153], %broadcast_in_dim3A_58 {strides = array<i32>} : memref<128x512xf32, #tpu.memory_space<vmem>>, vector<16xf32>,
      %swap3A_155 = arith.index_cast %add3A_77 : i32 to index
      %swap3A_156 = arith.constant 416 : index
      %swap3A_157 = tpu.vector_load %arg5[%swap3A_155, %swap3A_156] {strides = array<i32>} : memref<128x512xf32, #tpu.memory_space<vmem>>, vector<16xf32>,
      tpu.vector_store %arg5[%swap3A_155, %swap3A_156], %broadcast_in_dim3A_58 {strides = array<i32>} : memref<128x512xf32, #tpu.memory_space<vmem>>, vector<16xf32>,
      %swap3A_158 = arith.index_cast %add3A_77 : i32 to index
      %swap3A_159 = arith.constant 432 : index
      %swap3A_160 = tpu.vector_load %arg5[%swap3A_158, %swap3A_159] {strides = array<i32>} : memref<128x512xf32, #tpu.memory_space<vmem>>, vector<16xf32>,
      tpu.vector_store %arg5[%swap3A_158, %swap3A_159], %broadcast_in_dim3A_58 {strides = array<i32>} : memref<128x512xf32, #tpu.memory_space<vmem>>, vector<16xf32>,
      %swap3A_161 = arith.index_cast %add3A_77 : i32 to index
      %swap3A_162 = arith.constant 448 : index
      %swap3A_163 = tpu.vector_load %arg5[%swap3A_161, %swap3A_162] {strides = array<i32>} : memref<128x512xf32, #tpu.memory_space<vmem>>, vector<16xf32>,
      tpu.vector_store %arg5[%swap3A_161, %swap3A_162], %broadcast_in_dim3A_58 {strides = array<i32>} : memref<128x512xf32, #tpu.memory_space<vmem>>, vector<16xf32>,
      %swap3A_164 = arith.index_cast %add3A_77 : i32 to index
      %swap3A_165 = arith.constant 464 : index
      %swap3A_166 = tpu.vector_load %arg5[%swap3A_164, %swap3A_165] {strides = array<i32>} : memref<128x512xf32, #tpu.memory_space<vmem>>, vector<16xf32>,
      tpu.vector_store %arg5[%swap3A_164, %swap3A_165], %broadcast_in_dim3A_58 {strides = array<i32>} : memref<128x512xf32, #tpu.memory_space<vmem>>, vector<16xf32>,
      %swap3A_167 = arith.index_cast %add3A_77 : i32 to index
      %swap3A_168 = arith.constant 480 : index
      %swap3A_169 = tpu.vector_load %arg5[%swap3A_167, %swap3A_168] {strides = array<i32>} : memref<128x512xf32, #tpu.memory_space<vmem>>, vector<16xf32>,
      tpu.vector_store %arg5[%swap3A_167, %swap3A_168], %broadcast_in_dim3A_58 {strides = array<i32>} : memref<128x512xf32, #tpu.memory_space<vmem>>, vector<16xf32>,
      %swap3A_170 = arith.index_cast %add3A_77 : i32 to index
      %swap3A_171 = arith.constant 496 : index
      %swap3A_172 = tpu.vector_load %arg5[%swap3A_170, %swap3A_171] {strides = array<i32>} : memref<128x512xf32, #tpu.memory_space<vmem>>, vector<16xf32>,
      tpu.vector_store %arg5[%swap3A_170, %swap3A_171], %broadcast_in_dim3A_58 {strides = array<i32>} : memref<128x512xf32, #tpu.memory_space<vmem>>, vector<16xf32>,
    }
    %scan3A_65 = arith.constant 128 : i32
    %scan3A_66 = arith.constant 0 : i32
    %scan3A_67 = arith.constant 896 : i32
    %scan3A_68 = arith.addi %scan3A_66, %scan3A_67 : i32
    %scan3A_69 = arith.constant 8 : i32
    scf.for %scan3A_73 = %scan3A_66 to %scan3A_68 step %scan3A_69  : i32 {
      %mul3A_74 = arith.constant 1 : i32
      %mul3A_75 = arith.muli %scan3A_73, %mul3A_74 : i32
      %add3A_76 = arith.constant 0 : i32
      %add3A_77 = arith.addi %add3A_76, %mul3A_75 : i32
      %mul3A_78 = arith.constant 16 : i32
      %mul3A_79 = arith.muli %add3A_77, %mul3A_78 : i32
      %get3A = arith.index_cast %mul3A_79 : i32 to index
      %get3A_80 = tpu.vector_load %arg4[%get3A] {strides = array<i32>} : memref<14336xi32, #tpu.memory_space<vmem>>, vector<16xi32>,
      %sub3A_81 = vector.broadcast %mul3A_56 : i32 to vector<16xi32>
      %sub3A_82 = arith.subi %get3A_80, %sub3A_81 : vector<16xi32>
      %bitcast_convert_type3A = tpu.bitcast %sub3A_82 : vector<16xi32> -> vector<16xi32>
      %lt3A_83 = arith.constant 65536 : i32
      %lt3A_84 = vector.broadcast %lt3A_83 : i32 to vector<16xi32>
      %lt3A_85 = arith.cmpi ult, %bitcast_convert_type3A, %lt3A_84 : vector<16xi32>
      %shift_right_arithmetic3A = arith.constant 9 : i32
      %shift_right_arithmetic3A_86 = vector.broadcast %shift_right_arithmetic3A : i32 to vector<16xi32>
      %shift_right_arithmetic3A_87 = arith.shrsi %sub3A_82, %shift_right_arithmetic3A_86 : vector<16xi32>
      %and3A_88 = arith.constant 511 : i32
      %and3A_89 = vector.broadcast %and3A_88 : i32 to vector<16xi32>
      %and3A_90 = arith.andi %sub3A_82, %and3A_89 : vector<16xi32>
      tpu.vector_store_idx %arg5[%shift_right_arithmetic3A_87, %and3A_90], %broadcast_in_dim3A_60 masked %lt3A_85 : memref<128x512xf32, #tpu.memory_space<vmem>>[vector<16xi32>, vector<16xi32>], vector<16xf32>, vector<16xi1>
      %scan3A_91 = arith.constant 1 : i32
      %scan3A_92 = arith.addi %scan3A_73, %scan3A_91 : i32
      %mul3A_93 = arith.constant 1 : i32
      %mul3A_94 = arith.muli %scan3A_92, %mul3A_93 : i32
      %add3A_95 = arith.constant 0 : i32
      %add3A_96 = arith.addi %add3A_95, %mul3A_94 : i32
      %mul3A_97 = arith.constant 16 : i32
      %mul3A_98 = arith.muli %add3A_96, %mul3A_97 : i32
      %get3A_99 = arith.index_cast %mul3A_98 : i32 to index
      %get3A_100 = tpu.vector_load %arg4[%get3A_99] {strides = array<i32>} : memref<14336xi32, #tpu.memory_space<vmem>>, vector<16xi32>,
      %sub3A_101 = vector.broadcast %mul3A_56 : i32 to vector<16xi32>
      %sub3A_102 = arith.subi %get3A_100, %sub3A_101 : vector<16xi32>
      %bitcast_convert_type3A_103 = tpu.bitcast %sub3A_102 : vector<16xi32> -> vector<16xi32>
      %lt3A_104 = arith.constant 65536 : i32
      %lt3A_105 = vector.broadcast %lt3A_104 : i32 to vector<16xi32>
      %lt3A_106 = arith.cmpi ult, %bitcast_convert_type3A_103, %lt3A_105 : vector<16xi32>
      %shift_right_arithmetic3A_107 = arith.constant 9 : i32
      %shift_right_arithmetic3A_108 = vector.broadcast %shift_right_arithmetic3A_107 : i32 to vector<16xi32>
      %shift_right_arithmetic3A_109 = arith.shrsi %sub3A_102, %shift_right_arithmetic3A_108 : vector<16xi32>
      %and3A_110 = arith.constant 511 : i32
      %and3A_111 = vector.broadcast %and3A_110 : i32 to vector<16xi32>
      %and3A_112 = arith.andi %sub3A_102, %and3A_111 : vector<16xi32>
      tpu.vector_store_idx %arg5[%shift_right_arithmetic3A_109, %and3A_112], %broadcast_in_dim3A_60 masked %lt3A_106 : memref<128x512xf32, #tpu.memory_space<vmem>>[vector<16xi32>, vector<16xi32>], vector<16xf32>, vector<16xi1>
      %scan3A_113 = arith.constant 2 : i32
      %scan3A_114 = arith.addi %scan3A_73, %scan3A_113 : i32
      %mul3A_115 = arith.constant 1 : i32
      %mul3A_116 = arith.muli %scan3A_114, %mul3A_115 : i32
      %add3A_117 = arith.constant 0 : i32
      %add3A_118 = arith.addi %add3A_117, %mul3A_116 : i32
      %mul3A_119 = arith.constant 16 : i32
      %mul3A_120 = arith.muli %add3A_118, %mul3A_119 : i32
      %get3A_121 = arith.index_cast %mul3A_120 : i32 to index
      %get3A_122 = tpu.vector_load %arg4[%get3A_121] {strides = array<i32>} : memref<14336xi32, #tpu.memory_space<vmem>>, vector<16xi32>,
      %sub3A_123 = vector.broadcast %mul3A_56 : i32 to vector<16xi32>
      %sub3A_124 = arith.subi %get3A_122, %sub3A_123 : vector<16xi32>
      %bitcast_convert_type3A_125 = tpu.bitcast %sub3A_124 : vector<16xi32> -> vector<16xi32>
      %lt3A_126 = arith.constant 65536 : i32
      %lt3A_127 = vector.broadcast %lt3A_126 : i32 to vector<16xi32>
      %lt3A_128 = arith.cmpi ult, %bitcast_convert_type3A_125, %lt3A_127 : vector<16xi32>
      %shift_right_arithmetic3A_129 = arith.constant 9 : i32
      %shift_right_arithmetic3A_130 = vector.broadcast %shift_right_arithmetic3A_129 : i32 to vector<16xi32>
      %shift_right_arithmetic3A_131 = arith.shrsi %sub3A_124, %shift_right_arithmetic3A_130 : vector<16xi32>
      %and3A_132 = arith.constant 511 : i32
      %and3A_133 = vector.broadcast %and3A_132 : i32 to vector<16xi32>
      %and3A_134 = arith.andi %sub3A_124, %and3A_133 : vector<16xi32>
      tpu.vector_store_idx %arg5[%shift_right_arithmetic3A_131, %and3A_134], %broadcast_in_dim3A_60 masked %lt3A_128 : memref<128x512xf32, #tpu.memory_space<vmem>>[vector<16xi32>, vector<16xi32>], vector<16xf32>, vector<16xi1>
      %scan3A_135 = arith.constant 3 : i32
      %scan3A_136 = arith.addi %scan3A_73, %scan3A_135 : i32
      %mul3A_137 = arith.constant 1 : i32
      %mul3A_138 = arith.muli %scan3A_136, %mul3A_137 : i32
      %add3A_139 = arith.constant 0 : i32
      %add3A_140 = arith.addi %add3A_139, %mul3A_138 : i32
      %mul3A_141 = arith.constant 16 : i32
      %mul3A_142 = arith.muli %add3A_140, %mul3A_141 : i32
      %get3A_143 = arith.index_cast %mul3A_142 : i32 to index
      %get3A_144 = tpu.vector_load %arg4[%get3A_143] {strides = array<i32>} : memref<14336xi32, #tpu.memory_space<vmem>>, vector<16xi32>,
      %sub3A_145 = vector.broadcast %mul3A_56 : i32 to vector<16xi32>
      %sub3A_146 = arith.subi %get3A_144, %sub3A_145 : vector<16xi32>
      %bitcast_convert_type3A_147 = tpu.bitcast %sub3A_146 : vector<16xi32> -> vector<16xi32>
      %lt3A_148 = arith.constant 65536 : i32
      %lt3A_149 = vector.broadcast %lt3A_148 : i32 to vector<16xi32>
      %lt3A_150 = arith.cmpi ult, %bitcast_convert_type3A_147, %lt3A_149 : vector<16xi32>
      %shift_right_arithmetic3A_151 = arith.constant 9 : i32
      %shift_right_arithmetic3A_152 = vector.broadcast %shift_right_arithmetic3A_151 : i32 to vector<16xi32>
      %shift_right_arithmetic3A_153 = arith.shrsi %sub3A_146, %shift_right_arithmetic3A_152 : vector<16xi32>
      %and3A_154 = arith.constant 511 : i32
      %and3A_155 = vector.broadcast %and3A_154 : i32 to vector<16xi32>
      %and3A_156 = arith.andi %sub3A_146, %and3A_155 : vector<16xi32>
      tpu.vector_store_idx %arg5[%shift_right_arithmetic3A_153, %and3A_156], %broadcast_in_dim3A_60 masked %lt3A_150 : memref<128x512xf32, #tpu.memory_space<vmem>>[vector<16xi32>, vector<16xi32>], vector<16xf32>, vector<16xi1>
      %scan3A_157 = arith.constant 4 : i32
      %scan3A_158 = arith.addi %scan3A_73, %scan3A_157 : i32
      %mul3A_159 = arith.constant 1 : i32
      %mul3A_160 = arith.muli %scan3A_158, %mul3A_159 : i32
      %add3A_161 = arith.constant 0 : i32
      %add3A_162 = arith.addi %add3A_161, %mul3A_160 : i32
      %mul3A_163 = arith.constant 16 : i32
      %mul3A_164 = arith.muli %add3A_162, %mul3A_163 : i32
      %get3A_165 = arith.index_cast %mul3A_164 : i32 to index
      %get3A_166 = tpu.vector_load %arg4[%get3A_165] {strides = array<i32>} : memref<14336xi32, #tpu.memory_space<vmem>>, vector<16xi32>,
      %sub3A_167 = vector.broadcast %mul3A_56 : i32 to vector<16xi32>
      %sub3A_168 = arith.subi %get3A_166, %sub3A_167 : vector<16xi32>
      %bitcast_convert_type3A_169 = tpu.bitcast %sub3A_168 : vector<16xi32> -> vector<16xi32>
      %lt3A_170 = arith.constant 65536 : i32
      %lt3A_171 = vector.broadcast %lt3A_170 : i32 to vector<16xi32>
      %lt3A_172 = arith.cmpi ult, %bitcast_convert_type3A_169, %lt3A_171 : vector<16xi32>
      %shift_right_arithmetic3A_173 = arith.constant 9 : i32
      %shift_right_arithmetic3A_174 = vector.broadcast %shift_right_arithmetic3A_173 : i32 to vector<16xi32>
      %shift_right_arithmetic3A_175 = arith.shrsi %sub3A_168, %shift_right_arithmetic3A_174 : vector<16xi32>
      %and3A_176 = arith.constant 511 : i32
      %and3A_177 = vector.broadcast %and3A_176 : i32 to vector<16xi32>
      %and3A_178 = arith.andi %sub3A_168, %and3A_177 : vector<16xi32>
      tpu.vector_store_idx %arg5[%shift_right_arithmetic3A_175, %and3A_178], %broadcast_in_dim3A_60 masked %lt3A_172 : memref<128x512xf32, #tpu.memory_space<vmem>>[vector<16xi32>, vector<16xi32>], vector<16xf32>, vector<16xi1>
      %scan3A_179 = arith.constant 5 : i32
      %scan3A_180 = arith.addi %scan3A_73, %scan3A_179 : i32
      %mul3A_181 = arith.constant 1 : i32
      %mul3A_182 = arith.muli %scan3A_180, %mul3A_181 : i32
      %add3A_183 = arith.constant 0 : i32
      %add3A_184 = arith.addi %add3A_183, %mul3A_182 : i32
      %mul3A_185 = arith.constant 16 : i32
      %mul3A_186 = arith.muli %add3A_184, %mul3A_185 : i32
      %get3A_187 = arith.index_cast %mul3A_186 : i32 to index
      %get3A_188 = tpu.vector_load %arg4[%get3A_187] {strides = array<i32>} : memref<14336xi32, #tpu.memory_space<vmem>>, vector<16xi32>,
      %sub3A_189 = vector.broadcast %mul3A_56 : i32 to vector<16xi32>
      %sub3A_190 = arith.subi %get3A_188, %sub3A_189 : vector<16xi32>
      %bitcast_convert_type3A_191 = tpu.bitcast %sub3A_190 : vector<16xi32> -> vector<16xi32>
      %lt3A_192 = arith.constant 65536 : i32
      %lt3A_193 = vector.broadcast %lt3A_192 : i32 to vector<16xi32>
      %lt3A_194 = arith.cmpi ult, %bitcast_convert_type3A_191, %lt3A_193 : vector<16xi32>
      %shift_right_arithmetic3A_195 = arith.constant 9 : i32
      %shift_right_arithmetic3A_196 = vector.broadcast %shift_right_arithmetic3A_195 : i32 to vector<16xi32>
      %shift_right_arithmetic3A_197 = arith.shrsi %sub3A_190, %shift_right_arithmetic3A_196 : vector<16xi32>
      %and3A_198 = arith.constant 511 : i32
      %and3A_199 = vector.broadcast %and3A_198 : i32 to vector<16xi32>
      %and3A_200 = arith.andi %sub3A_190, %and3A_199 : vector<16xi32>
      tpu.vector_store_idx %arg5[%shift_right_arithmetic3A_197, %and3A_200], %broadcast_in_dim3A_60 masked %lt3A_194 : memref<128x512xf32, #tpu.memory_space<vmem>>[vector<16xi32>, vector<16xi32>], vector<16xf32>, vector<16xi1>
      %scan3A_201 = arith.constant 6 : i32
      %scan3A_202 = arith.addi %scan3A_73, %scan3A_201 : i32
      %mul3A_203 = arith.constant 1 : i32
      %mul3A_204 = arith.muli %scan3A_202, %mul3A_203 : i32
      %add3A_205 = arith.constant 0 : i32
      %add3A_206 = arith.addi %add3A_205, %mul3A_204 : i32
      %mul3A_207 = arith.constant 16 : i32
      %mul3A_208 = arith.muli %add3A_206, %mul3A_207 : i32
      %get3A_209 = arith.index_cast %mul3A_208 : i32 to index
      %get3A_210 = tpu.vector_load %arg4[%get3A_209] {strides = array<i32>} : memref<14336xi32, #tpu.memory_space<vmem>>, vector<16xi32>,
      %sub3A_211 = vector.broadcast %mul3A_56 : i32 to vector<16xi32>
      %sub3A_212 = arith.subi %get3A_210, %sub3A_211 : vector<16xi32>
      %bitcast_convert_type3A_213 = tpu.bitcast %sub3A_212 : vector<16xi32> -> vector<16xi32>
      %lt3A_214 = arith.constant 65536 : i32
      %lt3A_215 = vector.broadcast %lt3A_214 : i32 to vector<16xi32>
      %lt3A_216 = arith.cmpi ult, %bitcast_convert_type3A_213, %lt3A_215 : vector<16xi32>
      %shift_right_arithmetic3A_217 = arith.constant 9 : i32
      %shift_right_arithmetic3A_218 = vector.broadcast %shift_right_arithmetic3A_217 : i32 to vector<16xi32>
      %shift_right_arithmetic3A_219 = arith.shrsi %sub3A_212, %shift_right_arithmetic3A_218 : vector<16xi32>
      %and3A_220 = arith.constant 511 : i32
      %and3A_221 = vector.broadcast %and3A_220 : i32 to vector<16xi32>
      %and3A_222 = arith.andi %sub3A_212, %and3A_221 : vector<16xi32>
      tpu.vector_store_idx %arg5[%shift_right_arithmetic3A_219, %and3A_222], %broadcast_in_dim3A_60 masked %lt3A_216 : memref<128x512xf32, #tpu.memory_space<vmem>>[vector<16xi32>, vector<16xi32>], vector<16xf32>, vector<16xi1>
      %scan3A_223 = arith.constant 7 : i32
      %scan3A_224 = arith.addi %scan3A_73, %scan3A_223 : i32
      %mul3A_225 = arith.constant 1 : i32
      %mul3A_226 = arith.muli %scan3A_224, %mul3A_225 : i32
      %add3A_227 = arith.constant 0 : i32
      %add3A_228 = arith.addi %add3A_227, %mul3A_226 : i32
      %mul3A_229 = arith.constant 16 : i32
      %mul3A_230 = arith.muli %add3A_228, %mul3A_229 : i32
      %get3A_231 = arith.index_cast %mul3A_230 : i32 to index
      %get3A_232 = tpu.vector_load %arg4[%get3A_231] {strides = array<i32>} : memref<14336xi32, #tpu.memory_space<vmem>>, vector<16xi32>,
      %sub3A_233 = vector.broadcast %mul3A_56 : i32 to vector<16xi32>
      %sub3A_234 = arith.subi %get3A_232, %sub3A_233 : vector<16xi32>
      %bitcast_convert_type3A_235 = tpu.bitcast %sub3A_234 : vector<16xi32> -> vector<16xi32>
      %lt3A_236 = arith.constant 65536 : i32
      %lt3A_237 = vector.broadcast %lt3A_236 : i32 to vector<16xi32>
      %lt3A_238 = arith.cmpi ult, %bitcast_convert_type3A_235, %lt3A_237 : vector<16xi32>
      %shift_right_arithmetic3A_239 = arith.constant 9 : i32
      %shift_right_arithmetic3A_240 = vector.broadcast %shift_right_arithmetic3A_239 : i32 to vector<16xi32>
      %shift_right_arithmetic3A_241 = arith.shrsi %sub3A_234, %shift_right_arithmetic3A_240 : vector<16xi32>
      %and3A_242 = arith.constant 511 : i32
      %and3A_243 = vector.broadcast %and3A_242 : i32 to vector<16xi32>
      %and3A_244 = arith.andi %sub3A_234, %and3A_243 : vector<16xi32>
      tpu.vector_store_idx %arg5[%shift_right_arithmetic3A_241, %and3A_244], %broadcast_in_dim3A_60 masked %lt3A_238 : memref<128x512xf32, #tpu.memory_space<vmem>>[vector<16xi32>, vector<16xi32>], vector<16xf32>, vector<16xi1>
    }
    %scan3A_70 = arith.constant 896 : i32
    %mul3A_71 = arith.constant 128 : i32
    %mul3A_72 = arith.muli %add3A_54, %mul3A_71 : i32
    "tpu.region"() ({
      %run_scoped3A = tpu.sem_alloc : memref<!tpu.dma_semaphore, #tpu.memory_space<semaphore_mem>>
      %dma_start3A = arith.constant 0 : i32
      %dma_start3A_73 = tpu.memref_slice %arg3[%select_n3A, %mul3A_72, %dma_start3A] : memref<16x512x512xf32, #tpu.memory_space<hbm>> -> memref<1x128x512xf32, #tpu.memory_space<hbm>>
      %dma_start3A_74 = tpu.memref_squeeze %dma_start3A_73 : memref<1x128x512xf32, #tpu.memory_space<hbm>> -> memref<128x512xf32, #tpu.memory_space<hbm>>
      %dma_start3A_75 = arith.constant 0 : i32
      %dma_start3A_76 = tpu.memref_slice %arg3[%select_n3A, %mul3A_72, %dma_start3A_75] : memref<16x512x512xf32, #tpu.memory_space<hbm>> -> memref<1x128x512xf32, #tpu.memory_space<hbm>>
      %dma_start3A_77 = tpu.memref_squeeze %dma_start3A_76 : memref<1x128x512xf32, #tpu.memory_space<hbm>> -> memref<128x512xf32, #tpu.memory_space<hbm>>
      tpu.enqueue_dma source(%arg5 : memref<128x512xf32, #tpu.memory_space<vmem>>) target(%dma_start3A_77 : memref<128x512xf32, #tpu.memory_space<hbm>>) target_semaphore(%run_scoped3A : memref<!tpu.dma_semaphore, #tpu.memory_space<semaphore_mem>>)
      %dma_wait3A = arith.constant 0 : i32
      %dma_wait3A_78 = tpu.memref_slice %arg3[%select_n3A, %mul3A_72, %dma_wait3A] : memref<16x512x512xf32, #tpu.memory_space<hbm>> -> memref<1x128x512xf32, #tpu.memory_space<hbm>>
      %dma_wait3A_79 = tpu.memref_squeeze %dma_wait3A_78 : memref<1x128x512xf32, #tpu.memory_space<hbm>> -> memref<128x512xf32, #tpu.memory_space<hbm>>
      %dma_wait3A_80 = arith.constant 0 : i32
      %dma_wait3A_81 = tpu.memref_slice %arg3[%select_n3A, %mul3A_72, %dma_wait3A_80] : memref<16x512x512xf32, #tpu.memory_space<hbm>> -> memref<1x128x512xf32, #tpu.memory_space<hbm>>
      %dma_wait3A_82 = tpu.memref_squeeze %dma_wait3A_81 : memref<1x128x512xf32, #tpu.memory_space<hbm>> -> memref<128x512xf32, #tpu.memory_space<hbm>>
      tpu.wait_dma2 semaphore(%run_scoped3A : memref<!tpu.dma_semaphore, #tpu.memory_space<semaphore_mem>>) src(%arg5 : memref<128x512xf32, #tpu.memory_space<vmem>>) dst(%dma_wait3A_82 : memref<128x512xf32, #tpu.memory_space<hbm>>)
      tpu.yield
    }) : () -> ()
    return
  }
}

#map = affine_map<(d0, d1) -> (0, 0)>
#map1 = affine_map<(d0, d1) -> (0, 0, 0)>
module attributes {stable_mosaic.version = 14 : i64} {
  func.func @_sc_scatter_body(%arg0: i32, %arg1: i32, %arg2: memref<64x14336xi32, #tpu.memory_space<hbm>>, %arg3: memref<16x512x512xf32, #tpu.memory_space<hbm>>, %arg4: memref<14336xi32, #tpu.memory_space<vmem>>, %arg5: memref<128x512xf32, #tpu.memory_space<vmem>>) attributes {dimension_semantics = [#tpu.dimension_semantics<core_parallel>, #tpu.dimension_semantics<subcore_parallel>], iteration_bounds = array<i64: 2, 16>, scalar_prefetch = 0 : i64, scratch_operands = 2 : i64, tpu.core_type = #tpu.core_type<sc_vector_subcore>, window_params = [{transform_indices = #map}, {transform_indices = #map1}]} {
    %mul3A = arith.constant 2 : i32
    %mul3A_0 = arith.muli %arg1, %mul3A : i32
    %add3A = arith.addi %mul3A_0, %arg0 : i32
    %jit3A = arith.constant 2 : i32
    %div3A = arith.divsi %add3A, %jit3A : i32
    %sign3A = arith.constant 0 : i32
    %sign3A_1 = arith.cmpi sgt, %add3A, %sign3A : i32
    %sign3A_2 = arith.extui %sign3A_1 : i1 to i32
    %sign3A_3 = arith.constant 0 : i32
    %sign3A_4 = arith.cmpi slt, %add3A, %sign3A_3 : i32
    %sign3A_5 = arith.extui %sign3A_4 : i1 to i32
    %sign3A_6 = arith.subi %sign3A_2, %sign3A_5 : i32
    %sign3A_7 = arith.constant 0 : i32
    %sign3A_8 = arith.cmpi sgt, %jit3A, %sign3A_7 : i32
    %sign3A_9 = arith.extui %sign3A_8 : i1 to i32
    %sign3A_10 = arith.constant 0 : i32
    %sign3A_11 = arith.cmpi slt, %jit3A, %sign3A_10 : i32
    %sign3A_12 = arith.extui %sign3A_11 : i1 to i32
    %sign3A_13 = arith.subi %sign3A_9, %sign3A_12 : i32
    %ne3A = arith.cmpi ne, %sign3A_6, %sign3A_13 : i32
    %rem3A = arith.remsi %add3A, %jit3A : i32
    %ne3A_14 = arith.constant 0 : i32
    %ne3A_15 = arith.cmpi ne, %rem3A, %ne3A_14 : i32
    %and3A = arith.andi %ne3A, %ne3A_15 : i1
    %sub3A = arith.constant 1 : i32
    %sub3A_16 = arith.subi %div3A, %sub3A : i32
    %select_n3A = arith.select %and3A, %sub3A_16, %div3A : i32
    %jit3A_17 = arith.constant 2 : i32
    %eq3A = arith.constant 0 : i32
    %eq3A_18 = arith.cmpi eq, %jit3A_17, %eq3A : i32
    %jit3A_19 = arith.constant 1 : i32
    %select_n3A_20 = arith.select %eq3A_18, %jit3A_19, %jit3A_17 : i32
    %rem3A_21 = arith.remsi %add3A, %select_n3A_20 : i32
    %ne3A_22 = arith.constant 0 : i32
    %ne3A_23 = arith.cmpi ne, %rem3A_21, %ne3A_22 : i32
    %lt3A = arith.constant 0 : i32
    %lt3A_24 = arith.cmpi slt, %rem3A_21, %lt3A : i32
    %lt3A_25 = arith.constant 0 : i32
    %lt3A_26 = arith.cmpi slt, %select_n3A_20, %lt3A_25 : i32
    %ne3A_27 = arith.xori %lt3A_24, %lt3A_26 : i1
    %and3A_28 = arith.andi %ne3A_27, %ne3A_23 : i1
    %add3A_29 = arith.addi %rem3A_21, %select_n3A_20 : i32
    %select_n3A_30 = arith.select %and3A_28, %add3A_29, %rem3A_21 : i32
    %mul3A_31 = arith.constant 2 : i32
    %mul3A_32 = arith.muli %select_n3A_30, %mul3A_31 : i32
    %add3A_33 = arith.constant 16 : i32
    %add3A_34 = arith.addi %add3A_33, %select_n3A : i32
    "tpu.region"() ({
      %run_scoped3A = tpu.sem_alloc : memref<!tpu.dma_semaphore, #tpu.memory_space<semaphore_mem>>
      %dma_start3A = arith.constant 0 : i32
      %dma_start3A_73 = tpu.memref_slice %arg2[%add3A_34, %dma_start3A] : memref<64x14336xi32, #tpu.memory_space<hbm>> -> memref<1x14336xi32, #tpu.memory_space<hbm>>
      %dma_start3A_74 = tpu.memref_squeeze %dma_start3A_73 : memref<1x14336xi32, #tpu.memory_space<hbm>> -> memref<14336xi32, #tpu.memory_space<hbm>>
      %dma_start3A_75 = arith.constant 0 : i32
      %dma_start3A_76 = tpu.memref_slice %arg2[%add3A_34, %dma_start3A_75] : memref<64x14336xi32, #tpu.memory_space<hbm>> -> memref<1x14336xi32, #tpu.memory_space<hbm>>
      %dma_start3A_77 = tpu.memref_squeeze %dma_start3A_76 : memref<1x14336xi32, #tpu.memory_space<hbm>> -> memref<14336xi32, #tpu.memory_space<hbm>>
      tpu.enqueue_dma source(%dma_start3A_77 : memref<14336xi32, #tpu.memory_space<hbm>>) target(%arg4 : memref<14336xi32, #tpu.memory_space<vmem>>) target_semaphore(%run_scoped3A : memref<!tpu.dma_semaphore, #tpu.memory_space<semaphore_mem>>)
      %dma_wait3A = arith.constant 0 : i32
      %dma_wait3A_78 = tpu.memref_slice %arg2[%add3A_34, %dma_wait3A] : memref<64x14336xi32, #tpu.memory_space<hbm>> -> memref<1x14336xi32, #tpu.memory_space<hbm>>
      %dma_wait3A_79 = tpu.memref_squeeze %dma_wait3A_78 : memref<1x14336xi32, #tpu.memory_space<hbm>> -> memref<14336xi32, #tpu.memory_space<hbm>>
      %dma_wait3A_80 = arith.constant 0 : i32
      %dma_wait3A_81 = tpu.memref_slice %arg2[%add3A_34, %dma_wait3A_80] : memref<64x14336xi32, #tpu.memory_space<hbm>> -> memref<1x14336xi32, #tpu.memory_space<hbm>>
      %dma_wait3A_82 = tpu.memref_squeeze %dma_wait3A_81 : memref<1x14336xi32, #tpu.memory_space<hbm>> -> memref<14336xi32, #tpu.memory_space<hbm>>
      tpu.wait_dma2 semaphore(%run_scoped3A : memref<!tpu.dma_semaphore, #tpu.memory_space<semaphore_mem>>) src(%dma_wait3A_82 : memref<14336xi32, #tpu.memory_space<hbm>>) dst(%arg4 : memref<14336xi32, #tpu.memory_space<vmem>>)
      tpu.yield
    }) : () -> ()
    %add3A_35 = arith.constant 0 : i32
    %add3A_36 = arith.addi %mul3A_32, %add3A_35 : i32
    %mul3A_37 = arith.constant 65536 : i32
    %mul3A_38 = arith.muli %add3A_36, %mul3A_37 : i32
    %broadcast_in_dim3A = arith.constant 0.000000e+00 : f32
    %broadcast_in_dim3A_39 = vector.broadcast %broadcast_in_dim3A : f32 to vector<16xf32>
    %broadcast_in_dim3A_40 = arith.constant 2.550000e+02 : f32
    %broadcast_in_dim3A_41 = vector.broadcast %broadcast_in_dim3A_40 : f32 to vector<16xf32>
    %scan3A = arith.constant 0 : i32
    %scan3A_42 = arith.constant 128 : i32
    %scan3A_43 = arith.addi %scan3A, %scan3A_42 : i32
    %scan3A_44 = arith.constant 1 : i32
    scf.for %scan3A_73 = %scan3A to %scan3A_43 step %scan3A_44  : i32 {
      %mul3A_74 = arith.constant 1 : i32
      %mul3A_75 = arith.muli %scan3A_73, %mul3A_74 : i32
      %add3A_76 = arith.constant 0 : i32
      %add3A_77 = arith.addi %add3A_76, %mul3A_75 : i32
      %swap3A = arith.index_cast %add3A_77 : i32 to index
      %swap3A_78 = arith.constant 0 : index
      %swap3A_79 = tpu.vector_load %arg5[%swap3A, %swap3A_78] {strides = array<i32>} : memref<128x512xf32, #tpu.memory_space<vmem>>, vector<16xf32>,
      tpu.vector_store %arg5[%swap3A, %swap3A_78], %broadcast_in_dim3A_39 {strides = array<i32>} : memref<128x512xf32, #tpu.memory_space<vmem>>, vector<16xf32>,
      %swap3A_80 = arith.index_cast %add3A_77 : i32 to index
      %swap3A_81 = arith.constant 16 : index
      %swap3A_82 = tpu.vector_load %arg5[%swap3A_80, %swap3A_81] {strides = array<i32>} : memref<128x512xf32, #tpu.memory_space<vmem>>, vector<16xf32>,
      tpu.vector_store %arg5[%swap3A_80, %swap3A_81], %broadcast_in_dim3A_39 {strides = array<i32>} : memref<128x512xf32, #tpu.memory_space<vmem>>, vector<16xf32>,
      %swap3A_83 = arith.index_cast %add3A_77 : i32 to index
      %swap3A_84 = arith.constant 32 : index
      %swap3A_85 = tpu.vector_load %arg5[%swap3A_83, %swap3A_84] {strides = array<i32>} : memref<128x512xf32, #tpu.memory_space<vmem>>, vector<16xf32>,
      tpu.vector_store %arg5[%swap3A_83, %swap3A_84], %broadcast_in_dim3A_39 {strides = array<i32>} : memref<128x512xf32, #tpu.memory_space<vmem>>, vector<16xf32>,
      %swap3A_86 = arith.index_cast %add3A_77 : i32 to index
      %swap3A_87 = arith.constant 48 : index
      %swap3A_88 = tpu.vector_load %arg5[%swap3A_86, %swap3A_87] {strides = array<i32>} : memref<128x512xf32, #tpu.memory_space<vmem>>, vector<16xf32>,
      tpu.vector_store %arg5[%swap3A_86, %swap3A_87], %broadcast_in_dim3A_39 {strides = array<i32>} : memref<128x512xf32, #tpu.memory_space<vmem>>, vector<16xf32>,
      %swap3A_89 = arith.index_cast %add3A_77 : i32 to index
      %swap3A_90 = arith.constant 64 : index
      %swap3A_91 = tpu.vector_load %arg5[%swap3A_89, %swap3A_90] {strides = array<i32>} : memref<128x512xf32, #tpu.memory_space<vmem>>, vector<16xf32>,
      tpu.vector_store %arg5[%swap3A_89, %swap3A_90], %broadcast_in_dim3A_39 {strides = array<i32>} : memref<128x512xf32, #tpu.memory_space<vmem>>, vector<16xf32>,
      %swap3A_92 = arith.index_cast %add3A_77 : i32 to index
      %swap3A_93 = arith.constant 80 : index
      %swap3A_94 = tpu.vector_load %arg5[%swap3A_92, %swap3A_93] {strides = array<i32>} : memref<128x512xf32, #tpu.memory_space<vmem>>, vector<16xf32>,
      tpu.vector_store %arg5[%swap3A_92, %swap3A_93], %broadcast_in_dim3A_39 {strides = array<i32>} : memref<128x512xf32, #tpu.memory_space<vmem>>, vector<16xf32>,
      %swap3A_95 = arith.index_cast %add3A_77 : i32 to index
      %swap3A_96 = arith.constant 96 : index
      %swap3A_97 = tpu.vector_load %arg5[%swap3A_95, %swap3A_96] {strides = array<i32>} : memref<128x512xf32, #tpu.memory_space<vmem>>, vector<16xf32>,
      tpu.vector_store %arg5[%swap3A_95, %swap3A_96], %broadcast_in_dim3A_39 {strides = array<i32>} : memref<128x512xf32, #tpu.memory_space<vmem>>, vector<16xf32>,
      %swap3A_98 = arith.index_cast %add3A_77 : i32 to index
      %swap3A_99 = arith.constant 112 : index
      %swap3A_100 = tpu.vector_load %arg5[%swap3A_98, %swap3A_99] {strides = array<i32>} : memref<128x512xf32, #tpu.memory_space<vmem>>, vector<16xf32>,
      tpu.vector_store %arg5[%swap3A_98, %swap3A_99], %broadcast_in_dim3A_39 {strides = array<i32>} : memref<128x512xf32, #tpu.memory_space<vmem>>, vector<16xf32>,
      %swap3A_101 = arith.index_cast %add3A_77 : i32 to index
      %swap3A_102 = arith.constant 128 : index
      %swap3A_103 = tpu.vector_load %arg5[%swap3A_101, %swap3A_102] {strides = array<i32>} : memref<128x512xf32, #tpu.memory_space<vmem>>, vector<16xf32>,
      tpu.vector_store %arg5[%swap3A_101, %swap3A_102], %broadcast_in_dim3A_39 {strides = array<i32>} : memref<128x512xf32, #tpu.memory_space<vmem>>, vector<16xf32>,
      %swap3A_104 = arith.index_cast %add3A_77 : i32 to index
      %swap3A_105 = arith.constant 144 : index
      %swap3A_106 = tpu.vector_load %arg5[%swap3A_104, %swap3A_105] {strides = array<i32>} : memref<128x512xf32, #tpu.memory_space<vmem>>, vector<16xf32>,
      tpu.vector_store %arg5[%swap3A_104, %swap3A_105], %broadcast_in_dim3A_39 {strides = array<i32>} : memref<128x512xf32, #tpu.memory_space<vmem>>, vector<16xf32>,
      %swap3A_107 = arith.index_cast %add3A_77 : i32 to index
      %swap3A_108 = arith.constant 160 : index
      %swap3A_109 = tpu.vector_load %arg5[%swap3A_107, %swap3A_108] {strides = array<i32>} : memref<128x512xf32, #tpu.memory_space<vmem>>, vector<16xf32>,
      tpu.vector_store %arg5[%swap3A_107, %swap3A_108], %broadcast_in_dim3A_39 {strides = array<i32>} : memref<128x512xf32, #tpu.memory_space<vmem>>, vector<16xf32>,
      %swap3A_110 = arith.index_cast %add3A_77 : i32 to index
      %swap3A_111 = arith.constant 176 : index
      %swap3A_112 = tpu.vector_load %arg5[%swap3A_110, %swap3A_111] {strides = array<i32>} : memref<128x512xf32, #tpu.memory_space<vmem>>, vector<16xf32>,
      tpu.vector_store %arg5[%swap3A_110, %swap3A_111], %broadcast_in_dim3A_39 {strides = array<i32>} : memref<128x512xf32, #tpu.memory_space<vmem>>, vector<16xf32>,
      %swap3A_113 = arith.index_cast %add3A_77 : i32 to index
      %swap3A_114 = arith.constant 192 : index
      %swap3A_115 = tpu.vector_load %arg5[%swap3A_113, %swap3A_114] {strides = array<i32>} : memref<128x512xf32, #tpu.memory_space<vmem>>, vector<16xf32>,
      tpu.vector_store %arg5[%swap3A_113, %swap3A_114], %broadcast_in_dim3A_39 {strides = array<i32>} : memref<128x512xf32, #tpu.memory_space<vmem>>, vector<16xf32>,
      %swap3A_116 = arith.index_cast %add3A_77 : i32 to index
      %swap3A_117 = arith.constant 208 : index
      %swap3A_118 = tpu.vector_load %arg5[%swap3A_116, %swap3A_117] {strides = array<i32>} : memref<128x512xf32, #tpu.memory_space<vmem>>, vector<16xf32>,
      tpu.vector_store %arg5[%swap3A_116, %swap3A_117], %broadcast_in_dim3A_39 {strides = array<i32>} : memref<128x512xf32, #tpu.memory_space<vmem>>, vector<16xf32>,
      %swap3A_119 = arith.index_cast %add3A_77 : i32 to index
      %swap3A_120 = arith.constant 224 : index
      %swap3A_121 = tpu.vector_load %arg5[%swap3A_119, %swap3A_120] {strides = array<i32>} : memref<128x512xf32, #tpu.memory_space<vmem>>, vector<16xf32>,
      tpu.vector_store %arg5[%swap3A_119, %swap3A_120], %broadcast_in_dim3A_39 {strides = array<i32>} : memref<128x512xf32, #tpu.memory_space<vmem>>, vector<16xf32>,
      %swap3A_122 = arith.index_cast %add3A_77 : i32 to index
      %swap3A_123 = arith.constant 240 : index
      %swap3A_124 = tpu.vector_load %arg5[%swap3A_122, %swap3A_123] {strides = array<i32>} : memref<128x512xf32, #tpu.memory_space<vmem>>, vector<16xf32>,
      tpu.vector_store %arg5[%swap3A_122, %swap3A_123], %broadcast_in_dim3A_39 {strides = array<i32>} : memref<128x512xf32, #tpu.memory_space<vmem>>, vector<16xf32>,
      %swap3A_125 = arith.index_cast %add3A_77 : i32 to index
      %swap3A_126 = arith.constant 256 : index
      %swap3A_127 = tpu.vector_load %arg5[%swap3A_125, %swap3A_126] {strides = array<i32>} : memref<128x512xf32, #tpu.memory_space<vmem>>, vector<16xf32>,
      tpu.vector_store %arg5[%swap3A_125, %swap3A_126], %broadcast_in_dim3A_39 {strides = array<i32>} : memref<128x512xf32, #tpu.memory_space<vmem>>, vector<16xf32>,
      %swap3A_128 = arith.index_cast %add3A_77 : i32 to index
      %swap3A_129 = arith.constant 272 : index
      %swap3A_130 = tpu.vector_load %arg5[%swap3A_128, %swap3A_129] {strides = array<i32>} : memref<128x512xf32, #tpu.memory_space<vmem>>, vector<16xf32>,
      tpu.vector_store %arg5[%swap3A_128, %swap3A_129], %broadcast_in_dim3A_39 {strides = array<i32>} : memref<128x512xf32, #tpu.memory_space<vmem>>, vector<16xf32>,
      %swap3A_131 = arith.index_cast %add3A_77 : i32 to index
      %swap3A_132 = arith.constant 288 : index
      %swap3A_133 = tpu.vector_load %arg5[%swap3A_131, %swap3A_132] {strides = array<i32>} : memref<128x512xf32, #tpu.memory_space<vmem>>, vector<16xf32>,
      tpu.vector_store %arg5[%swap3A_131, %swap3A_132], %broadcast_in_dim3A_39 {strides = array<i32>} : memref<128x512xf32, #tpu.memory_space<vmem>>, vector<16xf32>,
      %swap3A_134 = arith.index_cast %add3A_77 : i32 to index
      %swap3A_135 = arith.constant 304 : index
      %swap3A_136 = tpu.vector_load %arg5[%swap3A_134, %swap3A_135] {strides = array<i32>} : memref<128x512xf32, #tpu.memory_space<vmem>>, vector<16xf32>,
      tpu.vector_store %arg5[%swap3A_134, %swap3A_135], %broadcast_in_dim3A_39 {strides = array<i32>} : memref<128x512xf32, #tpu.memory_space<vmem>>, vector<16xf32>,
      %swap3A_137 = arith.index_cast %add3A_77 : i32 to index
      %swap3A_138 = arith.constant 320 : index
      %swap3A_139 = tpu.vector_load %arg5[%swap3A_137, %swap3A_138] {strides = array<i32>} : memref<128x512xf32, #tpu.memory_space<vmem>>, vector<16xf32>,
      tpu.vector_store %arg5[%swap3A_137, %swap3A_138], %broadcast_in_dim3A_39 {strides = array<i32>} : memref<128x512xf32, #tpu.memory_space<vmem>>, vector<16xf32>,
      %swap3A_140 = arith.index_cast %add3A_77 : i32 to index
      %swap3A_141 = arith.constant 336 : index
      %swap3A_142 = tpu.vector_load %arg5[%swap3A_140, %swap3A_141] {strides = array<i32>} : memref<128x512xf32, #tpu.memory_space<vmem>>, vector<16xf32>,
      tpu.vector_store %arg5[%swap3A_140, %swap3A_141], %broadcast_in_dim3A_39 {strides = array<i32>} : memref<128x512xf32, #tpu.memory_space<vmem>>, vector<16xf32>,
      %swap3A_143 = arith.index_cast %add3A_77 : i32 to index
      %swap3A_144 = arith.constant 352 : index
      %swap3A_145 = tpu.vector_load %arg5[%swap3A_143, %swap3A_144] {strides = array<i32>} : memref<128x512xf32, #tpu.memory_space<vmem>>, vector<16xf32>,
      tpu.vector_store %arg5[%swap3A_143, %swap3A_144], %broadcast_in_dim3A_39 {strides = array<i32>} : memref<128x512xf32, #tpu.memory_space<vmem>>, vector<16xf32>,
      %swap3A_146 = arith.index_cast %add3A_77 : i32 to index
      %swap3A_147 = arith.constant 368 : index
      %swap3A_148 = tpu.vector_load %arg5[%swap3A_146, %swap3A_147] {strides = array<i32>} : memref<128x512xf32, #tpu.memory_space<vmem>>, vector<16xf32>,
      tpu.vector_store %arg5[%swap3A_146, %swap3A_147], %broadcast_in_dim3A_39 {strides = array<i32>} : memref<128x512xf32, #tpu.memory_space<vmem>>, vector<16xf32>,
      %swap3A_149 = arith.index_cast %add3A_77 : i32 to index
      %swap3A_150 = arith.constant 384 : index
      %swap3A_151 = tpu.vector_load %arg5[%swap3A_149, %swap3A_150] {strides = array<i32>} : memref<128x512xf32, #tpu.memory_space<vmem>>, vector<16xf32>,
      tpu.vector_store %arg5[%swap3A_149, %swap3A_150], %broadcast_in_dim3A_39 {strides = array<i32>} : memref<128x512xf32, #tpu.memory_space<vmem>>, vector<16xf32>,
      %swap3A_152 = arith.index_cast %add3A_77 : i32 to index
      %swap3A_153 = arith.constant 400 : index
      %swap3A_154 = tpu.vector_load %arg5[%swap3A_152, %swap3A_153] {strides = array<i32>} : memref<128x512xf32, #tpu.memory_space<vmem>>, vector<16xf32>,
      tpu.vector_store %arg5[%swap3A_152, %swap3A_153], %broadcast_in_dim3A_39 {strides = array<i32>} : memref<128x512xf32, #tpu.memory_space<vmem>>, vector<16xf32>,
      %swap3A_155 = arith.index_cast %add3A_77 : i32 to index
      %swap3A_156 = arith.constant 416 : index
      %swap3A_157 = tpu.vector_load %arg5[%swap3A_155, %swap3A_156] {strides = array<i32>} : memref<128x512xf32, #tpu.memory_space<vmem>>, vector<16xf32>,
      tpu.vector_store %arg5[%swap3A_155, %swap3A_156], %broadcast_in_dim3A_39 {strides = array<i32>} : memref<128x512xf32, #tpu.memory_space<vmem>>, vector<16xf32>,
      %swap3A_158 = arith.index_cast %add3A_77 : i32 to index
      %swap3A_159 = arith.constant 432 : index
      %swap3A_160 = tpu.vector_load %arg5[%swap3A_158, %swap3A_159] {strides = array<i32>} : memref<128x512xf32, #tpu.memory_space<vmem>>, vector<16xf32>,
      tpu.vector_store %arg5[%swap3A_158, %swap3A_159], %broadcast_in_dim3A_39 {strides = array<i32>} : memref<128x512xf32, #tpu.memory_space<vmem>>, vector<16xf32>,
      %swap3A_161 = arith.index_cast %add3A_77 : i32 to index
      %swap3A_162 = arith.constant 448 : index
      %swap3A_163 = tpu.vector_load %arg5[%swap3A_161, %swap3A_162] {strides = array<i32>} : memref<128x512xf32, #tpu.memory_space<vmem>>, vector<16xf32>,
      tpu.vector_store %arg5[%swap3A_161, %swap3A_162], %broadcast_in_dim3A_39 {strides = array<i32>} : memref<128x512xf32, #tpu.memory_space<vmem>>, vector<16xf32>,
      %swap3A_164 = arith.index_cast %add3A_77 : i32 to index
      %swap3A_165 = arith.constant 464 : index
      %swap3A_166 = tpu.vector_load %arg5[%swap3A_164, %swap3A_165] {strides = array<i32>} : memref<128x512xf32, #tpu.memory_space<vmem>>, vector<16xf32>,
      tpu.vector_store %arg5[%swap3A_164, %swap3A_165], %broadcast_in_dim3A_39 {strides = array<i32>} : memref<128x512xf32, #tpu.memory_space<vmem>>, vector<16xf32>,
      %swap3A_167 = arith.index_cast %add3A_77 : i32 to index
      %swap3A_168 = arith.constant 480 : index
      %swap3A_169 = tpu.vector_load %arg5[%swap3A_167, %swap3A_168] {strides = array<i32>} : memref<128x512xf32, #tpu.memory_space<vmem>>, vector<16xf32>,
      tpu.vector_store %arg5[%swap3A_167, %swap3A_168], %broadcast_in_dim3A_39 {strides = array<i32>} : memref<128x512xf32, #tpu.memory_space<vmem>>, vector<16xf32>,
      %swap3A_170 = arith.index_cast %add3A_77 : i32 to index
      %swap3A_171 = arith.constant 496 : index
      %swap3A_172 = tpu.vector_load %arg5[%swap3A_170, %swap3A_171] {strides = array<i32>} : memref<128x512xf32, #tpu.memory_space<vmem>>, vector<16xf32>,
      tpu.vector_store %arg5[%swap3A_170, %swap3A_171], %broadcast_in_dim3A_39 {strides = array<i32>} : memref<128x512xf32, #tpu.memory_space<vmem>>, vector<16xf32>,
    }
    %scan3A_45 = arith.constant 128 : i32
    %scan3A_46 = arith.constant 0 : i32
    %scan3A_47 = arith.constant 896 : i32
    %scan3A_48 = arith.addi %scan3A_46, %scan3A_47 : i32
    %scan3A_49 = arith.constant 8 : i32
    scf.for %scan3A_73 = %scan3A_46 to %scan3A_48 step %scan3A_49  : i32 {
      %mul3A_74 = arith.constant 1 : i32
      %mul3A_75 = arith.muli %scan3A_73, %mul3A_74 : i32
      %add3A_76 = arith.constant 0 : i32
      %add3A_77 = arith.addi %add3A_76, %mul3A_75 : i32
      %mul3A_78 = arith.constant 16 : i32
      %mul3A_79 = arith.muli %add3A_77, %mul3A_78 : i32
      %get3A = arith.index_cast %mul3A_79 : i32 to index
      %get3A_80 = tpu.vector_load %arg4[%get3A] {strides = array<i32>} : memref<14336xi32, #tpu.memory_space<vmem>>, vector<16xi32>,
      %sub3A_81 = vector.broadcast %mul3A_38 : i32 to vector<16xi32>
      %sub3A_82 = arith.subi %get3A_80, %sub3A_81 : vector<16xi32>
      %bitcast_convert_type3A = tpu.bitcast %sub3A_82 : vector<16xi32> -> vector<16xi32>
      %lt3A_83 = arith.constant 65536 : i32
      %lt3A_84 = vector.broadcast %lt3A_83 : i32 to vector<16xi32>
      %lt3A_85 = arith.cmpi ult, %bitcast_convert_type3A, %lt3A_84 : vector<16xi32>
      %shift_right_arithmetic3A = arith.constant 9 : i32
      %shift_right_arithmetic3A_86 = vector.broadcast %shift_right_arithmetic3A : i32 to vector<16xi32>
      %shift_right_arithmetic3A_87 = arith.shrsi %sub3A_82, %shift_right_arithmetic3A_86 : vector<16xi32>
      %and3A_88 = arith.constant 511 : i32
      %and3A_89 = vector.broadcast %and3A_88 : i32 to vector<16xi32>
      %and3A_90 = arith.andi %sub3A_82, %and3A_89 : vector<16xi32>
      tpu.vector_store_idx %arg5[%shift_right_arithmetic3A_87, %and3A_90], %broadcast_in_dim3A_41 masked %lt3A_85 : memref<128x512xf32, #tpu.memory_space<vmem>>[vector<16xi32>, vector<16xi32>], vector<16xf32>, vector<16xi1>
      %scan3A_91 = arith.constant 1 : i32
      %scan3A_92 = arith.addi %scan3A_73, %scan3A_91 : i32
      %mul3A_93 = arith.constant 1 : i32
      %mul3A_94 = arith.muli %scan3A_92, %mul3A_93 : i32
      %add3A_95 = arith.constant 0 : i32
      %add3A_96 = arith.addi %add3A_95, %mul3A_94 : i32
      %mul3A_97 = arith.constant 16 : i32
      %mul3A_98 = arith.muli %add3A_96, %mul3A_97 : i32
      %get3A_99 = arith.index_cast %mul3A_98 : i32 to index
      %get3A_100 = tpu.vector_load %arg4[%get3A_99] {strides = array<i32>} : memref<14336xi32, #tpu.memory_space<vmem>>, vector<16xi32>,
      %sub3A_101 = vector.broadcast %mul3A_38 : i32 to vector<16xi32>
      %sub3A_102 = arith.subi %get3A_100, %sub3A_101 : vector<16xi32>
      %bitcast_convert_type3A_103 = tpu.bitcast %sub3A_102 : vector<16xi32> -> vector<16xi32>
      %lt3A_104 = arith.constant 65536 : i32
      %lt3A_105 = vector.broadcast %lt3A_104 : i32 to vector<16xi32>
      %lt3A_106 = arith.cmpi ult, %bitcast_convert_type3A_103, %lt3A_105 : vector<16xi32>
      %shift_right_arithmetic3A_107 = arith.constant 9 : i32
      %shift_right_arithmetic3A_108 = vector.broadcast %shift_right_arithmetic3A_107 : i32 to vector<16xi32>
      %shift_right_arithmetic3A_109 = arith.shrsi %sub3A_102, %shift_right_arithmetic3A_108 : vector<16xi32>
      %and3A_110 = arith.constant 511 : i32
      %and3A_111 = vector.broadcast %and3A_110 : i32 to vector<16xi32>
      %and3A_112 = arith.andi %sub3A_102, %and3A_111 : vector<16xi32>
      tpu.vector_store_idx %arg5[%shift_right_arithmetic3A_109, %and3A_112], %broadcast_in_dim3A_41 masked %lt3A_106 : memref<128x512xf32, #tpu.memory_space<vmem>>[vector<16xi32>, vector<16xi32>], vector<16xf32>, vector<16xi1>
      %scan3A_113 = arith.constant 2 : i32
      %scan3A_114 = arith.addi %scan3A_73, %scan3A_113 : i32
      %mul3A_115 = arith.constant 1 : i32
      %mul3A_116 = arith.muli %scan3A_114, %mul3A_115 : i32
      %add3A_117 = arith.constant 0 : i32
      %add3A_118 = arith.addi %add3A_117, %mul3A_116 : i32
      %mul3A_119 = arith.constant 16 : i32
      %mul3A_120 = arith.muli %add3A_118, %mul3A_119 : i32
      %get3A_121 = arith.index_cast %mul3A_120 : i32 to index
      %get3A_122 = tpu.vector_load %arg4[%get3A_121] {strides = array<i32>} : memref<14336xi32, #tpu.memory_space<vmem>>, vector<16xi32>,
      %sub3A_123 = vector.broadcast %mul3A_38 : i32 to vector<16xi32>
      %sub3A_124 = arith.subi %get3A_122, %sub3A_123 : vector<16xi32>
      %bitcast_convert_type3A_125 = tpu.bitcast %sub3A_124 : vector<16xi32> -> vector<16xi32>
      %lt3A_126 = arith.constant 65536 : i32
      %lt3A_127 = vector.broadcast %lt3A_126 : i32 to vector<16xi32>
      %lt3A_128 = arith.cmpi ult, %bitcast_convert_type3A_125, %lt3A_127 : vector<16xi32>
      %shift_right_arithmetic3A_129 = arith.constant 9 : i32
      %shift_right_arithmetic3A_130 = vector.broadcast %shift_right_arithmetic3A_129 : i32 to vector<16xi32>
      %shift_right_arithmetic3A_131 = arith.shrsi %sub3A_124, %shift_right_arithmetic3A_130 : vector<16xi32>
      %and3A_132 = arith.constant 511 : i32
      %and3A_133 = vector.broadcast %and3A_132 : i32 to vector<16xi32>
      %and3A_134 = arith.andi %sub3A_124, %and3A_133 : vector<16xi32>
      tpu.vector_store_idx %arg5[%shift_right_arithmetic3A_131, %and3A_134], %broadcast_in_dim3A_41 masked %lt3A_128 : memref<128x512xf32, #tpu.memory_space<vmem>>[vector<16xi32>, vector<16xi32>], vector<16xf32>, vector<16xi1>
      %scan3A_135 = arith.constant 3 : i32
      %scan3A_136 = arith.addi %scan3A_73, %scan3A_135 : i32
      %mul3A_137 = arith.constant 1 : i32
      %mul3A_138 = arith.muli %scan3A_136, %mul3A_137 : i32
      %add3A_139 = arith.constant 0 : i32
      %add3A_140 = arith.addi %add3A_139, %mul3A_138 : i32
      %mul3A_141 = arith.constant 16 : i32
      %mul3A_142 = arith.muli %add3A_140, %mul3A_141 : i32
      %get3A_143 = arith.index_cast %mul3A_142 : i32 to index
      %get3A_144 = tpu.vector_load %arg4[%get3A_143] {strides = array<i32>} : memref<14336xi32, #tpu.memory_space<vmem>>, vector<16xi32>,
      %sub3A_145 = vector.broadcast %mul3A_38 : i32 to vector<16xi32>
      %sub3A_146 = arith.subi %get3A_144, %sub3A_145 : vector<16xi32>
      %bitcast_convert_type3A_147 = tpu.bitcast %sub3A_146 : vector<16xi32> -> vector<16xi32>
      %lt3A_148 = arith.constant 65536 : i32
      %lt3A_149 = vector.broadcast %lt3A_148 : i32 to vector<16xi32>
      %lt3A_150 = arith.cmpi ult, %bitcast_convert_type3A_147, %lt3A_149 : vector<16xi32>
      %shift_right_arithmetic3A_151 = arith.constant 9 : i32
      %shift_right_arithmetic3A_152 = vector.broadcast %shift_right_arithmetic3A_151 : i32 to vector<16xi32>
      %shift_right_arithmetic3A_153 = arith.shrsi %sub3A_146, %shift_right_arithmetic3A_152 : vector<16xi32>
      %and3A_154 = arith.constant 511 : i32
      %and3A_155 = vector.broadcast %and3A_154 : i32 to vector<16xi32>
      %and3A_156 = arith.andi %sub3A_146, %and3A_155 : vector<16xi32>
      tpu.vector_store_idx %arg5[%shift_right_arithmetic3A_153, %and3A_156], %broadcast_in_dim3A_41 masked %lt3A_150 : memref<128x512xf32, #tpu.memory_space<vmem>>[vector<16xi32>, vector<16xi32>], vector<16xf32>, vector<16xi1>
      %scan3A_157 = arith.constant 4 : i32
      %scan3A_158 = arith.addi %scan3A_73, %scan3A_157 : i32
      %mul3A_159 = arith.constant 1 : i32
      %mul3A_160 = arith.muli %scan3A_158, %mul3A_159 : i32
      %add3A_161 = arith.constant 0 : i32
      %add3A_162 = arith.addi %add3A_161, %mul3A_160 : i32
      %mul3A_163 = arith.constant 16 : i32
      %mul3A_164 = arith.muli %add3A_162, %mul3A_163 : i32
      %get3A_165 = arith.index_cast %mul3A_164 : i32 to index
      %get3A_166 = tpu.vector_load %arg4[%get3A_165] {strides = array<i32>} : memref<14336xi32, #tpu.memory_space<vmem>>, vector<16xi32>,
      %sub3A_167 = vector.broadcast %mul3A_38 : i32 to vector<16xi32>
      %sub3A_168 = arith.subi %get3A_166, %sub3A_167 : vector<16xi32>
      %bitcast_convert_type3A_169 = tpu.bitcast %sub3A_168 : vector<16xi32> -> vector<16xi32>
      %lt3A_170 = arith.constant 65536 : i32
      %lt3A_171 = vector.broadcast %lt3A_170 : i32 to vector<16xi32>
      %lt3A_172 = arith.cmpi ult, %bitcast_convert_type3A_169, %lt3A_171 : vector<16xi32>
      %shift_right_arithmetic3A_173 = arith.constant 9 : i32
      %shift_right_arithmetic3A_174 = vector.broadcast %shift_right_arithmetic3A_173 : i32 to vector<16xi32>
      %shift_right_arithmetic3A_175 = arith.shrsi %sub3A_168, %shift_right_arithmetic3A_174 : vector<16xi32>
      %and3A_176 = arith.constant 511 : i32
      %and3A_177 = vector.broadcast %and3A_176 : i32 to vector<16xi32>
      %and3A_178 = arith.andi %sub3A_168, %and3A_177 : vector<16xi32>
      tpu.vector_store_idx %arg5[%shift_right_arithmetic3A_175, %and3A_178], %broadcast_in_dim3A_41 masked %lt3A_172 : memref<128x512xf32, #tpu.memory_space<vmem>>[vector<16xi32>, vector<16xi32>], vector<16xf32>, vector<16xi1>
      %scan3A_179 = arith.constant 5 : i32
      %scan3A_180 = arith.addi %scan3A_73, %scan3A_179 : i32
      %mul3A_181 = arith.constant 1 : i32
      %mul3A_182 = arith.muli %scan3A_180, %mul3A_181 : i32
      %add3A_183 = arith.constant 0 : i32
      %add3A_184 = arith.addi %add3A_183, %mul3A_182 : i32
      %mul3A_185 = arith.constant 16 : i32
      %mul3A_186 = arith.muli %add3A_184, %mul3A_185 : i32
      %get3A_187 = arith.index_cast %mul3A_186 : i32 to index
      %get3A_188 = tpu.vector_load %arg4[%get3A_187] {strides = array<i32>} : memref<14336xi32, #tpu.memory_space<vmem>>, vector<16xi32>,
      %sub3A_189 = vector.broadcast %mul3A_38 : i32 to vector<16xi32>
      %sub3A_190 = arith.subi %get3A_188, %sub3A_189 : vector<16xi32>
      %bitcast_convert_type3A_191 = tpu.bitcast %sub3A_190 : vector<16xi32> -> vector<16xi32>
      %lt3A_192 = arith.constant 65536 : i32
      %lt3A_193 = vector.broadcast %lt3A_192 : i32 to vector<16xi32>
      %lt3A_194 = arith.cmpi ult, %bitcast_convert_type3A_191, %lt3A_193 : vector<16xi32>
      %shift_right_arithmetic3A_195 = arith.constant 9 : i32
      %shift_right_arithmetic3A_196 = vector.broadcast %shift_right_arithmetic3A_195 : i32 to vector<16xi32>
      %shift_right_arithmetic3A_197 = arith.shrsi %sub3A_190, %shift_right_arithmetic3A_196 : vector<16xi32>
      %and3A_198 = arith.constant 511 : i32
      %and3A_199 = vector.broadcast %and3A_198 : i32 to vector<16xi32>
      %and3A_200 = arith.andi %sub3A_190, %and3A_199 : vector<16xi32>
      tpu.vector_store_idx %arg5[%shift_right_arithmetic3A_197, %and3A_200], %broadcast_in_dim3A_41 masked %lt3A_194 : memref<128x512xf32, #tpu.memory_space<vmem>>[vector<16xi32>, vector<16xi32>], vector<16xf32>, vector<16xi1>
      %scan3A_201 = arith.constant 6 : i32
      %scan3A_202 = arith.addi %scan3A_73, %scan3A_201 : i32
      %mul3A_203 = arith.constant 1 : i32
      %mul3A_204 = arith.muli %scan3A_202, %mul3A_203 : i32
      %add3A_205 = arith.constant 0 : i32
      %add3A_206 = arith.addi %add3A_205, %mul3A_204 : i32
      %mul3A_207 = arith.constant 16 : i32
      %mul3A_208 = arith.muli %add3A_206, %mul3A_207 : i32
      %get3A_209 = arith.index_cast %mul3A_208 : i32 to index
      %get3A_210 = tpu.vector_load %arg4[%get3A_209] {strides = array<i32>} : memref<14336xi32, #tpu.memory_space<vmem>>, vector<16xi32>,
      %sub3A_211 = vector.broadcast %mul3A_38 : i32 to vector<16xi32>
      %sub3A_212 = arith.subi %get3A_210, %sub3A_211 : vector<16xi32>
      %bitcast_convert_type3A_213 = tpu.bitcast %sub3A_212 : vector<16xi32> -> vector<16xi32>
      %lt3A_214 = arith.constant 65536 : i32
      %lt3A_215 = vector.broadcast %lt3A_214 : i32 to vector<16xi32>
      %lt3A_216 = arith.cmpi ult, %bitcast_convert_type3A_213, %lt3A_215 : vector<16xi32>
      %shift_right_arithmetic3A_217 = arith.constant 9 : i32
      %shift_right_arithmetic3A_218 = vector.broadcast %shift_right_arithmetic3A_217 : i32 to vector<16xi32>
      %shift_right_arithmetic3A_219 = arith.shrsi %sub3A_212, %shift_right_arithmetic3A_218 : vector<16xi32>
      %and3A_220 = arith.constant 511 : i32
      %and3A_221 = vector.broadcast %and3A_220 : i32 to vector<16xi32>
      %and3A_222 = arith.andi %sub3A_212, %and3A_221 : vector<16xi32>
      tpu.vector_store_idx %arg5[%shift_right_arithmetic3A_219, %and3A_222], %broadcast_in_dim3A_41 masked %lt3A_216 : memref<128x512xf32, #tpu.memory_space<vmem>>[vector<16xi32>, vector<16xi32>], vector<16xf32>, vector<16xi1>
      %scan3A_223 = arith.constant 7 : i32
      %scan3A_224 = arith.addi %scan3A_73, %scan3A_223 : i32
      %mul3A_225 = arith.constant 1 : i32
      %mul3A_226 = arith.muli %scan3A_224, %mul3A_225 : i32
      %add3A_227 = arith.constant 0 : i32
      %add3A_228 = arith.addi %add3A_227, %mul3A_226 : i32
      %mul3A_229 = arith.constant 16 : i32
      %mul3A_230 = arith.muli %add3A_228, %mul3A_229 : i32
      %get3A_231 = arith.index_cast %mul3A_230 : i32 to index
      %get3A_232 = tpu.vector_load %arg4[%get3A_231] {strides = array<i32>} : memref<14336xi32, #tpu.memory_space<vmem>>, vector<16xi32>,
      %sub3A_233 = vector.broadcast %mul3A_38 : i32 to vector<16xi32>
      %sub3A_234 = arith.subi %get3A_232, %sub3A_233 : vector<16xi32>
      %bitcast_convert_type3A_235 = tpu.bitcast %sub3A_234 : vector<16xi32> -> vector<16xi32>
      %lt3A_236 = arith.constant 65536 : i32
      %lt3A_237 = vector.broadcast %lt3A_236 : i32 to vector<16xi32>
      %lt3A_238 = arith.cmpi ult, %bitcast_convert_type3A_235, %lt3A_237 : vector<16xi32>
      %shift_right_arithmetic3A_239 = arith.constant 9 : i32
      %shift_right_arithmetic3A_240 = vector.broadcast %shift_right_arithmetic3A_239 : i32 to vector<16xi32>
      %shift_right_arithmetic3A_241 = arith.shrsi %sub3A_234, %shift_right_arithmetic3A_240 : vector<16xi32>
      %and3A_242 = arith.constant 511 : i32
      %and3A_243 = vector.broadcast %and3A_242 : i32 to vector<16xi32>
      %and3A_244 = arith.andi %sub3A_234, %and3A_243 : vector<16xi32>
      tpu.vector_store_idx %arg5[%shift_right_arithmetic3A_241, %and3A_244], %broadcast_in_dim3A_41 masked %lt3A_238 : memref<128x512xf32, #tpu.memory_space<vmem>>[vector<16xi32>, vector<16xi32>], vector<16xf32>, vector<16xi1>
    }
    %scan3A_50 = arith.constant 896 : i32
    %mul3A_51 = arith.constant 128 : i32
    %mul3A_52 = arith.muli %add3A_36, %mul3A_51 : i32
    "tpu.region"() ({
      %run_scoped3A = tpu.sem_alloc : memref<!tpu.dma_semaphore, #tpu.memory_space<semaphore_mem>>
      %dma_start3A = arith.constant 0 : i32
      %dma_start3A_73 = tpu.memref_slice %arg3[%select_n3A, %mul3A_52, %dma_start3A] : memref<16x512x512xf32, #tpu.memory_space<hbm>> -> memref<1x128x512xf32, #tpu.memory_space<hbm>>
      %dma_start3A_74 = tpu.memref_squeeze %dma_start3A_73 : memref<1x128x512xf32, #tpu.memory_space<hbm>> -> memref<128x512xf32, #tpu.memory_space<hbm>>
      %dma_start3A_75 = arith.constant 0 : i32
      %dma_start3A_76 = tpu.memref_slice %arg3[%select_n3A, %mul3A_52, %dma_start3A_75] : memref<16x512x512xf32, #tpu.memory_space<hbm>> -> memref<1x128x512xf32, #tpu.memory_space<hbm>>
      %dma_start3A_77 = tpu.memref_squeeze %dma_start3A_76 : memref<1x128x512xf32, #tpu.memory_space<hbm>> -> memref<128x512xf32, #tpu.memory_space<hbm>>
      tpu.enqueue_dma source(%arg5 : memref<128x512xf32, #tpu.memory_space<vmem>>) target(%dma_start3A_77 : memref<128x512xf32, #tpu.memory_space<hbm>>) target_semaphore(%run_scoped3A : memref<!tpu.dma_semaphore, #tpu.memory_space<semaphore_mem>>)
      %dma_wait3A = arith.constant 0 : i32
      %dma_wait3A_78 = tpu.memref_slice %arg3[%select_n3A, %mul3A_52, %dma_wait3A] : memref<16x512x512xf32, #tpu.memory_space<hbm>> -> memref<1x128x512xf32, #tpu.memory_space<hbm>>
      %dma_wait3A_79 = tpu.memref_squeeze %dma_wait3A_78 : memref<1x128x512xf32, #tpu.memory_space<hbm>> -> memref<128x512xf32, #tpu.memory_space<hbm>>
      %dma_wait3A_80 = arith.constant 0 : i32
      %dma_wait3A_81 = tpu.memref_slice %arg3[%select_n3A, %mul3A_52, %dma_wait3A_80] : memref<16x512x512xf32, #tpu.memory_space<hbm>> -> memref<1x128x512xf32, #tpu.memory_space<hbm>>
      %dma_wait3A_82 = tpu.memref_squeeze %dma_wait3A_81 : memref<1x128x512xf32, #tpu.memory_space<hbm>> -> memref<128x512xf32, #tpu.memory_space<hbm>>
      tpu.wait_dma2 semaphore(%run_scoped3A : memref<!tpu.dma_semaphore, #tpu.memory_space<semaphore_mem>>) src(%arg5 : memref<128x512xf32, #tpu.memory_space<vmem>>) dst(%dma_wait3A_82 : memref<128x512xf32, #tpu.memory_space<hbm>>)
      tpu.yield
    }) : () -> ()
    %add3A_53 = arith.constant 1 : i32
    %add3A_54 = arith.addi %mul3A_32, %add3A_53 : i32
    %mul3A_55 = arith.constant 65536 : i32
    %mul3A_56 = arith.muli %add3A_54, %mul3A_55 : i32
    %broadcast_in_dim3A_57 = arith.constant 0.000000e+00 : f32
    %broadcast_in_dim3A_58 = vector.broadcast %broadcast_in_dim3A_57 : f32 to vector<16xf32>
    %broadcast_in_dim3A_59 = arith.constant 2.550000e+02 : f32
    %broadcast_in_dim3A_60 = vector.broadcast %broadcast_in_dim3A_59 : f32 to vector<16xf32>
    %scan3A_61 = arith.constant 0 : i32
    %scan3A_62 = arith.constant 128 : i32
    %scan3A_63 = arith.addi %scan3A_61, %scan3A_62 : i32
    %scan3A_64 = arith.constant 1 : i32
    scf.for %scan3A_73 = %scan3A_61 to %scan3A_63 step %scan3A_64  : i32 {
      %mul3A_74 = arith.constant 1 : i32
      %mul3A_75 = arith.muli %scan3A_73, %mul3A_74 : i32
      %add3A_76 = arith.constant 0 : i32
      %add3A_77 = arith.addi %add3A_76, %mul3A_75 : i32
      %swap3A = arith.index_cast %add3A_77 : i32 to index
      %swap3A_78 = arith.constant 0 : index
      %swap3A_79 = tpu.vector_load %arg5[%swap3A, %swap3A_78] {strides = array<i32>} : memref<128x512xf32, #tpu.memory_space<vmem>>, vector<16xf32>,
      tpu.vector_store %arg5[%swap3A, %swap3A_78], %broadcast_in_dim3A_58 {strides = array<i32>} : memref<128x512xf32, #tpu.memory_space<vmem>>, vector<16xf32>,
      %swap3A_80 = arith.index_cast %add3A_77 : i32 to index
      %swap3A_81 = arith.constant 16 : index
      %swap3A_82 = tpu.vector_load %arg5[%swap3A_80, %swap3A_81] {strides = array<i32>} : memref<128x512xf32, #tpu.memory_space<vmem>>, vector<16xf32>,
      tpu.vector_store %arg5[%swap3A_80, %swap3A_81], %broadcast_in_dim3A_58 {strides = array<i32>} : memref<128x512xf32, #tpu.memory_space<vmem>>, vector<16xf32>,
      %swap3A_83 = arith.index_cast %add3A_77 : i32 to index
      %swap3A_84 = arith.constant 32 : index
      %swap3A_85 = tpu.vector_load %arg5[%swap3A_83, %swap3A_84] {strides = array<i32>} : memref<128x512xf32, #tpu.memory_space<vmem>>, vector<16xf32>,
      tpu.vector_store %arg5[%swap3A_83, %swap3A_84], %broadcast_in_dim3A_58 {strides = array<i32>} : memref<128x512xf32, #tpu.memory_space<vmem>>, vector<16xf32>,
      %swap3A_86 = arith.index_cast %add3A_77 : i32 to index
      %swap3A_87 = arith.constant 48 : index
      %swap3A_88 = tpu.vector_load %arg5[%swap3A_86, %swap3A_87] {strides = array<i32>} : memref<128x512xf32, #tpu.memory_space<vmem>>, vector<16xf32>,
      tpu.vector_store %arg5[%swap3A_86, %swap3A_87], %broadcast_in_dim3A_58 {strides = array<i32>} : memref<128x512xf32, #tpu.memory_space<vmem>>, vector<16xf32>,
      %swap3A_89 = arith.index_cast %add3A_77 : i32 to index
      %swap3A_90 = arith.constant 64 : index
      %swap3A_91 = tpu.vector_load %arg5[%swap3A_89, %swap3A_90] {strides = array<i32>} : memref<128x512xf32, #tpu.memory_space<vmem>>, vector<16xf32>,
      tpu.vector_store %arg5[%swap3A_89, %swap3A_90], %broadcast_in_dim3A_58 {strides = array<i32>} : memref<128x512xf32, #tpu.memory_space<vmem>>, vector<16xf32>,
      %swap3A_92 = arith.index_cast %add3A_77 : i32 to index
      %swap3A_93 = arith.constant 80 : index
      %swap3A_94 = tpu.vector_load %arg5[%swap3A_92, %swap3A_93] {strides = array<i32>} : memref<128x512xf32, #tpu.memory_space<vmem>>, vector<16xf32>,
      tpu.vector_store %arg5[%swap3A_92, %swap3A_93], %broadcast_in_dim3A_58 {strides = array<i32>} : memref<128x512xf32, #tpu.memory_space<vmem>>, vector<16xf32>,
      %swap3A_95 = arith.index_cast %add3A_77 : i32 to index
      %swap3A_96 = arith.constant 96 : index
      %swap3A_97 = tpu.vector_load %arg5[%swap3A_95, %swap3A_96] {strides = array<i32>} : memref<128x512xf32, #tpu.memory_space<vmem>>, vector<16xf32>,
      tpu.vector_store %arg5[%swap3A_95, %swap3A_96], %broadcast_in_dim3A_58 {strides = array<i32>} : memref<128x512xf32, #tpu.memory_space<vmem>>, vector<16xf32>,
      %swap3A_98 = arith.index_cast %add3A_77 : i32 to index
      %swap3A_99 = arith.constant 112 : index
      %swap3A_100 = tpu.vector_load %arg5[%swap3A_98, %swap3A_99] {strides = array<i32>} : memref<128x512xf32, #tpu.memory_space<vmem>>, vector<16xf32>,
      tpu.vector_store %arg5[%swap3A_98, %swap3A_99], %broadcast_in_dim3A_58 {strides = array<i32>} : memref<128x512xf32, #tpu.memory_space<vmem>>, vector<16xf32>,
      %swap3A_101 = arith.index_cast %add3A_77 : i32 to index
      %swap3A_102 = arith.constant 128 : index
      %swap3A_103 = tpu.vector_load %arg5[%swap3A_101, %swap3A_102] {strides = array<i32>} : memref<128x512xf32, #tpu.memory_space<vmem>>, vector<16xf32>,
      tpu.vector_store %arg5[%swap3A_101, %swap3A_102], %broadcast_in_dim3A_58 {strides = array<i32>} : memref<128x512xf32, #tpu.memory_space<vmem>>, vector<16xf32>,
      %swap3A_104 = arith.index_cast %add3A_77 : i32 to index
      %swap3A_105 = arith.constant 144 : index
      %swap3A_106 = tpu.vector_load %arg5[%swap3A_104, %swap3A_105] {strides = array<i32>} : memref<128x512xf32, #tpu.memory_space<vmem>>, vector<16xf32>,
      tpu.vector_store %arg5[%swap3A_104, %swap3A_105], %broadcast_in_dim3A_58 {strides = array<i32>} : memref<128x512xf32, #tpu.memory_space<vmem>>, vector<16xf32>,
      %swap3A_107 = arith.index_cast %add3A_77 : i32 to index
      %swap3A_108 = arith.constant 160 : index
      %swap3A_109 = tpu.vector_load %arg5[%swap3A_107, %swap3A_108] {strides = array<i32>} : memref<128x512xf32, #tpu.memory_space<vmem>>, vector<16xf32>,
      tpu.vector_store %arg5[%swap3A_107, %swap3A_108], %broadcast_in_dim3A_58 {strides = array<i32>} : memref<128x512xf32, #tpu.memory_space<vmem>>, vector<16xf32>,
      %swap3A_110 = arith.index_cast %add3A_77 : i32 to index
      %swap3A_111 = arith.constant 176 : index
      %swap3A_112 = tpu.vector_load %arg5[%swap3A_110, %swap3A_111] {strides = array<i32>} : memref<128x512xf32, #tpu.memory_space<vmem>>, vector<16xf32>,
      tpu.vector_store %arg5[%swap3A_110, %swap3A_111], %broadcast_in_dim3A_58 {strides = array<i32>} : memref<128x512xf32, #tpu.memory_space<vmem>>, vector<16xf32>,
      %swap3A_113 = arith.index_cast %add3A_77 : i32 to index
      %swap3A_114 = arith.constant 192 : index
      %swap3A_115 = tpu.vector_load %arg5[%swap3A_113, %swap3A_114] {strides = array<i32>} : memref<128x512xf32, #tpu.memory_space<vmem>>, vector<16xf32>,
      tpu.vector_store %arg5[%swap3A_113, %swap3A_114], %broadcast_in_dim3A_58 {strides = array<i32>} : memref<128x512xf32, #tpu.memory_space<vmem>>, vector<16xf32>,
      %swap3A_116 = arith.index_cast %add3A_77 : i32 to index
      %swap3A_117 = arith.constant 208 : index
      %swap3A_118 = tpu.vector_load %arg5[%swap3A_116, %swap3A_117] {strides = array<i32>} : memref<128x512xf32, #tpu.memory_space<vmem>>, vector<16xf32>,
      tpu.vector_store %arg5[%swap3A_116, %swap3A_117], %broadcast_in_dim3A_58 {strides = array<i32>} : memref<128x512xf32, #tpu.memory_space<vmem>>, vector<16xf32>,
      %swap3A_119 = arith.index_cast %add3A_77 : i32 to index
      %swap3A_120 = arith.constant 224 : index
      %swap3A_121 = tpu.vector_load %arg5[%swap3A_119, %swap3A_120] {strides = array<i32>} : memref<128x512xf32, #tpu.memory_space<vmem>>, vector<16xf32>,
      tpu.vector_store %arg5[%swap3A_119, %swap3A_120], %broadcast_in_dim3A_58 {strides = array<i32>} : memref<128x512xf32, #tpu.memory_space<vmem>>, vector<16xf32>,
      %swap3A_122 = arith.index_cast %add3A_77 : i32 to index
      %swap3A_123 = arith.constant 240 : index
      %swap3A_124 = tpu.vector_load %arg5[%swap3A_122, %swap3A_123] {strides = array<i32>} : memref<128x512xf32, #tpu.memory_space<vmem>>, vector<16xf32>,
      tpu.vector_store %arg5[%swap3A_122, %swap3A_123], %broadcast_in_dim3A_58 {strides = array<i32>} : memref<128x512xf32, #tpu.memory_space<vmem>>, vector<16xf32>,
      %swap3A_125 = arith.index_cast %add3A_77 : i32 to index
      %swap3A_126 = arith.constant 256 : index
      %swap3A_127 = tpu.vector_load %arg5[%swap3A_125, %swap3A_126] {strides = array<i32>} : memref<128x512xf32, #tpu.memory_space<vmem>>, vector<16xf32>,
      tpu.vector_store %arg5[%swap3A_125, %swap3A_126], %broadcast_in_dim3A_58 {strides = array<i32>} : memref<128x512xf32, #tpu.memory_space<vmem>>, vector<16xf32>,
      %swap3A_128 = arith.index_cast %add3A_77 : i32 to index
      %swap3A_129 = arith.constant 272 : index
      %swap3A_130 = tpu.vector_load %arg5[%swap3A_128, %swap3A_129] {strides = array<i32>} : memref<128x512xf32, #tpu.memory_space<vmem>>, vector<16xf32>,
      tpu.vector_store %arg5[%swap3A_128, %swap3A_129], %broadcast_in_dim3A_58 {strides = array<i32>} : memref<128x512xf32, #tpu.memory_space<vmem>>, vector<16xf32>,
      %swap3A_131 = arith.index_cast %add3A_77 : i32 to index
      %swap3A_132 = arith.constant 288 : index
      %swap3A_133 = tpu.vector_load %arg5[%swap3A_131, %swap3A_132] {strides = array<i32>} : memref<128x512xf32, #tpu.memory_space<vmem>>, vector<16xf32>,
      tpu.vector_store %arg5[%swap3A_131, %swap3A_132], %broadcast_in_dim3A_58 {strides = array<i32>} : memref<128x512xf32, #tpu.memory_space<vmem>>, vector<16xf32>,
      %swap3A_134 = arith.index_cast %add3A_77 : i32 to index
      %swap3A_135 = arith.constant 304 : index
      %swap3A_136 = tpu.vector_load %arg5[%swap3A_134, %swap3A_135] {strides = array<i32>} : memref<128x512xf32, #tpu.memory_space<vmem>>, vector<16xf32>,
      tpu.vector_store %arg5[%swap3A_134, %swap3A_135], %broadcast_in_dim3A_58 {strides = array<i32>} : memref<128x512xf32, #tpu.memory_space<vmem>>, vector<16xf32>,
      %swap3A_137 = arith.index_cast %add3A_77 : i32 to index
      %swap3A_138 = arith.constant 320 : index
      %swap3A_139 = tpu.vector_load %arg5[%swap3A_137, %swap3A_138] {strides = array<i32>} : memref<128x512xf32, #tpu.memory_space<vmem>>, vector<16xf32>,
      tpu.vector_store %arg5[%swap3A_137, %swap3A_138], %broadcast_in_dim3A_58 {strides = array<i32>} : memref<128x512xf32, #tpu.memory_space<vmem>>, vector<16xf32>,
      %swap3A_140 = arith.index_cast %add3A_77 : i32 to index
      %swap3A_141 = arith.constant 336 : index
      %swap3A_142 = tpu.vector_load %arg5[%swap3A_140, %swap3A_141] {strides = array<i32>} : memref<128x512xf32, #tpu.memory_space<vmem>>, vector<16xf32>,
      tpu.vector_store %arg5[%swap3A_140, %swap3A_141], %broadcast_in_dim3A_58 {strides = array<i32>} : memref<128x512xf32, #tpu.memory_space<vmem>>, vector<16xf32>,
      %swap3A_143 = arith.index_cast %add3A_77 : i32 to index
      %swap3A_144 = arith.constant 352 : index
      %swap3A_145 = tpu.vector_load %arg5[%swap3A_143, %swap3A_144] {strides = array<i32>} : memref<128x512xf32, #tpu.memory_space<vmem>>, vector<16xf32>,
      tpu.vector_store %arg5[%swap3A_143, %swap3A_144], %broadcast_in_dim3A_58 {strides = array<i32>} : memref<128x512xf32, #tpu.memory_space<vmem>>, vector<16xf32>,
      %swap3A_146 = arith.index_cast %add3A_77 : i32 to index
      %swap3A_147 = arith.constant 368 : index
      %swap3A_148 = tpu.vector_load %arg5[%swap3A_146, %swap3A_147] {strides = array<i32>} : memref<128x512xf32, #tpu.memory_space<vmem>>, vector<16xf32>,
      tpu.vector_store %arg5[%swap3A_146, %swap3A_147], %broadcast_in_dim3A_58 {strides = array<i32>} : memref<128x512xf32, #tpu.memory_space<vmem>>, vector<16xf32>,
      %swap3A_149 = arith.index_cast %add3A_77 : i32 to index
      %swap3A_150 = arith.constant 384 : index
      %swap3A_151 = tpu.vector_load %arg5[%swap3A_149, %swap3A_150] {strides = array<i32>} : memref<128x512xf32, #tpu.memory_space<vmem>>, vector<16xf32>,
      tpu.vector_store %arg5[%swap3A_149, %swap3A_150], %broadcast_in_dim3A_58 {strides = array<i32>} : memref<128x512xf32, #tpu.memory_space<vmem>>, vector<16xf32>,
      %swap3A_152 = arith.index_cast %add3A_77 : i32 to index
      %swap3A_153 = arith.constant 400 : index
      %swap3A_154 = tpu.vector_load %arg5[%swap3A_152, %swap3A_153] {strides = array<i32>} : memref<128x512xf32, #tpu.memory_space<vmem>>, vector<16xf32>,
      tpu.vector_store %arg5[%swap3A_152, %swap3A_153], %broadcast_in_dim3A_58 {strides = array<i32>} : memref<128x512xf32, #tpu.memory_space<vmem>>, vector<16xf32>,
      %swap3A_155 = arith.index_cast %add3A_77 : i32 to index
      %swap3A_156 = arith.constant 416 : index
      %swap3A_157 = tpu.vector_load %arg5[%swap3A_155, %swap3A_156] {strides = array<i32>} : memref<128x512xf32, #tpu.memory_space<vmem>>, vector<16xf32>,
      tpu.vector_store %arg5[%swap3A_155, %swap3A_156], %broadcast_in_dim3A_58 {strides = array<i32>} : memref<128x512xf32, #tpu.memory_space<vmem>>, vector<16xf32>,
      %swap3A_158 = arith.index_cast %add3A_77 : i32 to index
      %swap3A_159 = arith.constant 432 : index
      %swap3A_160 = tpu.vector_load %arg5[%swap3A_158, %swap3A_159] {strides = array<i32>} : memref<128x512xf32, #tpu.memory_space<vmem>>, vector<16xf32>,
      tpu.vector_store %arg5[%swap3A_158, %swap3A_159], %broadcast_in_dim3A_58 {strides = array<i32>} : memref<128x512xf32, #tpu.memory_space<vmem>>, vector<16xf32>,
      %swap3A_161 = arith.index_cast %add3A_77 : i32 to index
      %swap3A_162 = arith.constant 448 : index
      %swap3A_163 = tpu.vector_load %arg5[%swap3A_161, %swap3A_162] {strides = array<i32>} : memref<128x512xf32, #tpu.memory_space<vmem>>, vector<16xf32>,
      tpu.vector_store %arg5[%swap3A_161, %swap3A_162], %broadcast_in_dim3A_58 {strides = array<i32>} : memref<128x512xf32, #tpu.memory_space<vmem>>, vector<16xf32>,
      %swap3A_164 = arith.index_cast %add3A_77 : i32 to index
      %swap3A_165 = arith.constant 464 : index
      %swap3A_166 = tpu.vector_load %arg5[%swap3A_164, %swap3A_165] {strides = array<i32>} : memref<128x512xf32, #tpu.memory_space<vmem>>, vector<16xf32>,
      tpu.vector_store %arg5[%swap3A_164, %swap3A_165], %broadcast_in_dim3A_58 {strides = array<i32>} : memref<128x512xf32, #tpu.memory_space<vmem>>, vector<16xf32>,
      %swap3A_167 = arith.index_cast %add3A_77 : i32 to index
      %swap3A_168 = arith.constant 480 : index
      %swap3A_169 = tpu.vector_load %arg5[%swap3A_167, %swap3A_168] {strides = array<i32>} : memref<128x512xf32, #tpu.memory_space<vmem>>, vector<16xf32>,
      tpu.vector_store %arg5[%swap3A_167, %swap3A_168], %broadcast_in_dim3A_58 {strides = array<i32>} : memref<128x512xf32, #tpu.memory_space<vmem>>, vector<16xf32>,
      %swap3A_170 = arith.index_cast %add3A_77 : i32 to index
      %swap3A_171 = arith.constant 496 : index
      %swap3A_172 = tpu.vector_load %arg5[%swap3A_170, %swap3A_171] {strides = array<i32>} : memref<128x512xf32, #tpu.memory_space<vmem>>, vector<16xf32>,
      tpu.vector_store %arg5[%swap3A_170, %swap3A_171], %broadcast_in_dim3A_58 {strides = array<i32>} : memref<128x512xf32, #tpu.memory_space<vmem>>, vector<16xf32>,
    }
    %scan3A_65 = arith.constant 128 : i32
    %scan3A_66 = arith.constant 0 : i32
    %scan3A_67 = arith.constant 896 : i32
    %scan3A_68 = arith.addi %scan3A_66, %scan3A_67 : i32
    %scan3A_69 = arith.constant 8 : i32
    scf.for %scan3A_73 = %scan3A_66 to %scan3A_68 step %scan3A_69  : i32 {
      %mul3A_74 = arith.constant 1 : i32
      %mul3A_75 = arith.muli %scan3A_73, %mul3A_74 : i32
      %add3A_76 = arith.constant 0 : i32
      %add3A_77 = arith.addi %add3A_76, %mul3A_75 : i32
      %mul3A_78 = arith.constant 16 : i32
      %mul3A_79 = arith.muli %add3A_77, %mul3A_78 : i32
      %get3A = arith.index_cast %mul3A_79 : i32 to index
      %get3A_80 = tpu.vector_load %arg4[%get3A] {strides = array<i32>} : memref<14336xi32, #tpu.memory_space<vmem>>, vector<16xi32>,
      %sub3A_81 = vector.broadcast %mul3A_56 : i32 to vector<16xi32>
      %sub3A_82 = arith.subi %get3A_80, %sub3A_81 : vector<16xi32>
      %bitcast_convert_type3A = tpu.bitcast %sub3A_82 : vector<16xi32> -> vector<16xi32>
      %lt3A_83 = arith.constant 65536 : i32
      %lt3A_84 = vector.broadcast %lt3A_83 : i32 to vector<16xi32>
      %lt3A_85 = arith.cmpi ult, %bitcast_convert_type3A, %lt3A_84 : vector<16xi32>
      %shift_right_arithmetic3A = arith.constant 9 : i32
      %shift_right_arithmetic3A_86 = vector.broadcast %shift_right_arithmetic3A : i32 to vector<16xi32>
      %shift_right_arithmetic3A_87 = arith.shrsi %sub3A_82, %shift_right_arithmetic3A_86 : vector<16xi32>
      %and3A_88 = arith.constant 511 : i32
      %and3A_89 = vector.broadcast %and3A_88 : i32 to vector<16xi32>
      %and3A_90 = arith.andi %sub3A_82, %and3A_89 : vector<16xi32>
      tpu.vector_store_idx %arg5[%shift_right_arithmetic3A_87, %and3A_90], %broadcast_in_dim3A_60 masked %lt3A_85 : memref<128x512xf32, #tpu.memory_space<vmem>>[vector<16xi32>, vector<16xi32>], vector<16xf32>, vector<16xi1>
      %scan3A_91 = arith.constant 1 : i32
      %scan3A_92 = arith.addi %scan3A_73, %scan3A_91 : i32
      %mul3A_93 = arith.constant 1 : i32
      %mul3A_94 = arith.muli %scan3A_92, %mul3A_93 : i32
      %add3A_95 = arith.constant 0 : i32
      %add3A_96 = arith.addi %add3A_95, %mul3A_94 : i32
      %mul3A_97 = arith.constant 16 : i32
      %mul3A_98 = arith.muli %add3A_96, %mul3A_97 : i32
      %get3A_99 = arith.index_cast %mul3A_98 : i32 to index
      %get3A_100 = tpu.vector_load %arg4[%get3A_99] {strides = array<i32>} : memref<14336xi32, #tpu.memory_space<vmem>>, vector<16xi32>,
      %sub3A_101 = vector.broadcast %mul3A_56 : i32 to vector<16xi32>
      %sub3A_102 = arith.subi %get3A_100, %sub3A_101 : vector<16xi32>
      %bitcast_convert_type3A_103 = tpu.bitcast %sub3A_102 : vector<16xi32> -> vector<16xi32>
      %lt3A_104 = arith.constant 65536 : i32
      %lt3A_105 = vector.broadcast %lt3A_104 : i32 to vector<16xi32>
      %lt3A_106 = arith.cmpi ult, %bitcast_convert_type3A_103, %lt3A_105 : vector<16xi32>
      %shift_right_arithmetic3A_107 = arith.constant 9 : i32
      %shift_right_arithmetic3A_108 = vector.broadcast %shift_right_arithmetic3A_107 : i32 to vector<16xi32>
      %shift_right_arithmetic3A_109 = arith.shrsi %sub3A_102, %shift_right_arithmetic3A_108 : vector<16xi32>
      %and3A_110 = arith.constant 511 : i32
      %and3A_111 = vector.broadcast %and3A_110 : i32 to vector<16xi32>
      %and3A_112 = arith.andi %sub3A_102, %and3A_111 : vector<16xi32>
      tpu.vector_store_idx %arg5[%shift_right_arithmetic3A_109, %and3A_112], %broadcast_in_dim3A_60 masked %lt3A_106 : memref<128x512xf32, #tpu.memory_space<vmem>>[vector<16xi32>, vector<16xi32>], vector<16xf32>, vector<16xi1>
      %scan3A_113 = arith.constant 2 : i32
      %scan3A_114 = arith.addi %scan3A_73, %scan3A_113 : i32
      %mul3A_115 = arith.constant 1 : i32
      %mul3A_116 = arith.muli %scan3A_114, %mul3A_115 : i32
      %add3A_117 = arith.constant 0 : i32
      %add3A_118 = arith.addi %add3A_117, %mul3A_116 : i32
      %mul3A_119 = arith.constant 16 : i32
      %mul3A_120 = arith.muli %add3A_118, %mul3A_119 : i32
      %get3A_121 = arith.index_cast %mul3A_120 : i32 to index
      %get3A_122 = tpu.vector_load %arg4[%get3A_121] {strides = array<i32>} : memref<14336xi32, #tpu.memory_space<vmem>>, vector<16xi32>,
      %sub3A_123 = vector.broadcast %mul3A_56 : i32 to vector<16xi32>
      %sub3A_124 = arith.subi %get3A_122, %sub3A_123 : vector<16xi32>
      %bitcast_convert_type3A_125 = tpu.bitcast %sub3A_124 : vector<16xi32> -> vector<16xi32>
      %lt3A_126 = arith.constant 65536 : i32
      %lt3A_127 = vector.broadcast %lt3A_126 : i32 to vector<16xi32>
      %lt3A_128 = arith.cmpi ult, %bitcast_convert_type3A_125, %lt3A_127 : vector<16xi32>
      %shift_right_arithmetic3A_129 = arith.constant 9 : i32
      %shift_right_arithmetic3A_130 = vector.broadcast %shift_right_arithmetic3A_129 : i32 to vector<16xi32>
      %shift_right_arithmetic3A_131 = arith.shrsi %sub3A_124, %shift_right_arithmetic3A_130 : vector<16xi32>
      %and3A_132 = arith.constant 511 : i32
      %and3A_133 = vector.broadcast %and3A_132 : i32 to vector<16xi32>
      %and3A_134 = arith.andi %sub3A_124, %and3A_133 : vector<16xi32>
      tpu.vector_store_idx %arg5[%shift_right_arithmetic3A_131, %and3A_134], %broadcast_in_dim3A_60 masked %lt3A_128 : memref<128x512xf32, #tpu.memory_space<vmem>>[vector<16xi32>, vector<16xi32>], vector<16xf32>, vector<16xi1>
      %scan3A_135 = arith.constant 3 : i32
      %scan3A_136 = arith.addi %scan3A_73, %scan3A_135 : i32
      %mul3A_137 = arith.constant 1 : i32
      %mul3A_138 = arith.muli %scan3A_136, %mul3A_137 : i32
      %add3A_139 = arith.constant 0 : i32
      %add3A_140 = arith.addi %add3A_139, %mul3A_138 : i32
      %mul3A_141 = arith.constant 16 : i32
      %mul3A_142 = arith.muli %add3A_140, %mul3A_141 : i32
      %get3A_143 = arith.index_cast %mul3A_142 : i32 to index
      %get3A_144 = tpu.vector_load %arg4[%get3A_143] {strides = array<i32>} : memref<14336xi32, #tpu.memory_space<vmem>>, vector<16xi32>,
      %sub3A_145 = vector.broadcast %mul3A_56 : i32 to vector<16xi32>
      %sub3A_146 = arith.subi %get3A_144, %sub3A_145 : vector<16xi32>
      %bitcast_convert_type3A_147 = tpu.bitcast %sub3A_146 : vector<16xi32> -> vector<16xi32>
      %lt3A_148 = arith.constant 65536 : i32
      %lt3A_149 = vector.broadcast %lt3A_148 : i32 to vector<16xi32>
      %lt3A_150 = arith.cmpi ult, %bitcast_convert_type3A_147, %lt3A_149 : vector<16xi32>
      %shift_right_arithmetic3A_151 = arith.constant 9 : i32
      %shift_right_arithmetic3A_152 = vector.broadcast %shift_right_arithmetic3A_151 : i32 to vector<16xi32>
      %shift_right_arithmetic3A_153 = arith.shrsi %sub3A_146, %shift_right_arithmetic3A_152 : vector<16xi32>
      %and3A_154 = arith.constant 511 : i32
      %and3A_155 = vector.broadcast %and3A_154 : i32 to vector<16xi32>
      %and3A_156 = arith.andi %sub3A_146, %and3A_155 : vector<16xi32>
      tpu.vector_store_idx %arg5[%shift_right_arithmetic3A_153, %and3A_156], %broadcast_in_dim3A_60 masked %lt3A_150 : memref<128x512xf32, #tpu.memory_space<vmem>>[vector<16xi32>, vector<16xi32>], vector<16xf32>, vector<16xi1>
      %scan3A_157 = arith.constant 4 : i32
      %scan3A_158 = arith.addi %scan3A_73, %scan3A_157 : i32
      %mul3A_159 = arith.constant 1 : i32
      %mul3A_160 = arith.muli %scan3A_158, %mul3A_159 : i32
      %add3A_161 = arith.constant 0 : i32
      %add3A_162 = arith.addi %add3A_161, %mul3A_160 : i32
      %mul3A_163 = arith.constant 16 : i32
      %mul3A_164 = arith.muli %add3A_162, %mul3A_163 : i32
      %get3A_165 = arith.index_cast %mul3A_164 : i32 to index
      %get3A_166 = tpu.vector_load %arg4[%get3A_165] {strides = array<i32>} : memref<14336xi32, #tpu.memory_space<vmem>>, vector<16xi32>,
      %sub3A_167 = vector.broadcast %mul3A_56 : i32 to vector<16xi32>
      %sub3A_168 = arith.subi %get3A_166, %sub3A_167 : vector<16xi32>
      %bitcast_convert_type3A_169 = tpu.bitcast %sub3A_168 : vector<16xi32> -> vector<16xi32>
      %lt3A_170 = arith.constant 65536 : i32
      %lt3A_171 = vector.broadcast %lt3A_170 : i32 to vector<16xi32>
      %lt3A_172 = arith.cmpi ult, %bitcast_convert_type3A_169, %lt3A_171 : vector<16xi32>
      %shift_right_arithmetic3A_173 = arith.constant 9 : i32
      %shift_right_arithmetic3A_174 = vector.broadcast %shift_right_arithmetic3A_173 : i32 to vector<16xi32>
      %shift_right_arithmetic3A_175 = arith.shrsi %sub3A_168, %shift_right_arithmetic3A_174 : vector<16xi32>
      %and3A_176 = arith.constant 511 : i32
      %and3A_177 = vector.broadcast %and3A_176 : i32 to vector<16xi32>
      %and3A_178 = arith.andi %sub3A_168, %and3A_177 : vector<16xi32>
      tpu.vector_store_idx %arg5[%shift_right_arithmetic3A_175, %and3A_178], %broadcast_in_dim3A_60 masked %lt3A_172 : memref<128x512xf32, #tpu.memory_space<vmem>>[vector<16xi32>, vector<16xi32>], vector<16xf32>, vector<16xi1>
      %scan3A_179 = arith.constant 5 : i32
      %scan3A_180 = arith.addi %scan3A_73, %scan3A_179 : i32
      %mul3A_181 = arith.constant 1 : i32
      %mul3A_182 = arith.muli %scan3A_180, %mul3A_181 : i32
      %add3A_183 = arith.constant 0 : i32
      %add3A_184 = arith.addi %add3A_183, %mul3A_182 : i32
      %mul3A_185 = arith.constant 16 : i32
      %mul3A_186 = arith.muli %add3A_184, %mul3A_185 : i32
      %get3A_187 = arith.index_cast %mul3A_186 : i32 to index
      %get3A_188 = tpu.vector_load %arg4[%get3A_187] {strides = array<i32>} : memref<14336xi32, #tpu.memory_space<vmem>>, vector<16xi32>,
      %sub3A_189 = vector.broadcast %mul3A_56 : i32 to vector<16xi32>
      %sub3A_190 = arith.subi %get3A_188, %sub3A_189 : vector<16xi32>
      %bitcast_convert_type3A_191 = tpu.bitcast %sub3A_190 : vector<16xi32> -> vector<16xi32>
      %lt3A_192 = arith.constant 65536 : i32
      %lt3A_193 = vector.broadcast %lt3A_192 : i32 to vector<16xi32>
      %lt3A_194 = arith.cmpi ult, %bitcast_convert_type3A_191, %lt3A_193 : vector<16xi32>
      %shift_right_arithmetic3A_195 = arith.constant 9 : i32
      %shift_right_arithmetic3A_196 = vector.broadcast %shift_right_arithmetic3A_195 : i32 to vector<16xi32>
      %shift_right_arithmetic3A_197 = arith.shrsi %sub3A_190, %shift_right_arithmetic3A_196 : vector<16xi32>
      %and3A_198 = arith.constant 511 : i32
      %and3A_199 = vector.broadcast %and3A_198 : i32 to vector<16xi32>
      %and3A_200 = arith.andi %sub3A_190, %and3A_199 : vector<16xi32>
      tpu.vector_store_idx %arg5[%shift_right_arithmetic3A_197, %and3A_200], %broadcast_in_dim3A_60 masked %lt3A_194 : memref<128x512xf32, #tpu.memory_space<vmem>>[vector<16xi32>, vector<16xi32>], vector<16xf32>, vector<16xi1>
      %scan3A_201 = arith.constant 6 : i32
      %scan3A_202 = arith.addi %scan3A_73, %scan3A_201 : i32
      %mul3A_203 = arith.constant 1 : i32
      %mul3A_204 = arith.muli %scan3A_202, %mul3A_203 : i32
      %add3A_205 = arith.constant 0 : i32
      %add3A_206 = arith.addi %add3A_205, %mul3A_204 : i32
      %mul3A_207 = arith.constant 16 : i32
      %mul3A_208 = arith.muli %add3A_206, %mul3A_207 : i32
      %get3A_209 = arith.index_cast %mul3A_208 : i32 to index
      %get3A_210 = tpu.vector_load %arg4[%get3A_209] {strides = array<i32>} : memref<14336xi32, #tpu.memory_space<vmem>>, vector<16xi32>,
      %sub3A_211 = vector.broadcast %mul3A_56 : i32 to vector<16xi32>
      %sub3A_212 = arith.subi %get3A_210, %sub3A_211 : vector<16xi32>
      %bitcast_convert_type3A_213 = tpu.bitcast %sub3A_212 : vector<16xi32> -> vector<16xi32>
      %lt3A_214 = arith.constant 65536 : i32
      %lt3A_215 = vector.broadcast %lt3A_214 : i32 to vector<16xi32>
      %lt3A_216 = arith.cmpi ult, %bitcast_convert_type3A_213, %lt3A_215 : vector<16xi32>
      %shift_right_arithmetic3A_217 = arith.constant 9 : i32
      %shift_right_arithmetic3A_218 = vector.broadcast %shift_right_arithmetic3A_217 : i32 to vector<16xi32>
      %shift_right_arithmetic3A_219 = arith.shrsi %sub3A_212, %shift_right_arithmetic3A_218 : vector<16xi32>
      %and3A_220 = arith.constant 511 : i32
      %and3A_221 = vector.broadcast %and3A_220 : i32 to vector<16xi32>
      %and3A_222 = arith.andi %sub3A_212, %and3A_221 : vector<16xi32>
      tpu.vector_store_idx %arg5[%shift_right_arithmetic3A_219, %and3A_222], %broadcast_in_dim3A_60 masked %lt3A_216 : memref<128x512xf32, #tpu.memory_space<vmem>>[vector<16xi32>, vector<16xi32>], vector<16xf32>, vector<16xi1>
      %scan3A_223 = arith.constant 7 : i32
      %scan3A_224 = arith.addi %scan3A_73, %scan3A_223 : i32
      %mul3A_225 = arith.constant 1 : i32
      %mul3A_226 = arith.muli %scan3A_224, %mul3A_225 : i32
      %add3A_227 = arith.constant 0 : i32
      %add3A_228 = arith.addi %add3A_227, %mul3A_226 : i32
      %mul3A_229 = arith.constant 16 : i32
      %mul3A_230 = arith.muli %add3A_228, %mul3A_229 : i32
      %get3A_231 = arith.index_cast %mul3A_230 : i32 to index
      %get3A_232 = tpu.vector_load %arg4[%get3A_231] {strides = array<i32>} : memref<14336xi32, #tpu.memory_space<vmem>>, vector<16xi32>,
      %sub3A_233 = vector.broadcast %mul3A_56 : i32 to vector<16xi32>
      %sub3A_234 = arith.subi %get3A_232, %sub3A_233 : vector<16xi32>
      %bitcast_convert_type3A_235 = tpu.bitcast %sub3A_234 : vector<16xi32> -> vector<16xi32>
      %lt3A_236 = arith.constant 65536 : i32
      %lt3A_237 = vector.broadcast %lt3A_236 : i32 to vector<16xi32>
      %lt3A_238 = arith.cmpi ult, %bitcast_convert_type3A_235, %lt3A_237 : vector<16xi32>
      %shift_right_arithmetic3A_239 = arith.constant 9 : i32
      %shift_right_arithmetic3A_240 = vector.broadcast %shift_right_arithmetic3A_239 : i32 to vector<16xi32>
      %shift_right_arithmetic3A_241 = arith.shrsi %sub3A_234, %shift_right_arithmetic3A_240 : vector<16xi32>
      %and3A_242 = arith.constant 511 : i32
      %and3A_243 = vector.broadcast %and3A_242 : i32 to vector<16xi32>
      %and3A_244 = arith.andi %sub3A_234, %and3A_243 : vector<16xi32>
      tpu.vector_store_idx %arg5[%shift_right_arithmetic3A_241, %and3A_244], %broadcast_in_dim3A_60 masked %lt3A_238 : memref<128x512xf32, #tpu.memory_space<vmem>>[vector<16xi32>, vector<16xi32>], vector<16xf32>, vector<16xi1>
    }
    %scan3A_70 = arith.constant 896 : i32
    %mul3A_71 = arith.constant 128 : i32
    %mul3A_72 = arith.muli %add3A_54, %mul3A_71 : i32
    "tpu.region"() ({
      %run_scoped3A = tpu.sem_alloc : memref<!tpu.dma_semaphore, #tpu.memory_space<semaphore_mem>>
      %dma_start3A = arith.constant 0 : i32
      %dma_start3A_73 = tpu.memref_slice %arg3[%select_n3A, %mul3A_72, %dma_start3A] : memref<16x512x512xf32, #tpu.memory_space<hbm>> -> memref<1x128x512xf32, #tpu.memory_space<hbm>>
      %dma_start3A_74 = tpu.memref_squeeze %dma_start3A_73 : memref<1x128x512xf32, #tpu.memory_space<hbm>> -> memref<128x512xf32, #tpu.memory_space<hbm>>
      %dma_start3A_75 = arith.constant 0 : i32
      %dma_start3A_76 = tpu.memref_slice %arg3[%select_n3A, %mul3A_72, %dma_start3A_75] : memref<16x512x512xf32, #tpu.memory_space<hbm>> -> memref<1x128x512xf32, #tpu.memory_space<hbm>>
      %dma_start3A_77 = tpu.memref_squeeze %dma_start3A_76 : memref<1x128x512xf32, #tpu.memory_space<hbm>> -> memref<128x512xf32, #tpu.memory_space<hbm>>
      tpu.enqueue_dma source(%arg5 : memref<128x512xf32, #tpu.memory_space<vmem>>) target(%dma_start3A_77 : memref<128x512xf32, #tpu.memory_space<hbm>>) target_semaphore(%run_scoped3A : memref<!tpu.dma_semaphore, #tpu.memory_space<semaphore_mem>>)
      %dma_wait3A = arith.constant 0 : i32
      %dma_wait3A_78 = tpu.memref_slice %arg3[%select_n3A, %mul3A_72, %dma_wait3A] : memref<16x512x512xf32, #tpu.memory_space<hbm>> -> memref<1x128x512xf32, #tpu.memory_space<hbm>>
      %dma_wait3A_79 = tpu.memref_squeeze %dma_wait3A_78 : memref<1x128x512xf32, #tpu.memory_space<hbm>> -> memref<128x512xf32, #tpu.memory_space<hbm>>
      %dma_wait3A_80 = arith.constant 0 : i32
      %dma_wait3A_81 = tpu.memref_slice %arg3[%select_n3A, %mul3A_72, %dma_wait3A_80] : memref<16x512x512xf32, #tpu.memory_space<hbm>> -> memref<1x128x512xf32, #tpu.memory_space<hbm>>
      %dma_wait3A_82 = tpu.memref_squeeze %dma_wait3A_81 : memref<1x128x512xf32, #tpu.memory_space<hbm>> -> memref<128x512xf32, #tpu.memory_space<hbm>>
      tpu.wait_dma2 semaphore(%run_scoped3A : memref<!tpu.dma_semaphore, #tpu.memory_space<semaphore_mem>>) src(%arg5 : memref<128x512xf32, #tpu.memory_space<vmem>>) dst(%dma_wait3A_82 : memref<128x512xf32, #tpu.memory_space<hbm>>)
      tpu.yield
    }) : () -> ()
    return
  }
}

#map = affine_map<(d0, d1) -> (0, 0)>
#map1 = affine_map<(d0, d1) -> (0, 0, 0)>
module attributes {stable_mosaic.version = 14 : i64} {
  func.func @_sc_scatter_body(%arg0: i32, %arg1: i32, %arg2: memref<64x14336xi32, #tpu.memory_space<hbm>>, %arg3: memref<16x512x512xf32, #tpu.memory_space<hbm>>, %arg4: memref<14336xi32, #tpu.memory_space<vmem>>, %arg5: memref<128x512xf32, #tpu.memory_space<vmem>>) attributes {dimension_semantics = [#tpu.dimension_semantics<core_parallel>, #tpu.dimension_semantics<subcore_parallel>], iteration_bounds = array<i64: 2, 16>, scalar_prefetch = 0 : i64, scratch_operands = 2 : i64, tpu.core_type = #tpu.core_type<sc_vector_subcore>, window_params = [{transform_indices = #map}, {transform_indices = #map1}]} {
    %mul3A = arith.constant 2 : i32
    %mul3A_0 = arith.muli %arg1, %mul3A : i32
    %add3A = arith.addi %mul3A_0, %arg0 : i32
    %jit3A = arith.constant 2 : i32
    %div3A = arith.divsi %add3A, %jit3A : i32
    %sign3A = arith.constant 0 : i32
    %sign3A_1 = arith.cmpi sgt, %add3A, %sign3A : i32
    %sign3A_2 = arith.extui %sign3A_1 : i1 to i32
    %sign3A_3 = arith.constant 0 : i32
    %sign3A_4 = arith.cmpi slt, %add3A, %sign3A_3 : i32
    %sign3A_5 = arith.extui %sign3A_4 : i1 to i32
    %sign3A_6 = arith.subi %sign3A_2, %sign3A_5 : i32
    %sign3A_7 = arith.constant 0 : i32
    %sign3A_8 = arith.cmpi sgt, %jit3A, %sign3A_7 : i32
    %sign3A_9 = arith.extui %sign3A_8 : i1 to i32
    %sign3A_10 = arith.constant 0 : i32
    %sign3A_11 = arith.cmpi slt, %jit3A, %sign3A_10 : i32
    %sign3A_12 = arith.extui %sign3A_11 : i1 to i32
    %sign3A_13 = arith.subi %sign3A_9, %sign3A_12 : i32
    %ne3A = arith.cmpi ne, %sign3A_6, %sign3A_13 : i32
    %rem3A = arith.remsi %add3A, %jit3A : i32
    %ne3A_14 = arith.constant 0 : i32
    %ne3A_15 = arith.cmpi ne, %rem3A, %ne3A_14 : i32
    %and3A = arith.andi %ne3A, %ne3A_15 : i1
    %sub3A = arith.constant 1 : i32
    %sub3A_16 = arith.subi %div3A, %sub3A : i32
    %select_n3A = arith.select %and3A, %sub3A_16, %div3A : i32
    %jit3A_17 = arith.constant 2 : i32
    %eq3A = arith.constant 0 : i32
    %eq3A_18 = arith.cmpi eq, %jit3A_17, %eq3A : i32
    %jit3A_19 = arith.constant 1 : i32
    %select_n3A_20 = arith.select %eq3A_18, %jit3A_19, %jit3A_17 : i32
    %rem3A_21 = arith.remsi %add3A, %select_n3A_20 : i32
    %ne3A_22 = arith.constant 0 : i32
    %ne3A_23 = arith.cmpi ne, %rem3A_21, %ne3A_22 : i32
    %lt3A = arith.constant 0 : i32
    %lt3A_24 = arith.cmpi slt, %rem3A_21, %lt3A : i32
    %lt3A_25 = arith.constant 0 : i32
    %lt3A_26 = arith.cmpi slt, %select_n3A_20, %lt3A_25 : i32
    %ne3A_27 = arith.xori %lt3A_24, %lt3A_26 : i1
    %and3A_28 = arith.andi %ne3A_27, %ne3A_23 : i1
    %add3A_29 = arith.addi %rem3A_21, %select_n3A_20 : i32
    %select_n3A_30 = arith.select %and3A_28, %add3A_29, %rem3A_21 : i32
    %mul3A_31 = arith.constant 2 : i32
    %mul3A_32 = arith.muli %select_n3A_30, %mul3A_31 : i32
    %add3A_33 = arith.constant 32 : i32
    %add3A_34 = arith.addi %add3A_33, %select_n3A : i32
    "tpu.region"() ({
      %run_scoped3A = tpu.sem_alloc : memref<!tpu.dma_semaphore, #tpu.memory_space<semaphore_mem>>
      %dma_start3A = arith.constant 0 : i32
      %dma_start3A_73 = tpu.memref_slice %arg2[%add3A_34, %dma_start3A] : memref<64x14336xi32, #tpu.memory_space<hbm>> -> memref<1x14336xi32, #tpu.memory_space<hbm>>
      %dma_start3A_74 = tpu.memref_squeeze %dma_start3A_73 : memref<1x14336xi32, #tpu.memory_space<hbm>> -> memref<14336xi32, #tpu.memory_space<hbm>>
      %dma_start3A_75 = arith.constant 0 : i32
      %dma_start3A_76 = tpu.memref_slice %arg2[%add3A_34, %dma_start3A_75] : memref<64x14336xi32, #tpu.memory_space<hbm>> -> memref<1x14336xi32, #tpu.memory_space<hbm>>
      %dma_start3A_77 = tpu.memref_squeeze %dma_start3A_76 : memref<1x14336xi32, #tpu.memory_space<hbm>> -> memref<14336xi32, #tpu.memory_space<hbm>>
      tpu.enqueue_dma source(%dma_start3A_77 : memref<14336xi32, #tpu.memory_space<hbm>>) target(%arg4 : memref<14336xi32, #tpu.memory_space<vmem>>) target_semaphore(%run_scoped3A : memref<!tpu.dma_semaphore, #tpu.memory_space<semaphore_mem>>)
      %dma_wait3A = arith.constant 0 : i32
      %dma_wait3A_78 = tpu.memref_slice %arg2[%add3A_34, %dma_wait3A] : memref<64x14336xi32, #tpu.memory_space<hbm>> -> memref<1x14336xi32, #tpu.memory_space<hbm>>
      %dma_wait3A_79 = tpu.memref_squeeze %dma_wait3A_78 : memref<1x14336xi32, #tpu.memory_space<hbm>> -> memref<14336xi32, #tpu.memory_space<hbm>>
      %dma_wait3A_80 = arith.constant 0 : i32
      %dma_wait3A_81 = tpu.memref_slice %arg2[%add3A_34, %dma_wait3A_80] : memref<64x14336xi32, #tpu.memory_space<hbm>> -> memref<1x14336xi32, #tpu.memory_space<hbm>>
      %dma_wait3A_82 = tpu.memref_squeeze %dma_wait3A_81 : memref<1x14336xi32, #tpu.memory_space<hbm>> -> memref<14336xi32, #tpu.memory_space<hbm>>
      tpu.wait_dma2 semaphore(%run_scoped3A : memref<!tpu.dma_semaphore, #tpu.memory_space<semaphore_mem>>) src(%dma_wait3A_82 : memref<14336xi32, #tpu.memory_space<hbm>>) dst(%arg4 : memref<14336xi32, #tpu.memory_space<vmem>>)
      tpu.yield
    }) : () -> ()
    %add3A_35 = arith.constant 0 : i32
    %add3A_36 = arith.addi %mul3A_32, %add3A_35 : i32
    %mul3A_37 = arith.constant 65536 : i32
    %mul3A_38 = arith.muli %add3A_36, %mul3A_37 : i32
    %broadcast_in_dim3A = arith.constant 0.000000e+00 : f32
    %broadcast_in_dim3A_39 = vector.broadcast %broadcast_in_dim3A : f32 to vector<16xf32>
    %broadcast_in_dim3A_40 = arith.constant 2.550000e+02 : f32
    %broadcast_in_dim3A_41 = vector.broadcast %broadcast_in_dim3A_40 : f32 to vector<16xf32>
    %scan3A = arith.constant 0 : i32
    %scan3A_42 = arith.constant 128 : i32
    %scan3A_43 = arith.addi %scan3A, %scan3A_42 : i32
    %scan3A_44 = arith.constant 1 : i32
    scf.for %scan3A_73 = %scan3A to %scan3A_43 step %scan3A_44  : i32 {
      %mul3A_74 = arith.constant 1 : i32
      %mul3A_75 = arith.muli %scan3A_73, %mul3A_74 : i32
      %add3A_76 = arith.constant 0 : i32
      %add3A_77 = arith.addi %add3A_76, %mul3A_75 : i32
      %swap3A = arith.index_cast %add3A_77 : i32 to index
      %swap3A_78 = arith.constant 0 : index
      %swap3A_79 = tpu.vector_load %arg5[%swap3A, %swap3A_78] {strides = array<i32>} : memref<128x512xf32, #tpu.memory_space<vmem>>, vector<16xf32>,
      tpu.vector_store %arg5[%swap3A, %swap3A_78], %broadcast_in_dim3A_39 {strides = array<i32>} : memref<128x512xf32, #tpu.memory_space<vmem>>, vector<16xf32>,
      %swap3A_80 = arith.index_cast %add3A_77 : i32 to index
      %swap3A_81 = arith.constant 16 : index
      %swap3A_82 = tpu.vector_load %arg5[%swap3A_80, %swap3A_81] {strides = array<i32>} : memref<128x512xf32, #tpu.memory_space<vmem>>, vector<16xf32>,
      tpu.vector_store %arg5[%swap3A_80, %swap3A_81], %broadcast_in_dim3A_39 {strides = array<i32>} : memref<128x512xf32, #tpu.memory_space<vmem>>, vector<16xf32>,
      %swap3A_83 = arith.index_cast %add3A_77 : i32 to index
      %swap3A_84 = arith.constant 32 : index
      %swap3A_85 = tpu.vector_load %arg5[%swap3A_83, %swap3A_84] {strides = array<i32>} : memref<128x512xf32, #tpu.memory_space<vmem>>, vector<16xf32>,
      tpu.vector_store %arg5[%swap3A_83, %swap3A_84], %broadcast_in_dim3A_39 {strides = array<i32>} : memref<128x512xf32, #tpu.memory_space<vmem>>, vector<16xf32>,
      %swap3A_86 = arith.index_cast %add3A_77 : i32 to index
      %swap3A_87 = arith.constant 48 : index
      %swap3A_88 = tpu.vector_load %arg5[%swap3A_86, %swap3A_87] {strides = array<i32>} : memref<128x512xf32, #tpu.memory_space<vmem>>, vector<16xf32>,
      tpu.vector_store %arg5[%swap3A_86, %swap3A_87], %broadcast_in_dim3A_39 {strides = array<i32>} : memref<128x512xf32, #tpu.memory_space<vmem>>, vector<16xf32>,
      %swap3A_89 = arith.index_cast %add3A_77 : i32 to index
      %swap3A_90 = arith.constant 64 : index
      %swap3A_91 = tpu.vector_load %arg5[%swap3A_89, %swap3A_90] {strides = array<i32>} : memref<128x512xf32, #tpu.memory_space<vmem>>, vector<16xf32>,
      tpu.vector_store %arg5[%swap3A_89, %swap3A_90], %broadcast_in_dim3A_39 {strides = array<i32>} : memref<128x512xf32, #tpu.memory_space<vmem>>, vector<16xf32>,
      %swap3A_92 = arith.index_cast %add3A_77 : i32 to index
      %swap3A_93 = arith.constant 80 : index
      %swap3A_94 = tpu.vector_load %arg5[%swap3A_92, %swap3A_93] {strides = array<i32>} : memref<128x512xf32, #tpu.memory_space<vmem>>, vector<16xf32>,
      tpu.vector_store %arg5[%swap3A_92, %swap3A_93], %broadcast_in_dim3A_39 {strides = array<i32>} : memref<128x512xf32, #tpu.memory_space<vmem>>, vector<16xf32>,
      %swap3A_95 = arith.index_cast %add3A_77 : i32 to index
      %swap3A_96 = arith.constant 96 : index
      %swap3A_97 = tpu.vector_load %arg5[%swap3A_95, %swap3A_96] {strides = array<i32>} : memref<128x512xf32, #tpu.memory_space<vmem>>, vector<16xf32>,
      tpu.vector_store %arg5[%swap3A_95, %swap3A_96], %broadcast_in_dim3A_39 {strides = array<i32>} : memref<128x512xf32, #tpu.memory_space<vmem>>, vector<16xf32>,
      %swap3A_98 = arith.index_cast %add3A_77 : i32 to index
      %swap3A_99 = arith.constant 112 : index
      %swap3A_100 = tpu.vector_load %arg5[%swap3A_98, %swap3A_99] {strides = array<i32>} : memref<128x512xf32, #tpu.memory_space<vmem>>, vector<16xf32>,
      tpu.vector_store %arg5[%swap3A_98, %swap3A_99], %broadcast_in_dim3A_39 {strides = array<i32>} : memref<128x512xf32, #tpu.memory_space<vmem>>, vector<16xf32>,
      %swap3A_101 = arith.index_cast %add3A_77 : i32 to index
      %swap3A_102 = arith.constant 128 : index
      %swap3A_103 = tpu.vector_load %arg5[%swap3A_101, %swap3A_102] {strides = array<i32>} : memref<128x512xf32, #tpu.memory_space<vmem>>, vector<16xf32>,
      tpu.vector_store %arg5[%swap3A_101, %swap3A_102], %broadcast_in_dim3A_39 {strides = array<i32>} : memref<128x512xf32, #tpu.memory_space<vmem>>, vector<16xf32>,
      %swap3A_104 = arith.index_cast %add3A_77 : i32 to index
      %swap3A_105 = arith.constant 144 : index
      %swap3A_106 = tpu.vector_load %arg5[%swap3A_104, %swap3A_105] {strides = array<i32>} : memref<128x512xf32, #tpu.memory_space<vmem>>, vector<16xf32>,
      tpu.vector_store %arg5[%swap3A_104, %swap3A_105], %broadcast_in_dim3A_39 {strides = array<i32>} : memref<128x512xf32, #tpu.memory_space<vmem>>, vector<16xf32>,
      %swap3A_107 = arith.index_cast %add3A_77 : i32 to index
      %swap3A_108 = arith.constant 160 : index
      %swap3A_109 = tpu.vector_load %arg5[%swap3A_107, %swap3A_108] {strides = array<i32>} : memref<128x512xf32, #tpu.memory_space<vmem>>, vector<16xf32>,
      tpu.vector_store %arg5[%swap3A_107, %swap3A_108], %broadcast_in_dim3A_39 {strides = array<i32>} : memref<128x512xf32, #tpu.memory_space<vmem>>, vector<16xf32>,
      %swap3A_110 = arith.index_cast %add3A_77 : i32 to index
      %swap3A_111 = arith.constant 176 : index
      %swap3A_112 = tpu.vector_load %arg5[%swap3A_110, %swap3A_111] {strides = array<i32>} : memref<128x512xf32, #tpu.memory_space<vmem>>, vector<16xf32>,
      tpu.vector_store %arg5[%swap3A_110, %swap3A_111], %broadcast_in_dim3A_39 {strides = array<i32>} : memref<128x512xf32, #tpu.memory_space<vmem>>, vector<16xf32>,
      %swap3A_113 = arith.index_cast %add3A_77 : i32 to index
      %swap3A_114 = arith.constant 192 : index
      %swap3A_115 = tpu.vector_load %arg5[%swap3A_113, %swap3A_114] {strides = array<i32>} : memref<128x512xf32, #tpu.memory_space<vmem>>, vector<16xf32>,
      tpu.vector_store %arg5[%swap3A_113, %swap3A_114], %broadcast_in_dim3A_39 {strides = array<i32>} : memref<128x512xf32, #tpu.memory_space<vmem>>, vector<16xf32>,
      %swap3A_116 = arith.index_cast %add3A_77 : i32 to index
      %swap3A_117 = arith.constant 208 : index
      %swap3A_118 = tpu.vector_load %arg5[%swap3A_116, %swap3A_117] {strides = array<i32>} : memref<128x512xf32, #tpu.memory_space<vmem>>, vector<16xf32>,
      tpu.vector_store %arg5[%swap3A_116, %swap3A_117], %broadcast_in_dim3A_39 {strides = array<i32>} : memref<128x512xf32, #tpu.memory_space<vmem>>, vector<16xf32>,
      %swap3A_119 = arith.index_cast %add3A_77 : i32 to index
      %swap3A_120 = arith.constant 224 : index
      %swap3A_121 = tpu.vector_load %arg5[%swap3A_119, %swap3A_120] {strides = array<i32>} : memref<128x512xf32, #tpu.memory_space<vmem>>, vector<16xf32>,
      tpu.vector_store %arg5[%swap3A_119, %swap3A_120], %broadcast_in_dim3A_39 {strides = array<i32>} : memref<128x512xf32, #tpu.memory_space<vmem>>, vector<16xf32>,
      %swap3A_122 = arith.index_cast %add3A_77 : i32 to index
      %swap3A_123 = arith.constant 240 : index
      %swap3A_124 = tpu.vector_load %arg5[%swap3A_122, %swap3A_123] {strides = array<i32>} : memref<128x512xf32, #tpu.memory_space<vmem>>, vector<16xf32>,
      tpu.vector_store %arg5[%swap3A_122, %swap3A_123], %broadcast_in_dim3A_39 {strides = array<i32>} : memref<128x512xf32, #tpu.memory_space<vmem>>, vector<16xf32>,
      %swap3A_125 = arith.index_cast %add3A_77 : i32 to index
      %swap3A_126 = arith.constant 256 : index
      %swap3A_127 = tpu.vector_load %arg5[%swap3A_125, %swap3A_126] {strides = array<i32>} : memref<128x512xf32, #tpu.memory_space<vmem>>, vector<16xf32>,
      tpu.vector_store %arg5[%swap3A_125, %swap3A_126], %broadcast_in_dim3A_39 {strides = array<i32>} : memref<128x512xf32, #tpu.memory_space<vmem>>, vector<16xf32>,
      %swap3A_128 = arith.index_cast %add3A_77 : i32 to index
      %swap3A_129 = arith.constant 272 : index
      %swap3A_130 = tpu.vector_load %arg5[%swap3A_128, %swap3A_129] {strides = array<i32>} : memref<128x512xf32, #tpu.memory_space<vmem>>, vector<16xf32>,
      tpu.vector_store %arg5[%swap3A_128, %swap3A_129], %broadcast_in_dim3A_39 {strides = array<i32>} : memref<128x512xf32, #tpu.memory_space<vmem>>, vector<16xf32>,
      %swap3A_131 = arith.index_cast %add3A_77 : i32 to index
      %swap3A_132 = arith.constant 288 : index
      %swap3A_133 = tpu.vector_load %arg5[%swap3A_131, %swap3A_132] {strides = array<i32>} : memref<128x512xf32, #tpu.memory_space<vmem>>, vector<16xf32>,
      tpu.vector_store %arg5[%swap3A_131, %swap3A_132], %broadcast_in_dim3A_39 {strides = array<i32>} : memref<128x512xf32, #tpu.memory_space<vmem>>, vector<16xf32>,
      %swap3A_134 = arith.index_cast %add3A_77 : i32 to index
      %swap3A_135 = arith.constant 304 : index
      %swap3A_136 = tpu.vector_load %arg5[%swap3A_134, %swap3A_135] {strides = array<i32>} : memref<128x512xf32, #tpu.memory_space<vmem>>, vector<16xf32>,
      tpu.vector_store %arg5[%swap3A_134, %swap3A_135], %broadcast_in_dim3A_39 {strides = array<i32>} : memref<128x512xf32, #tpu.memory_space<vmem>>, vector<16xf32>,
      %swap3A_137 = arith.index_cast %add3A_77 : i32 to index
      %swap3A_138 = arith.constant 320 : index
      %swap3A_139 = tpu.vector_load %arg5[%swap3A_137, %swap3A_138] {strides = array<i32>} : memref<128x512xf32, #tpu.memory_space<vmem>>, vector<16xf32>,
      tpu.vector_store %arg5[%swap3A_137, %swap3A_138], %broadcast_in_dim3A_39 {strides = array<i32>} : memref<128x512xf32, #tpu.memory_space<vmem>>, vector<16xf32>,
      %swap3A_140 = arith.index_cast %add3A_77 : i32 to index
      %swap3A_141 = arith.constant 336 : index
      %swap3A_142 = tpu.vector_load %arg5[%swap3A_140, %swap3A_141] {strides = array<i32>} : memref<128x512xf32, #tpu.memory_space<vmem>>, vector<16xf32>,
      tpu.vector_store %arg5[%swap3A_140, %swap3A_141], %broadcast_in_dim3A_39 {strides = array<i32>} : memref<128x512xf32, #tpu.memory_space<vmem>>, vector<16xf32>,
      %swap3A_143 = arith.index_cast %add3A_77 : i32 to index
      %swap3A_144 = arith.constant 352 : index
      %swap3A_145 = tpu.vector_load %arg5[%swap3A_143, %swap3A_144] {strides = array<i32>} : memref<128x512xf32, #tpu.memory_space<vmem>>, vector<16xf32>,
      tpu.vector_store %arg5[%swap3A_143, %swap3A_144], %broadcast_in_dim3A_39 {strides = array<i32>} : memref<128x512xf32, #tpu.memory_space<vmem>>, vector<16xf32>,
      %swap3A_146 = arith.index_cast %add3A_77 : i32 to index
      %swap3A_147 = arith.constant 368 : index
      %swap3A_148 = tpu.vector_load %arg5[%swap3A_146, %swap3A_147] {strides = array<i32>} : memref<128x512xf32, #tpu.memory_space<vmem>>, vector<16xf32>,
      tpu.vector_store %arg5[%swap3A_146, %swap3A_147], %broadcast_in_dim3A_39 {strides = array<i32>} : memref<128x512xf32, #tpu.memory_space<vmem>>, vector<16xf32>,
      %swap3A_149 = arith.index_cast %add3A_77 : i32 to index
      %swap3A_150 = arith.constant 384 : index
      %swap3A_151 = tpu.vector_load %arg5[%swap3A_149, %swap3A_150] {strides = array<i32>} : memref<128x512xf32, #tpu.memory_space<vmem>>, vector<16xf32>,
      tpu.vector_store %arg5[%swap3A_149, %swap3A_150], %broadcast_in_dim3A_39 {strides = array<i32>} : memref<128x512xf32, #tpu.memory_space<vmem>>, vector<16xf32>,
      %swap3A_152 = arith.index_cast %add3A_77 : i32 to index
      %swap3A_153 = arith.constant 400 : index
      %swap3A_154 = tpu.vector_load %arg5[%swap3A_152, %swap3A_153] {strides = array<i32>} : memref<128x512xf32, #tpu.memory_space<vmem>>, vector<16xf32>,
      tpu.vector_store %arg5[%swap3A_152, %swap3A_153], %broadcast_in_dim3A_39 {strides = array<i32>} : memref<128x512xf32, #tpu.memory_space<vmem>>, vector<16xf32>,
      %swap3A_155 = arith.index_cast %add3A_77 : i32 to index
      %swap3A_156 = arith.constant 416 : index
      %swap3A_157 = tpu.vector_load %arg5[%swap3A_155, %swap3A_156] {strides = array<i32>} : memref<128x512xf32, #tpu.memory_space<vmem>>, vector<16xf32>,
      tpu.vector_store %arg5[%swap3A_155, %swap3A_156], %broadcast_in_dim3A_39 {strides = array<i32>} : memref<128x512xf32, #tpu.memory_space<vmem>>, vector<16xf32>,
      %swap3A_158 = arith.index_cast %add3A_77 : i32 to index
      %swap3A_159 = arith.constant 432 : index
      %swap3A_160 = tpu.vector_load %arg5[%swap3A_158, %swap3A_159] {strides = array<i32>} : memref<128x512xf32, #tpu.memory_space<vmem>>, vector<16xf32>,
      tpu.vector_store %arg5[%swap3A_158, %swap3A_159], %broadcast_in_dim3A_39 {strides = array<i32>} : memref<128x512xf32, #tpu.memory_space<vmem>>, vector<16xf32>,
      %swap3A_161 = arith.index_cast %add3A_77 : i32 to index
      %swap3A_162 = arith.constant 448 : index
      %swap3A_163 = tpu.vector_load %arg5[%swap3A_161, %swap3A_162] {strides = array<i32>} : memref<128x512xf32, #tpu.memory_space<vmem>>, vector<16xf32>,
      tpu.vector_store %arg5[%swap3A_161, %swap3A_162], %broadcast_in_dim3A_39 {strides = array<i32>} : memref<128x512xf32, #tpu.memory_space<vmem>>, vector<16xf32>,
      %swap3A_164 = arith.index_cast %add3A_77 : i32 to index
      %swap3A_165 = arith.constant 464 : index
      %swap3A_166 = tpu.vector_load %arg5[%swap3A_164, %swap3A_165] {strides = array<i32>} : memref<128x512xf32, #tpu.memory_space<vmem>>, vector<16xf32>,
      tpu.vector_store %arg5[%swap3A_164, %swap3A_165], %broadcast_in_dim3A_39 {strides = array<i32>} : memref<128x512xf32, #tpu.memory_space<vmem>>, vector<16xf32>,
      %swap3A_167 = arith.index_cast %add3A_77 : i32 to index
      %swap3A_168 = arith.constant 480 : index
      %swap3A_169 = tpu.vector_load %arg5[%swap3A_167, %swap3A_168] {strides = array<i32>} : memref<128x512xf32, #tpu.memory_space<vmem>>, vector<16xf32>,
      tpu.vector_store %arg5[%swap3A_167, %swap3A_168], %broadcast_in_dim3A_39 {strides = array<i32>} : memref<128x512xf32, #tpu.memory_space<vmem>>, vector<16xf32>,
      %swap3A_170 = arith.index_cast %add3A_77 : i32 to index
      %swap3A_171 = arith.constant 496 : index
      %swap3A_172 = tpu.vector_load %arg5[%swap3A_170, %swap3A_171] {strides = array<i32>} : memref<128x512xf32, #tpu.memory_space<vmem>>, vector<16xf32>,
      tpu.vector_store %arg5[%swap3A_170, %swap3A_171], %broadcast_in_dim3A_39 {strides = array<i32>} : memref<128x512xf32, #tpu.memory_space<vmem>>, vector<16xf32>,
    }
    %scan3A_45 = arith.constant 128 : i32
    %scan3A_46 = arith.constant 0 : i32
    %scan3A_47 = arith.constant 896 : i32
    %scan3A_48 = arith.addi %scan3A_46, %scan3A_47 : i32
    %scan3A_49 = arith.constant 8 : i32
    scf.for %scan3A_73 = %scan3A_46 to %scan3A_48 step %scan3A_49  : i32 {
      %mul3A_74 = arith.constant 1 : i32
      %mul3A_75 = arith.muli %scan3A_73, %mul3A_74 : i32
      %add3A_76 = arith.constant 0 : i32
      %add3A_77 = arith.addi %add3A_76, %mul3A_75 : i32
      %mul3A_78 = arith.constant 16 : i32
      %mul3A_79 = arith.muli %add3A_77, %mul3A_78 : i32
      %get3A = arith.index_cast %mul3A_79 : i32 to index
      %get3A_80 = tpu.vector_load %arg4[%get3A] {strides = array<i32>} : memref<14336xi32, #tpu.memory_space<vmem>>, vector<16xi32>,
      %sub3A_81 = vector.broadcast %mul3A_38 : i32 to vector<16xi32>
      %sub3A_82 = arith.subi %get3A_80, %sub3A_81 : vector<16xi32>
      %bitcast_convert_type3A = tpu.bitcast %sub3A_82 : vector<16xi32> -> vector<16xi32>
      %lt3A_83 = arith.constant 65536 : i32
      %lt3A_84 = vector.broadcast %lt3A_83 : i32 to vector<16xi32>
      %lt3A_85 = arith.cmpi ult, %bitcast_convert_type3A, %lt3A_84 : vector<16xi32>
      %shift_right_arithmetic3A = arith.constant 9 : i32
      %shift_right_arithmetic3A_86 = vector.broadcast %shift_right_arithmetic3A : i32 to vector<16xi32>
      %shift_right_arithmetic3A_87 = arith.shrsi %sub3A_82, %shift_right_arithmetic3A_86 : vector<16xi32>
      %and3A_88 = arith.constant 511 : i32
      %and3A_89 = vector.broadcast %and3A_88 : i32 to vector<16xi32>
      %and3A_90 = arith.andi %sub3A_82, %and3A_89 : vector<16xi32>
      tpu.vector_store_idx %arg5[%shift_right_arithmetic3A_87, %and3A_90], %broadcast_in_dim3A_41 masked %lt3A_85 : memref<128x512xf32, #tpu.memory_space<vmem>>[vector<16xi32>, vector<16xi32>], vector<16xf32>, vector<16xi1>
      %scan3A_91 = arith.constant 1 : i32
      %scan3A_92 = arith.addi %scan3A_73, %scan3A_91 : i32
      %mul3A_93 = arith.constant 1 : i32
      %mul3A_94 = arith.muli %scan3A_92, %mul3A_93 : i32
      %add3A_95 = arith.constant 0 : i32
      %add3A_96 = arith.addi %add3A_95, %mul3A_94 : i32
      %mul3A_97 = arith.constant 16 : i32
      %mul3A_98 = arith.muli %add3A_96, %mul3A_97 : i32
      %get3A_99 = arith.index_cast %mul3A_98 : i32 to index
      %get3A_100 = tpu.vector_load %arg4[%get3A_99] {strides = array<i32>} : memref<14336xi32, #tpu.memory_space<vmem>>, vector<16xi32>,
      %sub3A_101 = vector.broadcast %mul3A_38 : i32 to vector<16xi32>
      %sub3A_102 = arith.subi %get3A_100, %sub3A_101 : vector<16xi32>
      %bitcast_convert_type3A_103 = tpu.bitcast %sub3A_102 : vector<16xi32> -> vector<16xi32>
      %lt3A_104 = arith.constant 65536 : i32
      %lt3A_105 = vector.broadcast %lt3A_104 : i32 to vector<16xi32>
      %lt3A_106 = arith.cmpi ult, %bitcast_convert_type3A_103, %lt3A_105 : vector<16xi32>
      %shift_right_arithmetic3A_107 = arith.constant 9 : i32
      %shift_right_arithmetic3A_108 = vector.broadcast %shift_right_arithmetic3A_107 : i32 to vector<16xi32>
      %shift_right_arithmetic3A_109 = arith.shrsi %sub3A_102, %shift_right_arithmetic3A_108 : vector<16xi32>
      %and3A_110 = arith.constant 511 : i32
      %and3A_111 = vector.broadcast %and3A_110 : i32 to vector<16xi32>
      %and3A_112 = arith.andi %sub3A_102, %and3A_111 : vector<16xi32>
      tpu.vector_store_idx %arg5[%shift_right_arithmetic3A_109, %and3A_112], %broadcast_in_dim3A_41 masked %lt3A_106 : memref<128x512xf32, #tpu.memory_space<vmem>>[vector<16xi32>, vector<16xi32>], vector<16xf32>, vector<16xi1>
      %scan3A_113 = arith.constant 2 : i32
      %scan3A_114 = arith.addi %scan3A_73, %scan3A_113 : i32
      %mul3A_115 = arith.constant 1 : i32
      %mul3A_116 = arith.muli %scan3A_114, %mul3A_115 : i32
      %add3A_117 = arith.constant 0 : i32
      %add3A_118 = arith.addi %add3A_117, %mul3A_116 : i32
      %mul3A_119 = arith.constant 16 : i32
      %mul3A_120 = arith.muli %add3A_118, %mul3A_119 : i32
      %get3A_121 = arith.index_cast %mul3A_120 : i32 to index
      %get3A_122 = tpu.vector_load %arg4[%get3A_121] {strides = array<i32>} : memref<14336xi32, #tpu.memory_space<vmem>>, vector<16xi32>,
      %sub3A_123 = vector.broadcast %mul3A_38 : i32 to vector<16xi32>
      %sub3A_124 = arith.subi %get3A_122, %sub3A_123 : vector<16xi32>
      %bitcast_convert_type3A_125 = tpu.bitcast %sub3A_124 : vector<16xi32> -> vector<16xi32>
      %lt3A_126 = arith.constant 65536 : i32
      %lt3A_127 = vector.broadcast %lt3A_126 : i32 to vector<16xi32>
      %lt3A_128 = arith.cmpi ult, %bitcast_convert_type3A_125, %lt3A_127 : vector<16xi32>
      %shift_right_arithmetic3A_129 = arith.constant 9 : i32
      %shift_right_arithmetic3A_130 = vector.broadcast %shift_right_arithmetic3A_129 : i32 to vector<16xi32>
      %shift_right_arithmetic3A_131 = arith.shrsi %sub3A_124, %shift_right_arithmetic3A_130 : vector<16xi32>
      %and3A_132 = arith.constant 511 : i32
      %and3A_133 = vector.broadcast %and3A_132 : i32 to vector<16xi32>
      %and3A_134 = arith.andi %sub3A_124, %and3A_133 : vector<16xi32>
      tpu.vector_store_idx %arg5[%shift_right_arithmetic3A_131, %and3A_134], %broadcast_in_dim3A_41 masked %lt3A_128 : memref<128x512xf32, #tpu.memory_space<vmem>>[vector<16xi32>, vector<16xi32>], vector<16xf32>, vector<16xi1>
      %scan3A_135 = arith.constant 3 : i32
      %scan3A_136 = arith.addi %scan3A_73, %scan3A_135 : i32
      %mul3A_137 = arith.constant 1 : i32
      %mul3A_138 = arith.muli %scan3A_136, %mul3A_137 : i32
      %add3A_139 = arith.constant 0 : i32
      %add3A_140 = arith.addi %add3A_139, %mul3A_138 : i32
      %mul3A_141 = arith.constant 16 : i32
      %mul3A_142 = arith.muli %add3A_140, %mul3A_141 : i32
      %get3A_143 = arith.index_cast %mul3A_142 : i32 to index
      %get3A_144 = tpu.vector_load %arg4[%get3A_143] {strides = array<i32>} : memref<14336xi32, #tpu.memory_space<vmem>>, vector<16xi32>,
      %sub3A_145 = vector.broadcast %mul3A_38 : i32 to vector<16xi32>
      %sub3A_146 = arith.subi %get3A_144, %sub3A_145 : vector<16xi32>
      %bitcast_convert_type3A_147 = tpu.bitcast %sub3A_146 : vector<16xi32> -> vector<16xi32>
      %lt3A_148 = arith.constant 65536 : i32
      %lt3A_149 = vector.broadcast %lt3A_148 : i32 to vector<16xi32>
      %lt3A_150 = arith.cmpi ult, %bitcast_convert_type3A_147, %lt3A_149 : vector<16xi32>
      %shift_right_arithmetic3A_151 = arith.constant 9 : i32
      %shift_right_arithmetic3A_152 = vector.broadcast %shift_right_arithmetic3A_151 : i32 to vector<16xi32>
      %shift_right_arithmetic3A_153 = arith.shrsi %sub3A_146, %shift_right_arithmetic3A_152 : vector<16xi32>
      %and3A_154 = arith.constant 511 : i32
      %and3A_155 = vector.broadcast %and3A_154 : i32 to vector<16xi32>
      %and3A_156 = arith.andi %sub3A_146, %and3A_155 : vector<16xi32>
      tpu.vector_store_idx %arg5[%shift_right_arithmetic3A_153, %and3A_156], %broadcast_in_dim3A_41 masked %lt3A_150 : memref<128x512xf32, #tpu.memory_space<vmem>>[vector<16xi32>, vector<16xi32>], vector<16xf32>, vector<16xi1>
      %scan3A_157 = arith.constant 4 : i32
      %scan3A_158 = arith.addi %scan3A_73, %scan3A_157 : i32
      %mul3A_159 = arith.constant 1 : i32
      %mul3A_160 = arith.muli %scan3A_158, %mul3A_159 : i32
      %add3A_161 = arith.constant 0 : i32
      %add3A_162 = arith.addi %add3A_161, %mul3A_160 : i32
      %mul3A_163 = arith.constant 16 : i32
      %mul3A_164 = arith.muli %add3A_162, %mul3A_163 : i32
      %get3A_165 = arith.index_cast %mul3A_164 : i32 to index
      %get3A_166 = tpu.vector_load %arg4[%get3A_165] {strides = array<i32>} : memref<14336xi32, #tpu.memory_space<vmem>>, vector<16xi32>,
      %sub3A_167 = vector.broadcast %mul3A_38 : i32 to vector<16xi32>
      %sub3A_168 = arith.subi %get3A_166, %sub3A_167 : vector<16xi32>
      %bitcast_convert_type3A_169 = tpu.bitcast %sub3A_168 : vector<16xi32> -> vector<16xi32>
      %lt3A_170 = arith.constant 65536 : i32
      %lt3A_171 = vector.broadcast %lt3A_170 : i32 to vector<16xi32>
      %lt3A_172 = arith.cmpi ult, %bitcast_convert_type3A_169, %lt3A_171 : vector<16xi32>
      %shift_right_arithmetic3A_173 = arith.constant 9 : i32
      %shift_right_arithmetic3A_174 = vector.broadcast %shift_right_arithmetic3A_173 : i32 to vector<16xi32>
      %shift_right_arithmetic3A_175 = arith.shrsi %sub3A_168, %shift_right_arithmetic3A_174 : vector<16xi32>
      %and3A_176 = arith.constant 511 : i32
      %and3A_177 = vector.broadcast %and3A_176 : i32 to vector<16xi32>
      %and3A_178 = arith.andi %sub3A_168, %and3A_177 : vector<16xi32>
      tpu.vector_store_idx %arg5[%shift_right_arithmetic3A_175, %and3A_178], %broadcast_in_dim3A_41 masked %lt3A_172 : memref<128x512xf32, #tpu.memory_space<vmem>>[vector<16xi32>, vector<16xi32>], vector<16xf32>, vector<16xi1>
      %scan3A_179 = arith.constant 5 : i32
      %scan3A_180 = arith.addi %scan3A_73, %scan3A_179 : i32
      %mul3A_181 = arith.constant 1 : i32
      %mul3A_182 = arith.muli %scan3A_180, %mul3A_181 : i32
      %add3A_183 = arith.constant 0 : i32
      %add3A_184 = arith.addi %add3A_183, %mul3A_182 : i32
      %mul3A_185 = arith.constant 16 : i32
      %mul3A_186 = arith.muli %add3A_184, %mul3A_185 : i32
      %get3A_187 = arith.index_cast %mul3A_186 : i32 to index
      %get3A_188 = tpu.vector_load %arg4[%get3A_187] {strides = array<i32>} : memref<14336xi32, #tpu.memory_space<vmem>>, vector<16xi32>,
      %sub3A_189 = vector.broadcast %mul3A_38 : i32 to vector<16xi32>
      %sub3A_190 = arith.subi %get3A_188, %sub3A_189 : vector<16xi32>
      %bitcast_convert_type3A_191 = tpu.bitcast %sub3A_190 : vector<16xi32> -> vector<16xi32>
      %lt3A_192 = arith.constant 65536 : i32
      %lt3A_193 = vector.broadcast %lt3A_192 : i32 to vector<16xi32>
      %lt3A_194 = arith.cmpi ult, %bitcast_convert_type3A_191, %lt3A_193 : vector<16xi32>
      %shift_right_arithmetic3A_195 = arith.constant 9 : i32
      %shift_right_arithmetic3A_196 = vector.broadcast %shift_right_arithmetic3A_195 : i32 to vector<16xi32>
      %shift_right_arithmetic3A_197 = arith.shrsi %sub3A_190, %shift_right_arithmetic3A_196 : vector<16xi32>
      %and3A_198 = arith.constant 511 : i32
      %and3A_199 = vector.broadcast %and3A_198 : i32 to vector<16xi32>
      %and3A_200 = arith.andi %sub3A_190, %and3A_199 : vector<16xi32>
      tpu.vector_store_idx %arg5[%shift_right_arithmetic3A_197, %and3A_200], %broadcast_in_dim3A_41 masked %lt3A_194 : memref<128x512xf32, #tpu.memory_space<vmem>>[vector<16xi32>, vector<16xi32>], vector<16xf32>, vector<16xi1>
      %scan3A_201 = arith.constant 6 : i32
      %scan3A_202 = arith.addi %scan3A_73, %scan3A_201 : i32
      %mul3A_203 = arith.constant 1 : i32
      %mul3A_204 = arith.muli %scan3A_202, %mul3A_203 : i32
      %add3A_205 = arith.constant 0 : i32
      %add3A_206 = arith.addi %add3A_205, %mul3A_204 : i32
      %mul3A_207 = arith.constant 16 : i32
      %mul3A_208 = arith.muli %add3A_206, %mul3A_207 : i32
      %get3A_209 = arith.index_cast %mul3A_208 : i32 to index
      %get3A_210 = tpu.vector_load %arg4[%get3A_209] {strides = array<i32>} : memref<14336xi32, #tpu.memory_space<vmem>>, vector<16xi32>,
      %sub3A_211 = vector.broadcast %mul3A_38 : i32 to vector<16xi32>
      %sub3A_212 = arith.subi %get3A_210, %sub3A_211 : vector<16xi32>
      %bitcast_convert_type3A_213 = tpu.bitcast %sub3A_212 : vector<16xi32> -> vector<16xi32>
      %lt3A_214 = arith.constant 65536 : i32
      %lt3A_215 = vector.broadcast %lt3A_214 : i32 to vector<16xi32>
      %lt3A_216 = arith.cmpi ult, %bitcast_convert_type3A_213, %lt3A_215 : vector<16xi32>
      %shift_right_arithmetic3A_217 = arith.constant 9 : i32
      %shift_right_arithmetic3A_218 = vector.broadcast %shift_right_arithmetic3A_217 : i32 to vector<16xi32>
      %shift_right_arithmetic3A_219 = arith.shrsi %sub3A_212, %shift_right_arithmetic3A_218 : vector<16xi32>
      %and3A_220 = arith.constant 511 : i32
      %and3A_221 = vector.broadcast %and3A_220 : i32 to vector<16xi32>
      %and3A_222 = arith.andi %sub3A_212, %and3A_221 : vector<16xi32>
      tpu.vector_store_idx %arg5[%shift_right_arithmetic3A_219, %and3A_222], %broadcast_in_dim3A_41 masked %lt3A_216 : memref<128x512xf32, #tpu.memory_space<vmem>>[vector<16xi32>, vector<16xi32>], vector<16xf32>, vector<16xi1>
      %scan3A_223 = arith.constant 7 : i32
      %scan3A_224 = arith.addi %scan3A_73, %scan3A_223 : i32
      %mul3A_225 = arith.constant 1 : i32
      %mul3A_226 = arith.muli %scan3A_224, %mul3A_225 : i32
      %add3A_227 = arith.constant 0 : i32
      %add3A_228 = arith.addi %add3A_227, %mul3A_226 : i32
      %mul3A_229 = arith.constant 16 : i32
      %mul3A_230 = arith.muli %add3A_228, %mul3A_229 : i32
      %get3A_231 = arith.index_cast %mul3A_230 : i32 to index
      %get3A_232 = tpu.vector_load %arg4[%get3A_231] {strides = array<i32>} : memref<14336xi32, #tpu.memory_space<vmem>>, vector<16xi32>,
      %sub3A_233 = vector.broadcast %mul3A_38 : i32 to vector<16xi32>
      %sub3A_234 = arith.subi %get3A_232, %sub3A_233 : vector<16xi32>
      %bitcast_convert_type3A_235 = tpu.bitcast %sub3A_234 : vector<16xi32> -> vector<16xi32>
      %lt3A_236 = arith.constant 65536 : i32
      %lt3A_237 = vector.broadcast %lt3A_236 : i32 to vector<16xi32>
      %lt3A_238 = arith.cmpi ult, %bitcast_convert_type3A_235, %lt3A_237 : vector<16xi32>
      %shift_right_arithmetic3A_239 = arith.constant 9 : i32
      %shift_right_arithmetic3A_240 = vector.broadcast %shift_right_arithmetic3A_239 : i32 to vector<16xi32>
      %shift_right_arithmetic3A_241 = arith.shrsi %sub3A_234, %shift_right_arithmetic3A_240 : vector<16xi32>
      %and3A_242 = arith.constant 511 : i32
      %and3A_243 = vector.broadcast %and3A_242 : i32 to vector<16xi32>
      %and3A_244 = arith.andi %sub3A_234, %and3A_243 : vector<16xi32>
      tpu.vector_store_idx %arg5[%shift_right_arithmetic3A_241, %and3A_244], %broadcast_in_dim3A_41 masked %lt3A_238 : memref<128x512xf32, #tpu.memory_space<vmem>>[vector<16xi32>, vector<16xi32>], vector<16xf32>, vector<16xi1>
    }
    %scan3A_50 = arith.constant 896 : i32
    %mul3A_51 = arith.constant 128 : i32
    %mul3A_52 = arith.muli %add3A_36, %mul3A_51 : i32
    "tpu.region"() ({
      %run_scoped3A = tpu.sem_alloc : memref<!tpu.dma_semaphore, #tpu.memory_space<semaphore_mem>>
      %dma_start3A = arith.constant 0 : i32
      %dma_start3A_73 = tpu.memref_slice %arg3[%select_n3A, %mul3A_52, %dma_start3A] : memref<16x512x512xf32, #tpu.memory_space<hbm>> -> memref<1x128x512xf32, #tpu.memory_space<hbm>>
      %dma_start3A_74 = tpu.memref_squeeze %dma_start3A_73 : memref<1x128x512xf32, #tpu.memory_space<hbm>> -> memref<128x512xf32, #tpu.memory_space<hbm>>
      %dma_start3A_75 = arith.constant 0 : i32
      %dma_start3A_76 = tpu.memref_slice %arg3[%select_n3A, %mul3A_52, %dma_start3A_75] : memref<16x512x512xf32, #tpu.memory_space<hbm>> -> memref<1x128x512xf32, #tpu.memory_space<hbm>>
      %dma_start3A_77 = tpu.memref_squeeze %dma_start3A_76 : memref<1x128x512xf32, #tpu.memory_space<hbm>> -> memref<128x512xf32, #tpu.memory_space<hbm>>
      tpu.enqueue_dma source(%arg5 : memref<128x512xf32, #tpu.memory_space<vmem>>) target(%dma_start3A_77 : memref<128x512xf32, #tpu.memory_space<hbm>>) target_semaphore(%run_scoped3A : memref<!tpu.dma_semaphore, #tpu.memory_space<semaphore_mem>>)
      %dma_wait3A = arith.constant 0 : i32
      %dma_wait3A_78 = tpu.memref_slice %arg3[%select_n3A, %mul3A_52, %dma_wait3A] : memref<16x512x512xf32, #tpu.memory_space<hbm>> -> memref<1x128x512xf32, #tpu.memory_space<hbm>>
      %dma_wait3A_79 = tpu.memref_squeeze %dma_wait3A_78 : memref<1x128x512xf32, #tpu.memory_space<hbm>> -> memref<128x512xf32, #tpu.memory_space<hbm>>
      %dma_wait3A_80 = arith.constant 0 : i32
      %dma_wait3A_81 = tpu.memref_slice %arg3[%select_n3A, %mul3A_52, %dma_wait3A_80] : memref<16x512x512xf32, #tpu.memory_space<hbm>> -> memref<1x128x512xf32, #tpu.memory_space<hbm>>
      %dma_wait3A_82 = tpu.memref_squeeze %dma_wait3A_81 : memref<1x128x512xf32, #tpu.memory_space<hbm>> -> memref<128x512xf32, #tpu.memory_space<hbm>>
      tpu.wait_dma2 semaphore(%run_scoped3A : memref<!tpu.dma_semaphore, #tpu.memory_space<semaphore_mem>>) src(%arg5 : memref<128x512xf32, #tpu.memory_space<vmem>>) dst(%dma_wait3A_82 : memref<128x512xf32, #tpu.memory_space<hbm>>)
      tpu.yield
    }) : () -> ()
    %add3A_53 = arith.constant 1 : i32
    %add3A_54 = arith.addi %mul3A_32, %add3A_53 : i32
    %mul3A_55 = arith.constant 65536 : i32
    %mul3A_56 = arith.muli %add3A_54, %mul3A_55 : i32
    %broadcast_in_dim3A_57 = arith.constant 0.000000e+00 : f32
    %broadcast_in_dim3A_58 = vector.broadcast %broadcast_in_dim3A_57 : f32 to vector<16xf32>
    %broadcast_in_dim3A_59 = arith.constant 2.550000e+02 : f32
    %broadcast_in_dim3A_60 = vector.broadcast %broadcast_in_dim3A_59 : f32 to vector<16xf32>
    %scan3A_61 = arith.constant 0 : i32
    %scan3A_62 = arith.constant 128 : i32
    %scan3A_63 = arith.addi %scan3A_61, %scan3A_62 : i32
    %scan3A_64 = arith.constant 1 : i32
    scf.for %scan3A_73 = %scan3A_61 to %scan3A_63 step %scan3A_64  : i32 {
      %mul3A_74 = arith.constant 1 : i32
      %mul3A_75 = arith.muli %scan3A_73, %mul3A_74 : i32
      %add3A_76 = arith.constant 0 : i32
      %add3A_77 = arith.addi %add3A_76, %mul3A_75 : i32
      %swap3A = arith.index_cast %add3A_77 : i32 to index
      %swap3A_78 = arith.constant 0 : index
      %swap3A_79 = tpu.vector_load %arg5[%swap3A, %swap3A_78] {strides = array<i32>} : memref<128x512xf32, #tpu.memory_space<vmem>>, vector<16xf32>,
      tpu.vector_store %arg5[%swap3A, %swap3A_78], %broadcast_in_dim3A_58 {strides = array<i32>} : memref<128x512xf32, #tpu.memory_space<vmem>>, vector<16xf32>,
      %swap3A_80 = arith.index_cast %add3A_77 : i32 to index
      %swap3A_81 = arith.constant 16 : index
      %swap3A_82 = tpu.vector_load %arg5[%swap3A_80, %swap3A_81] {strides = array<i32>} : memref<128x512xf32, #tpu.memory_space<vmem>>, vector<16xf32>,
      tpu.vector_store %arg5[%swap3A_80, %swap3A_81], %broadcast_in_dim3A_58 {strides = array<i32>} : memref<128x512xf32, #tpu.memory_space<vmem>>, vector<16xf32>,
      %swap3A_83 = arith.index_cast %add3A_77 : i32 to index
      %swap3A_84 = arith.constant 32 : index
      %swap3A_85 = tpu.vector_load %arg5[%swap3A_83, %swap3A_84] {strides = array<i32>} : memref<128x512xf32, #tpu.memory_space<vmem>>, vector<16xf32>,
      tpu.vector_store %arg5[%swap3A_83, %swap3A_84], %broadcast_in_dim3A_58 {strides = array<i32>} : memref<128x512xf32, #tpu.memory_space<vmem>>, vector<16xf32>,
      %swap3A_86 = arith.index_cast %add3A_77 : i32 to index
      %swap3A_87 = arith.constant 48 : index
      %swap3A_88 = tpu.vector_load %arg5[%swap3A_86, %swap3A_87] {strides = array<i32>} : memref<128x512xf32, #tpu.memory_space<vmem>>, vector<16xf32>,
      tpu.vector_store %arg5[%swap3A_86, %swap3A_87], %broadcast_in_dim3A_58 {strides = array<i32>} : memref<128x512xf32, #tpu.memory_space<vmem>>, vector<16xf32>,
      %swap3A_89 = arith.index_cast %add3A_77 : i32 to index
      %swap3A_90 = arith.constant 64 : index
      %swap3A_91 = tpu.vector_load %arg5[%swap3A_89, %swap3A_90] {strides = array<i32>} : memref<128x512xf32, #tpu.memory_space<vmem>>, vector<16xf32>,
      tpu.vector_store %arg5[%swap3A_89, %swap3A_90], %broadcast_in_dim3A_58 {strides = array<i32>} : memref<128x512xf32, #tpu.memory_space<vmem>>, vector<16xf32>,
      %swap3A_92 = arith.index_cast %add3A_77 : i32 to index
      %swap3A_93 = arith.constant 80 : index
      %swap3A_94 = tpu.vector_load %arg5[%swap3A_92, %swap3A_93] {strides = array<i32>} : memref<128x512xf32, #tpu.memory_space<vmem>>, vector<16xf32>,
      tpu.vector_store %arg5[%swap3A_92, %swap3A_93], %broadcast_in_dim3A_58 {strides = array<i32>} : memref<128x512xf32, #tpu.memory_space<vmem>>, vector<16xf32>,
      %swap3A_95 = arith.index_cast %add3A_77 : i32 to index
      %swap3A_96 = arith.constant 96 : index
      %swap3A_97 = tpu.vector_load %arg5[%swap3A_95, %swap3A_96] {strides = array<i32>} : memref<128x512xf32, #tpu.memory_space<vmem>>, vector<16xf32>,
      tpu.vector_store %arg5[%swap3A_95, %swap3A_96], %broadcast_in_dim3A_58 {strides = array<i32>} : memref<128x512xf32, #tpu.memory_space<vmem>>, vector<16xf32>,
      %swap3A_98 = arith.index_cast %add3A_77 : i32 to index
      %swap3A_99 = arith.constant 112 : index
      %swap3A_100 = tpu.vector_load %arg5[%swap3A_98, %swap3A_99] {strides = array<i32>} : memref<128x512xf32, #tpu.memory_space<vmem>>, vector<16xf32>,
      tpu.vector_store %arg5[%swap3A_98, %swap3A_99], %broadcast_in_dim3A_58 {strides = array<i32>} : memref<128x512xf32, #tpu.memory_space<vmem>>, vector<16xf32>,
      %swap3A_101 = arith.index_cast %add3A_77 : i32 to index
      %swap3A_102 = arith.constant 128 : index
      %swap3A_103 = tpu.vector_load %arg5[%swap3A_101, %swap3A_102] {strides = array<i32>} : memref<128x512xf32, #tpu.memory_space<vmem>>, vector<16xf32>,
      tpu.vector_store %arg5[%swap3A_101, %swap3A_102], %broadcast_in_dim3A_58 {strides = array<i32>} : memref<128x512xf32, #tpu.memory_space<vmem>>, vector<16xf32>,
      %swap3A_104 = arith.index_cast %add3A_77 : i32 to index
      %swap3A_105 = arith.constant 144 : index
      %swap3A_106 = tpu.vector_load %arg5[%swap3A_104, %swap3A_105] {strides = array<i32>} : memref<128x512xf32, #tpu.memory_space<vmem>>, vector<16xf32>,
      tpu.vector_store %arg5[%swap3A_104, %swap3A_105], %broadcast_in_dim3A_58 {strides = array<i32>} : memref<128x512xf32, #tpu.memory_space<vmem>>, vector<16xf32>,
      %swap3A_107 = arith.index_cast %add3A_77 : i32 to index
      %swap3A_108 = arith.constant 160 : index
      %swap3A_109 = tpu.vector_load %arg5[%swap3A_107, %swap3A_108] {strides = array<i32>} : memref<128x512xf32, #tpu.memory_space<vmem>>, vector<16xf32>,
      tpu.vector_store %arg5[%swap3A_107, %swap3A_108], %broadcast_in_dim3A_58 {strides = array<i32>} : memref<128x512xf32, #tpu.memory_space<vmem>>, vector<16xf32>,
      %swap3A_110 = arith.index_cast %add3A_77 : i32 to index
      %swap3A_111 = arith.constant 176 : index
      %swap3A_112 = tpu.vector_load %arg5[%swap3A_110, %swap3A_111] {strides = array<i32>} : memref<128x512xf32, #tpu.memory_space<vmem>>, vector<16xf32>,
      tpu.vector_store %arg5[%swap3A_110, %swap3A_111], %broadcast_in_dim3A_58 {strides = array<i32>} : memref<128x512xf32, #tpu.memory_space<vmem>>, vector<16xf32>,
      %swap3A_113 = arith.index_cast %add3A_77 : i32 to index
      %swap3A_114 = arith.constant 192 : index
      %swap3A_115 = tpu.vector_load %arg5[%swap3A_113, %swap3A_114] {strides = array<i32>} : memref<128x512xf32, #tpu.memory_space<vmem>>, vector<16xf32>,
      tpu.vector_store %arg5[%swap3A_113, %swap3A_114], %broadcast_in_dim3A_58 {strides = array<i32>} : memref<128x512xf32, #tpu.memory_space<vmem>>, vector<16xf32>,
      %swap3A_116 = arith.index_cast %add3A_77 : i32 to index
      %swap3A_117 = arith.constant 208 : index
      %swap3A_118 = tpu.vector_load %arg5[%swap3A_116, %swap3A_117] {strides = array<i32>} : memref<128x512xf32, #tpu.memory_space<vmem>>, vector<16xf32>,
      tpu.vector_store %arg5[%swap3A_116, %swap3A_117], %broadcast_in_dim3A_58 {strides = array<i32>} : memref<128x512xf32, #tpu.memory_space<vmem>>, vector<16xf32>,
      %swap3A_119 = arith.index_cast %add3A_77 : i32 to index
      %swap3A_120 = arith.constant 224 : index
      %swap3A_121 = tpu.vector_load %arg5[%swap3A_119, %swap3A_120] {strides = array<i32>} : memref<128x512xf32, #tpu.memory_space<vmem>>, vector<16xf32>,
      tpu.vector_store %arg5[%swap3A_119, %swap3A_120], %broadcast_in_dim3A_58 {strides = array<i32>} : memref<128x512xf32, #tpu.memory_space<vmem>>, vector<16xf32>,
      %swap3A_122 = arith.index_cast %add3A_77 : i32 to index
      %swap3A_123 = arith.constant 240 : index
      %swap3A_124 = tpu.vector_load %arg5[%swap3A_122, %swap3A_123] {strides = array<i32>} : memref<128x512xf32, #tpu.memory_space<vmem>>, vector<16xf32>,
      tpu.vector_store %arg5[%swap3A_122, %swap3A_123], %broadcast_in_dim3A_58 {strides = array<i32>} : memref<128x512xf32, #tpu.memory_space<vmem>>, vector<16xf32>,
      %swap3A_125 = arith.index_cast %add3A_77 : i32 to index
      %swap3A_126 = arith.constant 256 : index
      %swap3A_127 = tpu.vector_load %arg5[%swap3A_125, %swap3A_126] {strides = array<i32>} : memref<128x512xf32, #tpu.memory_space<vmem>>, vector<16xf32>,
      tpu.vector_store %arg5[%swap3A_125, %swap3A_126], %broadcast_in_dim3A_58 {strides = array<i32>} : memref<128x512xf32, #tpu.memory_space<vmem>>, vector<16xf32>,
      %swap3A_128 = arith.index_cast %add3A_77 : i32 to index
      %swap3A_129 = arith.constant 272 : index
      %swap3A_130 = tpu.vector_load %arg5[%swap3A_128, %swap3A_129] {strides = array<i32>} : memref<128x512xf32, #tpu.memory_space<vmem>>, vector<16xf32>,
      tpu.vector_store %arg5[%swap3A_128, %swap3A_129], %broadcast_in_dim3A_58 {strides = array<i32>} : memref<128x512xf32, #tpu.memory_space<vmem>>, vector<16xf32>,
      %swap3A_131 = arith.index_cast %add3A_77 : i32 to index
      %swap3A_132 = arith.constant 288 : index
      %swap3A_133 = tpu.vector_load %arg5[%swap3A_131, %swap3A_132] {strides = array<i32>} : memref<128x512xf32, #tpu.memory_space<vmem>>, vector<16xf32>,
      tpu.vector_store %arg5[%swap3A_131, %swap3A_132], %broadcast_in_dim3A_58 {strides = array<i32>} : memref<128x512xf32, #tpu.memory_space<vmem>>, vector<16xf32>,
      %swap3A_134 = arith.index_cast %add3A_77 : i32 to index
      %swap3A_135 = arith.constant 304 : index
      %swap3A_136 = tpu.vector_load %arg5[%swap3A_134, %swap3A_135] {strides = array<i32>} : memref<128x512xf32, #tpu.memory_space<vmem>>, vector<16xf32>,
      tpu.vector_store %arg5[%swap3A_134, %swap3A_135], %broadcast_in_dim3A_58 {strides = array<i32>} : memref<128x512xf32, #tpu.memory_space<vmem>>, vector<16xf32>,
      %swap3A_137 = arith.index_cast %add3A_77 : i32 to index
      %swap3A_138 = arith.constant 320 : index
      %swap3A_139 = tpu.vector_load %arg5[%swap3A_137, %swap3A_138] {strides = array<i32>} : memref<128x512xf32, #tpu.memory_space<vmem>>, vector<16xf32>,
      tpu.vector_store %arg5[%swap3A_137, %swap3A_138], %broadcast_in_dim3A_58 {strides = array<i32>} : memref<128x512xf32, #tpu.memory_space<vmem>>, vector<16xf32>,
      %swap3A_140 = arith.index_cast %add3A_77 : i32 to index
      %swap3A_141 = arith.constant 336 : index
      %swap3A_142 = tpu.vector_load %arg5[%swap3A_140, %swap3A_141] {strides = array<i32>} : memref<128x512xf32, #tpu.memory_space<vmem>>, vector<16xf32>,
      tpu.vector_store %arg5[%swap3A_140, %swap3A_141], %broadcast_in_dim3A_58 {strides = array<i32>} : memref<128x512xf32, #tpu.memory_space<vmem>>, vector<16xf32>,
      %swap3A_143 = arith.index_cast %add3A_77 : i32 to index
      %swap3A_144 = arith.constant 352 : index
      %swap3A_145 = tpu.vector_load %arg5[%swap3A_143, %swap3A_144] {strides = array<i32>} : memref<128x512xf32, #tpu.memory_space<vmem>>, vector<16xf32>,
      tpu.vector_store %arg5[%swap3A_143, %swap3A_144], %broadcast_in_dim3A_58 {strides = array<i32>} : memref<128x512xf32, #tpu.memory_space<vmem>>, vector<16xf32>,
      %swap3A_146 = arith.index_cast %add3A_77 : i32 to index
      %swap3A_147 = arith.constant 368 : index
      %swap3A_148 = tpu.vector_load %arg5[%swap3A_146, %swap3A_147] {strides = array<i32>} : memref<128x512xf32, #tpu.memory_space<vmem>>, vector<16xf32>,
      tpu.vector_store %arg5[%swap3A_146, %swap3A_147], %broadcast_in_dim3A_58 {strides = array<i32>} : memref<128x512xf32, #tpu.memory_space<vmem>>, vector<16xf32>,
      %swap3A_149 = arith.index_cast %add3A_77 : i32 to index
      %swap3A_150 = arith.constant 384 : index
      %swap3A_151 = tpu.vector_load %arg5[%swap3A_149, %swap3A_150] {strides = array<i32>} : memref<128x512xf32, #tpu.memory_space<vmem>>, vector<16xf32>,
      tpu.vector_store %arg5[%swap3A_149, %swap3A_150], %broadcast_in_dim3A_58 {strides = array<i32>} : memref<128x512xf32, #tpu.memory_space<vmem>>, vector<16xf32>,
      %swap3A_152 = arith.index_cast %add3A_77 : i32 to index
      %swap3A_153 = arith.constant 400 : index
      %swap3A_154 = tpu.vector_load %arg5[%swap3A_152, %swap3A_153] {strides = array<i32>} : memref<128x512xf32, #tpu.memory_space<vmem>>, vector<16xf32>,
      tpu.vector_store %arg5[%swap3A_152, %swap3A_153], %broadcast_in_dim3A_58 {strides = array<i32>} : memref<128x512xf32, #tpu.memory_space<vmem>>, vector<16xf32>,
      %swap3A_155 = arith.index_cast %add3A_77 : i32 to index
      %swap3A_156 = arith.constant 416 : index
      %swap3A_157 = tpu.vector_load %arg5[%swap3A_155, %swap3A_156] {strides = array<i32>} : memref<128x512xf32, #tpu.memory_space<vmem>>, vector<16xf32>,
      tpu.vector_store %arg5[%swap3A_155, %swap3A_156], %broadcast_in_dim3A_58 {strides = array<i32>} : memref<128x512xf32, #tpu.memory_space<vmem>>, vector<16xf32>,
      %swap3A_158 = arith.index_cast %add3A_77 : i32 to index
      %swap3A_159 = arith.constant 432 : index
      %swap3A_160 = tpu.vector_load %arg5[%swap3A_158, %swap3A_159] {strides = array<i32>} : memref<128x512xf32, #tpu.memory_space<vmem>>, vector<16xf32>,
      tpu.vector_store %arg5[%swap3A_158, %swap3A_159], %broadcast_in_dim3A_58 {strides = array<i32>} : memref<128x512xf32, #tpu.memory_space<vmem>>, vector<16xf32>,
      %swap3A_161 = arith.index_cast %add3A_77 : i32 to index
      %swap3A_162 = arith.constant 448 : index
      %swap3A_163 = tpu.vector_load %arg5[%swap3A_161, %swap3A_162] {strides = array<i32>} : memref<128x512xf32, #tpu.memory_space<vmem>>, vector<16xf32>,
      tpu.vector_store %arg5[%swap3A_161, %swap3A_162], %broadcast_in_dim3A_58 {strides = array<i32>} : memref<128x512xf32, #tpu.memory_space<vmem>>, vector<16xf32>,
      %swap3A_164 = arith.index_cast %add3A_77 : i32 to index
      %swap3A_165 = arith.constant 464 : index
      %swap3A_166 = tpu.vector_load %arg5[%swap3A_164, %swap3A_165] {strides = array<i32>} : memref<128x512xf32, #tpu.memory_space<vmem>>, vector<16xf32>,
      tpu.vector_store %arg5[%swap3A_164, %swap3A_165], %broadcast_in_dim3A_58 {strides = array<i32>} : memref<128x512xf32, #tpu.memory_space<vmem>>, vector<16xf32>,
      %swap3A_167 = arith.index_cast %add3A_77 : i32 to index
      %swap3A_168 = arith.constant 480 : index
      %swap3A_169 = tpu.vector_load %arg5[%swap3A_167, %swap3A_168] {strides = array<i32>} : memref<128x512xf32, #tpu.memory_space<vmem>>, vector<16xf32>,
      tpu.vector_store %arg5[%swap3A_167, %swap3A_168], %broadcast_in_dim3A_58 {strides = array<i32>} : memref<128x512xf32, #tpu.memory_space<vmem>>, vector<16xf32>,
      %swap3A_170 = arith.index_cast %add3A_77 : i32 to index
      %swap3A_171 = arith.constant 496 : index
      %swap3A_172 = tpu.vector_load %arg5[%swap3A_170, %swap3A_171] {strides = array<i32>} : memref<128x512xf32, #tpu.memory_space<vmem>>, vector<16xf32>,
      tpu.vector_store %arg5[%swap3A_170, %swap3A_171], %broadcast_in_dim3A_58 {strides = array<i32>} : memref<128x512xf32, #tpu.memory_space<vmem>>, vector<16xf32>,
    }
    %scan3A_65 = arith.constant 128 : i32
    %scan3A_66 = arith.constant 0 : i32
    %scan3A_67 = arith.constant 896 : i32
    %scan3A_68 = arith.addi %scan3A_66, %scan3A_67 : i32
    %scan3A_69 = arith.constant 8 : i32
    scf.for %scan3A_73 = %scan3A_66 to %scan3A_68 step %scan3A_69  : i32 {
      %mul3A_74 = arith.constant 1 : i32
      %mul3A_75 = arith.muli %scan3A_73, %mul3A_74 : i32
      %add3A_76 = arith.constant 0 : i32
      %add3A_77 = arith.addi %add3A_76, %mul3A_75 : i32
      %mul3A_78 = arith.constant 16 : i32
      %mul3A_79 = arith.muli %add3A_77, %mul3A_78 : i32
      %get3A = arith.index_cast %mul3A_79 : i32 to index
      %get3A_80 = tpu.vector_load %arg4[%get3A] {strides = array<i32>} : memref<14336xi32, #tpu.memory_space<vmem>>, vector<16xi32>,
      %sub3A_81 = vector.broadcast %mul3A_56 : i32 to vector<16xi32>
      %sub3A_82 = arith.subi %get3A_80, %sub3A_81 : vector<16xi32>
      %bitcast_convert_type3A = tpu.bitcast %sub3A_82 : vector<16xi32> -> vector<16xi32>
      %lt3A_83 = arith.constant 65536 : i32
      %lt3A_84 = vector.broadcast %lt3A_83 : i32 to vector<16xi32>
      %lt3A_85 = arith.cmpi ult, %bitcast_convert_type3A, %lt3A_84 : vector<16xi32>
      %shift_right_arithmetic3A = arith.constant 9 : i32
      %shift_right_arithmetic3A_86 = vector.broadcast %shift_right_arithmetic3A : i32 to vector<16xi32>
      %shift_right_arithmetic3A_87 = arith.shrsi %sub3A_82, %shift_right_arithmetic3A_86 : vector<16xi32>
      %and3A_88 = arith.constant 511 : i32
      %and3A_89 = vector.broadcast %and3A_88 : i32 to vector<16xi32>
      %and3A_90 = arith.andi %sub3A_82, %and3A_89 : vector<16xi32>
      tpu.vector_store_idx %arg5[%shift_right_arithmetic3A_87, %and3A_90], %broadcast_in_dim3A_60 masked %lt3A_85 : memref<128x512xf32, #tpu.memory_space<vmem>>[vector<16xi32>, vector<16xi32>], vector<16xf32>, vector<16xi1>
      %scan3A_91 = arith.constant 1 : i32
      %scan3A_92 = arith.addi %scan3A_73, %scan3A_91 : i32
      %mul3A_93 = arith.constant 1 : i32
      %mul3A_94 = arith.muli %scan3A_92, %mul3A_93 : i32
      %add3A_95 = arith.constant 0 : i32
      %add3A_96 = arith.addi %add3A_95, %mul3A_94 : i32
      %mul3A_97 = arith.constant 16 : i32
      %mul3A_98 = arith.muli %add3A_96, %mul3A_97 : i32
      %get3A_99 = arith.index_cast %mul3A_98 : i32 to index
      %get3A_100 = tpu.vector_load %arg4[%get3A_99] {strides = array<i32>} : memref<14336xi32, #tpu.memory_space<vmem>>, vector<16xi32>,
      %sub3A_101 = vector.broadcast %mul3A_56 : i32 to vector<16xi32>
      %sub3A_102 = arith.subi %get3A_100, %sub3A_101 : vector<16xi32>
      %bitcast_convert_type3A_103 = tpu.bitcast %sub3A_102 : vector<16xi32> -> vector<16xi32>
      %lt3A_104 = arith.constant 65536 : i32
      %lt3A_105 = vector.broadcast %lt3A_104 : i32 to vector<16xi32>
      %lt3A_106 = arith.cmpi ult, %bitcast_convert_type3A_103, %lt3A_105 : vector<16xi32>
      %shift_right_arithmetic3A_107 = arith.constant 9 : i32
      %shift_right_arithmetic3A_108 = vector.broadcast %shift_right_arithmetic3A_107 : i32 to vector<16xi32>
      %shift_right_arithmetic3A_109 = arith.shrsi %sub3A_102, %shift_right_arithmetic3A_108 : vector<16xi32>
      %and3A_110 = arith.constant 511 : i32
      %and3A_111 = vector.broadcast %and3A_110 : i32 to vector<16xi32>
      %and3A_112 = arith.andi %sub3A_102, %and3A_111 : vector<16xi32>
      tpu.vector_store_idx %arg5[%shift_right_arithmetic3A_109, %and3A_112], %broadcast_in_dim3A_60 masked %lt3A_106 : memref<128x512xf32, #tpu.memory_space<vmem>>[vector<16xi32>, vector<16xi32>], vector<16xf32>, vector<16xi1>
      %scan3A_113 = arith.constant 2 : i32
      %scan3A_114 = arith.addi %scan3A_73, %scan3A_113 : i32
      %mul3A_115 = arith.constant 1 : i32
      %mul3A_116 = arith.muli %scan3A_114, %mul3A_115 : i32
      %add3A_117 = arith.constant 0 : i32
      %add3A_118 = arith.addi %add3A_117, %mul3A_116 : i32
      %mul3A_119 = arith.constant 16 : i32
      %mul3A_120 = arith.muli %add3A_118, %mul3A_119 : i32
      %get3A_121 = arith.index_cast %mul3A_120 : i32 to index
      %get3A_122 = tpu.vector_load %arg4[%get3A_121] {strides = array<i32>} : memref<14336xi32, #tpu.memory_space<vmem>>, vector<16xi32>,
      %sub3A_123 = vector.broadcast %mul3A_56 : i32 to vector<16xi32>
      %sub3A_124 = arith.subi %get3A_122, %sub3A_123 : vector<16xi32>
      %bitcast_convert_type3A_125 = tpu.bitcast %sub3A_124 : vector<16xi32> -> vector<16xi32>
      %lt3A_126 = arith.constant 65536 : i32
      %lt3A_127 = vector.broadcast %lt3A_126 : i32 to vector<16xi32>
      %lt3A_128 = arith.cmpi ult, %bitcast_convert_type3A_125, %lt3A_127 : vector<16xi32>
      %shift_right_arithmetic3A_129 = arith.constant 9 : i32
      %shift_right_arithmetic3A_130 = vector.broadcast %shift_right_arithmetic3A_129 : i32 to vector<16xi32>
      %shift_right_arithmetic3A_131 = arith.shrsi %sub3A_124, %shift_right_arithmetic3A_130 : vector<16xi32>
      %and3A_132 = arith.constant 511 : i32
      %and3A_133 = vector.broadcast %and3A_132 : i32 to vector<16xi32>
      %and3A_134 = arith.andi %sub3A_124, %and3A_133 : vector<16xi32>
      tpu.vector_store_idx %arg5[%shift_right_arithmetic3A_131, %and3A_134], %broadcast_in_dim3A_60 masked %lt3A_128 : memref<128x512xf32, #tpu.memory_space<vmem>>[vector<16xi32>, vector<16xi32>], vector<16xf32>, vector<16xi1>
      %scan3A_135 = arith.constant 3 : i32
      %scan3A_136 = arith.addi %scan3A_73, %scan3A_135 : i32
      %mul3A_137 = arith.constant 1 : i32
      %mul3A_138 = arith.muli %scan3A_136, %mul3A_137 : i32
      %add3A_139 = arith.constant 0 : i32
      %add3A_140 = arith.addi %add3A_139, %mul3A_138 : i32
      %mul3A_141 = arith.constant 16 : i32
      %mul3A_142 = arith.muli %add3A_140, %mul3A_141 : i32
      %get3A_143 = arith.index_cast %mul3A_142 : i32 to index
      %get3A_144 = tpu.vector_load %arg4[%get3A_143] {strides = array<i32>} : memref<14336xi32, #tpu.memory_space<vmem>>, vector<16xi32>,
      %sub3A_145 = vector.broadcast %mul3A_56 : i32 to vector<16xi32>
      %sub3A_146 = arith.subi %get3A_144, %sub3A_145 : vector<16xi32>
      %bitcast_convert_type3A_147 = tpu.bitcast %sub3A_146 : vector<16xi32> -> vector<16xi32>
      %lt3A_148 = arith.constant 65536 : i32
      %lt3A_149 = vector.broadcast %lt3A_148 : i32 to vector<16xi32>
      %lt3A_150 = arith.cmpi ult, %bitcast_convert_type3A_147, %lt3A_149 : vector<16xi32>
      %shift_right_arithmetic3A_151 = arith.constant 9 : i32
      %shift_right_arithmetic3A_152 = vector.broadcast %shift_right_arithmetic3A_151 : i32 to vector<16xi32>
      %shift_right_arithmetic3A_153 = arith.shrsi %sub3A_146, %shift_right_arithmetic3A_152 : vector<16xi32>
      %and3A_154 = arith.constant 511 : i32
      %and3A_155 = vector.broadcast %and3A_154 : i32 to vector<16xi32>
      %and3A_156 = arith.andi %sub3A_146, %and3A_155 : vector<16xi32>
      tpu.vector_store_idx %arg5[%shift_right_arithmetic3A_153, %and3A_156], %broadcast_in_dim3A_60 masked %lt3A_150 : memref<128x512xf32, #tpu.memory_space<vmem>>[vector<16xi32>, vector<16xi32>], vector<16xf32>, vector<16xi1>
      %scan3A_157 = arith.constant 4 : i32
      %scan3A_158 = arith.addi %scan3A_73, %scan3A_157 : i32
      %mul3A_159 = arith.constant 1 : i32
      %mul3A_160 = arith.muli %scan3A_158, %mul3A_159 : i32
      %add3A_161 = arith.constant 0 : i32
      %add3A_162 = arith.addi %add3A_161, %mul3A_160 : i32
      %mul3A_163 = arith.constant 16 : i32
      %mul3A_164 = arith.muli %add3A_162, %mul3A_163 : i32
      %get3A_165 = arith.index_cast %mul3A_164 : i32 to index
      %get3A_166 = tpu.vector_load %arg4[%get3A_165] {strides = array<i32>} : memref<14336xi32, #tpu.memory_space<vmem>>, vector<16xi32>,
      %sub3A_167 = vector.broadcast %mul3A_56 : i32 to vector<16xi32>
      %sub3A_168 = arith.subi %get3A_166, %sub3A_167 : vector<16xi32>
      %bitcast_convert_type3A_169 = tpu.bitcast %sub3A_168 : vector<16xi32> -> vector<16xi32>
      %lt3A_170 = arith.constant 65536 : i32
      %lt3A_171 = vector.broadcast %lt3A_170 : i32 to vector<16xi32>
      %lt3A_172 = arith.cmpi ult, %bitcast_convert_type3A_169, %lt3A_171 : vector<16xi32>
      %shift_right_arithmetic3A_173 = arith.constant 9 : i32
      %shift_right_arithmetic3A_174 = vector.broadcast %shift_right_arithmetic3A_173 : i32 to vector<16xi32>
      %shift_right_arithmetic3A_175 = arith.shrsi %sub3A_168, %shift_right_arithmetic3A_174 : vector<16xi32>
      %and3A_176 = arith.constant 511 : i32
      %and3A_177 = vector.broadcast %and3A_176 : i32 to vector<16xi32>
      %and3A_178 = arith.andi %sub3A_168, %and3A_177 : vector<16xi32>
      tpu.vector_store_idx %arg5[%shift_right_arithmetic3A_175, %and3A_178], %broadcast_in_dim3A_60 masked %lt3A_172 : memref<128x512xf32, #tpu.memory_space<vmem>>[vector<16xi32>, vector<16xi32>], vector<16xf32>, vector<16xi1>
      %scan3A_179 = arith.constant 5 : i32
      %scan3A_180 = arith.addi %scan3A_73, %scan3A_179 : i32
      %mul3A_181 = arith.constant 1 : i32
      %mul3A_182 = arith.muli %scan3A_180, %mul3A_181 : i32
      %add3A_183 = arith.constant 0 : i32
      %add3A_184 = arith.addi %add3A_183, %mul3A_182 : i32
      %mul3A_185 = arith.constant 16 : i32
      %mul3A_186 = arith.muli %add3A_184, %mul3A_185 : i32
      %get3A_187 = arith.index_cast %mul3A_186 : i32 to index
      %get3A_188 = tpu.vector_load %arg4[%get3A_187] {strides = array<i32>} : memref<14336xi32, #tpu.memory_space<vmem>>, vector<16xi32>,
      %sub3A_189 = vector.broadcast %mul3A_56 : i32 to vector<16xi32>
      %sub3A_190 = arith.subi %get3A_188, %sub3A_189 : vector<16xi32>
      %bitcast_convert_type3A_191 = tpu.bitcast %sub3A_190 : vector<16xi32> -> vector<16xi32>
      %lt3A_192 = arith.constant 65536 : i32
      %lt3A_193 = vector.broadcast %lt3A_192 : i32 to vector<16xi32>
      %lt3A_194 = arith.cmpi ult, %bitcast_convert_type3A_191, %lt3A_193 : vector<16xi32>
      %shift_right_arithmetic3A_195 = arith.constant 9 : i32
      %shift_right_arithmetic3A_196 = vector.broadcast %shift_right_arithmetic3A_195 : i32 to vector<16xi32>
      %shift_right_arithmetic3A_197 = arith.shrsi %sub3A_190, %shift_right_arithmetic3A_196 : vector<16xi32>
      %and3A_198 = arith.constant 511 : i32
      %and3A_199 = vector.broadcast %and3A_198 : i32 to vector<16xi32>
      %and3A_200 = arith.andi %sub3A_190, %and3A_199 : vector<16xi32>
      tpu.vector_store_idx %arg5[%shift_right_arithmetic3A_197, %and3A_200], %broadcast_in_dim3A_60 masked %lt3A_194 : memref<128x512xf32, #tpu.memory_space<vmem>>[vector<16xi32>, vector<16xi32>], vector<16xf32>, vector<16xi1>
      %scan3A_201 = arith.constant 6 : i32
      %scan3A_202 = arith.addi %scan3A_73, %scan3A_201 : i32
      %mul3A_203 = arith.constant 1 : i32
      %mul3A_204 = arith.muli %scan3A_202, %mul3A_203 : i32
      %add3A_205 = arith.constant 0 : i32
      %add3A_206 = arith.addi %add3A_205, %mul3A_204 : i32
      %mul3A_207 = arith.constant 16 : i32
      %mul3A_208 = arith.muli %add3A_206, %mul3A_207 : i32
      %get3A_209 = arith.index_cast %mul3A_208 : i32 to index
      %get3A_210 = tpu.vector_load %arg4[%get3A_209] {strides = array<i32>} : memref<14336xi32, #tpu.memory_space<vmem>>, vector<16xi32>,
      %sub3A_211 = vector.broadcast %mul3A_56 : i32 to vector<16xi32>
      %sub3A_212 = arith.subi %get3A_210, %sub3A_211 : vector<16xi32>
      %bitcast_convert_type3A_213 = tpu.bitcast %sub3A_212 : vector<16xi32> -> vector<16xi32>
      %lt3A_214 = arith.constant 65536 : i32
      %lt3A_215 = vector.broadcast %lt3A_214 : i32 to vector<16xi32>
      %lt3A_216 = arith.cmpi ult, %bitcast_convert_type3A_213, %lt3A_215 : vector<16xi32>
      %shift_right_arithmetic3A_217 = arith.constant 9 : i32
      %shift_right_arithmetic3A_218 = vector.broadcast %shift_right_arithmetic3A_217 : i32 to vector<16xi32>
      %shift_right_arithmetic3A_219 = arith.shrsi %sub3A_212, %shift_right_arithmetic3A_218 : vector<16xi32>
      %and3A_220 = arith.constant 511 : i32
      %and3A_221 = vector.broadcast %and3A_220 : i32 to vector<16xi32>
      %and3A_222 = arith.andi %sub3A_212, %and3A_221 : vector<16xi32>
      tpu.vector_store_idx %arg5[%shift_right_arithmetic3A_219, %and3A_222], %broadcast_in_dim3A_60 masked %lt3A_216 : memref<128x512xf32, #tpu.memory_space<vmem>>[vector<16xi32>, vector<16xi32>], vector<16xf32>, vector<16xi1>
      %scan3A_223 = arith.constant 7 : i32
      %scan3A_224 = arith.addi %scan3A_73, %scan3A_223 : i32
      %mul3A_225 = arith.constant 1 : i32
      %mul3A_226 = arith.muli %scan3A_224, %mul3A_225 : i32
      %add3A_227 = arith.constant 0 : i32
      %add3A_228 = arith.addi %add3A_227, %mul3A_226 : i32
      %mul3A_229 = arith.constant 16 : i32
      %mul3A_230 = arith.muli %add3A_228, %mul3A_229 : i32
      %get3A_231 = arith.index_cast %mul3A_230 : i32 to index
      %get3A_232 = tpu.vector_load %arg4[%get3A_231] {strides = array<i32>} : memref<14336xi32, #tpu.memory_space<vmem>>, vector<16xi32>,
      %sub3A_233 = vector.broadcast %mul3A_56 : i32 to vector<16xi32>
      %sub3A_234 = arith.subi %get3A_232, %sub3A_233 : vector<16xi32>
      %bitcast_convert_type3A_235 = tpu.bitcast %sub3A_234 : vector<16xi32> -> vector<16xi32>
      %lt3A_236 = arith.constant 65536 : i32
      %lt3A_237 = vector.broadcast %lt3A_236 : i32 to vector<16xi32>
      %lt3A_238 = arith.cmpi ult, %bitcast_convert_type3A_235, %lt3A_237 : vector<16xi32>
      %shift_right_arithmetic3A_239 = arith.constant 9 : i32
      %shift_right_arithmetic3A_240 = vector.broadcast %shift_right_arithmetic3A_239 : i32 to vector<16xi32>
      %shift_right_arithmetic3A_241 = arith.shrsi %sub3A_234, %shift_right_arithmetic3A_240 : vector<16xi32>
      %and3A_242 = arith.constant 511 : i32
      %and3A_243 = vector.broadcast %and3A_242 : i32 to vector<16xi32>
      %and3A_244 = arith.andi %sub3A_234, %and3A_243 : vector<16xi32>
      tpu.vector_store_idx %arg5[%shift_right_arithmetic3A_241, %and3A_244], %broadcast_in_dim3A_60 masked %lt3A_238 : memref<128x512xf32, #tpu.memory_space<vmem>>[vector<16xi32>, vector<16xi32>], vector<16xf32>, vector<16xi1>
    }
    %scan3A_70 = arith.constant 896 : i32
    %mul3A_71 = arith.constant 128 : i32
    %mul3A_72 = arith.muli %add3A_54, %mul3A_71 : i32
    "tpu.region"() ({
      %run_scoped3A = tpu.sem_alloc : memref<!tpu.dma_semaphore, #tpu.memory_space<semaphore_mem>>
      %dma_start3A = arith.constant 0 : i32
      %dma_start3A_73 = tpu.memref_slice %arg3[%select_n3A, %mul3A_72, %dma_start3A] : memref<16x512x512xf32, #tpu.memory_space<hbm>> -> memref<1x128x512xf32, #tpu.memory_space<hbm>>
      %dma_start3A_74 = tpu.memref_squeeze %dma_start3A_73 : memref<1x128x512xf32, #tpu.memory_space<hbm>> -> memref<128x512xf32, #tpu.memory_space<hbm>>
      %dma_start3A_75 = arith.constant 0 : i32
      %dma_start3A_76 = tpu.memref_slice %arg3[%select_n3A, %mul3A_72, %dma_start3A_75] : memref<16x512x512xf32, #tpu.memory_space<hbm>> -> memref<1x128x512xf32, #tpu.memory_space<hbm>>
      %dma_start3A_77 = tpu.memref_squeeze %dma_start3A_76 : memref<1x128x512xf32, #tpu.memory_space<hbm>> -> memref<128x512xf32, #tpu.memory_space<hbm>>
      tpu.enqueue_dma source(%arg5 : memref<128x512xf32, #tpu.memory_space<vmem>>) target(%dma_start3A_77 : memref<128x512xf32, #tpu.memory_space<hbm>>) target_semaphore(%run_scoped3A : memref<!tpu.dma_semaphore, #tpu.memory_space<semaphore_mem>>)
      %dma_wait3A = arith.constant 0 : i32
      %dma_wait3A_78 = tpu.memref_slice %arg3[%select_n3A, %mul3A_72, %dma_wait3A] : memref<16x512x512xf32, #tpu.memory_space<hbm>> -> memref<1x128x512xf32, #tpu.memory_space<hbm>>
      %dma_wait3A_79 = tpu.memref_squeeze %dma_wait3A_78 : memref<1x128x512xf32, #tpu.memory_space<hbm>> -> memref<128x512xf32, #tpu.memory_space<hbm>>
      %dma_wait3A_80 = arith.constant 0 : i32
      %dma_wait3A_81 = tpu.memref_slice %arg3[%select_n3A, %mul3A_72, %dma_wait3A_80] : memref<16x512x512xf32, #tpu.memory_space<hbm>> -> memref<1x128x512xf32, #tpu.memory_space<hbm>>
      %dma_wait3A_82 = tpu.memref_squeeze %dma_wait3A_81 : memref<1x128x512xf32, #tpu.memory_space<hbm>> -> memref<128x512xf32, #tpu.memory_space<hbm>>
      tpu.wait_dma2 semaphore(%run_scoped3A : memref<!tpu.dma_semaphore, #tpu.memory_space<semaphore_mem>>) src(%arg5 : memref<128x512xf32, #tpu.memory_space<vmem>>) dst(%dma_wait3A_82 : memref<128x512xf32, #tpu.memory_space<hbm>>)
      tpu.yield
    }) : () -> ()
    return
  }
}

#map = affine_map<(d0, d1) -> (0, 0)>
#map1 = affine_map<(d0, d1) -> (0, 0, 0)>
module attributes {stable_mosaic.version = 14 : i64} {
  func.func @_sc_scatter_body(%arg0: i32, %arg1: i32, %arg2: memref<64x14336xi32, #tpu.memory_space<hbm>>, %arg3: memref<16x512x512xf32, #tpu.memory_space<hbm>>, %arg4: memref<14336xi32, #tpu.memory_space<vmem>>, %arg5: memref<128x512xf32, #tpu.memory_space<vmem>>) attributes {dimension_semantics = [#tpu.dimension_semantics<core_parallel>, #tpu.dimension_semantics<subcore_parallel>], iteration_bounds = array<i64: 2, 16>, scalar_prefetch = 0 : i64, scratch_operands = 2 : i64, tpu.core_type = #tpu.core_type<sc_vector_subcore>, window_params = [{transform_indices = #map}, {transform_indices = #map1}]} {
    %mul3A = arith.constant 2 : i32
    %mul3A_0 = arith.muli %arg1, %mul3A : i32
    %add3A = arith.addi %mul3A_0, %arg0 : i32
    %jit3A = arith.constant 2 : i32
    %div3A = arith.divsi %add3A, %jit3A : i32
    %sign3A = arith.constant 0 : i32
    %sign3A_1 = arith.cmpi sgt, %add3A, %sign3A : i32
    %sign3A_2 = arith.extui %sign3A_1 : i1 to i32
    %sign3A_3 = arith.constant 0 : i32
    %sign3A_4 = arith.cmpi slt, %add3A, %sign3A_3 : i32
    %sign3A_5 = arith.extui %sign3A_4 : i1 to i32
    %sign3A_6 = arith.subi %sign3A_2, %sign3A_5 : i32
    %sign3A_7 = arith.constant 0 : i32
    %sign3A_8 = arith.cmpi sgt, %jit3A, %sign3A_7 : i32
    %sign3A_9 = arith.extui %sign3A_8 : i1 to i32
    %sign3A_10 = arith.constant 0 : i32
    %sign3A_11 = arith.cmpi slt, %jit3A, %sign3A_10 : i32
    %sign3A_12 = arith.extui %sign3A_11 : i1 to i32
    %sign3A_13 = arith.subi %sign3A_9, %sign3A_12 : i32
    %ne3A = arith.cmpi ne, %sign3A_6, %sign3A_13 : i32
    %rem3A = arith.remsi %add3A, %jit3A : i32
    %ne3A_14 = arith.constant 0 : i32
    %ne3A_15 = arith.cmpi ne, %rem3A, %ne3A_14 : i32
    %and3A = arith.andi %ne3A, %ne3A_15 : i1
    %sub3A = arith.constant 1 : i32
    %sub3A_16 = arith.subi %div3A, %sub3A : i32
    %select_n3A = arith.select %and3A, %sub3A_16, %div3A : i32
    %jit3A_17 = arith.constant 2 : i32
    %eq3A = arith.constant 0 : i32
    %eq3A_18 = arith.cmpi eq, %jit3A_17, %eq3A : i32
    %jit3A_19 = arith.constant 1 : i32
    %select_n3A_20 = arith.select %eq3A_18, %jit3A_19, %jit3A_17 : i32
    %rem3A_21 = arith.remsi %add3A, %select_n3A_20 : i32
    %ne3A_22 = arith.constant 0 : i32
    %ne3A_23 = arith.cmpi ne, %rem3A_21, %ne3A_22 : i32
    %lt3A = arith.constant 0 : i32
    %lt3A_24 = arith.cmpi slt, %rem3A_21, %lt3A : i32
    %lt3A_25 = arith.constant 0 : i32
    %lt3A_26 = arith.cmpi slt, %select_n3A_20, %lt3A_25 : i32
    %ne3A_27 = arith.xori %lt3A_24, %lt3A_26 : i1
    %and3A_28 = arith.andi %ne3A_27, %ne3A_23 : i1
    %add3A_29 = arith.addi %rem3A_21, %select_n3A_20 : i32
    %select_n3A_30 = arith.select %and3A_28, %add3A_29, %rem3A_21 : i32
    %mul3A_31 = arith.constant 2 : i32
    %mul3A_32 = arith.muli %select_n3A_30, %mul3A_31 : i32
    %add3A_33 = arith.constant 48 : i32
    %add3A_34 = arith.addi %add3A_33, %select_n3A : i32
    "tpu.region"() ({
      %run_scoped3A = tpu.sem_alloc : memref<!tpu.dma_semaphore, #tpu.memory_space<semaphore_mem>>
      %dma_start3A = arith.constant 0 : i32
      %dma_start3A_73 = tpu.memref_slice %arg2[%add3A_34, %dma_start3A] : memref<64x14336xi32, #tpu.memory_space<hbm>> -> memref<1x14336xi32, #tpu.memory_space<hbm>>
      %dma_start3A_74 = tpu.memref_squeeze %dma_start3A_73 : memref<1x14336xi32, #tpu.memory_space<hbm>> -> memref<14336xi32, #tpu.memory_space<hbm>>
      %dma_start3A_75 = arith.constant 0 : i32
      %dma_start3A_76 = tpu.memref_slice %arg2[%add3A_34, %dma_start3A_75] : memref<64x14336xi32, #tpu.memory_space<hbm>> -> memref<1x14336xi32, #tpu.memory_space<hbm>>
      %dma_start3A_77 = tpu.memref_squeeze %dma_start3A_76 : memref<1x14336xi32, #tpu.memory_space<hbm>> -> memref<14336xi32, #tpu.memory_space<hbm>>
      tpu.enqueue_dma source(%dma_start3A_77 : memref<14336xi32, #tpu.memory_space<hbm>>) target(%arg4 : memref<14336xi32, #tpu.memory_space<vmem>>) target_semaphore(%run_scoped3A : memref<!tpu.dma_semaphore, #tpu.memory_space<semaphore_mem>>)
      %dma_wait3A = arith.constant 0 : i32
      %dma_wait3A_78 = tpu.memref_slice %arg2[%add3A_34, %dma_wait3A] : memref<64x14336xi32, #tpu.memory_space<hbm>> -> memref<1x14336xi32, #tpu.memory_space<hbm>>
      %dma_wait3A_79 = tpu.memref_squeeze %dma_wait3A_78 : memref<1x14336xi32, #tpu.memory_space<hbm>> -> memref<14336xi32, #tpu.memory_space<hbm>>
      %dma_wait3A_80 = arith.constant 0 : i32
      %dma_wait3A_81 = tpu.memref_slice %arg2[%add3A_34, %dma_wait3A_80] : memref<64x14336xi32, #tpu.memory_space<hbm>> -> memref<1x14336xi32, #tpu.memory_space<hbm>>
      %dma_wait3A_82 = tpu.memref_squeeze %dma_wait3A_81 : memref<1x14336xi32, #tpu.memory_space<hbm>> -> memref<14336xi32, #tpu.memory_space<hbm>>
      tpu.wait_dma2 semaphore(%run_scoped3A : memref<!tpu.dma_semaphore, #tpu.memory_space<semaphore_mem>>) src(%dma_wait3A_82 : memref<14336xi32, #tpu.memory_space<hbm>>) dst(%arg4 : memref<14336xi32, #tpu.memory_space<vmem>>)
      tpu.yield
    }) : () -> ()
    %add3A_35 = arith.constant 0 : i32
    %add3A_36 = arith.addi %mul3A_32, %add3A_35 : i32
    %mul3A_37 = arith.constant 65536 : i32
    %mul3A_38 = arith.muli %add3A_36, %mul3A_37 : i32
    %broadcast_in_dim3A = arith.constant 0.000000e+00 : f32
    %broadcast_in_dim3A_39 = vector.broadcast %broadcast_in_dim3A : f32 to vector<16xf32>
    %broadcast_in_dim3A_40 = arith.constant 2.550000e+02 : f32
    %broadcast_in_dim3A_41 = vector.broadcast %broadcast_in_dim3A_40 : f32 to vector<16xf32>
    %scan3A = arith.constant 0 : i32
    %scan3A_42 = arith.constant 128 : i32
    %scan3A_43 = arith.addi %scan3A, %scan3A_42 : i32
    %scan3A_44 = arith.constant 1 : i32
    scf.for %scan3A_73 = %scan3A to %scan3A_43 step %scan3A_44  : i32 {
      %mul3A_74 = arith.constant 1 : i32
      %mul3A_75 = arith.muli %scan3A_73, %mul3A_74 : i32
      %add3A_76 = arith.constant 0 : i32
      %add3A_77 = arith.addi %add3A_76, %mul3A_75 : i32
      %swap3A = arith.index_cast %add3A_77 : i32 to index
      %swap3A_78 = arith.constant 0 : index
      %swap3A_79 = tpu.vector_load %arg5[%swap3A, %swap3A_78] {strides = array<i32>} : memref<128x512xf32, #tpu.memory_space<vmem>>, vector<16xf32>,
      tpu.vector_store %arg5[%swap3A, %swap3A_78], %broadcast_in_dim3A_39 {strides = array<i32>} : memref<128x512xf32, #tpu.memory_space<vmem>>, vector<16xf32>,
      %swap3A_80 = arith.index_cast %add3A_77 : i32 to index
      %swap3A_81 = arith.constant 16 : index
      %swap3A_82 = tpu.vector_load %arg5[%swap3A_80, %swap3A_81] {strides = array<i32>} : memref<128x512xf32, #tpu.memory_space<vmem>>, vector<16xf32>,
      tpu.vector_store %arg5[%swap3A_80, %swap3A_81], %broadcast_in_dim3A_39 {strides = array<i32>} : memref<128x512xf32, #tpu.memory_space<vmem>>, vector<16xf32>,
      %swap3A_83 = arith.index_cast %add3A_77 : i32 to index
      %swap3A_84 = arith.constant 32 : index
      %swap3A_85 = tpu.vector_load %arg5[%swap3A_83, %swap3A_84] {strides = array<i32>} : memref<128x512xf32, #tpu.memory_space<vmem>>, vector<16xf32>,
      tpu.vector_store %arg5[%swap3A_83, %swap3A_84], %broadcast_in_dim3A_39 {strides = array<i32>} : memref<128x512xf32, #tpu.memory_space<vmem>>, vector<16xf32>,
      %swap3A_86 = arith.index_cast %add3A_77 : i32 to index
      %swap3A_87 = arith.constant 48 : index
      %swap3A_88 = tpu.vector_load %arg5[%swap3A_86, %swap3A_87] {strides = array<i32>} : memref<128x512xf32, #tpu.memory_space<vmem>>, vector<16xf32>,
      tpu.vector_store %arg5[%swap3A_86, %swap3A_87], %broadcast_in_dim3A_39 {strides = array<i32>} : memref<128x512xf32, #tpu.memory_space<vmem>>, vector<16xf32>,
      %swap3A_89 = arith.index_cast %add3A_77 : i32 to index
      %swap3A_90 = arith.constant 64 : index
      %swap3A_91 = tpu.vector_load %arg5[%swap3A_89, %swap3A_90] {strides = array<i32>} : memref<128x512xf32, #tpu.memory_space<vmem>>, vector<16xf32>,
      tpu.vector_store %arg5[%swap3A_89, %swap3A_90], %broadcast_in_dim3A_39 {strides = array<i32>} : memref<128x512xf32, #tpu.memory_space<vmem>>, vector<16xf32>,
      %swap3A_92 = arith.index_cast %add3A_77 : i32 to index
      %swap3A_93 = arith.constant 80 : index
      %swap3A_94 = tpu.vector_load %arg5[%swap3A_92, %swap3A_93] {strides = array<i32>} : memref<128x512xf32, #tpu.memory_space<vmem>>, vector<16xf32>,
      tpu.vector_store %arg5[%swap3A_92, %swap3A_93], %broadcast_in_dim3A_39 {strides = array<i32>} : memref<128x512xf32, #tpu.memory_space<vmem>>, vector<16xf32>,
      %swap3A_95 = arith.index_cast %add3A_77 : i32 to index
      %swap3A_96 = arith.constant 96 : index
      %swap3A_97 = tpu.vector_load %arg5[%swap3A_95, %swap3A_96] {strides = array<i32>} : memref<128x512xf32, #tpu.memory_space<vmem>>, vector<16xf32>,
      tpu.vector_store %arg5[%swap3A_95, %swap3A_96], %broadcast_in_dim3A_39 {strides = array<i32>} : memref<128x512xf32, #tpu.memory_space<vmem>>, vector<16xf32>,
      %swap3A_98 = arith.index_cast %add3A_77 : i32 to index
      %swap3A_99 = arith.constant 112 : index
      %swap3A_100 = tpu.vector_load %arg5[%swap3A_98, %swap3A_99] {strides = array<i32>} : memref<128x512xf32, #tpu.memory_space<vmem>>, vector<16xf32>,
      tpu.vector_store %arg5[%swap3A_98, %swap3A_99], %broadcast_in_dim3A_39 {strides = array<i32>} : memref<128x512xf32, #tpu.memory_space<vmem>>, vector<16xf32>,
      %swap3A_101 = arith.index_cast %add3A_77 : i32 to index
      %swap3A_102 = arith.constant 128 : index
      %swap3A_103 = tpu.vector_load %arg5[%swap3A_101, %swap3A_102] {strides = array<i32>} : memref<128x512xf32, #tpu.memory_space<vmem>>, vector<16xf32>,
      tpu.vector_store %arg5[%swap3A_101, %swap3A_102], %broadcast_in_dim3A_39 {strides = array<i32>} : memref<128x512xf32, #tpu.memory_space<vmem>>, vector<16xf32>,
      %swap3A_104 = arith.index_cast %add3A_77 : i32 to index
      %swap3A_105 = arith.constant 144 : index
      %swap3A_106 = tpu.vector_load %arg5[%swap3A_104, %swap3A_105] {strides = array<i32>} : memref<128x512xf32, #tpu.memory_space<vmem>>, vector<16xf32>,
      tpu.vector_store %arg5[%swap3A_104, %swap3A_105], %broadcast_in_dim3A_39 {strides = array<i32>} : memref<128x512xf32, #tpu.memory_space<vmem>>, vector<16xf32>,
      %swap3A_107 = arith.index_cast %add3A_77 : i32 to index
      %swap3A_108 = arith.constant 160 : index
      %swap3A_109 = tpu.vector_load %arg5[%swap3A_107, %swap3A_108] {strides = array<i32>} : memref<128x512xf32, #tpu.memory_space<vmem>>, vector<16xf32>,
      tpu.vector_store %arg5[%swap3A_107, %swap3A_108], %broadcast_in_dim3A_39 {strides = array<i32>} : memref<128x512xf32, #tpu.memory_space<vmem>>, vector<16xf32>,
      %swap3A_110 = arith.index_cast %add3A_77 : i32 to index
      %swap3A_111 = arith.constant 176 : index
      %swap3A_112 = tpu.vector_load %arg5[%swap3A_110, %swap3A_111] {strides = array<i32>} : memref<128x512xf32, #tpu.memory_space<vmem>>, vector<16xf32>,
      tpu.vector_store %arg5[%swap3A_110, %swap3A_111], %broadcast_in_dim3A_39 {strides = array<i32>} : memref<128x512xf32, #tpu.memory_space<vmem>>, vector<16xf32>,
      %swap3A_113 = arith.index_cast %add3A_77 : i32 to index
      %swap3A_114 = arith.constant 192 : index
      %swap3A_115 = tpu.vector_load %arg5[%swap3A_113, %swap3A_114] {strides = array<i32>} : memref<128x512xf32, #tpu.memory_space<vmem>>, vector<16xf32>,
      tpu.vector_store %arg5[%swap3A_113, %swap3A_114], %broadcast_in_dim3A_39 {strides = array<i32>} : memref<128x512xf32, #tpu.memory_space<vmem>>, vector<16xf32>,
      %swap3A_116 = arith.index_cast %add3A_77 : i32 to index
      %swap3A_117 = arith.constant 208 : index
      %swap3A_118 = tpu.vector_load %arg5[%swap3A_116, %swap3A_117] {strides = array<i32>} : memref<128x512xf32, #tpu.memory_space<vmem>>, vector<16xf32>,
      tpu.vector_store %arg5[%swap3A_116, %swap3A_117], %broadcast_in_dim3A_39 {strides = array<i32>} : memref<128x512xf32, #tpu.memory_space<vmem>>, vector<16xf32>,
      %swap3A_119 = arith.index_cast %add3A_77 : i32 to index
      %swap3A_120 = arith.constant 224 : index
      %swap3A_121 = tpu.vector_load %arg5[%swap3A_119, %swap3A_120] {strides = array<i32>} : memref<128x512xf32, #tpu.memory_space<vmem>>, vector<16xf32>,
      tpu.vector_store %arg5[%swap3A_119, %swap3A_120], %broadcast_in_dim3A_39 {strides = array<i32>} : memref<128x512xf32, #tpu.memory_space<vmem>>, vector<16xf32>,
      %swap3A_122 = arith.index_cast %add3A_77 : i32 to index
      %swap3A_123 = arith.constant 240 : index
      %swap3A_124 = tpu.vector_load %arg5[%swap3A_122, %swap3A_123] {strides = array<i32>} : memref<128x512xf32, #tpu.memory_space<vmem>>, vector<16xf32>,
      tpu.vector_store %arg5[%swap3A_122, %swap3A_123], %broadcast_in_dim3A_39 {strides = array<i32>} : memref<128x512xf32, #tpu.memory_space<vmem>>, vector<16xf32>,
      %swap3A_125 = arith.index_cast %add3A_77 : i32 to index
      %swap3A_126 = arith.constant 256 : index
      %swap3A_127 = tpu.vector_load %arg5[%swap3A_125, %swap3A_126] {strides = array<i32>} : memref<128x512xf32, #tpu.memory_space<vmem>>, vector<16xf32>,
      tpu.vector_store %arg5[%swap3A_125, %swap3A_126], %broadcast_in_dim3A_39 {strides = array<i32>} : memref<128x512xf32, #tpu.memory_space<vmem>>, vector<16xf32>,
      %swap3A_128 = arith.index_cast %add3A_77 : i32 to index
      %swap3A_129 = arith.constant 272 : index
      %swap3A_130 = tpu.vector_load %arg5[%swap3A_128, %swap3A_129] {strides = array<i32>} : memref<128x512xf32, #tpu.memory_space<vmem>>, vector<16xf32>,
      tpu.vector_store %arg5[%swap3A_128, %swap3A_129], %broadcast_in_dim3A_39 {strides = array<i32>} : memref<128x512xf32, #tpu.memory_space<vmem>>, vector<16xf32>,
      %swap3A_131 = arith.index_cast %add3A_77 : i32 to index
      %swap3A_132 = arith.constant 288 : index
      %swap3A_133 = tpu.vector_load %arg5[%swap3A_131, %swap3A_132] {strides = array<i32>} : memref<128x512xf32, #tpu.memory_space<vmem>>, vector<16xf32>,
      tpu.vector_store %arg5[%swap3A_131, %swap3A_132], %broadcast_in_dim3A_39 {strides = array<i32>} : memref<128x512xf32, #tpu.memory_space<vmem>>, vector<16xf32>,
      %swap3A_134 = arith.index_cast %add3A_77 : i32 to index
      %swap3A_135 = arith.constant 304 : index
      %swap3A_136 = tpu.vector_load %arg5[%swap3A_134, %swap3A_135] {strides = array<i32>} : memref<128x512xf32, #tpu.memory_space<vmem>>, vector<16xf32>,
      tpu.vector_store %arg5[%swap3A_134, %swap3A_135], %broadcast_in_dim3A_39 {strides = array<i32>} : memref<128x512xf32, #tpu.memory_space<vmem>>, vector<16xf32>,
      %swap3A_137 = arith.index_cast %add3A_77 : i32 to index
      %swap3A_138 = arith.constant 320 : index
      %swap3A_139 = tpu.vector_load %arg5[%swap3A_137, %swap3A_138] {strides = array<i32>} : memref<128x512xf32, #tpu.memory_space<vmem>>, vector<16xf32>,
      tpu.vector_store %arg5[%swap3A_137, %swap3A_138], %broadcast_in_dim3A_39 {strides = array<i32>} : memref<128x512xf32, #tpu.memory_space<vmem>>, vector<16xf32>,
      %swap3A_140 = arith.index_cast %add3A_77 : i32 to index
      %swap3A_141 = arith.constant 336 : index
      %swap3A_142 = tpu.vector_load %arg5[%swap3A_140, %swap3A_141] {strides = array<i32>} : memref<128x512xf32, #tpu.memory_space<vmem>>, vector<16xf32>,
      tpu.vector_store %arg5[%swap3A_140, %swap3A_141], %broadcast_in_dim3A_39 {strides = array<i32>} : memref<128x512xf32, #tpu.memory_space<vmem>>, vector<16xf32>,
      %swap3A_143 = arith.index_cast %add3A_77 : i32 to index
      %swap3A_144 = arith.constant 352 : index
      %swap3A_145 = tpu.vector_load %arg5[%swap3A_143, %swap3A_144] {strides = array<i32>} : memref<128x512xf32, #tpu.memory_space<vmem>>, vector<16xf32>,
      tpu.vector_store %arg5[%swap3A_143, %swap3A_144], %broadcast_in_dim3A_39 {strides = array<i32>} : memref<128x512xf32, #tpu.memory_space<vmem>>, vector<16xf32>,
      %swap3A_146 = arith.index_cast %add3A_77 : i32 to index
      %swap3A_147 = arith.constant 368 : index
      %swap3A_148 = tpu.vector_load %arg5[%swap3A_146, %swap3A_147] {strides = array<i32>} : memref<128x512xf32, #tpu.memory_space<vmem>>, vector<16xf32>,
      tpu.vector_store %arg5[%swap3A_146, %swap3A_147], %broadcast_in_dim3A_39 {strides = array<i32>} : memref<128x512xf32, #tpu.memory_space<vmem>>, vector<16xf32>,
      %swap3A_149 = arith.index_cast %add3A_77 : i32 to index
      %swap3A_150 = arith.constant 384 : index
      %swap3A_151 = tpu.vector_load %arg5[%swap3A_149, %swap3A_150] {strides = array<i32>} : memref<128x512xf32, #tpu.memory_space<vmem>>, vector<16xf32>,
      tpu.vector_store %arg5[%swap3A_149, %swap3A_150], %broadcast_in_dim3A_39 {strides = array<i32>} : memref<128x512xf32, #tpu.memory_space<vmem>>, vector<16xf32>,
      %swap3A_152 = arith.index_cast %add3A_77 : i32 to index
      %swap3A_153 = arith.constant 400 : index
      %swap3A_154 = tpu.vector_load %arg5[%swap3A_152, %swap3A_153] {strides = array<i32>} : memref<128x512xf32, #tpu.memory_space<vmem>>, vector<16xf32>,
      tpu.vector_store %arg5[%swap3A_152, %swap3A_153], %broadcast_in_dim3A_39 {strides = array<i32>} : memref<128x512xf32, #tpu.memory_space<vmem>>, vector<16xf32>,
      %swap3A_155 = arith.index_cast %add3A_77 : i32 to index
      %swap3A_156 = arith.constant 416 : index
      %swap3A_157 = tpu.vector_load %arg5[%swap3A_155, %swap3A_156] {strides = array<i32>} : memref<128x512xf32, #tpu.memory_space<vmem>>, vector<16xf32>,
      tpu.vector_store %arg5[%swap3A_155, %swap3A_156], %broadcast_in_dim3A_39 {strides = array<i32>} : memref<128x512xf32, #tpu.memory_space<vmem>>, vector<16xf32>,
      %swap3A_158 = arith.index_cast %add3A_77 : i32 to index
      %swap3A_159 = arith.constant 432 : index
      %swap3A_160 = tpu.vector_load %arg5[%swap3A_158, %swap3A_159] {strides = array<i32>} : memref<128x512xf32, #tpu.memory_space<vmem>>, vector<16xf32>,
      tpu.vector_store %arg5[%swap3A_158, %swap3A_159], %broadcast_in_dim3A_39 {strides = array<i32>} : memref<128x512xf32, #tpu.memory_space<vmem>>, vector<16xf32>,
      %swap3A_161 = arith.index_cast %add3A_77 : i32 to index
      %swap3A_162 = arith.constant 448 : index
      %swap3A_163 = tpu.vector_load %arg5[%swap3A_161, %swap3A_162] {strides = array<i32>} : memref<128x512xf32, #tpu.memory_space<vmem>>, vector<16xf32>,
      tpu.vector_store %arg5[%swap3A_161, %swap3A_162], %broadcast_in_dim3A_39 {strides = array<i32>} : memref<128x512xf32, #tpu.memory_space<vmem>>, vector<16xf32>,
      %swap3A_164 = arith.index_cast %add3A_77 : i32 to index
      %swap3A_165 = arith.constant 464 : index
      %swap3A_166 = tpu.vector_load %arg5[%swap3A_164, %swap3A_165] {strides = array<i32>} : memref<128x512xf32, #tpu.memory_space<vmem>>, vector<16xf32>,
      tpu.vector_store %arg5[%swap3A_164, %swap3A_165], %broadcast_in_dim3A_39 {strides = array<i32>} : memref<128x512xf32, #tpu.memory_space<vmem>>, vector<16xf32>,
      %swap3A_167 = arith.index_cast %add3A_77 : i32 to index
      %swap3A_168 = arith.constant 480 : index
      %swap3A_169 = tpu.vector_load %arg5[%swap3A_167, %swap3A_168] {strides = array<i32>} : memref<128x512xf32, #tpu.memory_space<vmem>>, vector<16xf32>,
      tpu.vector_store %arg5[%swap3A_167, %swap3A_168], %broadcast_in_dim3A_39 {strides = array<i32>} : memref<128x512xf32, #tpu.memory_space<vmem>>, vector<16xf32>,
      %swap3A_170 = arith.index_cast %add3A_77 : i32 to index
      %swap3A_171 = arith.constant 496 : index
      %swap3A_172 = tpu.vector_load %arg5[%swap3A_170, %swap3A_171] {strides = array<i32>} : memref<128x512xf32, #tpu.memory_space<vmem>>, vector<16xf32>,
      tpu.vector_store %arg5[%swap3A_170, %swap3A_171], %broadcast_in_dim3A_39 {strides = array<i32>} : memref<128x512xf32, #tpu.memory_space<vmem>>, vector<16xf32>,
    }
    %scan3A_45 = arith.constant 128 : i32
    %scan3A_46 = arith.constant 0 : i32
    %scan3A_47 = arith.constant 896 : i32
    %scan3A_48 = arith.addi %scan3A_46, %scan3A_47 : i32
    %scan3A_49 = arith.constant 8 : i32
    scf.for %scan3A_73 = %scan3A_46 to %scan3A_48 step %scan3A_49  : i32 {
      %mul3A_74 = arith.constant 1 : i32
      %mul3A_75 = arith.muli %scan3A_73, %mul3A_74 : i32
      %add3A_76 = arith.constant 0 : i32
      %add3A_77 = arith.addi %add3A_76, %mul3A_75 : i32
      %mul3A_78 = arith.constant 16 : i32
      %mul3A_79 = arith.muli %add3A_77, %mul3A_78 : i32
      %get3A = arith.index_cast %mul3A_79 : i32 to index
      %get3A_80 = tpu.vector_load %arg4[%get3A] {strides = array<i32>} : memref<14336xi32, #tpu.memory_space<vmem>>, vector<16xi32>,
      %sub3A_81 = vector.broadcast %mul3A_38 : i32 to vector<16xi32>
      %sub3A_82 = arith.subi %get3A_80, %sub3A_81 : vector<16xi32>
      %bitcast_convert_type3A = tpu.bitcast %sub3A_82 : vector<16xi32> -> vector<16xi32>
      %lt3A_83 = arith.constant 65536 : i32
      %lt3A_84 = vector.broadcast %lt3A_83 : i32 to vector<16xi32>
      %lt3A_85 = arith.cmpi ult, %bitcast_convert_type3A, %lt3A_84 : vector<16xi32>
      %shift_right_arithmetic3A = arith.constant 9 : i32
      %shift_right_arithmetic3A_86 = vector.broadcast %shift_right_arithmetic3A : i32 to vector<16xi32>
      %shift_right_arithmetic3A_87 = arith.shrsi %sub3A_82, %shift_right_arithmetic3A_86 : vector<16xi32>
      %and3A_88 = arith.constant 511 : i32
      %and3A_89 = vector.broadcast %and3A_88 : i32 to vector<16xi32>
      %and3A_90 = arith.andi %sub3A_82, %and3A_89 : vector<16xi32>
      tpu.vector_store_idx %arg5[%shift_right_arithmetic3A_87, %and3A_90], %broadcast_in_dim3A_41 masked %lt3A_85 : memref<128x512xf32, #tpu.memory_space<vmem>>[vector<16xi32>, vector<16xi32>], vector<16xf32>, vector<16xi1>
      %scan3A_91 = arith.constant 1 : i32
      %scan3A_92 = arith.addi %scan3A_73, %scan3A_91 : i32
      %mul3A_93 = arith.constant 1 : i32
      %mul3A_94 = arith.muli %scan3A_92, %mul3A_93 : i32
      %add3A_95 = arith.constant 0 : i32
      %add3A_96 = arith.addi %add3A_95, %mul3A_94 : i32
      %mul3A_97 = arith.constant 16 : i32
      %mul3A_98 = arith.muli %add3A_96, %mul3A_97 : i32
      %get3A_99 = arith.index_cast %mul3A_98 : i32 to index
      %get3A_100 = tpu.vector_load %arg4[%get3A_99] {strides = array<i32>} : memref<14336xi32, #tpu.memory_space<vmem>>, vector<16xi32>,
      %sub3A_101 = vector.broadcast %mul3A_38 : i32 to vector<16xi32>
      %sub3A_102 = arith.subi %get3A_100, %sub3A_101 : vector<16xi32>
      %bitcast_convert_type3A_103 = tpu.bitcast %sub3A_102 : vector<16xi32> -> vector<16xi32>
      %lt3A_104 = arith.constant 65536 : i32
      %lt3A_105 = vector.broadcast %lt3A_104 : i32 to vector<16xi32>
      %lt3A_106 = arith.cmpi ult, %bitcast_convert_type3A_103, %lt3A_105 : vector<16xi32>
      %shift_right_arithmetic3A_107 = arith.constant 9 : i32
      %shift_right_arithmetic3A_108 = vector.broadcast %shift_right_arithmetic3A_107 : i32 to vector<16xi32>
      %shift_right_arithmetic3A_109 = arith.shrsi %sub3A_102, %shift_right_arithmetic3A_108 : vector<16xi32>
      %and3A_110 = arith.constant 511 : i32
      %and3A_111 = vector.broadcast %and3A_110 : i32 to vector<16xi32>
      %and3A_112 = arith.andi %sub3A_102, %and3A_111 : vector<16xi32>
      tpu.vector_store_idx %arg5[%shift_right_arithmetic3A_109, %and3A_112], %broadcast_in_dim3A_41 masked %lt3A_106 : memref<128x512xf32, #tpu.memory_space<vmem>>[vector<16xi32>, vector<16xi32>], vector<16xf32>, vector<16xi1>
      %scan3A_113 = arith.constant 2 : i32
      %scan3A_114 = arith.addi %scan3A_73, %scan3A_113 : i32
      %mul3A_115 = arith.constant 1 : i32
      %mul3A_116 = arith.muli %scan3A_114, %mul3A_115 : i32
      %add3A_117 = arith.constant 0 : i32
      %add3A_118 = arith.addi %add3A_117, %mul3A_116 : i32
      %mul3A_119 = arith.constant 16 : i32
      %mul3A_120 = arith.muli %add3A_118, %mul3A_119 : i32
      %get3A_121 = arith.index_cast %mul3A_120 : i32 to index
      %get3A_122 = tpu.vector_load %arg4[%get3A_121] {strides = array<i32>} : memref<14336xi32, #tpu.memory_space<vmem>>, vector<16xi32>,
      %sub3A_123 = vector.broadcast %mul3A_38 : i32 to vector<16xi32>
      %sub3A_124 = arith.subi %get3A_122, %sub3A_123 : vector<16xi32>
      %bitcast_convert_type3A_125 = tpu.bitcast %sub3A_124 : vector<16xi32> -> vector<16xi32>
      %lt3A_126 = arith.constant 65536 : i32
      %lt3A_127 = vector.broadcast %lt3A_126 : i32 to vector<16xi32>
      %lt3A_128 = arith.cmpi ult, %bitcast_convert_type3A_125, %lt3A_127 : vector<16xi32>
      %shift_right_arithmetic3A_129 = arith.constant 9 : i32
      %shift_right_arithmetic3A_130 = vector.broadcast %shift_right_arithmetic3A_129 : i32 to vector<16xi32>
      %shift_right_arithmetic3A_131 = arith.shrsi %sub3A_124, %shift_right_arithmetic3A_130 : vector<16xi32>
      %and3A_132 = arith.constant 511 : i32
      %and3A_133 = vector.broadcast %and3A_132 : i32 to vector<16xi32>
      %and3A_134 = arith.andi %sub3A_124, %and3A_133 : vector<16xi32>
      tpu.vector_store_idx %arg5[%shift_right_arithmetic3A_131, %and3A_134], %broadcast_in_dim3A_41 masked %lt3A_128 : memref<128x512xf32, #tpu.memory_space<vmem>>[vector<16xi32>, vector<16xi32>], vector<16xf32>, vector<16xi1>
      %scan3A_135 = arith.constant 3 : i32
      %scan3A_136 = arith.addi %scan3A_73, %scan3A_135 : i32
      %mul3A_137 = arith.constant 1 : i32
      %mul3A_138 = arith.muli %scan3A_136, %mul3A_137 : i32
      %add3A_139 = arith.constant 0 : i32
      %add3A_140 = arith.addi %add3A_139, %mul3A_138 : i32
      %mul3A_141 = arith.constant 16 : i32
      %mul3A_142 = arith.muli %add3A_140, %mul3A_141 : i32
      %get3A_143 = arith.index_cast %mul3A_142 : i32 to index
      %get3A_144 = tpu.vector_load %arg4[%get3A_143] {strides = array<i32>} : memref<14336xi32, #tpu.memory_space<vmem>>, vector<16xi32>,
      %sub3A_145 = vector.broadcast %mul3A_38 : i32 to vector<16xi32>
      %sub3A_146 = arith.subi %get3A_144, %sub3A_145 : vector<16xi32>
      %bitcast_convert_type3A_147 = tpu.bitcast %sub3A_146 : vector<16xi32> -> vector<16xi32>
      %lt3A_148 = arith.constant 65536 : i32
      %lt3A_149 = vector.broadcast %lt3A_148 : i32 to vector<16xi32>
      %lt3A_150 = arith.cmpi ult, %bitcast_convert_type3A_147, %lt3A_149 : vector<16xi32>
      %shift_right_arithmetic3A_151 = arith.constant 9 : i32
      %shift_right_arithmetic3A_152 = vector.broadcast %shift_right_arithmetic3A_151 : i32 to vector<16xi32>
      %shift_right_arithmetic3A_153 = arith.shrsi %sub3A_146, %shift_right_arithmetic3A_152 : vector<16xi32>
      %and3A_154 = arith.constant 511 : i32
      %and3A_155 = vector.broadcast %and3A_154 : i32 to vector<16xi32>
      %and3A_156 = arith.andi %sub3A_146, %and3A_155 : vector<16xi32>
      tpu.vector_store_idx %arg5[%shift_right_arithmetic3A_153, %and3A_156], %broadcast_in_dim3A_41 masked %lt3A_150 : memref<128x512xf32, #tpu.memory_space<vmem>>[vector<16xi32>, vector<16xi32>], vector<16xf32>, vector<16xi1>
      %scan3A_157 = arith.constant 4 : i32
      %scan3A_158 = arith.addi %scan3A_73, %scan3A_157 : i32
      %mul3A_159 = arith.constant 1 : i32
      %mul3A_160 = arith.muli %scan3A_158, %mul3A_159 : i32
      %add3A_161 = arith.constant 0 : i32
      %add3A_162 = arith.addi %add3A_161, %mul3A_160 : i32
      %mul3A_163 = arith.constant 16 : i32
      %mul3A_164 = arith.muli %add3A_162, %mul3A_163 : i32
      %get3A_165 = arith.index_cast %mul3A_164 : i32 to index
      %get3A_166 = tpu.vector_load %arg4[%get3A_165] {strides = array<i32>} : memref<14336xi32, #tpu.memory_space<vmem>>, vector<16xi32>,
      %sub3A_167 = vector.broadcast %mul3A_38 : i32 to vector<16xi32>
      %sub3A_168 = arith.subi %get3A_166, %sub3A_167 : vector<16xi32>
      %bitcast_convert_type3A_169 = tpu.bitcast %sub3A_168 : vector<16xi32> -> vector<16xi32>
      %lt3A_170 = arith.constant 65536 : i32
      %lt3A_171 = vector.broadcast %lt3A_170 : i32 to vector<16xi32>
      %lt3A_172 = arith.cmpi ult, %bitcast_convert_type3A_169, %lt3A_171 : vector<16xi32>
      %shift_right_arithmetic3A_173 = arith.constant 9 : i32
      %shift_right_arithmetic3A_174 = vector.broadcast %shift_right_arithmetic3A_173 : i32 to vector<16xi32>
      %shift_right_arithmetic3A_175 = arith.shrsi %sub3A_168, %shift_right_arithmetic3A_174 : vector<16xi32>
      %and3A_176 = arith.constant 511 : i32
      %and3A_177 = vector.broadcast %and3A_176 : i32 to vector<16xi32>
      %and3A_178 = arith.andi %sub3A_168, %and3A_177 : vector<16xi32>
      tpu.vector_store_idx %arg5[%shift_right_arithmetic3A_175, %and3A_178], %broadcast_in_dim3A_41 masked %lt3A_172 : memref<128x512xf32, #tpu.memory_space<vmem>>[vector<16xi32>, vector<16xi32>], vector<16xf32>, vector<16xi1>
      %scan3A_179 = arith.constant 5 : i32
      %scan3A_180 = arith.addi %scan3A_73, %scan3A_179 : i32
      %mul3A_181 = arith.constant 1 : i32
      %mul3A_182 = arith.muli %scan3A_180, %mul3A_181 : i32
      %add3A_183 = arith.constant 0 : i32
      %add3A_184 = arith.addi %add3A_183, %mul3A_182 : i32
      %mul3A_185 = arith.constant 16 : i32
      %mul3A_186 = arith.muli %add3A_184, %mul3A_185 : i32
      %get3A_187 = arith.index_cast %mul3A_186 : i32 to index
      %get3A_188 = tpu.vector_load %arg4[%get3A_187] {strides = array<i32>} : memref<14336xi32, #tpu.memory_space<vmem>>, vector<16xi32>,
      %sub3A_189 = vector.broadcast %mul3A_38 : i32 to vector<16xi32>
      %sub3A_190 = arith.subi %get3A_188, %sub3A_189 : vector<16xi32>
      %bitcast_convert_type3A_191 = tpu.bitcast %sub3A_190 : vector<16xi32> -> vector<16xi32>
      %lt3A_192 = arith.constant 65536 : i32
      %lt3A_193 = vector.broadcast %lt3A_192 : i32 to vector<16xi32>
      %lt3A_194 = arith.cmpi ult, %bitcast_convert_type3A_191, %lt3A_193 : vector<16xi32>
      %shift_right_arithmetic3A_195 = arith.constant 9 : i32
      %shift_right_arithmetic3A_196 = vector.broadcast %shift_right_arithmetic3A_195 : i32 to vector<16xi32>
      %shift_right_arithmetic3A_197 = arith.shrsi %sub3A_190, %shift_right_arithmetic3A_196 : vector<16xi32>
      %and3A_198 = arith.constant 511 : i32
      %and3A_199 = vector.broadcast %and3A_198 : i32 to vector<16xi32>
      %and3A_200 = arith.andi %sub3A_190, %and3A_199 : vector<16xi32>
      tpu.vector_store_idx %arg5[%shift_right_arithmetic3A_197, %and3A_200], %broadcast_in_dim3A_41 masked %lt3A_194 : memref<128x512xf32, #tpu.memory_space<vmem>>[vector<16xi32>, vector<16xi32>], vector<16xf32>, vector<16xi1>
      %scan3A_201 = arith.constant 6 : i32
      %scan3A_202 = arith.addi %scan3A_73, %scan3A_201 : i32
      %mul3A_203 = arith.constant 1 : i32
      %mul3A_204 = arith.muli %scan3A_202, %mul3A_203 : i32
      %add3A_205 = arith.constant 0 : i32
      %add3A_206 = arith.addi %add3A_205, %mul3A_204 : i32
      %mul3A_207 = arith.constant 16 : i32
      %mul3A_208 = arith.muli %add3A_206, %mul3A_207 : i32
      %get3A_209 = arith.index_cast %mul3A_208 : i32 to index
      %get3A_210 = tpu.vector_load %arg4[%get3A_209] {strides = array<i32>} : memref<14336xi32, #tpu.memory_space<vmem>>, vector<16xi32>,
      %sub3A_211 = vector.broadcast %mul3A_38 : i32 to vector<16xi32>
      %sub3A_212 = arith.subi %get3A_210, %sub3A_211 : vector<16xi32>
      %bitcast_convert_type3A_213 = tpu.bitcast %sub3A_212 : vector<16xi32> -> vector<16xi32>
      %lt3A_214 = arith.constant 65536 : i32
      %lt3A_215 = vector.broadcast %lt3A_214 : i32 to vector<16xi32>
      %lt3A_216 = arith.cmpi ult, %bitcast_convert_type3A_213, %lt3A_215 : vector<16xi32>
      %shift_right_arithmetic3A_217 = arith.constant 9 : i32
      %shift_right_arithmetic3A_218 = vector.broadcast %shift_right_arithmetic3A_217 : i32 to vector<16xi32>
      %shift_right_arithmetic3A_219 = arith.shrsi %sub3A_212, %shift_right_arithmetic3A_218 : vector<16xi32>
      %and3A_220 = arith.constant 511 : i32
      %and3A_221 = vector.broadcast %and3A_220 : i32 to vector<16xi32>
      %and3A_222 = arith.andi %sub3A_212, %and3A_221 : vector<16xi32>
      tpu.vector_store_idx %arg5[%shift_right_arithmetic3A_219, %and3A_222], %broadcast_in_dim3A_41 masked %lt3A_216 : memref<128x512xf32, #tpu.memory_space<vmem>>[vector<16xi32>, vector<16xi32>], vector<16xf32>, vector<16xi1>
      %scan3A_223 = arith.constant 7 : i32
      %scan3A_224 = arith.addi %scan3A_73, %scan3A_223 : i32
      %mul3A_225 = arith.constant 1 : i32
      %mul3A_226 = arith.muli %scan3A_224, %mul3A_225 : i32
      %add3A_227 = arith.constant 0 : i32
      %add3A_228 = arith.addi %add3A_227, %mul3A_226 : i32
      %mul3A_229 = arith.constant 16 : i32
      %mul3A_230 = arith.muli %add3A_228, %mul3A_229 : i32
      %get3A_231 = arith.index_cast %mul3A_230 : i32 to index
      %get3A_232 = tpu.vector_load %arg4[%get3A_231] {strides = array<i32>} : memref<14336xi32, #tpu.memory_space<vmem>>, vector<16xi32>,
      %sub3A_233 = vector.broadcast %mul3A_38 : i32 to vector<16xi32>
      %sub3A_234 = arith.subi %get3A_232, %sub3A_233 : vector<16xi32>
      %bitcast_convert_type3A_235 = tpu.bitcast %sub3A_234 : vector<16xi32> -> vector<16xi32>
      %lt3A_236 = arith.constant 65536 : i32
      %lt3A_237 = vector.broadcast %lt3A_236 : i32 to vector<16xi32>
      %lt3A_238 = arith.cmpi ult, %bitcast_convert_type3A_235, %lt3A_237 : vector<16xi32>
      %shift_right_arithmetic3A_239 = arith.constant 9 : i32
      %shift_right_arithmetic3A_240 = vector.broadcast %shift_right_arithmetic3A_239 : i32 to vector<16xi32>
      %shift_right_arithmetic3A_241 = arith.shrsi %sub3A_234, %shift_right_arithmetic3A_240 : vector<16xi32>
      %and3A_242 = arith.constant 511 : i32
      %and3A_243 = vector.broadcast %and3A_242 : i32 to vector<16xi32>
      %and3A_244 = arith.andi %sub3A_234, %and3A_243 : vector<16xi32>
      tpu.vector_store_idx %arg5[%shift_right_arithmetic3A_241, %and3A_244], %broadcast_in_dim3A_41 masked %lt3A_238 : memref<128x512xf32, #tpu.memory_space<vmem>>[vector<16xi32>, vector<16xi32>], vector<16xf32>, vector<16xi1>
    }
    %scan3A_50 = arith.constant 896 : i32
    %mul3A_51 = arith.constant 128 : i32
    %mul3A_52 = arith.muli %add3A_36, %mul3A_51 : i32
    "tpu.region"() ({
      %run_scoped3A = tpu.sem_alloc : memref<!tpu.dma_semaphore, #tpu.memory_space<semaphore_mem>>
      %dma_start3A = arith.constant 0 : i32
      %dma_start3A_73 = tpu.memref_slice %arg3[%select_n3A, %mul3A_52, %dma_start3A] : memref<16x512x512xf32, #tpu.memory_space<hbm>> -> memref<1x128x512xf32, #tpu.memory_space<hbm>>
      %dma_start3A_74 = tpu.memref_squeeze %dma_start3A_73 : memref<1x128x512xf32, #tpu.memory_space<hbm>> -> memref<128x512xf32, #tpu.memory_space<hbm>>
      %dma_start3A_75 = arith.constant 0 : i32
      %dma_start3A_76 = tpu.memref_slice %arg3[%select_n3A, %mul3A_52, %dma_start3A_75] : memref<16x512x512xf32, #tpu.memory_space<hbm>> -> memref<1x128x512xf32, #tpu.memory_space<hbm>>
      %dma_start3A_77 = tpu.memref_squeeze %dma_start3A_76 : memref<1x128x512xf32, #tpu.memory_space<hbm>> -> memref<128x512xf32, #tpu.memory_space<hbm>>
      tpu.enqueue_dma source(%arg5 : memref<128x512xf32, #tpu.memory_space<vmem>>) target(%dma_start3A_77 : memref<128x512xf32, #tpu.memory_space<hbm>>) target_semaphore(%run_scoped3A : memref<!tpu.dma_semaphore, #tpu.memory_space<semaphore_mem>>)
      %dma_wait3A = arith.constant 0 : i32
      %dma_wait3A_78 = tpu.memref_slice %arg3[%select_n3A, %mul3A_52, %dma_wait3A] : memref<16x512x512xf32, #tpu.memory_space<hbm>> -> memref<1x128x512xf32, #tpu.memory_space<hbm>>
      %dma_wait3A_79 = tpu.memref_squeeze %dma_wait3A_78 : memref<1x128x512xf32, #tpu.memory_space<hbm>> -> memref<128x512xf32, #tpu.memory_space<hbm>>
      %dma_wait3A_80 = arith.constant 0 : i32
      %dma_wait3A_81 = tpu.memref_slice %arg3[%select_n3A, %mul3A_52, %dma_wait3A_80] : memref<16x512x512xf32, #tpu.memory_space<hbm>> -> memref<1x128x512xf32, #tpu.memory_space<hbm>>
      %dma_wait3A_82 = tpu.memref_squeeze %dma_wait3A_81 : memref<1x128x512xf32, #tpu.memory_space<hbm>> -> memref<128x512xf32, #tpu.memory_space<hbm>>
      tpu.wait_dma2 semaphore(%run_scoped3A : memref<!tpu.dma_semaphore, #tpu.memory_space<semaphore_mem>>) src(%arg5 : memref<128x512xf32, #tpu.memory_space<vmem>>) dst(%dma_wait3A_82 : memref<128x512xf32, #tpu.memory_space<hbm>>)
      tpu.yield
    }) : () -> ()
    %add3A_53 = arith.constant 1 : i32
    %add3A_54 = arith.addi %mul3A_32, %add3A_53 : i32
    %mul3A_55 = arith.constant 65536 : i32
    %mul3A_56 = arith.muli %add3A_54, %mul3A_55 : i32
    %broadcast_in_dim3A_57 = arith.constant 0.000000e+00 : f32
    %broadcast_in_dim3A_58 = vector.broadcast %broadcast_in_dim3A_57 : f32 to vector<16xf32>
    %broadcast_in_dim3A_59 = arith.constant 2.550000e+02 : f32
    %broadcast_in_dim3A_60 = vector.broadcast %broadcast_in_dim3A_59 : f32 to vector<16xf32>
    %scan3A_61 = arith.constant 0 : i32
    %scan3A_62 = arith.constant 128 : i32
    %scan3A_63 = arith.addi %scan3A_61, %scan3A_62 : i32
    %scan3A_64 = arith.constant 1 : i32
    scf.for %scan3A_73 = %scan3A_61 to %scan3A_63 step %scan3A_64  : i32 {
      %mul3A_74 = arith.constant 1 : i32
      %mul3A_75 = arith.muli %scan3A_73, %mul3A_74 : i32
      %add3A_76 = arith.constant 0 : i32
      %add3A_77 = arith.addi %add3A_76, %mul3A_75 : i32
      %swap3A = arith.index_cast %add3A_77 : i32 to index
      %swap3A_78 = arith.constant 0 : index
      %swap3A_79 = tpu.vector_load %arg5[%swap3A, %swap3A_78] {strides = array<i32>} : memref<128x512xf32, #tpu.memory_space<vmem>>, vector<16xf32>,
      tpu.vector_store %arg5[%swap3A, %swap3A_78], %broadcast_in_dim3A_58 {strides = array<i32>} : memref<128x512xf32, #tpu.memory_space<vmem>>, vector<16xf32>,
      %swap3A_80 = arith.index_cast %add3A_77 : i32 to index
      %swap3A_81 = arith.constant 16 : index
      %swap3A_82 = tpu.vector_load %arg5[%swap3A_80, %swap3A_81] {strides = array<i32>} : memref<128x512xf32, #tpu.memory_space<vmem>>, vector<16xf32>,
      tpu.vector_store %arg5[%swap3A_80, %swap3A_81], %broadcast_in_dim3A_58 {strides = array<i32>} : memref<128x512xf32, #tpu.memory_space<vmem>>, vector<16xf32>,
      %swap3A_83 = arith.index_cast %add3A_77 : i32 to index
      %swap3A_84 = arith.constant 32 : index
      %swap3A_85 = tpu.vector_load %arg5[%swap3A_83, %swap3A_84] {strides = array<i32>} : memref<128x512xf32, #tpu.memory_space<vmem>>, vector<16xf32>,
      tpu.vector_store %arg5[%swap3A_83, %swap3A_84], %broadcast_in_dim3A_58 {strides = array<i32>} : memref<128x512xf32, #tpu.memory_space<vmem>>, vector<16xf32>,
      %swap3A_86 = arith.index_cast %add3A_77 : i32 to index
      %swap3A_87 = arith.constant 48 : index
      %swap3A_88 = tpu.vector_load %arg5[%swap3A_86, %swap3A_87] {strides = array<i32>} : memref<128x512xf32, #tpu.memory_space<vmem>>, vector<16xf32>,
      tpu.vector_store %arg5[%swap3A_86, %swap3A_87], %broadcast_in_dim3A_58 {strides = array<i32>} : memref<128x512xf32, #tpu.memory_space<vmem>>, vector<16xf32>,
      %swap3A_89 = arith.index_cast %add3A_77 : i32 to index
      %swap3A_90 = arith.constant 64 : index
      %swap3A_91 = tpu.vector_load %arg5[%swap3A_89, %swap3A_90] {strides = array<i32>} : memref<128x512xf32, #tpu.memory_space<vmem>>, vector<16xf32>,
      tpu.vector_store %arg5[%swap3A_89, %swap3A_90], %broadcast_in_dim3A_58 {strides = array<i32>} : memref<128x512xf32, #tpu.memory_space<vmem>>, vector<16xf32>,
      %swap3A_92 = arith.index_cast %add3A_77 : i32 to index
      %swap3A_93 = arith.constant 80 : index
      %swap3A_94 = tpu.vector_load %arg5[%swap3A_92, %swap3A_93] {strides = array<i32>} : memref<128x512xf32, #tpu.memory_space<vmem>>, vector<16xf32>,
      tpu.vector_store %arg5[%swap3A_92, %swap3A_93], %broadcast_in_dim3A_58 {strides = array<i32>} : memref<128x512xf32, #tpu.memory_space<vmem>>, vector<16xf32>,
      %swap3A_95 = arith.index_cast %add3A_77 : i32 to index
      %swap3A_96 = arith.constant 96 : index
      %swap3A_97 = tpu.vector_load %arg5[%swap3A_95, %swap3A_96] {strides = array<i32>} : memref<128x512xf32, #tpu.memory_space<vmem>>, vector<16xf32>,
      tpu.vector_store %arg5[%swap3A_95, %swap3A_96], %broadcast_in_dim3A_58 {strides = array<i32>} : memref<128x512xf32, #tpu.memory_space<vmem>>, vector<16xf32>,
      %swap3A_98 = arith.index_cast %add3A_77 : i32 to index
      %swap3A_99 = arith.constant 112 : index
      %swap3A_100 = tpu.vector_load %arg5[%swap3A_98, %swap3A_99] {strides = array<i32>} : memref<128x512xf32, #tpu.memory_space<vmem>>, vector<16xf32>,
      tpu.vector_store %arg5[%swap3A_98, %swap3A_99], %broadcast_in_dim3A_58 {strides = array<i32>} : memref<128x512xf32, #tpu.memory_space<vmem>>, vector<16xf32>,
      %swap3A_101 = arith.index_cast %add3A_77 : i32 to index
      %swap3A_102 = arith.constant 128 : index
      %swap3A_103 = tpu.vector_load %arg5[%swap3A_101, %swap3A_102] {strides = array<i32>} : memref<128x512xf32, #tpu.memory_space<vmem>>, vector<16xf32>,
      tpu.vector_store %arg5[%swap3A_101, %swap3A_102], %broadcast_in_dim3A_58 {strides = array<i32>} : memref<128x512xf32, #tpu.memory_space<vmem>>, vector<16xf32>,
      %swap3A_104 = arith.index_cast %add3A_77 : i32 to index
      %swap3A_105 = arith.constant 144 : index
      %swap3A_106 = tpu.vector_load %arg5[%swap3A_104, %swap3A_105] {strides = array<i32>} : memref<128x512xf32, #tpu.memory_space<vmem>>, vector<16xf32>,
      tpu.vector_store %arg5[%swap3A_104, %swap3A_105], %broadcast_in_dim3A_58 {strides = array<i32>} : memref<128x512xf32, #tpu.memory_space<vmem>>, vector<16xf32>,
      %swap3A_107 = arith.index_cast %add3A_77 : i32 to index
      %swap3A_108 = arith.constant 160 : index
      %swap3A_109 = tpu.vector_load %arg5[%swap3A_107, %swap3A_108] {strides = array<i32>} : memref<128x512xf32, #tpu.memory_space<vmem>>, vector<16xf32>,
      tpu.vector_store %arg5[%swap3A_107, %swap3A_108], %broadcast_in_dim3A_58 {strides = array<i32>} : memref<128x512xf32, #tpu.memory_space<vmem>>, vector<16xf32>,
      %swap3A_110 = arith.index_cast %add3A_77 : i32 to index
      %swap3A_111 = arith.constant 176 : index
      %swap3A_112 = tpu.vector_load %arg5[%swap3A_110, %swap3A_111] {strides = array<i32>} : memref<128x512xf32, #tpu.memory_space<vmem>>, vector<16xf32>,
      tpu.vector_store %arg5[%swap3A_110, %swap3A_111], %broadcast_in_dim3A_58 {strides = array<i32>} : memref<128x512xf32, #tpu.memory_space<vmem>>, vector<16xf32>,
      %swap3A_113 = arith.index_cast %add3A_77 : i32 to index
      %swap3A_114 = arith.constant 192 : index
      %swap3A_115 = tpu.vector_load %arg5[%swap3A_113, %swap3A_114] {strides = array<i32>} : memref<128x512xf32, #tpu.memory_space<vmem>>, vector<16xf32>,
      tpu.vector_store %arg5[%swap3A_113, %swap3A_114], %broadcast_in_dim3A_58 {strides = array<i32>} : memref<128x512xf32, #tpu.memory_space<vmem>>, vector<16xf32>,
      %swap3A_116 = arith.index_cast %add3A_77 : i32 to index
      %swap3A_117 = arith.constant 208 : index
      %swap3A_118 = tpu.vector_load %arg5[%swap3A_116, %swap3A_117] {strides = array<i32>} : memref<128x512xf32, #tpu.memory_space<vmem>>, vector<16xf32>,
      tpu.vector_store %arg5[%swap3A_116, %swap3A_117], %broadcast_in_dim3A_58 {strides = array<i32>} : memref<128x512xf32, #tpu.memory_space<vmem>>, vector<16xf32>,
      %swap3A_119 = arith.index_cast %add3A_77 : i32 to index
      %swap3A_120 = arith.constant 224 : index
      %swap3A_121 = tpu.vector_load %arg5[%swap3A_119, %swap3A_120] {strides = array<i32>} : memref<128x512xf32, #tpu.memory_space<vmem>>, vector<16xf32>,
      tpu.vector_store %arg5[%swap3A_119, %swap3A_120], %broadcast_in_dim3A_58 {strides = array<i32>} : memref<128x512xf32, #tpu.memory_space<vmem>>, vector<16xf32>,
      %swap3A_122 = arith.index_cast %add3A_77 : i32 to index
      %swap3A_123 = arith.constant 240 : index
      %swap3A_124 = tpu.vector_load %arg5[%swap3A_122, %swap3A_123] {strides = array<i32>} : memref<128x512xf32, #tpu.memory_space<vmem>>, vector<16xf32>,
      tpu.vector_store %arg5[%swap3A_122, %swap3A_123], %broadcast_in_dim3A_58 {strides = array<i32>} : memref<128x512xf32, #tpu.memory_space<vmem>>, vector<16xf32>,
      %swap3A_125 = arith.index_cast %add3A_77 : i32 to index
      %swap3A_126 = arith.constant 256 : index
      %swap3A_127 = tpu.vector_load %arg5[%swap3A_125, %swap3A_126] {strides = array<i32>} : memref<128x512xf32, #tpu.memory_space<vmem>>, vector<16xf32>,
      tpu.vector_store %arg5[%swap3A_125, %swap3A_126], %broadcast_in_dim3A_58 {strides = array<i32>} : memref<128x512xf32, #tpu.memory_space<vmem>>, vector<16xf32>,
      %swap3A_128 = arith.index_cast %add3A_77 : i32 to index
      %swap3A_129 = arith.constant 272 : index
      %swap3A_130 = tpu.vector_load %arg5[%swap3A_128, %swap3A_129] {strides = array<i32>} : memref<128x512xf32, #tpu.memory_space<vmem>>, vector<16xf32>,
      tpu.vector_store %arg5[%swap3A_128, %swap3A_129], %broadcast_in_dim3A_58 {strides = array<i32>} : memref<128x512xf32, #tpu.memory_space<vmem>>, vector<16xf32>,
      %swap3A_131 = arith.index_cast %add3A_77 : i32 to index
      %swap3A_132 = arith.constant 288 : index
      %swap3A_133 = tpu.vector_load %arg5[%swap3A_131, %swap3A_132] {strides = array<i32>} : memref<128x512xf32, #tpu.memory_space<vmem>>, vector<16xf32>,
      tpu.vector_store %arg5[%swap3A_131, %swap3A_132], %broadcast_in_dim3A_58 {strides = array<i32>} : memref<128x512xf32, #tpu.memory_space<vmem>>, vector<16xf32>,
      %swap3A_134 = arith.index_cast %add3A_77 : i32 to index
      %swap3A_135 = arith.constant 304 : index
      %swap3A_136 = tpu.vector_load %arg5[%swap3A_134, %swap3A_135] {strides = array<i32>} : memref<128x512xf32, #tpu.memory_space<vmem>>, vector<16xf32>,
      tpu.vector_store %arg5[%swap3A_134, %swap3A_135], %broadcast_in_dim3A_58 {strides = array<i32>} : memref<128x512xf32, #tpu.memory_space<vmem>>, vector<16xf32>,
      %swap3A_137 = arith.index_cast %add3A_77 : i32 to index
      %swap3A_138 = arith.constant 320 : index
      %swap3A_139 = tpu.vector_load %arg5[%swap3A_137, %swap3A_138] {strides = array<i32>} : memref<128x512xf32, #tpu.memory_space<vmem>>, vector<16xf32>,
      tpu.vector_store %arg5[%swap3A_137, %swap3A_138], %broadcast_in_dim3A_58 {strides = array<i32>} : memref<128x512xf32, #tpu.memory_space<vmem>>, vector<16xf32>,
      %swap3A_140 = arith.index_cast %add3A_77 : i32 to index
      %swap3A_141 = arith.constant 336 : index
      %swap3A_142 = tpu.vector_load %arg5[%swap3A_140, %swap3A_141] {strides = array<i32>} : memref<128x512xf32, #tpu.memory_space<vmem>>, vector<16xf32>,
      tpu.vector_store %arg5[%swap3A_140, %swap3A_141], %broadcast_in_dim3A_58 {strides = array<i32>} : memref<128x512xf32, #tpu.memory_space<vmem>>, vector<16xf32>,
      %swap3A_143 = arith.index_cast %add3A_77 : i32 to index
      %swap3A_144 = arith.constant 352 : index
      %swap3A_145 = tpu.vector_load %arg5[%swap3A_143, %swap3A_144] {strides = array<i32>} : memref<128x512xf32, #tpu.memory_space<vmem>>, vector<16xf32>,
      tpu.vector_store %arg5[%swap3A_143, %swap3A_144], %broadcast_in_dim3A_58 {strides = array<i32>} : memref<128x512xf32, #tpu.memory_space<vmem>>, vector<16xf32>,
      %swap3A_146 = arith.index_cast %add3A_77 : i32 to index
      %swap3A_147 = arith.constant 368 : index
      %swap3A_148 = tpu.vector_load %arg5[%swap3A_146, %swap3A_147] {strides = array<i32>} : memref<128x512xf32, #tpu.memory_space<vmem>>, vector<16xf32>,
      tpu.vector_store %arg5[%swap3A_146, %swap3A_147], %broadcast_in_dim3A_58 {strides = array<i32>} : memref<128x512xf32, #tpu.memory_space<vmem>>, vector<16xf32>,
      %swap3A_149 = arith.index_cast %add3A_77 : i32 to index
      %swap3A_150 = arith.constant 384 : index
      %swap3A_151 = tpu.vector_load %arg5[%swap3A_149, %swap3A_150] {strides = array<i32>} : memref<128x512xf32, #tpu.memory_space<vmem>>, vector<16xf32>,
      tpu.vector_store %arg5[%swap3A_149, %swap3A_150], %broadcast_in_dim3A_58 {strides = array<i32>} : memref<128x512xf32, #tpu.memory_space<vmem>>, vector<16xf32>,
      %swap3A_152 = arith.index_cast %add3A_77 : i32 to index
      %swap3A_153 = arith.constant 400 : index
      %swap3A_154 = tpu.vector_load %arg5[%swap3A_152, %swap3A_153] {strides = array<i32>} : memref<128x512xf32, #tpu.memory_space<vmem>>, vector<16xf32>,
      tpu.vector_store %arg5[%swap3A_152, %swap3A_153], %broadcast_in_dim3A_58 {strides = array<i32>} : memref<128x512xf32, #tpu.memory_space<vmem>>, vector<16xf32>,
      %swap3A_155 = arith.index_cast %add3A_77 : i32 to index
      %swap3A_156 = arith.constant 416 : index
      %swap3A_157 = tpu.vector_load %arg5[%swap3A_155, %swap3A_156] {strides = array<i32>} : memref<128x512xf32, #tpu.memory_space<vmem>>, vector<16xf32>,
      tpu.vector_store %arg5[%swap3A_155, %swap3A_156], %broadcast_in_dim3A_58 {strides = array<i32>} : memref<128x512xf32, #tpu.memory_space<vmem>>, vector<16xf32>,
      %swap3A_158 = arith.index_cast %add3A_77 : i32 to index
      %swap3A_159 = arith.constant 432 : index
      %swap3A_160 = tpu.vector_load %arg5[%swap3A_158, %swap3A_159] {strides = array<i32>} : memref<128x512xf32, #tpu.memory_space<vmem>>, vector<16xf32>,
      tpu.vector_store %arg5[%swap3A_158, %swap3A_159], %broadcast_in_dim3A_58 {strides = array<i32>} : memref<128x512xf32, #tpu.memory_space<vmem>>, vector<16xf32>,
      %swap3A_161 = arith.index_cast %add3A_77 : i32 to index
      %swap3A_162 = arith.constant 448 : index
      %swap3A_163 = tpu.vector_load %arg5[%swap3A_161, %swap3A_162] {strides = array<i32>} : memref<128x512xf32, #tpu.memory_space<vmem>>, vector<16xf32>,
      tpu.vector_store %arg5[%swap3A_161, %swap3A_162], %broadcast_in_dim3A_58 {strides = array<i32>} : memref<128x512xf32, #tpu.memory_space<vmem>>, vector<16xf32>,
      %swap3A_164 = arith.index_cast %add3A_77 : i32 to index
      %swap3A_165 = arith.constant 464 : index
      %swap3A_166 = tpu.vector_load %arg5[%swap3A_164, %swap3A_165] {strides = array<i32>} : memref<128x512xf32, #tpu.memory_space<vmem>>, vector<16xf32>,
      tpu.vector_store %arg5[%swap3A_164, %swap3A_165], %broadcast_in_dim3A_58 {strides = array<i32>} : memref<128x512xf32, #tpu.memory_space<vmem>>, vector<16xf32>,
      %swap3A_167 = arith.index_cast %add3A_77 : i32 to index
      %swap3A_168 = arith.constant 480 : index
      %swap3A_169 = tpu.vector_load %arg5[%swap3A_167, %swap3A_168] {strides = array<i32>} : memref<128x512xf32, #tpu.memory_space<vmem>>, vector<16xf32>,
      tpu.vector_store %arg5[%swap3A_167, %swap3A_168], %broadcast_in_dim3A_58 {strides = array<i32>} : memref<128x512xf32, #tpu.memory_space<vmem>>, vector<16xf32>,
      %swap3A_170 = arith.index_cast %add3A_77 : i32 to index
      %swap3A_171 = arith.constant 496 : index
      %swap3A_172 = tpu.vector_load %arg5[%swap3A_170, %swap3A_171] {strides = array<i32>} : memref<128x512xf32, #tpu.memory_space<vmem>>, vector<16xf32>,
      tpu.vector_store %arg5[%swap3A_170, %swap3A_171], %broadcast_in_dim3A_58 {strides = array<i32>} : memref<128x512xf32, #tpu.memory_space<vmem>>, vector<16xf32>,
    }
    %scan3A_65 = arith.constant 128 : i32
    %scan3A_66 = arith.constant 0 : i32
    %scan3A_67 = arith.constant 896 : i32
    %scan3A_68 = arith.addi %scan3A_66, %scan3A_67 : i32
    %scan3A_69 = arith.constant 8 : i32
    scf.for %scan3A_73 = %scan3A_66 to %scan3A_68 step %scan3A_69  : i32 {
      %mul3A_74 = arith.constant 1 : i32
      %mul3A_75 = arith.muli %scan3A_73, %mul3A_74 : i32
      %add3A_76 = arith.constant 0 : i32
      %add3A_77 = arith.addi %add3A_76, %mul3A_75 : i32
      %mul3A_78 = arith.constant 16 : i32
      %mul3A_79 = arith.muli %add3A_77, %mul3A_78 : i32
      %get3A = arith.index_cast %mul3A_79 : i32 to index
      %get3A_80 = tpu.vector_load %arg4[%get3A] {strides = array<i32>} : memref<14336xi32, #tpu.memory_space<vmem>>, vector<16xi32>,
      %sub3A_81 = vector.broadcast %mul3A_56 : i32 to vector<16xi32>
      %sub3A_82 = arith.subi %get3A_80, %sub3A_81 : vector<16xi32>
      %bitcast_convert_type3A = tpu.bitcast %sub3A_82 : vector<16xi32> -> vector<16xi32>
      %lt3A_83 = arith.constant 65536 : i32
      %lt3A_84 = vector.broadcast %lt3A_83 : i32 to vector<16xi32>
      %lt3A_85 = arith.cmpi ult, %bitcast_convert_type3A, %lt3A_84 : vector<16xi32>
      %shift_right_arithmetic3A = arith.constant 9 : i32
      %shift_right_arithmetic3A_86 = vector.broadcast %shift_right_arithmetic3A : i32 to vector<16xi32>
      %shift_right_arithmetic3A_87 = arith.shrsi %sub3A_82, %shift_right_arithmetic3A_86 : vector<16xi32>
      %and3A_88 = arith.constant 511 : i32
      %and3A_89 = vector.broadcast %and3A_88 : i32 to vector<16xi32>
      %and3A_90 = arith.andi %sub3A_82, %and3A_89 : vector<16xi32>
      tpu.vector_store_idx %arg5[%shift_right_arithmetic3A_87, %and3A_90], %broadcast_in_dim3A_60 masked %lt3A_85 : memref<128x512xf32, #tpu.memory_space<vmem>>[vector<16xi32>, vector<16xi32>], vector<16xf32>, vector<16xi1>
      %scan3A_91 = arith.constant 1 : i32
      %scan3A_92 = arith.addi %scan3A_73, %scan3A_91 : i32
      %mul3A_93 = arith.constant 1 : i32
      %mul3A_94 = arith.muli %scan3A_92, %mul3A_93 : i32
      %add3A_95 = arith.constant 0 : i32
      %add3A_96 = arith.addi %add3A_95, %mul3A_94 : i32
      %mul3A_97 = arith.constant 16 : i32
      %mul3A_98 = arith.muli %add3A_96, %mul3A_97 : i32
      %get3A_99 = arith.index_cast %mul3A_98 : i32 to index
      %get3A_100 = tpu.vector_load %arg4[%get3A_99] {strides = array<i32>} : memref<14336xi32, #tpu.memory_space<vmem>>, vector<16xi32>,
      %sub3A_101 = vector.broadcast %mul3A_56 : i32 to vector<16xi32>
      %sub3A_102 = arith.subi %get3A_100, %sub3A_101 : vector<16xi32>
      %bitcast_convert_type3A_103 = tpu.bitcast %sub3A_102 : vector<16xi32> -> vector<16xi32>
      %lt3A_104 = arith.constant 65536 : i32
      %lt3A_105 = vector.broadcast %lt3A_104 : i32 to vector<16xi32>
      %lt3A_106 = arith.cmpi ult, %bitcast_convert_type3A_103, %lt3A_105 : vector<16xi32>
      %shift_right_arithmetic3A_107 = arith.constant 9 : i32
      %shift_right_arithmetic3A_108 = vector.broadcast %shift_right_arithmetic3A_107 : i32 to vector<16xi32>
      %shift_right_arithmetic3A_109 = arith.shrsi %sub3A_102, %shift_right_arithmetic3A_108 : vector<16xi32>
      %and3A_110 = arith.constant 511 : i32
      %and3A_111 = vector.broadcast %and3A_110 : i32 to vector<16xi32>
      %and3A_112 = arith.andi %sub3A_102, %and3A_111 : vector<16xi32>
      tpu.vector_store_idx %arg5[%shift_right_arithmetic3A_109, %and3A_112], %broadcast_in_dim3A_60 masked %lt3A_106 : memref<128x512xf32, #tpu.memory_space<vmem>>[vector<16xi32>, vector<16xi32>], vector<16xf32>, vector<16xi1>
      %scan3A_113 = arith.constant 2 : i32
      %scan3A_114 = arith.addi %scan3A_73, %scan3A_113 : i32
      %mul3A_115 = arith.constant 1 : i32
      %mul3A_116 = arith.muli %scan3A_114, %mul3A_115 : i32
      %add3A_117 = arith.constant 0 : i32
      %add3A_118 = arith.addi %add3A_117, %mul3A_116 : i32
      %mul3A_119 = arith.constant 16 : i32
      %mul3A_120 = arith.muli %add3A_118, %mul3A_119 : i32
      %get3A_121 = arith.index_cast %mul3A_120 : i32 to index
      %get3A_122 = tpu.vector_load %arg4[%get3A_121] {strides = array<i32>} : memref<14336xi32, #tpu.memory_space<vmem>>, vector<16xi32>,
      %sub3A_123 = vector.broadcast %mul3A_56 : i32 to vector<16xi32>
      %sub3A_124 = arith.subi %get3A_122, %sub3A_123 : vector<16xi32>
      %bitcast_convert_type3A_125 = tpu.bitcast %sub3A_124 : vector<16xi32> -> vector<16xi32>
      %lt3A_126 = arith.constant 65536 : i32
      %lt3A_127 = vector.broadcast %lt3A_126 : i32 to vector<16xi32>
      %lt3A_128 = arith.cmpi ult, %bitcast_convert_type3A_125, %lt3A_127 : vector<16xi32>
      %shift_right_arithmetic3A_129 = arith.constant 9 : i32
      %shift_right_arithmetic3A_130 = vector.broadcast %shift_right_arithmetic3A_129 : i32 to vector<16xi32>
      %shift_right_arithmetic3A_131 = arith.shrsi %sub3A_124, %shift_right_arithmetic3A_130 : vector<16xi32>
      %and3A_132 = arith.constant 511 : i32
      %and3A_133 = vector.broadcast %and3A_132 : i32 to vector<16xi32>
      %and3A_134 = arith.andi %sub3A_124, %and3A_133 : vector<16xi32>
      tpu.vector_store_idx %arg5[%shift_right_arithmetic3A_131, %and3A_134], %broadcast_in_dim3A_60 masked %lt3A_128 : memref<128x512xf32, #tpu.memory_space<vmem>>[vector<16xi32>, vector<16xi32>], vector<16xf32>, vector<16xi1>
      %scan3A_135 = arith.constant 3 : i32
      %scan3A_136 = arith.addi %scan3A_73, %scan3A_135 : i32
      %mul3A_137 = arith.constant 1 : i32
      %mul3A_138 = arith.muli %scan3A_136, %mul3A_137 : i32
      %add3A_139 = arith.constant 0 : i32
      %add3A_140 = arith.addi %add3A_139, %mul3A_138 : i32
      %mul3A_141 = arith.constant 16 : i32
      %mul3A_142 = arith.muli %add3A_140, %mul3A_141 : i32
      %get3A_143 = arith.index_cast %mul3A_142 : i32 to index
      %get3A_144 = tpu.vector_load %arg4[%get3A_143] {strides = array<i32>} : memref<14336xi32, #tpu.memory_space<vmem>>, vector<16xi32>,
      %sub3A_145 = vector.broadcast %mul3A_56 : i32 to vector<16xi32>
      %sub3A_146 = arith.subi %get3A_144, %sub3A_145 : vector<16xi32>
      %bitcast_convert_type3A_147 = tpu.bitcast %sub3A_146 : vector<16xi32> -> vector<16xi32>
      %lt3A_148 = arith.constant 65536 : i32
      %lt3A_149 = vector.broadcast %lt3A_148 : i32 to vector<16xi32>
      %lt3A_150 = arith.cmpi ult, %bitcast_convert_type3A_147, %lt3A_149 : vector<16xi32>
      %shift_right_arithmetic3A_151 = arith.constant 9 : i32
      %shift_right_arithmetic3A_152 = vector.broadcast %shift_right_arithmetic3A_151 : i32 to vector<16xi32>
      %shift_right_arithmetic3A_153 = arith.shrsi %sub3A_146, %shift_right_arithmetic3A_152 : vector<16xi32>
      %and3A_154 = arith.constant 511 : i32
      %and3A_155 = vector.broadcast %and3A_154 : i32 to vector<16xi32>
      %and3A_156 = arith.andi %sub3A_146, %and3A_155 : vector<16xi32>
      tpu.vector_store_idx %arg5[%shift_right_arithmetic3A_153, %and3A_156], %broadcast_in_dim3A_60 masked %lt3A_150 : memref<128x512xf32, #tpu.memory_space<vmem>>[vector<16xi32>, vector<16xi32>], vector<16xf32>, vector<16xi1>
      %scan3A_157 = arith.constant 4 : i32
      %scan3A_158 = arith.addi %scan3A_73, %scan3A_157 : i32
      %mul3A_159 = arith.constant 1 : i32
      %mul3A_160 = arith.muli %scan3A_158, %mul3A_159 : i32
      %add3A_161 = arith.constant 0 : i32
      %add3A_162 = arith.addi %add3A_161, %mul3A_160 : i32
      %mul3A_163 = arith.constant 16 : i32
      %mul3A_164 = arith.muli %add3A_162, %mul3A_163 : i32
      %get3A_165 = arith.index_cast %mul3A_164 : i32 to index
      %get3A_166 = tpu.vector_load %arg4[%get3A_165] {strides = array<i32>} : memref<14336xi32, #tpu.memory_space<vmem>>, vector<16xi32>,
      %sub3A_167 = vector.broadcast %mul3A_56 : i32 to vector<16xi32>
      %sub3A_168 = arith.subi %get3A_166, %sub3A_167 : vector<16xi32>
      %bitcast_convert_type3A_169 = tpu.bitcast %sub3A_168 : vector<16xi32> -> vector<16xi32>
      %lt3A_170 = arith.constant 65536 : i32
      %lt3A_171 = vector.broadcast %lt3A_170 : i32 to vector<16xi32>
      %lt3A_172 = arith.cmpi ult, %bitcast_convert_type3A_169, %lt3A_171 : vector<16xi32>
      %shift_right_arithmetic3A_173 = arith.constant 9 : i32
      %shift_right_arithmetic3A_174 = vector.broadcast %shift_right_arithmetic3A_173 : i32 to vector<16xi32>
      %shift_right_arithmetic3A_175 = arith.shrsi %sub3A_168, %shift_right_arithmetic3A_174 : vector<16xi32>
      %and3A_176 = arith.constant 511 : i32
      %and3A_177 = vector.broadcast %and3A_176 : i32 to vector<16xi32>
      %and3A_178 = arith.andi %sub3A_168, %and3A_177 : vector<16xi32>
      tpu.vector_store_idx %arg5[%shift_right_arithmetic3A_175, %and3A_178], %broadcast_in_dim3A_60 masked %lt3A_172 : memref<128x512xf32, #tpu.memory_space<vmem>>[vector<16xi32>, vector<16xi32>], vector<16xf32>, vector<16xi1>
      %scan3A_179 = arith.constant 5 : i32
      %scan3A_180 = arith.addi %scan3A_73, %scan3A_179 : i32
      %mul3A_181 = arith.constant 1 : i32
      %mul3A_182 = arith.muli %scan3A_180, %mul3A_181 : i32
      %add3A_183 = arith.constant 0 : i32
      %add3A_184 = arith.addi %add3A_183, %mul3A_182 : i32
      %mul3A_185 = arith.constant 16 : i32
      %mul3A_186 = arith.muli %add3A_184, %mul3A_185 : i32
      %get3A_187 = arith.index_cast %mul3A_186 : i32 to index
      %get3A_188 = tpu.vector_load %arg4[%get3A_187] {strides = array<i32>} : memref<14336xi32, #tpu.memory_space<vmem>>, vector<16xi32>,
      %sub3A_189 = vector.broadcast %mul3A_56 : i32 to vector<16xi32>
      %sub3A_190 = arith.subi %get3A_188, %sub3A_189 : vector<16xi32>
      %bitcast_convert_type3A_191 = tpu.bitcast %sub3A_190 : vector<16xi32> -> vector<16xi32>
      %lt3A_192 = arith.constant 65536 : i32
      %lt3A_193 = vector.broadcast %lt3A_192 : i32 to vector<16xi32>
      %lt3A_194 = arith.cmpi ult, %bitcast_convert_type3A_191, %lt3A_193 : vector<16xi32>
      %shift_right_arithmetic3A_195 = arith.constant 9 : i32
      %shift_right_arithmetic3A_196 = vector.broadcast %shift_right_arithmetic3A_195 : i32 to vector<16xi32>
      %shift_right_arithmetic3A_197 = arith.shrsi %sub3A_190, %shift_right_arithmetic3A_196 : vector<16xi32>
      %and3A_198 = arith.constant 511 : i32
      %and3A_199 = vector.broadcast %and3A_198 : i32 to vector<16xi32>
      %and3A_200 = arith.andi %sub3A_190, %and3A_199 : vector<16xi32>
      tpu.vector_store_idx %arg5[%shift_right_arithmetic3A_197, %and3A_200], %broadcast_in_dim3A_60 masked %lt3A_194 : memref<128x512xf32, #tpu.memory_space<vmem>>[vector<16xi32>, vector<16xi32>], vector<16xf32>, vector<16xi1>
      %scan3A_201 = arith.constant 6 : i32
      %scan3A_202 = arith.addi %scan3A_73, %scan3A_201 : i32
      %mul3A_203 = arith.constant 1 : i32
      %mul3A_204 = arith.muli %scan3A_202, %mul3A_203 : i32
      %add3A_205 = arith.constant 0 : i32
      %add3A_206 = arith.addi %add3A_205, %mul3A_204 : i32
      %mul3A_207 = arith.constant 16 : i32
      %mul3A_208 = arith.muli %add3A_206, %mul3A_207 : i32
      %get3A_209 = arith.index_cast %mul3A_208 : i32 to index
      %get3A_210 = tpu.vector_load %arg4[%get3A_209] {strides = array<i32>} : memref<14336xi32, #tpu.memory_space<vmem>>, vector<16xi32>,
      %sub3A_211 = vector.broadcast %mul3A_56 : i32 to vector<16xi32>
      %sub3A_212 = arith.subi %get3A_210, %sub3A_211 : vector<16xi32>
      %bitcast_convert_type3A_213 = tpu.bitcast %sub3A_212 : vector<16xi32> -> vector<16xi32>
      %lt3A_214 = arith.constant 65536 : i32
      %lt3A_215 = vector.broadcast %lt3A_214 : i32 to vector<16xi32>
      %lt3A_216 = arith.cmpi ult, %bitcast_convert_type3A_213, %lt3A_215 : vector<16xi32>
      %shift_right_arithmetic3A_217 = arith.constant 9 : i32
      %shift_right_arithmetic3A_218 = vector.broadcast %shift_right_arithmetic3A_217 : i32 to vector<16xi32>
      %shift_right_arithmetic3A_219 = arith.shrsi %sub3A_212, %shift_right_arithmetic3A_218 : vector<16xi32>
      %and3A_220 = arith.constant 511 : i32
      %and3A_221 = vector.broadcast %and3A_220 : i32 to vector<16xi32>
      %and3A_222 = arith.andi %sub3A_212, %and3A_221 : vector<16xi32>
      tpu.vector_store_idx %arg5[%shift_right_arithmetic3A_219, %and3A_222], %broadcast_in_dim3A_60 masked %lt3A_216 : memref<128x512xf32, #tpu.memory_space<vmem>>[vector<16xi32>, vector<16xi32>], vector<16xf32>, vector<16xi1>
      %scan3A_223 = arith.constant 7 : i32
      %scan3A_224 = arith.addi %scan3A_73, %scan3A_223 : i32
      %mul3A_225 = arith.constant 1 : i32
      %mul3A_226 = arith.muli %scan3A_224, %mul3A_225 : i32
      %add3A_227 = arith.constant 0 : i32
      %add3A_228 = arith.addi %add3A_227, %mul3A_226 : i32
      %mul3A_229 = arith.constant 16 : i32
      %mul3A_230 = arith.muli %add3A_228, %mul3A_229 : i32
      %get3A_231 = arith.index_cast %mul3A_230 : i32 to index
      %get3A_232 = tpu.vector_load %arg4[%get3A_231] {strides = array<i32>} : memref<14336xi32, #tpu.memory_space<vmem>>, vector<16xi32>,
      %sub3A_233 = vector.broadcast %mul3A_56 : i32 to vector<16xi32>
      %sub3A_234 = arith.subi %get3A_232, %sub3A_233 : vector<16xi32>
      %bitcast_convert_type3A_235 = tpu.bitcast %sub3A_234 : vector<16xi32> -> vector<16xi32>
      %lt3A_236 = arith.constant 65536 : i32
      %lt3A_237 = vector.broadcast %lt3A_236 : i32 to vector<16xi32>
      %lt3A_238 = arith.cmpi ult, %bitcast_convert_type3A_235, %lt3A_237 : vector<16xi32>
      %shift_right_arithmetic3A_239 = arith.constant 9 : i32
      %shift_right_arithmetic3A_240 = vector.broadcast %shift_right_arithmetic3A_239 : i32 to vector<16xi32>
      %shift_right_arithmetic3A_241 = arith.shrsi %sub3A_234, %shift_right_arithmetic3A_240 : vector<16xi32>
      %and3A_242 = arith.constant 511 : i32
      %and3A_243 = vector.broadcast %and3A_242 : i32 to vector<16xi32>
      %and3A_244 = arith.andi %sub3A_234, %and3A_243 : vector<16xi32>
      tpu.vector_store_idx %arg5[%shift_right_arithmetic3A_241, %and3A_244], %broadcast_in_dim3A_60 masked %lt3A_238 : memref<128x512xf32, #tpu.memory_space<vmem>>[vector<16xi32>, vector<16xi32>], vector<16xf32>, vector<16xi1>
    }
    %scan3A_70 = arith.constant 896 : i32
    %mul3A_71 = arith.constant 128 : i32
    %mul3A_72 = arith.muli %add3A_54, %mul3A_71 : i32
    "tpu.region"() ({
      %run_scoped3A = tpu.sem_alloc : memref<!tpu.dma_semaphore, #tpu.memory_space<semaphore_mem>>
      %dma_start3A = arith.constant 0 : i32
      %dma_start3A_73 = tpu.memref_slice %arg3[%select_n3A, %mul3A_72, %dma_start3A] : memref<16x512x512xf32, #tpu.memory_space<hbm>> -> memref<1x128x512xf32, #tpu.memory_space<hbm>>
      %dma_start3A_74 = tpu.memref_squeeze %dma_start3A_73 : memref<1x128x512xf32, #tpu.memory_space<hbm>> -> memref<128x512xf32, #tpu.memory_space<hbm>>
      %dma_start3A_75 = arith.constant 0 : i32
      %dma_start3A_76 = tpu.memref_slice %arg3[%select_n3A, %mul3A_72, %dma_start3A_75] : memref<16x512x512xf32, #tpu.memory_space<hbm>> -> memref<1x128x512xf32, #tpu.memory_space<hbm>>
      %dma_start3A_77 = tpu.memref_squeeze %dma_start3A_76 : memref<1x128x512xf32, #tpu.memory_space<hbm>> -> memref<128x512xf32, #tpu.memory_space<hbm>>
      tpu.enqueue_dma source(%arg5 : memref<128x512xf32, #tpu.memory_space<vmem>>) target(%dma_start3A_77 : memref<128x512xf32, #tpu.memory_space<hbm>>) target_semaphore(%run_scoped3A : memref<!tpu.dma_semaphore, #tpu.memory_space<semaphore_mem>>)
      %dma_wait3A = arith.constant 0 : i32
      %dma_wait3A_78 = tpu.memref_slice %arg3[%select_n3A, %mul3A_72, %dma_wait3A] : memref<16x512x512xf32, #tpu.memory_space<hbm>> -> memref<1x128x512xf32, #tpu.memory_space<hbm>>
      %dma_wait3A_79 = tpu.memref_squeeze %dma_wait3A_78 : memref<1x128x512xf32, #tpu.memory_space<hbm>> -> memref<128x512xf32, #tpu.memory_space<hbm>>
      %dma_wait3A_80 = arith.constant 0 : i32
      %dma_wait3A_81 = tpu.memref_slice %arg3[%select_n3A, %mul3A_72, %dma_wait3A_80] : memref<16x512x512xf32, #tpu.memory_space<hbm>> -> memref<1x128x512xf32, #tpu.memory_space<hbm>>
      %dma_wait3A_82 = tpu.memref_squeeze %dma_wait3A_81 : memref<1x128x512xf32, #tpu.memory_space<hbm>> -> memref<128x512xf32, #tpu.memory_space<hbm>>
      tpu.wait_dma2 semaphore(%run_scoped3A : memref<!tpu.dma_semaphore, #tpu.memory_space<semaphore_mem>>) src(%arg5 : memref<128x512xf32, #tpu.memory_space<vmem>>) dst(%dma_wait3A_82 : memref<128x512xf32, #tpu.memory_space<hbm>>)
      tpu.yield
    }) : () -> ()
    return
  }
}

module attributes {stable_mosaic.version = 14 : i64} {
  func.func @_proj_body(%arg0: i32, %arg1: memref<64x16xf32, #tpu.memory_space<vmem>>, %arg2: memref<64x16xf32, #tpu.memory_space<vmem>>, %arg3: memref<8x2048xf32, #tpu.memory_space<vmem>>, %arg4: memref<64x2048xi32, #tpu.memory_space<vmem>>) attributes {dimension_semantics = [#tpu.dimension_semantics<arbitrary>], iteration_bounds = array<i64: 7>, scalar_prefetch = 0 : i64, scratch_operands = 0 : i64, tpu.core_type = #tpu.core_type<tc>, window_params = [{pipeline_mode = #tpu.pipeline_mode<synchronous>, transform_indices = @transform_0, window_bounds = array<i64: 64, 16>}, {pipeline_mode = #tpu.pipeline_mode<synchronous>, transform_indices = @transform_1, window_bounds = array<i64: 64, 16>}, {transform_indices = @transform_2, window_bounds = array<i64: 8, 2048>}, {transform_indices = @transform_3, window_bounds = array<i64: 64, 2048>}]} {
    %get3A = arith.constant 0 : index
    %get3A_0 = arith.constant 0 : index
    %get3A_1 = vector.load %arg1[%get3A, %get3A_0] : memref<64x16xf32, #tpu.memory_space<vmem>>, vector<64x16xf32>
    %bitcast_convert_type3A = tpu.bitcast %get3A_1 : vector<64x16xf32> -> vector<64x16xi32>
    %add3A = arith.constant 32767 : i32
    %add3A_2 = vector.broadcast %add3A : i32 to vector<64x16xi32>
    %add3A_3 = arith.addi %bitcast_convert_type3A, %add3A_2 : vector<64x16xi32>
    %shift_right_logical3A = arith.constant 16 : i32
    %shift_right_logical3A_4 = vector.broadcast %shift_right_logical3A : i32 to vector<64x16xi32>
    %shift_right_logical3A_5 = arith.shrui %bitcast_convert_type3A, %shift_right_logical3A_4 : vector<64x16xi32>
    %and3A = arith.constant 1 : i32
    %and3A_6 = vector.broadcast %and3A : i32 to vector<64x16xi32>
    %and3A_7 = arith.andi %shift_right_logical3A_5, %and3A_6 : vector<64x16xi32>
    %add3A_8 = arith.addi %add3A_3, %and3A_7 : vector<64x16xi32>
    %and3A_9 = arith.constant -65536 : i32
    %and3A_10 = vector.broadcast %and3A_9 : i32 to vector<64x16xi32>
    %and3A_11 = arith.andi %add3A_8, %and3A_10 : vector<64x16xi32>
    %bitcast_convert_type3A_12 = tpu.bitcast %and3A_11 : vector<64x16xi32> -> vector<64x16xf32>
    %get3A_13 = arith.constant 0 : index
    %get3A_14 = arith.constant 0 : index
    %get3A_15 = vector.load %arg2[%get3A_13, %get3A_14] : memref<64x16xf32, #tpu.memory_space<vmem>>, vector<64x16xf32>
    %bitcast_convert_type3A_16 = tpu.bitcast %get3A_15 : vector<64x16xf32> -> vector<64x16xi32>
    %add3A_17 = arith.constant 32767 : i32
    %add3A_18 = vector.broadcast %add3A_17 : i32 to vector<64x16xi32>
    %add3A_19 = arith.addi %bitcast_convert_type3A_16, %add3A_18 : vector<64x16xi32>
    %shift_right_logical3A_20 = arith.constant 16 : i32
    %shift_right_logical3A_21 = vector.broadcast %shift_right_logical3A_20 : i32 to vector<64x16xi32>
    %shift_right_logical3A_22 = arith.shrui %bitcast_convert_type3A_16, %shift_right_logical3A_21 : vector<64x16xi32>
    %and3A_23 = arith.constant 1 : i32
    %and3A_24 = vector.broadcast %and3A_23 : i32 to vector<64x16xi32>
    %and3A_25 = arith.andi %shift_right_logical3A_22, %and3A_24 : vector<64x16xi32>
    %add3A_26 = arith.addi %add3A_19, %and3A_25 : vector<64x16xi32>
    %and3A_27 = arith.constant -65536 : i32
    %and3A_28 = vector.broadcast %and3A_27 : i32 to vector<64x16xi32>
    %and3A_29 = arith.andi %add3A_26, %and3A_28 : vector<64x16xi32>
    %bitcast_convert_type3A_30 = tpu.bitcast %and3A_29 : vector<64x16xi32> -> vector<64x16xf32>
    %slice3A = vector.extract_strided_slice %bitcast_convert_type3A_30 {offsets = [0, 0], sizes = [64, 1], strides = [1, 1]} : vector<64x16xf32> to vector<64x1xf32>
    %slice3A_31 = vector.extract_strided_slice %bitcast_convert_type3A_12 {offsets = [0, 0], sizes = [64, 4], strides = [1, 1]} : vector<64x16xf32> to vector<64x4xf32>
    %mul3A = vector.broadcast %slice3A : vector<64x1xf32> to vector<64x4xf32>
    %mul3A_32 = arith.mulf %mul3A, %slice3A_31 : vector<64x4xf32>
    %slice3A_33 = vector.extract_strided_slice %bitcast_convert_type3A_30 {offsets = [0, 1], sizes = [64, 1], strides = [1, 1]} : vector<64x16xf32> to vector<64x1xf32>
    %slice3A_34 = vector.extract_strided_slice %bitcast_convert_type3A_12 {offsets = [0, 4], sizes = [64, 4], strides = [1, 1]} : vector<64x16xf32> to vector<64x4xf32>
    %mul3A_35 = vector.broadcast %slice3A_33 : vector<64x1xf32> to vector<64x4xf32>
    %mul3A_36 = arith.mulf %mul3A_35, %slice3A_34 : vector<64x4xf32>
    %add3A_37 = arith.addf %mul3A_32, %mul3A_36 : vector<64x4xf32>
    %slice3A_38 = vector.extract_strided_slice %bitcast_convert_type3A_30 {offsets = [0, 2], sizes = [64, 1], strides = [1, 1]} : vector<64x16xf32> to vector<64x1xf32>
    %slice3A_39 = vector.extract_strided_slice %bitcast_convert_type3A_12 {offsets = [0, 8], sizes = [64, 4], strides = [1, 1]} : vector<64x16xf32> to vector<64x4xf32>
    %mul3A_40 = vector.broadcast %slice3A_38 : vector<64x1xf32> to vector<64x4xf32>
    %mul3A_41 = arith.mulf %mul3A_40, %slice3A_39 : vector<64x4xf32>
    %add3A_42 = arith.addf %add3A_37, %mul3A_41 : vector<64x4xf32>
    %slice3A_43 = vector.extract_strided_slice %bitcast_convert_type3A_30 {offsets = [0, 3], sizes = [64, 1], strides = [1, 1]} : vector<64x16xf32> to vector<64x1xf32>
    %slice3A_44 = vector.extract_strided_slice %bitcast_convert_type3A_12 {offsets = [0, 12], sizes = [64, 4], strides = [1, 1]} : vector<64x16xf32> to vector<64x4xf32>
    %mul3A_45 = vector.broadcast %slice3A_43 : vector<64x1xf32> to vector<64x4xf32>
    %mul3A_46 = arith.mulf %mul3A_45, %slice3A_44 : vector<64x4xf32>
    %add3A_47 = arith.addf %add3A_42, %mul3A_46 : vector<64x4xf32>
    %bitcast_convert_type3A_48 = tpu.bitcast %add3A_47 : vector<64x4xf32> -> vector<64x4xi32>
    %add3A_49 = arith.constant 32767 : i32
    %add3A_50 = vector.broadcast %add3A_49 : i32 to vector<64x4xi32>
    %add3A_51 = arith.addi %bitcast_convert_type3A_48, %add3A_50 : vector<64x4xi32>
    %shift_right_logical3A_52 = arith.constant 16 : i32
    %shift_right_logical3A_53 = vector.broadcast %shift_right_logical3A_52 : i32 to vector<64x4xi32>
    %shift_right_logical3A_54 = arith.shrui %bitcast_convert_type3A_48, %shift_right_logical3A_53 : vector<64x4xi32>
    %and3A_55 = arith.constant 1 : i32
    %and3A_56 = vector.broadcast %and3A_55 : i32 to vector<64x4xi32>
    %and3A_57 = arith.andi %shift_right_logical3A_54, %and3A_56 : vector<64x4xi32>
    %add3A_58 = arith.addi %add3A_51, %and3A_57 : vector<64x4xi32>
    %and3A_59 = arith.constant -65536 : i32
    %and3A_60 = vector.broadcast %and3A_59 : i32 to vector<64x4xi32>
    %and3A_61 = arith.andi %add3A_58, %and3A_60 : vector<64x4xi32>
    %bitcast_convert_type3A_62 = tpu.bitcast %and3A_61 : vector<64x4xi32> -> vector<64x4xf32>
    %slice3A_63 = vector.extract_strided_slice %bitcast_convert_type3A_30 {offsets = [0, 4], sizes = [64, 1], strides = [1, 1]} : vector<64x16xf32> to vector<64x1xf32>
    %slice3A_64 = vector.extract_strided_slice %bitcast_convert_type3A_12 {offsets = [0, 0], sizes = [64, 4], strides = [1, 1]} : vector<64x16xf32> to vector<64x4xf32>
    %mul3A_65 = vector.broadcast %slice3A_63 : vector<64x1xf32> to vector<64x4xf32>
    %mul3A_66 = arith.mulf %mul3A_65, %slice3A_64 : vector<64x4xf32>
    %slice3A_67 = vector.extract_strided_slice %bitcast_convert_type3A_30 {offsets = [0, 5], sizes = [64, 1], strides = [1, 1]} : vector<64x16xf32> to vector<64x1xf32>
    %slice3A_68 = vector.extract_strided_slice %bitcast_convert_type3A_12 {offsets = [0, 4], sizes = [64, 4], strides = [1, 1]} : vector<64x16xf32> to vector<64x4xf32>
    %mul3A_69 = vector.broadcast %slice3A_67 : vector<64x1xf32> to vector<64x4xf32>
    %mul3A_70 = arith.mulf %mul3A_69, %slice3A_68 : vector<64x4xf32>
    %add3A_71 = arith.addf %mul3A_66, %mul3A_70 : vector<64x4xf32>
    %slice3A_72 = vector.extract_strided_slice %bitcast_convert_type3A_30 {offsets = [0, 6], sizes = [64, 1], strides = [1, 1]} : vector<64x16xf32> to vector<64x1xf32>
    %slice3A_73 = vector.extract_strided_slice %bitcast_convert_type3A_12 {offsets = [0, 8], sizes = [64, 4], strides = [1, 1]} : vector<64x16xf32> to vector<64x4xf32>
    %mul3A_74 = vector.broadcast %slice3A_72 : vector<64x1xf32> to vector<64x4xf32>
    %mul3A_75 = arith.mulf %mul3A_74, %slice3A_73 : vector<64x4xf32>
    %add3A_76 = arith.addf %add3A_71, %mul3A_75 : vector<64x4xf32>
    %slice3A_77 = vector.extract_strided_slice %bitcast_convert_type3A_30 {offsets = [0, 7], sizes = [64, 1], strides = [1, 1]} : vector<64x16xf32> to vector<64x1xf32>
    %slice3A_78 = vector.extract_strided_slice %bitcast_convert_type3A_12 {offsets = [0, 12], sizes = [64, 4], strides = [1, 1]} : vector<64x16xf32> to vector<64x4xf32>
    %mul3A_79 = vector.broadcast %slice3A_77 : vector<64x1xf32> to vector<64x4xf32>
    %mul3A_80 = arith.mulf %mul3A_79, %slice3A_78 : vector<64x4xf32>
    %add3A_81 = arith.addf %add3A_76, %mul3A_80 : vector<64x4xf32>
    %bitcast_convert_type3A_82 = tpu.bitcast %add3A_81 : vector<64x4xf32> -> vector<64x4xi32>
    %add3A_83 = arith.constant 32767 : i32
    %add3A_84 = vector.broadcast %add3A_83 : i32 to vector<64x4xi32>
    %add3A_85 = arith.addi %bitcast_convert_type3A_82, %add3A_84 : vector<64x4xi32>
    %shift_right_logical3A_86 = arith.constant 16 : i32
    %shift_right_logical3A_87 = vector.broadcast %shift_right_logical3A_86 : i32 to vector<64x4xi32>
    %shift_right_logical3A_88 = arith.shrui %bitcast_convert_type3A_82, %shift_right_logical3A_87 : vector<64x4xi32>
    %and3A_89 = arith.constant 1 : i32
    %and3A_90 = vector.broadcast %and3A_89 : i32 to vector<64x4xi32>
    %and3A_91 = arith.andi %shift_right_logical3A_88, %and3A_90 : vector<64x4xi32>
    %add3A_92 = arith.addi %add3A_85, %and3A_91 : vector<64x4xi32>
    %and3A_93 = arith.constant -65536 : i32
    %and3A_94 = vector.broadcast %and3A_93 : i32 to vector<64x4xi32>
    %and3A_95 = arith.andi %add3A_92, %and3A_94 : vector<64x4xi32>
    %bitcast_convert_type3A_96 = tpu.bitcast %and3A_95 : vector<64x4xi32> -> vector<64x4xf32>
    %slice3A_97 = vector.extract_strided_slice %bitcast_convert_type3A_30 {offsets = [0, 12], sizes = [64, 1], strides = [1, 1]} : vector<64x16xf32> to vector<64x1xf32>
    %slice3A_98 = vector.extract_strided_slice %bitcast_convert_type3A_12 {offsets = [0, 0], sizes = [64, 4], strides = [1, 1]} : vector<64x16xf32> to vector<64x4xf32>
    %mul3A_99 = vector.broadcast %slice3A_97 : vector<64x1xf32> to vector<64x4xf32>
    %mul3A_100 = arith.mulf %mul3A_99, %slice3A_98 : vector<64x4xf32>
    %slice3A_101 = vector.extract_strided_slice %bitcast_convert_type3A_30 {offsets = [0, 13], sizes = [64, 1], strides = [1, 1]} : vector<64x16xf32> to vector<64x1xf32>
    %slice3A_102 = vector.extract_strided_slice %bitcast_convert_type3A_12 {offsets = [0, 4], sizes = [64, 4], strides = [1, 1]} : vector<64x16xf32> to vector<64x4xf32>
    %mul3A_103 = vector.broadcast %slice3A_101 : vector<64x1xf32> to vector<64x4xf32>
    %mul3A_104 = arith.mulf %mul3A_103, %slice3A_102 : vector<64x4xf32>
    %add3A_105 = arith.addf %mul3A_100, %mul3A_104 : vector<64x4xf32>
    %slice3A_106 = vector.extract_strided_slice %bitcast_convert_type3A_30 {offsets = [0, 14], sizes = [64, 1], strides = [1, 1]} : vector<64x16xf32> to vector<64x1xf32>
    %slice3A_107 = vector.extract_strided_slice %bitcast_convert_type3A_12 {offsets = [0, 8], sizes = [64, 4], strides = [1, 1]} : vector<64x16xf32> to vector<64x4xf32>
    %mul3A_108 = vector.broadcast %slice3A_106 : vector<64x1xf32> to vector<64x4xf32>
    %mul3A_109 = arith.mulf %mul3A_108, %slice3A_107 : vector<64x4xf32>
    %add3A_110 = arith.addf %add3A_105, %mul3A_109 : vector<64x4xf32>
    %slice3A_111 = vector.extract_strided_slice %bitcast_convert_type3A_30 {offsets = [0, 15], sizes = [64, 1], strides = [1, 1]} : vector<64x16xf32> to vector<64x1xf32>
    %slice3A_112 = vector.extract_strided_slice %bitcast_convert_type3A_12 {offsets = [0, 12], sizes = [64, 4], strides = [1, 1]} : vector<64x16xf32> to vector<64x4xf32>
    %mul3A_113 = vector.broadcast %slice3A_111 : vector<64x1xf32> to vector<64x4xf32>
    %mul3A_114 = arith.mulf %mul3A_113, %slice3A_112 : vector<64x4xf32>
    %add3A_115 = arith.addf %add3A_110, %mul3A_114 : vector<64x4xf32>
    %bitcast_convert_type3A_116 = tpu.bitcast %add3A_115 : vector<64x4xf32> -> vector<64x4xi32>
    %add3A_117 = arith.constant 32767 : i32
    %add3A_118 = vector.broadcast %add3A_117 : i32 to vector<64x4xi32>
    %add3A_119 = arith.addi %bitcast_convert_type3A_116, %add3A_118 : vector<64x4xi32>
    %shift_right_logical3A_120 = arith.constant 16 : i32
    %shift_right_logical3A_121 = vector.broadcast %shift_right_logical3A_120 : i32 to vector<64x4xi32>
    %shift_right_logical3A_122 = arith.shrui %bitcast_convert_type3A_116, %shift_right_logical3A_121 : vector<64x4xi32>
    %and3A_123 = arith.constant 1 : i32
    %and3A_124 = vector.broadcast %and3A_123 : i32 to vector<64x4xi32>
    %and3A_125 = arith.andi %shift_right_logical3A_122, %and3A_124 : vector<64x4xi32>
    %add3A_126 = arith.addi %add3A_119, %and3A_125 : vector<64x4xi32>
    %and3A_127 = arith.constant -65536 : i32
    %and3A_128 = vector.broadcast %and3A_127 : i32 to vector<64x4xi32>
    %and3A_129 = arith.andi %add3A_126, %and3A_128 : vector<64x4xi32>
    %bitcast_convert_type3A_130 = tpu.bitcast %and3A_129 : vector<64x4xi32> -> vector<64x4xf32>
    %get3A_131 = arith.constant 0 : index
    %get3A_132 = arith.constant 0 : index
    %get3A_133 = vector.load %arg3[%get3A_131, %get3A_132] : memref<8x2048xf32, #tpu.memory_space<vmem>>, vector<1x2048xf32>
    %bitcast_convert_type3A_134 = tpu.bitcast %get3A_133 : vector<1x2048xf32> -> vector<1x2048xi32>
    %add3A_135 = arith.constant 32767 : i32
    %add3A_136 = vector.broadcast %add3A_135 : i32 to vector<1x2048xi32>
    %add3A_137 = arith.addi %bitcast_convert_type3A_134, %add3A_136 : vector<1x2048xi32>
    %shift_right_logical3A_138 = arith.constant 16 : i32
    %shift_right_logical3A_139 = vector.broadcast %shift_right_logical3A_138 : i32 to vector<1x2048xi32>
    %shift_right_logical3A_140 = arith.shrui %bitcast_convert_type3A_134, %shift_right_logical3A_139 : vector<1x2048xi32>
    %and3A_141 = arith.constant 1 : i32
    %and3A_142 = vector.broadcast %and3A_141 : i32 to vector<1x2048xi32>
    %and3A_143 = arith.andi %shift_right_logical3A_140, %and3A_142 : vector<1x2048xi32>
    %add3A_144 = arith.addi %add3A_137, %and3A_143 : vector<1x2048xi32>
    %and3A_145 = arith.constant -65536 : i32
    %and3A_146 = vector.broadcast %and3A_145 : i32 to vector<1x2048xi32>
    %and3A_147 = arith.andi %add3A_144, %and3A_146 : vector<1x2048xi32>
    %bitcast_convert_type3A_148 = tpu.bitcast %and3A_147 : vector<1x2048xi32> -> vector<1x2048xf32>
    %get3A_149 = arith.constant 1 : index
    %get3A_150 = arith.constant 0 : index
    %get3A_151 = vector.load %arg3[%get3A_149, %get3A_150] : memref<8x2048xf32, #tpu.memory_space<vmem>>, vector<1x2048xf32>
    %bitcast_convert_type3A_152 = tpu.bitcast %get3A_151 : vector<1x2048xf32> -> vector<1x2048xi32>
    %add3A_153 = arith.constant 32767 : i32
    %add3A_154 = vector.broadcast %add3A_153 : i32 to vector<1x2048xi32>
    %add3A_155 = arith.addi %bitcast_convert_type3A_152, %add3A_154 : vector<1x2048xi32>
    %shift_right_logical3A_156 = arith.constant 16 : i32
    %shift_right_logical3A_157 = vector.broadcast %shift_right_logical3A_156 : i32 to vector<1x2048xi32>
    %shift_right_logical3A_158 = arith.shrui %bitcast_convert_type3A_152, %shift_right_logical3A_157 : vector<1x2048xi32>
    %and3A_159 = arith.constant 1 : i32
    %and3A_160 = vector.broadcast %and3A_159 : i32 to vector<1x2048xi32>
    %and3A_161 = arith.andi %shift_right_logical3A_158, %and3A_160 : vector<1x2048xi32>
    %add3A_162 = arith.addi %add3A_155, %and3A_161 : vector<1x2048xi32>
    %and3A_163 = arith.constant -65536 : i32
    %and3A_164 = vector.broadcast %and3A_163 : i32 to vector<1x2048xi32>
    %and3A_165 = arith.andi %add3A_162, %and3A_164 : vector<1x2048xi32>
    %bitcast_convert_type3A_166 = tpu.bitcast %and3A_165 : vector<1x2048xi32> -> vector<1x2048xf32>
    %get3A_167 = arith.constant 2 : index
    %get3A_168 = arith.constant 0 : index
    %get3A_169 = vector.load %arg3[%get3A_167, %get3A_168] : memref<8x2048xf32, #tpu.memory_space<vmem>>, vector<1x2048xf32>
    %bitcast_convert_type3A_170 = tpu.bitcast %get3A_169 : vector<1x2048xf32> -> vector<1x2048xi32>
    %add3A_171 = arith.constant 32767 : i32
    %add3A_172 = vector.broadcast %add3A_171 : i32 to vector<1x2048xi32>
    %add3A_173 = arith.addi %bitcast_convert_type3A_170, %add3A_172 : vector<1x2048xi32>
    %shift_right_logical3A_174 = arith.constant 16 : i32
    %shift_right_logical3A_175 = vector.broadcast %shift_right_logical3A_174 : i32 to vector<1x2048xi32>
    %shift_right_logical3A_176 = arith.shrui %bitcast_convert_type3A_170, %shift_right_logical3A_175 : vector<1x2048xi32>
    %and3A_177 = arith.constant 1 : i32
    %and3A_178 = vector.broadcast %and3A_177 : i32 to vector<1x2048xi32>
    %and3A_179 = arith.andi %shift_right_logical3A_176, %and3A_178 : vector<1x2048xi32>
    %add3A_180 = arith.addi %add3A_173, %and3A_179 : vector<1x2048xi32>
    %and3A_181 = arith.constant -65536 : i32
    %and3A_182 = vector.broadcast %and3A_181 : i32 to vector<1x2048xi32>
    %and3A_183 = arith.andi %add3A_180, %and3A_182 : vector<1x2048xi32>
    %bitcast_convert_type3A_184 = tpu.bitcast %and3A_183 : vector<1x2048xi32> -> vector<1x2048xf32>
    %slice3A_185 = vector.extract_strided_slice %bitcast_convert_type3A_62 {offsets = [0, 0], sizes = [64, 1], strides = [1, 1]} : vector<64x4xf32> to vector<64x1xf32>
    %mul3A_186 = vector.broadcast %slice3A_185 : vector<64x1xf32> to vector<64x2048xf32>
    %mul3A_187 = vector.broadcast %bitcast_convert_type3A_148 : vector<1x2048xf32> to vector<64x2048xf32>
    %mul3A_188 = arith.mulf %mul3A_186, %mul3A_187 : vector<64x2048xf32>
    %slice3A_189 = vector.extract_strided_slice %bitcast_convert_type3A_62 {offsets = [0, 1], sizes = [64, 1], strides = [1, 1]} : vector<64x4xf32> to vector<64x1xf32>
    %mul3A_190 = vector.broadcast %slice3A_189 : vector<64x1xf32> to vector<64x2048xf32>
    %mul3A_191 = vector.broadcast %bitcast_convert_type3A_166 : vector<1x2048xf32> to vector<64x2048xf32>
    %mul3A_192 = arith.mulf %mul3A_190, %mul3A_191 : vector<64x2048xf32>
    %add3A_193 = arith.addf %mul3A_188, %mul3A_192 : vector<64x2048xf32>
    %slice3A_194 = vector.extract_strided_slice %bitcast_convert_type3A_62 {offsets = [0, 2], sizes = [64, 1], strides = [1, 1]} : vector<64x4xf32> to vector<64x1xf32>
    %mul3A_195 = vector.broadcast %slice3A_194 : vector<64x1xf32> to vector<64x2048xf32>
    %mul3A_196 = vector.broadcast %bitcast_convert_type3A_184 : vector<1x2048xf32> to vector<64x2048xf32>
    %mul3A_197 = arith.mulf %mul3A_195, %mul3A_196 : vector<64x2048xf32>
    %add3A_198 = arith.addf %add3A_193, %mul3A_197 : vector<64x2048xf32>
    %slice3A_199 = vector.extract_strided_slice %bitcast_convert_type3A_62 {offsets = [0, 3], sizes = [64, 1], strides = [1, 1]} : vector<64x4xf32> to vector<64x1xf32>
    %add3A_200 = vector.broadcast %slice3A_199 : vector<64x1xf32> to vector<64x2048xf32>
    %add3A_201 = arith.addf %add3A_198, %add3A_200 : vector<64x2048xf32>
    %slice3A_202 = vector.extract_strided_slice %bitcast_convert_type3A_96 {offsets = [0, 0], sizes = [64, 1], strides = [1, 1]} : vector<64x4xf32> to vector<64x1xf32>
    %mul3A_203 = vector.broadcast %slice3A_202 : vector<64x1xf32> to vector<64x2048xf32>
    %mul3A_204 = vector.broadcast %bitcast_convert_type3A_148 : vector<1x2048xf32> to vector<64x2048xf32>
    %mul3A_205 = arith.mulf %mul3A_203, %mul3A_204 : vector<64x2048xf32>
    %slice3A_206 = vector.extract_strided_slice %bitcast_convert_type3A_96 {offsets = [0, 1], sizes = [64, 1], strides = [1, 1]} : vector<64x4xf32> to vector<64x1xf32>
    %mul3A_207 = vector.broadcast %slice3A_206 : vector<64x1xf32> to vector<64x2048xf32>
    %mul3A_208 = vector.broadcast %bitcast_convert_type3A_166 : vector<1x2048xf32> to vector<64x2048xf32>
    %mul3A_209 = arith.mulf %mul3A_207, %mul3A_208 : vector<64x2048xf32>
    %add3A_210 = arith.addf %mul3A_205, %mul3A_209 : vector<64x2048xf32>
    %slice3A_211 = vector.extract_strided_slice %bitcast_convert_type3A_96 {offsets = [0, 2], sizes = [64, 1], strides = [1, 1]} : vector<64x4xf32> to vector<64x1xf32>
    %mul3A_212 = vector.broadcast %slice3A_211 : vector<64x1xf32> to vector<64x2048xf32>
    %mul3A_213 = vector.broadcast %bitcast_convert_type3A_184 : vector<1x2048xf32> to vector<64x2048xf32>
    %mul3A_214 = arith.mulf %mul3A_212, %mul3A_213 : vector<64x2048xf32>
    %add3A_215 = arith.addf %add3A_210, %mul3A_214 : vector<64x2048xf32>
    %slice3A_216 = vector.extract_strided_slice %bitcast_convert_type3A_96 {offsets = [0, 3], sizes = [64, 1], strides = [1, 1]} : vector<64x4xf32> to vector<64x1xf32>
    %add3A_217 = vector.broadcast %slice3A_216 : vector<64x1xf32> to vector<64x2048xf32>
    %add3A_218 = arith.addf %add3A_215, %add3A_217 : vector<64x2048xf32>
    %slice3A_219 = vector.extract_strided_slice %bitcast_convert_type3A_130 {offsets = [0, 0], sizes = [64, 1], strides = [1, 1]} : vector<64x4xf32> to vector<64x1xf32>
    %mul3A_220 = vector.broadcast %slice3A_219 : vector<64x1xf32> to vector<64x2048xf32>
    %mul3A_221 = vector.broadcast %bitcast_convert_type3A_148 : vector<1x2048xf32> to vector<64x2048xf32>
    %mul3A_222 = arith.mulf %mul3A_220, %mul3A_221 : vector<64x2048xf32>
    %slice3A_223 = vector.extract_strided_slice %bitcast_convert_type3A_130 {offsets = [0, 1], sizes = [64, 1], strides = [1, 1]} : vector<64x4xf32> to vector<64x1xf32>
    %mul3A_224 = vector.broadcast %slice3A_223 : vector<64x1xf32> to vector<64x2048xf32>
    %mul3A_225 = vector.broadcast %bitcast_convert_type3A_166 : vector<1x2048xf32> to vector<64x2048xf32>
    %mul3A_226 = arith.mulf %mul3A_224, %mul3A_225 : vector<64x2048xf32>
    %add3A_227 = arith.addf %mul3A_222, %mul3A_226 : vector<64x2048xf32>
    %slice3A_228 = vector.extract_strided_slice %bitcast_convert_type3A_130 {offsets = [0, 2], sizes = [64, 1], strides = [1, 1]} : vector<64x4xf32> to vector<64x1xf32>
    %mul3A_229 = vector.broadcast %slice3A_228 : vector<64x1xf32> to vector<64x2048xf32>
    %mul3A_230 = vector.broadcast %bitcast_convert_type3A_184 : vector<1x2048xf32> to vector<64x2048xf32>
    %mul3A_231 = arith.mulf %mul3A_229, %mul3A_230 : vector<64x2048xf32>
    %add3A_232 = arith.addf %add3A_227, %mul3A_231 : vector<64x2048xf32>
    %slice3A_233 = vector.extract_strided_slice %bitcast_convert_type3A_130 {offsets = [0, 3], sizes = [64, 1], strides = [1, 1]} : vector<64x4xf32> to vector<64x1xf32>
    %add3A_234 = vector.broadcast %slice3A_233 : vector<64x1xf32> to vector<64x2048xf32>
    %add3A_235 = arith.addf %add3A_232, %add3A_234 : vector<64x2048xf32>
    %ne3A = arith.constant 0.000000e+00 : f32
    %ne3A_236 = vector.broadcast %ne3A : f32 to vector<64x2048xf32>
    %ne3A_237 = arith.cmpf one, %add3A_235, %ne3A_236 : vector<64x2048xf32>
    %div3A = arith.divf %add3A_201, %add3A_235 : vector<64x2048xf32>
    %select_n3A = arith.select %ne3A_237, %div3A, %add3A_201 : vector<64x2048xi1>, vector<64x2048xf32>
    %div3A_238 = arith.divf %add3A_218, %add3A_235 : vector<64x2048xf32>
    %select_n3A_239 = arith.select %ne3A_237, %div3A_238, %add3A_218 : vector<64x2048xi1>, vector<64x2048xf32>
    %add3A_240 = arith.constant 1.000000e+00 : f32
    %add3A_241 = vector.broadcast %add3A_240 : f32 to vector<64x2048xf32>
    %add3A_242 = arith.addf %select_n3A, %add3A_241 : vector<64x2048xf32>
    %mul3A_243 = arith.constant 5.000000e-01 : f32
    %mul3A_244 = vector.broadcast %mul3A_243 : f32 to vector<64x2048xf32>
    %mul3A_245 = arith.mulf %add3A_242, %mul3A_244 : vector<64x2048xf32>
    %mul3A_246 = arith.constant 5.120000e+02 : f32
    %mul3A_247 = vector.broadcast %mul3A_246 : f32 to vector<64x2048xf32>
    %mul3A_248 = arith.mulf %mul3A_245, %mul3A_247 : vector<64x2048xf32>
    %add3A_249 = arith.constant 1.000000e+00 : f32
    %add3A_250 = vector.broadcast %add3A_249 : f32 to vector<64x2048xf32>
    %add3A_251 = arith.addf %select_n3A_239, %add3A_250 : vector<64x2048xf32>
    %mul3A_252 = arith.constant 5.000000e-01 : f32
    %mul3A_253 = vector.broadcast %mul3A_252 : f32 to vector<64x2048xf32>
    %mul3A_254 = arith.mulf %add3A_251, %mul3A_253 : vector<64x2048xf32>
    %sub3A = arith.constant 1.000000e+00 : f32
    %sub3A_255 = vector.broadcast %sub3A : f32 to vector<64x2048xf32>
    %sub3A_256 = arith.subf %sub3A_255, %mul3A_254 : vector<64x2048xf32>
    %mul3A_257 = arith.constant 5.120000e+02 : f32
    %mul3A_258 = vector.broadcast %mul3A_257 : f32 to vector<64x2048xf32>
    %mul3A_259 = arith.mulf %sub3A_256, %mul3A_258 : vector<64x2048xf32>
    %round3A = math.roundeven %mul3A_248 : vector<64x2048xf32>
    %round3A_260 = math.roundeven %mul3A_259 : vector<64x2048xf32>
    %ge3A = arith.constant 0.000000e+00 : f32
    %ge3A_261 = vector.broadcast %ge3A : f32 to vector<64x2048xf32>
    %ge3A_262 = arith.cmpf oge, %round3A, %ge3A_261 : vector<64x2048xf32>
    %le3A = arith.constant 5.110000e+02 : f32
    %le3A_263 = vector.broadcast %le3A : f32 to vector<64x2048xf32>
    %le3A_264 = arith.cmpf ole, %round3A, %le3A_263 : vector<64x2048xf32>
    %and3A_265 = arith.andi %ge3A_262, %le3A_264 : vector<64x2048xi1>
    %ge3A_266 = arith.constant 0.000000e+00 : f32
    %ge3A_267 = vector.broadcast %ge3A_266 : f32 to vector<64x2048xf32>
    %ge3A_268 = arith.cmpf oge, %round3A_260, %ge3A_267 : vector<64x2048xf32>
    %and3A_269 = arith.andi %and3A_265, %ge3A_268 : vector<64x2048xi1>
    %le3A_270 = arith.constant 5.110000e+02 : f32
    %le3A_271 = vector.broadcast %le3A_270 : f32 to vector<64x2048xf32>
    %le3A_272 = arith.cmpf ole, %round3A_260, %le3A_271 : vector<64x2048xf32>
    %and3A_273 = arith.andi %and3A_269, %le3A_272 : vector<64x2048xi1>
    %mul3A_274 = arith.constant 2048 : i32
    %mul3A_275 = arith.muli %arg0, %mul3A_274 : i32
    %iota3A = tpu.iota {dimensions = array<i32: 1>} : vector<64x2048xi32>
    %add3A_276 = vector.broadcast %mul3A_275 : i32 to vector<64x2048xi32>
    %add3A_277 = arith.addi %add3A_276, %iota3A : vector<64x2048xi32>
    %lt3A = arith.constant 13860 : i32
    %lt3A_278 = vector.broadcast %lt3A : i32 to vector<64x2048xi32>
    %lt3A_279 = arith.cmpi slt, %add3A_277, %lt3A_278 : vector<64x2048xi32>
    %and3A_280 = arith.andi %and3A_273, %lt3A_279 : vector<64x2048xi1>
    %convert_element_type3A = arith.fptosi %round3A_260 : vector<64x2048xf32> to vector<64x2048xi32>
    %mul3A_281 = arith.constant 512 : i32
    %mul3A_282 = vector.broadcast %mul3A_281 : i32 to vector<64x2048xi32>
    %mul3A_283 = arith.muli %convert_element_type3A, %mul3A_282 : vector<64x2048xi32>
    %convert_element_type3A_284 = arith.fptosi %round3A : vector<64x2048xf32> to vector<64x2048xi32>
    %add3A_285 = arith.addi %mul3A_283, %convert_element_type3A_284 : vector<64x2048xi32>
    %jit3A = arith.constant -1048576 : i32
    %broadcast_in_dim3A = vector.broadcast %jit3A : i32 to vector<64x2048xi32>
    %select_n3A_286 = arith.select %and3A_280, %add3A_285, %broadcast_in_dim3A : vector<64x2048xi1>, vector<64x2048xi32>
    %swap3A = arith.constant 0 : index
    %swap3A_287 = arith.constant 0 : index
    %swap3A_288 = vector.load %arg4[%swap3A, %swap3A_287] : memref<64x2048xi32, #tpu.memory_space<vmem>>, vector<64x2048xi32>
    tpu.vector_store %arg4[%swap3A, %swap3A_287], %select_n3A_286 {strides = array<i32>} : memref<64x2048xi32, #tpu.memory_space<vmem>>, vector<64x2048xi32>,
    return
  }
  func.func @transform_0(%arg0: i32) -> (i32, i32) {
    %c0_i32 = arith.constant 0 : i32
    %c0_i32_0 = arith.constant 0 : i32
    %c0_i32_1 = arith.constant 0 : i32
    return %c0_i32, %c0_i32_0 : i32, i32
  }
  func.func @transform_1(%arg0: i32) -> (i32, i32) {
    %c0_i32 = arith.constant 0 : i32
    %c0_i32_0 = arith.constant 0 : i32
    %c0_i32_1 = arith.constant 0 : i32
    return %c0_i32, %c0_i32_0 : i32, i32
  }
  func.func @transform_2(%arg0: i32) -> (i32, i32) {
    %c0_i32 = arith.constant 0 : i32
    %c0_i32_0 = arith.constant 0 : i32
    return %c0_i32, %arg0 : i32, i32
  }
  func.func @transform_3(%arg0: i32) -> (i32, i32) {
    %c0_i32 = arith.constant 0 : i32
    %c0_i32_0 = arith.constant 0 : i32
    return %c0_i32, %arg0 : i32, i32
  }
}

module attributes {stable_mosaic.version = 14 : i64} {
  func.func @_morph_body(%arg0: i32, %arg1: memref<512x512xbf16, #tpu.memory_space<vmem>>, %arg2: memref<512x512xbf16, #tpu.memory_space<vmem>>, %arg3: memref<512x512xbf16, #tpu.memory_space<vmem>>, %arg4: memref<512x512xbf16, #tpu.memory_space<vmem>>, %arg5: memref<512x512xbf16, #tpu.memory_space<vmem>>, %arg6: memref<1x512x512xf32, #tpu.memory_space<vmem>>, %arg7: memref<1x3x512x512xf32, #tpu.memory_space<vmem>>) attributes {dimension_semantics = [#tpu.dimension_semantics<arbitrary>], iteration_bounds = array<i64: 16>, scalar_prefetch = 0 : i64, scratch_operands = 0 : i64, tpu.core_type = #tpu.core_type<tc>, window_params = [{pipeline_mode = #tpu.pipeline_mode<synchronous>, transform_indices = @transform_0, window_bounds = array<i64: 512, 512>}, {pipeline_mode = #tpu.pipeline_mode<synchronous>, transform_indices = @transform_1, window_bounds = array<i64: 512, 512>}, {pipeline_mode = #tpu.pipeline_mode<synchronous>, transform_indices = @transform_2, window_bounds = array<i64: 512, 512>}, {pipeline_mode = #tpu.pipeline_mode<synchronous>, transform_indices = @transform_3, window_bounds = array<i64: 512, 512>}, {pipeline_mode = #tpu.pipeline_mode<synchronous>, transform_indices = @transform_4, window_bounds = array<i64: 512, 512>}, {transform_indices = @transform_5, window_bounds = array<i64: 1, 512, 512>}, {transform_indices = @transform_6, window_bounds = array<i64: 1, 3, 512, 512>}]} {
    %get3A = arith.constant 0 : index
    %get3A_0 = arith.constant 0 : index
    %get3A_1 = arith.constant 0 : index
    %get3A_2 = vector.load %arg6[%get3A, %get3A_0, %get3A_1] : memref<1x512x512xf32, #tpu.memory_space<vmem>>, vector<1x512x512xf32>
    %get3A_3 = vector.shape_cast %get3A_2 : vector<1x512x512xf32> to vector<512x512xf32>
    %get3A_4 = arith.constant 0 : index
    %get3A_5 = arith.constant 0 : index
    %get3A_6 = vector.load %arg1[%get3A_4, %get3A_5] : memref<512x512xbf16, #tpu.memory_space<vmem>>, vector<512x512xbf16>
    %gt3A = arith.constant 0.000000e+00 : f32
    %gt3A_7 = vector.broadcast %gt3A : f32 to vector<512x512xf32>
    %gt3A_8 = arith.cmpf ogt, %get3A_3, %gt3A_7 : vector<512x512xf32>
    %jit3A = arith.constant 1.000000e+00 : f32
    %jit3A_9 = arith.constant 0.000000e+00 : f32
    %broadcast_in_dim3A = vector.broadcast %jit3A : f32 to vector<512x512xf32>
    %broadcast_in_dim3A_10 = vector.broadcast %jit3A_9 : f32 to vector<512x512xf32>
    %select_n3A = arith.select %gt3A_8, %broadcast_in_dim3A, %broadcast_in_dim3A_10 : vector<512x512xi1>, vector<512x512xf32>
    %convert_element_type3A = arith.truncf %select_n3A : vector<512x512xf32> to vector<512x512xbf16>
    %dot_general3A = arith.constant dense<0.000000e+00> : vector<512x512xf32>
    %dot_general3A_11 = tpu.matmul %get3A_6, %convert_element_type3A, %dot_general3A {dimension_numbers = #tpu.dot_dimension_numbers<[1], [0], [0], [1], [0, 0, 1, 1], [], []>, transpose_lhs_hint = false} : vector<512x512xbf16>, vector<512x512xbf16>, vector<512x512xf32> -> vector<512x512xf32>
    %convert_element_type3A_12 = arith.truncf %dot_general3A_11 : vector<512x512xf32> to vector<512x512xbf16>
    %dot_general3A_13 = arith.constant dense<0.000000e+00> : vector<512x512xf32>
    %dot_general3A_14 = tpu.matmul %convert_element_type3A_12, %get3A_6, %dot_general3A_13 {dimension_numbers = #tpu.dot_dimension_numbers<[1], [0], [0], [1], [0, 0, 1, 1], [], []>, transpose_lhs_hint = false} : vector<512x512xbf16>, vector<512x512xbf16>, vector<512x512xf32> -> vector<512x512xf32>
    %gt3A_15 = arith.constant 5.000000e-01 : f32
    %gt3A_16 = vector.broadcast %gt3A_15 : f32 to vector<512x512xf32>
    %gt3A_17 = arith.cmpf ogt, %dot_general3A_14, %gt3A_16 : vector<512x512xf32>
    %jit3A_18 = arith.constant 2.550000e+02 : f32
    %jit3A_19 = arith.constant 0.000000e+00 : f32
    %broadcast_in_dim3A_20 = vector.broadcast %jit3A_18 : f32 to vector<512x512xf32>
    %broadcast_in_dim3A_21 = vector.broadcast %jit3A_19 : f32 to vector<512x512xf32>
    %select_n3A_22 = arith.select %gt3A_17, %broadcast_in_dim3A_20, %broadcast_in_dim3A_21 : vector<512x512xi1>, vector<512x512xf32>
    %convert_element_type3A_23 = arith.truncf %select_n3A_22 : vector<512x512xf32> to vector<512x512xbf16>
    %get3A_24 = arith.constant 0 : index
    %get3A_25 = arith.constant 0 : index
    %get3A_26 = vector.load %arg2[%get3A_24, %get3A_25] : memref<512x512xbf16, #tpu.memory_space<vmem>>, vector<512x512xbf16>
    %dot_general3A_27 = arith.constant dense<0.000000e+00> : vector<512x512xf32>
    %dot_general3A_28 = tpu.matmul %get3A_26, %convert_element_type3A_23, %dot_general3A_27 {dimension_numbers = #tpu.dot_dimension_numbers<[1], [0], [0], [1], [0, 0, 1, 1], [], []>, transpose_lhs_hint = false} : vector<512x512xbf16>, vector<512x512xbf16>, vector<512x512xf32> -> vector<512x512xf32>
    %get3A_29 = arith.constant 0 : index
    %get3A_30 = arith.constant 0 : index
    %get3A_31 = vector.load %arg3[%get3A_29, %get3A_30] : memref<512x512xbf16, #tpu.memory_space<vmem>>, vector<512x512xbf16>
    %dot_general3A_32 = arith.constant dense<0.000000e+00> : vector<512x512xf32>
    %dot_general3A_33 = tpu.matmul %get3A_31, %convert_element_type3A_23, %dot_general3A_32 {dimension_numbers = #tpu.dot_dimension_numbers<[1], [0], [0], [1], [0, 0, 1, 1], [], []>, transpose_lhs_hint = false} : vector<512x512xbf16>, vector<512x512xbf16>, vector<512x512xf32> -> vector<512x512xf32>
    %add3A = arith.addf %dot_general3A_28, %dot_general3A_33 : vector<512x512xf32>
    %convert_element_type3A_34 = arith.truncf %add3A : vector<512x512xf32> to vector<512x512xbf16>
    %convert_element_type3A_35 = arith.extf %convert_element_type3A_34 : vector<512x512xbf16> to vector<512x512xf32>
    %sub3A = arith.subf %add3A, %convert_element_type3A_35 : vector<512x512xf32>
    %convert_element_type3A_36 = arith.truncf %sub3A : vector<512x512xf32> to vector<512x512xbf16>
    %get3A_37 = arith.constant 0 : index
    %get3A_38 = arith.constant 0 : index
    %get3A_39 = vector.load %arg4[%get3A_37, %get3A_38] : memref<512x512xbf16, #tpu.memory_space<vmem>>, vector<512x512xbf16>
    %dot_general3A_40 = arith.constant dense<0.000000e+00> : vector<512x512xf32>
    %dot_general3A_41 = tpu.matmul %convert_element_type3A_34, %get3A_39, %dot_general3A_40 {dimension_numbers = #tpu.dot_dimension_numbers<[1], [0], [0], [1], [0, 0, 1, 1], [], []>, transpose_lhs_hint = false} : vector<512x512xbf16>, vector<512x512xbf16>, vector<512x512xf32> -> vector<512x512xf32>
    %get3A_42 = arith.constant 0 : index
    %get3A_43 = arith.constant 0 : index
    %get3A_44 = vector.load %arg5[%get3A_42, %get3A_43] : memref<512x512xbf16, #tpu.memory_space<vmem>>, vector<512x512xbf16>
    %dot_general3A_45 = arith.constant dense<0.000000e+00> : vector<512x512xf32>
    %dot_general3A_46 = tpu.matmul %convert_element_type3A_34, %get3A_44, %dot_general3A_45 {dimension_numbers = #tpu.dot_dimension_numbers<[1], [0], [0], [1], [0, 0, 1, 1], [], []>, transpose_lhs_hint = false} : vector<512x512xbf16>, vector<512x512xbf16>, vector<512x512xf32> -> vector<512x512xf32>
    %add3A_47 = arith.addf %dot_general3A_41, %dot_general3A_46 : vector<512x512xf32>
    %get3A_48 = arith.constant 0 : index
    %get3A_49 = arith.constant 0 : index
    %get3A_50 = vector.load %arg4[%get3A_48, %get3A_49] : memref<512x512xbf16, #tpu.memory_space<vmem>>, vector<512x512xbf16>
    %dot_general3A_51 = arith.constant dense<0.000000e+00> : vector<512x512xf32>
    %dot_general3A_52 = tpu.matmul %convert_element_type3A_36, %get3A_50, %dot_general3A_51 {dimension_numbers = #tpu.dot_dimension_numbers<[1], [0], [0], [1], [0, 0, 1, 1], [], []>, transpose_lhs_hint = false} : vector<512x512xbf16>, vector<512x512xbf16>, vector<512x512xf32> -> vector<512x512xf32>
    %add3A_53 = arith.addf %add3A_47, %dot_general3A_52 : vector<512x512xf32>
    %gt3A_54 = arith.constant 1.000000e+02 : f32
    %gt3A_55 = vector.broadcast %gt3A_54 : f32 to vector<512x512xf32>
    %gt3A_56 = arith.cmpf ogt, %add3A_53, %gt3A_55 : vector<512x512xf32>
    %jit3A_57 = arith.constant 1.000000e+00 : f32
    %jit3A_58 = arith.constant 0.000000e+00 : f32
    %broadcast_in_dim3A_59 = vector.broadcast %jit3A_57 : f32 to vector<512x512xf32>
    %broadcast_in_dim3A_60 = vector.broadcast %jit3A_58 : f32 to vector<512x512xf32>
    %select_n3A_61 = arith.select %gt3A_56, %broadcast_in_dim3A_59, %broadcast_in_dim3A_60 : vector<512x512xi1>, vector<512x512xf32>
    %swap3A = arith.constant 0 : index
    %swap3A_62 = arith.constant 0 : index
    %swap3A_63 = arith.constant 0 : index
    %swap3A_64 = arith.constant 0 : index
    %swap3A_65 = vector.load %arg7[%swap3A, %swap3A_62, %swap3A_63, %swap3A_64] : memref<1x3x512x512xf32, #tpu.memory_space<vmem>>, vector<1x1x512x512xf32>
    %swap3A_66 = vector.shape_cast %swap3A_65 : vector<1x1x512x512xf32> to vector<512x512xf32>
    %swap3A_67 = vector.shape_cast %select_n3A_61 : vector<512x512xf32> to vector<1x1x512x512xf32>
    tpu.vector_store %arg7[%swap3A, %swap3A_62, %swap3A_63, %swap3A_64], %swap3A_67 {strides = array<i32>} : memref<1x3x512x512xf32, #tpu.memory_space<vmem>>, vector<1x1x512x512xf32>,
    %swap3A_68 = arith.constant 0 : index
    %swap3A_69 = arith.constant 1 : index
    %swap3A_70 = arith.constant 0 : index
    %swap3A_71 = arith.constant 0 : index
    %swap3A_72 = vector.load %arg7[%swap3A_68, %swap3A_69, %swap3A_70, %swap3A_71] : memref<1x3x512x512xf32, #tpu.memory_space<vmem>>, vector<1x1x512x512xf32>
    %swap3A_73 = vector.shape_cast %swap3A_72 : vector<1x1x512x512xf32> to vector<512x512xf32>
    %swap3A_74 = vector.shape_cast %select_n3A_61 : vector<512x512xf32> to vector<1x1x512x512xf32>
    tpu.vector_store %arg7[%swap3A_68, %swap3A_69, %swap3A_70, %swap3A_71], %swap3A_74 {strides = array<i32>} : memref<1x3x512x512xf32, #tpu.memory_space<vmem>>, vector<1x1x512x512xf32>,
    %swap3A_75 = arith.constant 0 : index
    %swap3A_76 = arith.constant 2 : index
    %swap3A_77 = arith.constant 0 : index
    %swap3A_78 = arith.constant 0 : index
    %swap3A_79 = vector.load %arg7[%swap3A_75, %swap3A_76, %swap3A_77, %swap3A_78] : memref<1x3x512x512xf32, #tpu.memory_space<vmem>>, vector<1x1x512x512xf32>
    %swap3A_80 = vector.shape_cast %swap3A_79 : vector<1x1x512x512xf32> to vector<512x512xf32>
    %swap3A_81 = vector.shape_cast %select_n3A_61 : vector<512x512xf32> to vector<1x1x512x512xf32>
    tpu.vector_store %arg7[%swap3A_75, %swap3A_76, %swap3A_77, %swap3A_78], %swap3A_81 {strides = array<i32>} : memref<1x3x512x512xf32, #tpu.memory_space<vmem>>, vector<1x1x512x512xf32>,
    return
  }
  func.func @transform_0(%arg0: i32) -> (i32, i32) {
    %c0_i32 = arith.constant 0 : i32
    %c0_i32_0 = arith.constant 0 : i32
    %c0_i32_1 = arith.constant 0 : i32
    return %c0_i32, %c0_i32_0 : i32, i32
  }
  func.func @transform_1(%arg0: i32) -> (i32, i32) {
    %c0_i32 = arith.constant 0 : i32
    %c0_i32_0 = arith.constant 0 : i32
    %c0_i32_1 = arith.constant 0 : i32
    return %c0_i32, %c0_i32_0 : i32, i32
  }
  func.func @transform_2(%arg0: i32) -> (i32, i32) {
    %c0_i32 = arith.constant 0 : i32
    %c0_i32_0 = arith.constant 0 : i32
    %c0_i32_1 = arith.constant 0 : i32
    return %c0_i32, %c0_i32_0 : i32, i32
  }
  func.func @transform_3(%arg0: i32) -> (i32, i32) {
    %c0_i32 = arith.constant 0 : i32
    %c0_i32_0 = arith.constant 0 : i32
    %c0_i32_1 = arith.constant 0 : i32
    return %c0_i32, %c0_i32_0 : i32, i32
  }
  func.func @transform_4(%arg0: i32) -> (i32, i32) {
    %c0_i32 = arith.constant 0 : i32
    %c0_i32_0 = arith.constant 0 : i32
    %c0_i32_1 = arith.constant 0 : i32
    return %c0_i32, %c0_i32_0 : i32, i32
  }
  func.func @transform_5(%arg0: i32) -> (i32, i32, i32) {
    %c0_i32 = arith.constant 0 : i32
    %c0_i32_0 = arith.constant 0 : i32
    %c0_i32_1 = arith.constant 0 : i32
    return %arg0, %c0_i32, %c0_i32_0 : i32, i32, i32
  }
  func.func @transform_6(%arg0: i32) -> (i32, i32, i32, i32) {
    %add3A = arith.constant 0 : i32
    %add3A_0 = arith.addi %arg0, %add3A : i32
    %c0_i32 = arith.constant 0 : i32
    %c0_i32_1 = arith.constant 0 : i32
    %c0_i32_2 = arith.constant 0 : i32
    %c0_i32_3 = arith.constant 0 : i32
    return %add3A_0, %c0_i32, %c0_i32_1, %c0_i32_2 : i32, i32, i32, i32
  }
}

module attributes {stable_mosaic.version = 14 : i64} {
  func.func @_morph_body_b(%arg0: i32, %arg1: memref<512x512xbf16, #tpu.memory_space<vmem>>, %arg2: memref<512x512xbf16, #tpu.memory_space<vmem>>, %arg3: memref<512x512xbf16, #tpu.memory_space<vmem>>, %arg4: memref<512x512xbf16, #tpu.memory_space<vmem>>, %arg5: memref<512x512xbf16, #tpu.memory_space<vmem>>, %arg6: memref<1x512x512xf32, #tpu.memory_space<vmem>>, %arg7: memref<64x3x512x512xf32, #tpu.memory_space<any>>, %arg8: memref<1x3x512x512xf32, #tpu.memory_space<vmem>>) attributes {dimension_semantics = [#tpu.dimension_semantics<arbitrary>], iteration_bounds = array<i64: 16>, scalar_prefetch = 0 : i64, scratch_operands = 0 : i64, tpu.core_type = #tpu.core_type<tc>, window_params = [{pipeline_mode = #tpu.pipeline_mode<synchronous>, transform_indices = @transform_0, window_bounds = array<i64: 512, 512>}, {pipeline_mode = #tpu.pipeline_mode<synchronous>, transform_indices = @transform_1, window_bounds = array<i64: 512, 512>}, {pipeline_mode = #tpu.pipeline_mode<synchronous>, transform_indices = @transform_2, window_bounds = array<i64: 512, 512>}, {pipeline_mode = #tpu.pipeline_mode<synchronous>, transform_indices = @transform_3, window_bounds = array<i64: 512, 512>}, {pipeline_mode = #tpu.pipeline_mode<synchronous>, transform_indices = @transform_4, window_bounds = array<i64: 512, 512>}, {transform_indices = @transform_5, window_bounds = array<i64: 1, 512, 512>}, {}, {transform_indices = @transform_7, window_bounds = array<i64: 1, 3, 512, 512>}]} {
    %get3A = arith.constant 0 : index
    %get3A_0 = arith.constant 0 : index
    %get3A_1 = arith.constant 0 : index
    %get3A_2 = vector.load %arg6[%get3A, %get3A_0, %get3A_1] : memref<1x512x512xf32, #tpu.memory_space<vmem>>, vector<1x512x512xf32>
    %get3A_3 = vector.shape_cast %get3A_2 : vector<1x512x512xf32> to vector<512x512xf32>
    %get3A_4 = arith.constant 0 : index
    %get3A_5 = arith.constant 0 : index
    %get3A_6 = vector.load %arg1[%get3A_4, %get3A_5] : memref<512x512xbf16, #tpu.memory_space<vmem>>, vector<512x512xbf16>
    %gt3A = arith.constant 0.000000e+00 : f32
    %gt3A_7 = vector.broadcast %gt3A : f32 to vector<512x512xf32>
    %gt3A_8 = arith.cmpf ogt, %get3A_3, %gt3A_7 : vector<512x512xf32>
    %jit3A = arith.constant 1.000000e+00 : f32
    %jit3A_9 = arith.constant 0.000000e+00 : f32
    %broadcast_in_dim3A = vector.broadcast %jit3A : f32 to vector<512x512xf32>
    %broadcast_in_dim3A_10 = vector.broadcast %jit3A_9 : f32 to vector<512x512xf32>
    %select_n3A = arith.select %gt3A_8, %broadcast_in_dim3A, %broadcast_in_dim3A_10 : vector<512x512xi1>, vector<512x512xf32>
    %convert_element_type3A = arith.truncf %select_n3A : vector<512x512xf32> to vector<512x512xbf16>
    %dot_general3A = arith.constant dense<0.000000e+00> : vector<512x512xf32>
    %dot_general3A_11 = tpu.matmul %get3A_6, %convert_element_type3A, %dot_general3A {dimension_numbers = #tpu.dot_dimension_numbers<[1], [0], [0], [1], [0, 0, 1, 1], [], []>, transpose_lhs_hint = false} : vector<512x512xbf16>, vector<512x512xbf16>, vector<512x512xf32> -> vector<512x512xf32>
    %convert_element_type3A_12 = arith.truncf %dot_general3A_11 : vector<512x512xf32> to vector<512x512xbf16>
    %dot_general3A_13 = arith.constant dense<0.000000e+00> : vector<512x512xf32>
    %dot_general3A_14 = tpu.matmul %convert_element_type3A_12, %get3A_6, %dot_general3A_13 {dimension_numbers = #tpu.dot_dimension_numbers<[1], [0], [0], [1], [0, 0, 1, 1], [], []>, transpose_lhs_hint = false} : vector<512x512xbf16>, vector<512x512xbf16>, vector<512x512xf32> -> vector<512x512xf32>
    %gt3A_15 = arith.constant 5.000000e-01 : f32
    %gt3A_16 = vector.broadcast %gt3A_15 : f32 to vector<512x512xf32>
    %gt3A_17 = arith.cmpf ogt, %dot_general3A_14, %gt3A_16 : vector<512x512xf32>
    %jit3A_18 = arith.constant 2.550000e+02 : f32
    %jit3A_19 = arith.constant 0.000000e+00 : f32
    %broadcast_in_dim3A_20 = vector.broadcast %jit3A_18 : f32 to vector<512x512xf32>
    %broadcast_in_dim3A_21 = vector.broadcast %jit3A_19 : f32 to vector<512x512xf32>
    %select_n3A_22 = arith.select %gt3A_17, %broadcast_in_dim3A_20, %broadcast_in_dim3A_21 : vector<512x512xi1>, vector<512x512xf32>
    %convert_element_type3A_23 = arith.truncf %select_n3A_22 : vector<512x512xf32> to vector<512x512xbf16>
    %get3A_24 = arith.constant 0 : index
    %get3A_25 = arith.constant 0 : index
    %get3A_26 = vector.load %arg2[%get3A_24, %get3A_25] : memref<512x512xbf16, #tpu.memory_space<vmem>>, vector<512x512xbf16>
    %dot_general3A_27 = arith.constant dense<0.000000e+00> : vector<512x512xf32>
    %dot_general3A_28 = tpu.matmul %get3A_26, %convert_element_type3A_23, %dot_general3A_27 {dimension_numbers = #tpu.dot_dimension_numbers<[1], [0], [0], [1], [0, 0, 1, 1], [], []>, transpose_lhs_hint = false} : vector<512x512xbf16>, vector<512x512xbf16>, vector<512x512xf32> -> vector<512x512xf32>
    %get3A_29 = arith.constant 0 : index
    %get3A_30 = arith.constant 0 : index
    %get3A_31 = vector.load %arg3[%get3A_29, %get3A_30] : memref<512x512xbf16, #tpu.memory_space<vmem>>, vector<512x512xbf16>
    %dot_general3A_32 = arith.constant dense<0.000000e+00> : vector<512x512xf32>
    %dot_general3A_33 = tpu.matmul %get3A_31, %convert_element_type3A_23, %dot_general3A_32 {dimension_numbers = #tpu.dot_dimension_numbers<[1], [0], [0], [1], [0, 0, 1, 1], [], []>, transpose_lhs_hint = false} : vector<512x512xbf16>, vector<512x512xbf16>, vector<512x512xf32> -> vector<512x512xf32>
    %add3A = arith.addf %dot_general3A_28, %dot_general3A_33 : vector<512x512xf32>
    %convert_element_type3A_34 = arith.truncf %add3A : vector<512x512xf32> to vector<512x512xbf16>
    %convert_element_type3A_35 = arith.extf %convert_element_type3A_34 : vector<512x512xbf16> to vector<512x512xf32>
    %sub3A = arith.subf %add3A, %convert_element_type3A_35 : vector<512x512xf32>
    %convert_element_type3A_36 = arith.truncf %sub3A : vector<512x512xf32> to vector<512x512xbf16>
    %get3A_37 = arith.constant 0 : index
    %get3A_38 = arith.constant 0 : index
    %get3A_39 = vector.load %arg4[%get3A_37, %get3A_38] : memref<512x512xbf16, #tpu.memory_space<vmem>>, vector<512x512xbf16>
    %dot_general3A_40 = arith.constant dense<0.000000e+00> : vector<512x512xf32>
    %dot_general3A_41 = tpu.matmul %convert_element_type3A_34, %get3A_39, %dot_general3A_40 {dimension_numbers = #tpu.dot_dimension_numbers<[1], [0], [0], [1], [0, 0, 1, 1], [], []>, transpose_lhs_hint = false} : vector<512x512xbf16>, vector<512x512xbf16>, vector<512x512xf32> -> vector<512x512xf32>
    %get3A_42 = arith.constant 0 : index
    %get3A_43 = arith.constant 0 : index
    %get3A_44 = vector.load %arg5[%get3A_42, %get3A_43] : memref<512x512xbf16, #tpu.memory_space<vmem>>, vector<512x512xbf16>
    %dot_general3A_45 = arith.constant dense<0.000000e+00> : vector<512x512xf32>
    %dot_general3A_46 = tpu.matmul %convert_element_type3A_34, %get3A_44, %dot_general3A_45 {dimension_numbers = #tpu.dot_dimension_numbers<[1], [0], [0], [1], [0, 0, 1, 1], [], []>, transpose_lhs_hint = false} : vector<512x512xbf16>, vector<512x512xbf16>, vector<512x512xf32> -> vector<512x512xf32>
    %add3A_47 = arith.addf %dot_general3A_41, %dot_general3A_46 : vector<512x512xf32>
    %get3A_48 = arith.constant 0 : index
    %get3A_49 = arith.constant 0 : index
    %get3A_50 = vector.load %arg4[%get3A_48, %get3A_49] : memref<512x512xbf16, #tpu.memory_space<vmem>>, vector<512x512xbf16>
    %dot_general3A_51 = arith.constant dense<0.000000e+00> : vector<512x512xf32>
    %dot_general3A_52 = tpu.matmul %convert_element_type3A_36, %get3A_50, %dot_general3A_51 {dimension_numbers = #tpu.dot_dimension_numbers<[1], [0], [0], [1], [0, 0, 1, 1], [], []>, transpose_lhs_hint = false} : vector<512x512xbf16>, vector<512x512xbf16>, vector<512x512xf32> -> vector<512x512xf32>
    %add3A_53 = arith.addf %add3A_47, %dot_general3A_52 : vector<512x512xf32>
    %gt3A_54 = arith.constant 1.000000e+02 : f32
    %gt3A_55 = vector.broadcast %gt3A_54 : f32 to vector<512x512xf32>
    %gt3A_56 = arith.cmpf ogt, %add3A_53, %gt3A_55 : vector<512x512xf32>
    %jit3A_57 = arith.constant 1.000000e+00 : f32
    %jit3A_58 = arith.constant 0.000000e+00 : f32
    %broadcast_in_dim3A_59 = vector.broadcast %jit3A_57 : f32 to vector<512x512xf32>
    %broadcast_in_dim3A_60 = vector.broadcast %jit3A_58 : f32 to vector<512x512xf32>
    %select_n3A_61 = arith.select %gt3A_56, %broadcast_in_dim3A_59, %broadcast_in_dim3A_60 : vector<512x512xi1>, vector<512x512xf32>
    %swap3A = arith.constant 0 : index
    %swap3A_62 = arith.constant 0 : index
    %swap3A_63 = arith.constant 0 : index
    %swap3A_64 = arith.constant 0 : index
    %swap3A_65 = vector.load %arg8[%swap3A, %swap3A_62, %swap3A_63, %swap3A_64] : memref<1x3x512x512xf32, #tpu.memory_space<vmem>>, vector<1x1x512x512xf32>
    %swap3A_66 = vector.shape_cast %swap3A_65 : vector<1x1x512x512xf32> to vector<512x512xf32>
    %swap3A_67 = vector.shape_cast %select_n3A_61 : vector<512x512xf32> to vector<1x1x512x512xf32>
    tpu.vector_store %arg8[%swap3A, %swap3A_62, %swap3A_63, %swap3A_64], %swap3A_67 {strides = array<i32>} : memref<1x3x512x512xf32, #tpu.memory_space<vmem>>, vector<1x1x512x512xf32>,
    %swap3A_68 = arith.constant 0 : index
    %swap3A_69 = arith.constant 1 : index
    %swap3A_70 = arith.constant 0 : index
    %swap3A_71 = arith.constant 0 : index
    %swap3A_72 = vector.load %arg8[%swap3A_68, %swap3A_69, %swap3A_70, %swap3A_71] : memref<1x3x512x512xf32, #tpu.memory_space<vmem>>, vector<1x1x512x512xf32>
    %swap3A_73 = vector.shape_cast %swap3A_72 : vector<1x1x512x512xf32> to vector<512x512xf32>
    %swap3A_74 = vector.shape_cast %select_n3A_61 : vector<512x512xf32> to vector<1x1x512x512xf32>
    tpu.vector_store %arg8[%swap3A_68, %swap3A_69, %swap3A_70, %swap3A_71], %swap3A_74 {strides = array<i32>} : memref<1x3x512x512xf32, #tpu.memory_space<vmem>>, vector<1x1x512x512xf32>,
    %swap3A_75 = arith.constant 0 : index
    %swap3A_76 = arith.constant 2 : index
    %swap3A_77 = arith.constant 0 : index
    %swap3A_78 = arith.constant 0 : index
    %swap3A_79 = vector.load %arg8[%swap3A_75, %swap3A_76, %swap3A_77, %swap3A_78] : memref<1x3x512x512xf32, #tpu.memory_space<vmem>>, vector<1x1x512x512xf32>
    %swap3A_80 = vector.shape_cast %swap3A_79 : vector<1x1x512x512xf32> to vector<512x512xf32>
    %swap3A_81 = vector.shape_cast %select_n3A_61 : vector<512x512xf32> to vector<1x1x512x512xf32>
    tpu.vector_store %arg8[%swap3A_75, %swap3A_76, %swap3A_77, %swap3A_78], %swap3A_81 {strides = array<i32>} : memref<1x3x512x512xf32, #tpu.memory_space<vmem>>, vector<1x1x512x512xf32>,
    return
  }
  func.func @transform_0(%arg0: i32) -> (i32, i32) {
    %c0_i32 = arith.constant 0 : i32
    %c0_i32_0 = arith.constant 0 : i32
    %c0_i32_1 = arith.constant 0 : i32
    return %c0_i32, %c0_i32_0 : i32, i32
  }
  func.func @transform_1(%arg0: i32) -> (i32, i32) {
    %c0_i32 = arith.constant 0 : i32
    %c0_i32_0 = arith.constant 0 : i32
    %c0_i32_1 = arith.constant 0 : i32
    return %c0_i32, %c0_i32_0 : i32, i32
  }
  func.func @transform_2(%arg0: i32) -> (i32, i32) {
    %c0_i32 = arith.constant 0 : i32
    %c0_i32_0 = arith.constant 0 : i32
    %c0_i32_1 = arith.constant 0 : i32
    return %c0_i32, %c0_i32_0 : i32, i32
  }
  func.func @transform_3(%arg0: i32) -> (i32, i32) {
    %c0_i32 = arith.constant 0 : i32
    %c0_i32_0 = arith.constant 0 : i32
    %c0_i32_1 = arith.constant 0 : i32
    return %c0_i32, %c0_i32_0 : i32, i32
  }
  func.func @transform_4(%arg0: i32) -> (i32, i32) {
    %c0_i32 = arith.constant 0 : i32
    %c0_i32_0 = arith.constant 0 : i32
    %c0_i32_1 = arith.constant 0 : i32
    return %c0_i32, %c0_i32_0 : i32, i32
  }
  func.func @transform_5(%arg0: i32) -> (i32, i32, i32) {
    %c0_i32 = arith.constant 0 : i32
    %c0_i32_0 = arith.constant 0 : i32
    %c0_i32_1 = arith.constant 0 : i32
    return %arg0, %c0_i32, %c0_i32_0 : i32, i32, i32
  }
  func.func @transform_7(%arg0: i32) -> (i32, i32, i32, i32) {
    %add3A = arith.constant 16 : i32
    %add3A_0 = arith.addi %arg0, %add3A : i32
    %c0_i32 = arith.constant 0 : i32
    %c0_i32_1 = arith.constant 0 : i32
    %c0_i32_2 = arith.constant 0 : i32
    %c0_i32_3 = arith.constant 0 : i32
    return %add3A_0, %c0_i32, %c0_i32_1, %c0_i32_2 : i32, i32, i32, i32
  }
}

module attributes {stable_mosaic.version = 14 : i64} {
  func.func @_morph_body_b(%arg0: i32, %arg1: memref<512x512xbf16, #tpu.memory_space<vmem>>, %arg2: memref<512x512xbf16, #tpu.memory_space<vmem>>, %arg3: memref<512x512xbf16, #tpu.memory_space<vmem>>, %arg4: memref<512x512xbf16, #tpu.memory_space<vmem>>, %arg5: memref<512x512xbf16, #tpu.memory_space<vmem>>, %arg6: memref<1x512x512xf32, #tpu.memory_space<vmem>>, %arg7: memref<64x3x512x512xf32, #tpu.memory_space<any>>, %arg8: memref<1x3x512x512xf32, #tpu.memory_space<vmem>>) attributes {dimension_semantics = [#tpu.dimension_semantics<arbitrary>], iteration_bounds = array<i64: 16>, scalar_prefetch = 0 : i64, scratch_operands = 0 : i64, tpu.core_type = #tpu.core_type<tc>, window_params = [{pipeline_mode = #tpu.pipeline_mode<synchronous>, transform_indices = @transform_0, window_bounds = array<i64: 512, 512>}, {pipeline_mode = #tpu.pipeline_mode<synchronous>, transform_indices = @transform_1, window_bounds = array<i64: 512, 512>}, {pipeline_mode = #tpu.pipeline_mode<synchronous>, transform_indices = @transform_2, window_bounds = array<i64: 512, 512>}, {pipeline_mode = #tpu.pipeline_mode<synchronous>, transform_indices = @transform_3, window_bounds = array<i64: 512, 512>}, {pipeline_mode = #tpu.pipeline_mode<synchronous>, transform_indices = @transform_4, window_bounds = array<i64: 512, 512>}, {transform_indices = @transform_5, window_bounds = array<i64: 1, 512, 512>}, {}, {transform_indices = @transform_7, window_bounds = array<i64: 1, 3, 512, 512>}]} {
    %get3A = arith.constant 0 : index
    %get3A_0 = arith.constant 0 : index
    %get3A_1 = arith.constant 0 : index
    %get3A_2 = vector.load %arg6[%get3A, %get3A_0, %get3A_1] : memref<1x512x512xf32, #tpu.memory_space<vmem>>, vector<1x512x512xf32>
    %get3A_3 = vector.shape_cast %get3A_2 : vector<1x512x512xf32> to vector<512x512xf32>
    %get3A_4 = arith.constant 0 : index
    %get3A_5 = arith.constant 0 : index
    %get3A_6 = vector.load %arg1[%get3A_4, %get3A_5] : memref<512x512xbf16, #tpu.memory_space<vmem>>, vector<512x512xbf16>
    %gt3A = arith.constant 0.000000e+00 : f32
    %gt3A_7 = vector.broadcast %gt3A : f32 to vector<512x512xf32>
    %gt3A_8 = arith.cmpf ogt, %get3A_3, %gt3A_7 : vector<512x512xf32>
    %jit3A = arith.constant 1.000000e+00 : f32
    %jit3A_9 = arith.constant 0.000000e+00 : f32
    %broadcast_in_dim3A = vector.broadcast %jit3A : f32 to vector<512x512xf32>
    %broadcast_in_dim3A_10 = vector.broadcast %jit3A_9 : f32 to vector<512x512xf32>
    %select_n3A = arith.select %gt3A_8, %broadcast_in_dim3A, %broadcast_in_dim3A_10 : vector<512x512xi1>, vector<512x512xf32>
    %convert_element_type3A = arith.truncf %select_n3A : vector<512x512xf32> to vector<512x512xbf16>
    %dot_general3A = arith.constant dense<0.000000e+00> : vector<512x512xf32>
    %dot_general3A_11 = tpu.matmul %get3A_6, %convert_element_type3A, %dot_general3A {dimension_numbers = #tpu.dot_dimension_numbers<[1], [0], [0], [1], [0, 0, 1, 1], [], []>, transpose_lhs_hint = false} : vector<512x512xbf16>, vector<512x512xbf16>, vector<512x512xf32> -> vector<512x512xf32>
    %convert_element_type3A_12 = arith.truncf %dot_general3A_11 : vector<512x512xf32> to vector<512x512xbf16>
    %dot_general3A_13 = arith.constant dense<0.000000e+00> : vector<512x512xf32>
    %dot_general3A_14 = tpu.matmul %convert_element_type3A_12, %get3A_6, %dot_general3A_13 {dimension_numbers = #tpu.dot_dimension_numbers<[1], [0], [0], [1], [0, 0, 1, 1], [], []>, transpose_lhs_hint = false} : vector<512x512xbf16>, vector<512x512xbf16>, vector<512x512xf32> -> vector<512x512xf32>
    %gt3A_15 = arith.constant 5.000000e-01 : f32
    %gt3A_16 = vector.broadcast %gt3A_15 : f32 to vector<512x512xf32>
    %gt3A_17 = arith.cmpf ogt, %dot_general3A_14, %gt3A_16 : vector<512x512xf32>
    %jit3A_18 = arith.constant 2.550000e+02 : f32
    %jit3A_19 = arith.constant 0.000000e+00 : f32
    %broadcast_in_dim3A_20 = vector.broadcast %jit3A_18 : f32 to vector<512x512xf32>
    %broadcast_in_dim3A_21 = vector.broadcast %jit3A_19 : f32 to vector<512x512xf32>
    %select_n3A_22 = arith.select %gt3A_17, %broadcast_in_dim3A_20, %broadcast_in_dim3A_21 : vector<512x512xi1>, vector<512x512xf32>
    %convert_element_type3A_23 = arith.truncf %select_n3A_22 : vector<512x512xf32> to vector<512x512xbf16>
    %get3A_24 = arith.constant 0 : index
    %get3A_25 = arith.constant 0 : index
    %get3A_26 = vector.load %arg2[%get3A_24, %get3A_25] : memref<512x512xbf16, #tpu.memory_space<vmem>>, vector<512x512xbf16>
    %dot_general3A_27 = arith.constant dense<0.000000e+00> : vector<512x512xf32>
    %dot_general3A_28 = tpu.matmul %get3A_26, %convert_element_type3A_23, %dot_general3A_27 {dimension_numbers = #tpu.dot_dimension_numbers<[1], [0], [0], [1], [0, 0, 1, 1], [], []>, transpose_lhs_hint = false} : vector<512x512xbf16>, vector<512x512xbf16>, vector<512x512xf32> -> vector<512x512xf32>
    %get3A_29 = arith.constant 0 : index
    %get3A_30 = arith.constant 0 : index
    %get3A_31 = vector.load %arg3[%get3A_29, %get3A_30] : memref<512x512xbf16, #tpu.memory_space<vmem>>, vector<512x512xbf16>
    %dot_general3A_32 = arith.constant dense<0.000000e+00> : vector<512x512xf32>
    %dot_general3A_33 = tpu.matmul %get3A_31, %convert_element_type3A_23, %dot_general3A_32 {dimension_numbers = #tpu.dot_dimension_numbers<[1], [0], [0], [1], [0, 0, 1, 1], [], []>, transpose_lhs_hint = false} : vector<512x512xbf16>, vector<512x512xbf16>, vector<512x512xf32> -> vector<512x512xf32>
    %add3A = arith.addf %dot_general3A_28, %dot_general3A_33 : vector<512x512xf32>
    %convert_element_type3A_34 = arith.truncf %add3A : vector<512x512xf32> to vector<512x512xbf16>
    %convert_element_type3A_35 = arith.extf %convert_element_type3A_34 : vector<512x512xbf16> to vector<512x512xf32>
    %sub3A = arith.subf %add3A, %convert_element_type3A_35 : vector<512x512xf32>
    %convert_element_type3A_36 = arith.truncf %sub3A : vector<512x512xf32> to vector<512x512xbf16>
    %get3A_37 = arith.constant 0 : index
    %get3A_38 = arith.constant 0 : index
    %get3A_39 = vector.load %arg4[%get3A_37, %get3A_38] : memref<512x512xbf16, #tpu.memory_space<vmem>>, vector<512x512xbf16>
    %dot_general3A_40 = arith.constant dense<0.000000e+00> : vector<512x512xf32>
    %dot_general3A_41 = tpu.matmul %convert_element_type3A_34, %get3A_39, %dot_general3A_40 {dimension_numbers = #tpu.dot_dimension_numbers<[1], [0], [0], [1], [0, 0, 1, 1], [], []>, transpose_lhs_hint = false} : vector<512x512xbf16>, vector<512x512xbf16>, vector<512x512xf32> -> vector<512x512xf32>
    %get3A_42 = arith.constant 0 : index
    %get3A_43 = arith.constant 0 : index
    %get3A_44 = vector.load %arg5[%get3A_42, %get3A_43] : memref<512x512xbf16, #tpu.memory_space<vmem>>, vector<512x512xbf16>
    %dot_general3A_45 = arith.constant dense<0.000000e+00> : vector<512x512xf32>
    %dot_general3A_46 = tpu.matmul %convert_element_type3A_34, %get3A_44, %dot_general3A_45 {dimension_numbers = #tpu.dot_dimension_numbers<[1], [0], [0], [1], [0, 0, 1, 1], [], []>, transpose_lhs_hint = false} : vector<512x512xbf16>, vector<512x512xbf16>, vector<512x512xf32> -> vector<512x512xf32>
    %add3A_47 = arith.addf %dot_general3A_41, %dot_general3A_46 : vector<512x512xf32>
    %get3A_48 = arith.constant 0 : index
    %get3A_49 = arith.constant 0 : index
    %get3A_50 = vector.load %arg4[%get3A_48, %get3A_49] : memref<512x512xbf16, #tpu.memory_space<vmem>>, vector<512x512xbf16>
    %dot_general3A_51 = arith.constant dense<0.000000e+00> : vector<512x512xf32>
    %dot_general3A_52 = tpu.matmul %convert_element_type3A_36, %get3A_50, %dot_general3A_51 {dimension_numbers = #tpu.dot_dimension_numbers<[1], [0], [0], [1], [0, 0, 1, 1], [], []>, transpose_lhs_hint = false} : vector<512x512xbf16>, vector<512x512xbf16>, vector<512x512xf32> -> vector<512x512xf32>
    %add3A_53 = arith.addf %add3A_47, %dot_general3A_52 : vector<512x512xf32>
    %gt3A_54 = arith.constant 1.000000e+02 : f32
    %gt3A_55 = vector.broadcast %gt3A_54 : f32 to vector<512x512xf32>
    %gt3A_56 = arith.cmpf ogt, %add3A_53, %gt3A_55 : vector<512x512xf32>
    %jit3A_57 = arith.constant 1.000000e+00 : f32
    %jit3A_58 = arith.constant 0.000000e+00 : f32
    %broadcast_in_dim3A_59 = vector.broadcast %jit3A_57 : f32 to vector<512x512xf32>
    %broadcast_in_dim3A_60 = vector.broadcast %jit3A_58 : f32 to vector<512x512xf32>
    %select_n3A_61 = arith.select %gt3A_56, %broadcast_in_dim3A_59, %broadcast_in_dim3A_60 : vector<512x512xi1>, vector<512x512xf32>
    %swap3A = arith.constant 0 : index
    %swap3A_62 = arith.constant 0 : index
    %swap3A_63 = arith.constant 0 : index
    %swap3A_64 = arith.constant 0 : index
    %swap3A_65 = vector.load %arg8[%swap3A, %swap3A_62, %swap3A_63, %swap3A_64] : memref<1x3x512x512xf32, #tpu.memory_space<vmem>>, vector<1x1x512x512xf32>
    %swap3A_66 = vector.shape_cast %swap3A_65 : vector<1x1x512x512xf32> to vector<512x512xf32>
    %swap3A_67 = vector.shape_cast %select_n3A_61 : vector<512x512xf32> to vector<1x1x512x512xf32>
    tpu.vector_store %arg8[%swap3A, %swap3A_62, %swap3A_63, %swap3A_64], %swap3A_67 {strides = array<i32>} : memref<1x3x512x512xf32, #tpu.memory_space<vmem>>, vector<1x1x512x512xf32>,
    %swap3A_68 = arith.constant 0 : index
    %swap3A_69 = arith.constant 1 : index
    %swap3A_70 = arith.constant 0 : index
    %swap3A_71 = arith.constant 0 : index
    %swap3A_72 = vector.load %arg8[%swap3A_68, %swap3A_69, %swap3A_70, %swap3A_71] : memref<1x3x512x512xf32, #tpu.memory_space<vmem>>, vector<1x1x512x512xf32>
    %swap3A_73 = vector.shape_cast %swap3A_72 : vector<1x1x512x512xf32> to vector<512x512xf32>
    %swap3A_74 = vector.shape_cast %select_n3A_61 : vector<512x512xf32> to vector<1x1x512x512xf32>
    tpu.vector_store %arg8[%swap3A_68, %swap3A_69, %swap3A_70, %swap3A_71], %swap3A_74 {strides = array<i32>} : memref<1x3x512x512xf32, #tpu.memory_space<vmem>>, vector<1x1x512x512xf32>,
    %swap3A_75 = arith.constant 0 : index
    %swap3A_76 = arith.constant 2 : index
    %swap3A_77 = arith.constant 0 : index
    %swap3A_78 = arith.constant 0 : index
    %swap3A_79 = vector.load %arg8[%swap3A_75, %swap3A_76, %swap3A_77, %swap3A_78] : memref<1x3x512x512xf32, #tpu.memory_space<vmem>>, vector<1x1x512x512xf32>
    %swap3A_80 = vector.shape_cast %swap3A_79 : vector<1x1x512x512xf32> to vector<512x512xf32>
    %swap3A_81 = vector.shape_cast %select_n3A_61 : vector<512x512xf32> to vector<1x1x512x512xf32>
    tpu.vector_store %arg8[%swap3A_75, %swap3A_76, %swap3A_77, %swap3A_78], %swap3A_81 {strides = array<i32>} : memref<1x3x512x512xf32, #tpu.memory_space<vmem>>, vector<1x1x512x512xf32>,
    return
  }
  func.func @transform_0(%arg0: i32) -> (i32, i32) {
    %c0_i32 = arith.constant 0 : i32
    %c0_i32_0 = arith.constant 0 : i32
    %c0_i32_1 = arith.constant 0 : i32
    return %c0_i32, %c0_i32_0 : i32, i32
  }
  func.func @transform_1(%arg0: i32) -> (i32, i32) {
    %c0_i32 = arith.constant 0 : i32
    %c0_i32_0 = arith.constant 0 : i32
    %c0_i32_1 = arith.constant 0 : i32
    return %c0_i32, %c0_i32_0 : i32, i32
  }
  func.func @transform_2(%arg0: i32) -> (i32, i32) {
    %c0_i32 = arith.constant 0 : i32
    %c0_i32_0 = arith.constant 0 : i32
    %c0_i32_1 = arith.constant 0 : i32
    return %c0_i32, %c0_i32_0 : i32, i32
  }
  func.func @transform_3(%arg0: i32) -> (i32, i32) {
    %c0_i32 = arith.constant 0 : i32
    %c0_i32_0 = arith.constant 0 : i32
    %c0_i32_1 = arith.constant 0 : i32
    return %c0_i32, %c0_i32_0 : i32, i32
  }
  func.func @transform_4(%arg0: i32) -> (i32, i32) {
    %c0_i32 = arith.constant 0 : i32
    %c0_i32_0 = arith.constant 0 : i32
    %c0_i32_1 = arith.constant 0 : i32
    return %c0_i32, %c0_i32_0 : i32, i32
  }
  func.func @transform_5(%arg0: i32) -> (i32, i32, i32) {
    %c0_i32 = arith.constant 0 : i32
    %c0_i32_0 = arith.constant 0 : i32
    %c0_i32_1 = arith.constant 0 : i32
    return %arg0, %c0_i32, %c0_i32_0 : i32, i32, i32
  }
  func.func @transform_7(%arg0: i32) -> (i32, i32, i32, i32) {
    %add3A = arith.constant 32 : i32
    %add3A_0 = arith.addi %arg0, %add3A : i32
    %c0_i32 = arith.constant 0 : i32
    %c0_i32_1 = arith.constant 0 : i32
    %c0_i32_2 = arith.constant 0 : i32
    %c0_i32_3 = arith.constant 0 : i32
    return %add3A_0, %c0_i32, %c0_i32_1, %c0_i32_2 : i32, i32, i32, i32
  }
}

module attributes {stable_mosaic.version = 14 : i64} {
  func.func @_morph_body_b(%arg0: i32, %arg1: memref<512x512xbf16, #tpu.memory_space<vmem>>, %arg2: memref<512x512xbf16, #tpu.memory_space<vmem>>, %arg3: memref<512x512xbf16, #tpu.memory_space<vmem>>, %arg4: memref<512x512xbf16, #tpu.memory_space<vmem>>, %arg5: memref<512x512xbf16, #tpu.memory_space<vmem>>, %arg6: memref<1x512x512xf32, #tpu.memory_space<vmem>>, %arg7: memref<64x3x512x512xf32, #tpu.memory_space<any>>, %arg8: memref<1x3x512x512xf32, #tpu.memory_space<vmem>>) attributes {dimension_semantics = [#tpu.dimension_semantics<arbitrary>], iteration_bounds = array<i64: 16>, scalar_prefetch = 0 : i64, scratch_operands = 0 : i64, tpu.core_type = #tpu.core_type<tc>, window_params = [{pipeline_mode = #tpu.pipeline_mode<synchronous>, transform_indices = @transform_0, window_bounds = array<i64: 512, 512>}, {pipeline_mode = #tpu.pipeline_mode<synchronous>, transform_indices = @transform_1, window_bounds = array<i64: 512, 512>}, {pipeline_mode = #tpu.pipeline_mode<synchronous>, transform_indices = @transform_2, window_bounds = array<i64: 512, 512>}, {pipeline_mode = #tpu.pipeline_mode<synchronous>, transform_indices = @transform_3, window_bounds = array<i64: 512, 512>}, {pipeline_mode = #tpu.pipeline_mode<synchronous>, transform_indices = @transform_4, window_bounds = array<i64: 512, 512>}, {transform_indices = @transform_5, window_bounds = array<i64: 1, 512, 512>}, {}, {transform_indices = @transform_7, window_bounds = array<i64: 1, 3, 512, 512>}]} {
    %get3A = arith.constant 0 : index
    %get3A_0 = arith.constant 0 : index
    %get3A_1 = arith.constant 0 : index
    %get3A_2 = vector.load %arg6[%get3A, %get3A_0, %get3A_1] : memref<1x512x512xf32, #tpu.memory_space<vmem>>, vector<1x512x512xf32>
    %get3A_3 = vector.shape_cast %get3A_2 : vector<1x512x512xf32> to vector<512x512xf32>
    %get3A_4 = arith.constant 0 : index
    %get3A_5 = arith.constant 0 : index
    %get3A_6 = vector.load %arg1[%get3A_4, %get3A_5] : memref<512x512xbf16, #tpu.memory_space<vmem>>, vector<512x512xbf16>
    %gt3A = arith.constant 0.000000e+00 : f32
    %gt3A_7 = vector.broadcast %gt3A : f32 to vector<512x512xf32>
    %gt3A_8 = arith.cmpf ogt, %get3A_3, %gt3A_7 : vector<512x512xf32>
    %jit3A = arith.constant 1.000000e+00 : f32
    %jit3A_9 = arith.constant 0.000000e+00 : f32
    %broadcast_in_dim3A = vector.broadcast %jit3A : f32 to vector<512x512xf32>
    %broadcast_in_dim3A_10 = vector.broadcast %jit3A_9 : f32 to vector<512x512xf32>
    %select_n3A = arith.select %gt3A_8, %broadcast_in_dim3A, %broadcast_in_dim3A_10 : vector<512x512xi1>, vector<512x512xf32>
    %convert_element_type3A = arith.truncf %select_n3A : vector<512x512xf32> to vector<512x512xbf16>
    %dot_general3A = arith.constant dense<0.000000e+00> : vector<512x512xf32>
    %dot_general3A_11 = tpu.matmul %get3A_6, %convert_element_type3A, %dot_general3A {dimension_numbers = #tpu.dot_dimension_numbers<[1], [0], [0], [1], [0, 0, 1, 1], [], []>, transpose_lhs_hint = false} : vector<512x512xbf16>, vector<512x512xbf16>, vector<512x512xf32> -> vector<512x512xf32>
    %convert_element_type3A_12 = arith.truncf %dot_general3A_11 : vector<512x512xf32> to vector<512x512xbf16>
    %dot_general3A_13 = arith.constant dense<0.000000e+00> : vector<512x512xf32>
    %dot_general3A_14 = tpu.matmul %convert_element_type3A_12, %get3A_6, %dot_general3A_13 {dimension_numbers = #tpu.dot_dimension_numbers<[1], [0], [0], [1], [0, 0, 1, 1], [], []>, transpose_lhs_hint = false} : vector<512x512xbf16>, vector<512x512xbf16>, vector<512x512xf32> -> vector<512x512xf32>
    %gt3A_15 = arith.constant 5.000000e-01 : f32
    %gt3A_16 = vector.broadcast %gt3A_15 : f32 to vector<512x512xf32>
    %gt3A_17 = arith.cmpf ogt, %dot_general3A_14, %gt3A_16 : vector<512x512xf32>
    %jit3A_18 = arith.constant 2.550000e+02 : f32
    %jit3A_19 = arith.constant 0.000000e+00 : f32
    %broadcast_in_dim3A_20 = vector.broadcast %jit3A_18 : f32 to vector<512x512xf32>
    %broadcast_in_dim3A_21 = vector.broadcast %jit3A_19 : f32 to vector<512x512xf32>
    %select_n3A_22 = arith.select %gt3A_17, %broadcast_in_dim3A_20, %broadcast_in_dim3A_21 : vector<512x512xi1>, vector<512x512xf32>
    %convert_element_type3A_23 = arith.truncf %select_n3A_22 : vector<512x512xf32> to vector<512x512xbf16>
    %get3A_24 = arith.constant 0 : index
    %get3A_25 = arith.constant 0 : index
    %get3A_26 = vector.load %arg2[%get3A_24, %get3A_25] : memref<512x512xbf16, #tpu.memory_space<vmem>>, vector<512x512xbf16>
    %dot_general3A_27 = arith.constant dense<0.000000e+00> : vector<512x512xf32>
    %dot_general3A_28 = tpu.matmul %get3A_26, %convert_element_type3A_23, %dot_general3A_27 {dimension_numbers = #tpu.dot_dimension_numbers<[1], [0], [0], [1], [0, 0, 1, 1], [], []>, transpose_lhs_hint = false} : vector<512x512xbf16>, vector<512x512xbf16>, vector<512x512xf32> -> vector<512x512xf32>
    %get3A_29 = arith.constant 0 : index
    %get3A_30 = arith.constant 0 : index
    %get3A_31 = vector.load %arg3[%get3A_29, %get3A_30] : memref<512x512xbf16, #tpu.memory_space<vmem>>, vector<512x512xbf16>
    %dot_general3A_32 = arith.constant dense<0.000000e+00> : vector<512x512xf32>
    %dot_general3A_33 = tpu.matmul %get3A_31, %convert_element_type3A_23, %dot_general3A_32 {dimension_numbers = #tpu.dot_dimension_numbers<[1], [0], [0], [1], [0, 0, 1, 1], [], []>, transpose_lhs_hint = false} : vector<512x512xbf16>, vector<512x512xbf16>, vector<512x512xf32> -> vector<512x512xf32>
    %add3A = arith.addf %dot_general3A_28, %dot_general3A_33 : vector<512x512xf32>
    %convert_element_type3A_34 = arith.truncf %add3A : vector<512x512xf32> to vector<512x512xbf16>
    %convert_element_type3A_35 = arith.extf %convert_element_type3A_34 : vector<512x512xbf16> to vector<512x512xf32>
    %sub3A = arith.subf %add3A, %convert_element_type3A_35 : vector<512x512xf32>
    %convert_element_type3A_36 = arith.truncf %sub3A : vector<512x512xf32> to vector<512x512xbf16>
    %get3A_37 = arith.constant 0 : index
    %get3A_38 = arith.constant 0 : index
    %get3A_39 = vector.load %arg4[%get3A_37, %get3A_38] : memref<512x512xbf16, #tpu.memory_space<vmem>>, vector<512x512xbf16>
    %dot_general3A_40 = arith.constant dense<0.000000e+00> : vector<512x512xf32>
    %dot_general3A_41 = tpu.matmul %convert_element_type3A_34, %get3A_39, %dot_general3A_40 {dimension_numbers = #tpu.dot_dimension_numbers<[1], [0], [0], [1], [0, 0, 1, 1], [], []>, transpose_lhs_hint = false} : vector<512x512xbf16>, vector<512x512xbf16>, vector<512x512xf32> -> vector<512x512xf32>
    %get3A_42 = arith.constant 0 : index
    %get3A_43 = arith.constant 0 : index
    %get3A_44 = vector.load %arg5[%get3A_42, %get3A_43] : memref<512x512xbf16, #tpu.memory_space<vmem>>, vector<512x512xbf16>
    %dot_general3A_45 = arith.constant dense<0.000000e+00> : vector<512x512xf32>
    %dot_general3A_46 = tpu.matmul %convert_element_type3A_34, %get3A_44, %dot_general3A_45 {dimension_numbers = #tpu.dot_dimension_numbers<[1], [0], [0], [1], [0, 0, 1, 1], [], []>, transpose_lhs_hint = false} : vector<512x512xbf16>, vector<512x512xbf16>, vector<512x512xf32> -> vector<512x512xf32>
    %add3A_47 = arith.addf %dot_general3A_41, %dot_general3A_46 : vector<512x512xf32>
    %get3A_48 = arith.constant 0 : index
    %get3A_49 = arith.constant 0 : index
    %get3A_50 = vector.load %arg4[%get3A_48, %get3A_49] : memref<512x512xbf16, #tpu.memory_space<vmem>>, vector<512x512xbf16>
    %dot_general3A_51 = arith.constant dense<0.000000e+00> : vector<512x512xf32>
    %dot_general3A_52 = tpu.matmul %convert_element_type3A_36, %get3A_50, %dot_general3A_51 {dimension_numbers = #tpu.dot_dimension_numbers<[1], [0], [0], [1], [0, 0, 1, 1], [], []>, transpose_lhs_hint = false} : vector<512x512xbf16>, vector<512x512xbf16>, vector<512x512xf32> -> vector<512x512xf32>
    %add3A_53 = arith.addf %add3A_47, %dot_general3A_52 : vector<512x512xf32>
    %gt3A_54 = arith.constant 1.000000e+02 : f32
    %gt3A_55 = vector.broadcast %gt3A_54 : f32 to vector<512x512xf32>
    %gt3A_56 = arith.cmpf ogt, %add3A_53, %gt3A_55 : vector<512x512xf32>
    %jit3A_57 = arith.constant 1.000000e+00 : f32
    %jit3A_58 = arith.constant 0.000000e+00 : f32
    %broadcast_in_dim3A_59 = vector.broadcast %jit3A_57 : f32 to vector<512x512xf32>
    %broadcast_in_dim3A_60 = vector.broadcast %jit3A_58 : f32 to vector<512x512xf32>
    %select_n3A_61 = arith.select %gt3A_56, %broadcast_in_dim3A_59, %broadcast_in_dim3A_60 : vector<512x512xi1>, vector<512x512xf32>
    %swap3A = arith.constant 0 : index
    %swap3A_62 = arith.constant 0 : index
    %swap3A_63 = arith.constant 0 : index
    %swap3A_64 = arith.constant 0 : index
    %swap3A_65 = vector.load %arg8[%swap3A, %swap3A_62, %swap3A_63, %swap3A_64] : memref<1x3x512x512xf32, #tpu.memory_space<vmem>>, vector<1x1x512x512xf32>
    %swap3A_66 = vector.shape_cast %swap3A_65 : vector<1x1x512x512xf32> to vector<512x512xf32>
    %swap3A_67 = vector.shape_cast %select_n3A_61 : vector<512x512xf32> to vector<1x1x512x512xf32>
    tpu.vector_store %arg8[%swap3A, %swap3A_62, %swap3A_63, %swap3A_64], %swap3A_67 {strides = array<i32>} : memref<1x3x512x512xf32, #tpu.memory_space<vmem>>, vector<1x1x512x512xf32>,
    %swap3A_68 = arith.constant 0 : index
    %swap3A_69 = arith.constant 1 : index
    %swap3A_70 = arith.constant 0 : index
    %swap3A_71 = arith.constant 0 : index
    %swap3A_72 = vector.load %arg8[%swap3A_68, %swap3A_69, %swap3A_70, %swap3A_71] : memref<1x3x512x512xf32, #tpu.memory_space<vmem>>, vector<1x1x512x512xf32>
    %swap3A_73 = vector.shape_cast %swap3A_72 : vector<1x1x512x512xf32> to vector<512x512xf32>
    %swap3A_74 = vector.shape_cast %select_n3A_61 : vector<512x512xf32> to vector<1x1x512x512xf32>
    tpu.vector_store %arg8[%swap3A_68, %swap3A_69, %swap3A_70, %swap3A_71], %swap3A_74 {strides = array<i32>} : memref<1x3x512x512xf32, #tpu.memory_space<vmem>>, vector<1x1x512x512xf32>,
    %swap3A_75 = arith.constant 0 : index
    %swap3A_76 = arith.constant 2 : index
    %swap3A_77 = arith.constant 0 : index
    %swap3A_78 = arith.constant 0 : index
    %swap3A_79 = vector.load %arg8[%swap3A_75, %swap3A_76, %swap3A_77, %swap3A_78] : memref<1x3x512x512xf32, #tpu.memory_space<vmem>>, vector<1x1x512x512xf32>
    %swap3A_80 = vector.shape_cast %swap3A_79 : vector<1x1x512x512xf32> to vector<512x512xf32>
    %swap3A_81 = vector.shape_cast %select_n3A_61 : vector<512x512xf32> to vector<1x1x512x512xf32>
    tpu.vector_store %arg8[%swap3A_75, %swap3A_76, %swap3A_77, %swap3A_78], %swap3A_81 {strides = array<i32>} : memref<1x3x512x512xf32, #tpu.memory_space<vmem>>, vector<1x1x512x512xf32>,
    return
  }
  func.func @transform_0(%arg0: i32) -> (i32, i32) {
    %c0_i32 = arith.constant 0 : i32
    %c0_i32_0 = arith.constant 0 : i32
    %c0_i32_1 = arith.constant 0 : i32
    return %c0_i32, %c0_i32_0 : i32, i32
  }
  func.func @transform_1(%arg0: i32) -> (i32, i32) {
    %c0_i32 = arith.constant 0 : i32
    %c0_i32_0 = arith.constant 0 : i32
    %c0_i32_1 = arith.constant 0 : i32
    return %c0_i32, %c0_i32_0 : i32, i32
  }
  func.func @transform_2(%arg0: i32) -> (i32, i32) {
    %c0_i32 = arith.constant 0 : i32
    %c0_i32_0 = arith.constant 0 : i32
    %c0_i32_1 = arith.constant 0 : i32
    return %c0_i32, %c0_i32_0 : i32, i32
  }
  func.func @transform_3(%arg0: i32) -> (i32, i32) {
    %c0_i32 = arith.constant 0 : i32
    %c0_i32_0 = arith.constant 0 : i32
    %c0_i32_1 = arith.constant 0 : i32
    return %c0_i32, %c0_i32_0 : i32, i32
  }
  func.func @transform_4(%arg0: i32) -> (i32, i32) {
    %c0_i32 = arith.constant 0 : i32
    %c0_i32_0 = arith.constant 0 : i32
    %c0_i32_1 = arith.constant 0 : i32
    return %c0_i32, %c0_i32_0 : i32, i32
  }
  func.func @transform_5(%arg0: i32) -> (i32, i32, i32) {
    %c0_i32 = arith.constant 0 : i32
    %c0_i32_0 = arith.constant 0 : i32
    %c0_i32_1 = arith.constant 0 : i32
    return %arg0, %c0_i32, %c0_i32_0 : i32, i32, i32
  }
  func.func @transform_7(%arg0: i32) -> (i32, i32, i32, i32) {
    %add3A = arith.constant 48 : i32
    %add3A_0 = arith.addi %arg0, %add3A : i32
    %c0_i32 = arith.constant 0 : i32
    %c0_i32_1 = arith.constant 0 : i32
    %c0_i32_2 = arith.constant 0 : i32
    %c0_i32_3 = arith.constant 0 : i32
    return %add3A_0, %c0_i32, %c0_i32_1, %c0_i32_2 : i32, i32, i32, i32
  }
}

</mosaic_0001>

<sc_bundles>
// kernel: kernel.11.cloned.1.call-start
scs
__scs_entry_jumppad:
0x0: {  	(pc) =	sbr.rel $0x88, $3  }
0x1: {  	(tag) =	ssettag $0x0;
	lr =	simm.s32 $0x1  }
0x2: {  	[smem:$0x3F9E] =	sst lr;
	_ =	strace $0xD0000000  }
0x3: {  	_ = 	snop  }
0x4: {  	_ = 	snop  }
0x5: {  	_ = 	snop  }
0x6: {  	_ = 	snop  }
0x7: {  	_ = 	snop  }
__scs_overlays_trampoline_lowered:
0x8: {  	[smem:$0x3FAD] =	sst s0  }
0x9: {  	[smem:$0x3FAE] =	sst s1  }
0xa: {  	[smem:$0x3FAF] =	sst s2  }
0xb: {  	[smem:$0x3FB0] =	sst s3  }
0xc: {  	[smem:$0x3FB1] =	sst s4  }
0xd: {  	[smem:$0x3FB2] =	sst s5  }
0xe: {  	[smem:$0x3FB3] =	sst s6  }
0xf: {  	[smem:$0x3FB4] =	sst s7  }
0x10: {  	[smem:$0x3FB5] =	sst s8  }
0x11: {  	[smem:$0x3FB6] =	sst s9;
	s0 =	simm.s32 @!p0 $0x0  }
0x12: {  	s1 =	sld [smem:$0x3F9C];
	s0 =	simm.s32 @p0 $0x1  }
0x13: {  	[smem:$0x3FB7] =	sst s0;
	s0 =	simm.s32 @!p1 $0x0  }
0x14: {  	s2 =	sld [smem:$0x3F9B];
	s0 =	simm.s32 @p1 $0x1  }
0x15: {  	[smem:$0x3FB8] =	sst s0;
	s0 =	simm.s32 @!p2 $0x0  }
0x16: {  	s3 =	sld [smem:$0x3FDB];
	s0 =	simm.s32 @p2 $0x1  }
0x17: {  	s4 =	simm.s32 $0x1BF5;
	[smem:$0x3FBA] =	sst s0  }
0x18: {  	s0 =	sld [smem:$0x3F9D];
	_ =	swait.ge [sflag:s4], $0x0  }
0x19: {  	s7 =	sld [smem:$0x3F9E]  }
0x1a: {  	s8 =	sadd.s32 $0xFFFFE003, lr  }
0x1b: {  	s9 =	sadd.s32 $0xFFFFFEF7, lr;
	s5 =	simm.s32 $0xFFFFFFFF;
	p2 =	slt.u32 s8, $0xFFFFF086  }
0x1c: {  	p1 =	slt.u32 s9, $0xF7A;
	s5 =	simm.s32 @!p2 $0x0  }
0x1d: {  	s5 =	simm.s32 @p1 $0x1;
	p0 =	seq.s32 s7, s2  }
0x1e: {  	s7 =	smul.u32 @!p0 $0xF7A, s2;
	p2 =	seq.s32 @!p0 s5, $0x0  }
0x1f: {  	s9 =	smul.u32 $0xF7A, s1;
	s8 =	simm.s32 @!p0 $0x1BF5;
	p2 =	por !p2, p0  }
0x20: {  	[sflag:s8] =	ssyncset.s32 @!p0 $0xFFFFF086;
	s6 =	sadd.s32 @!p0 s3, s7;
	s7 =	simm.s32 @!p0 $0x108  }
0x21: {  	s3 =	sadd.s32 s3, s9;
	s6 =	sadd.s32 @!p0 $0x88, s6;
	s7 =	simm.s32 @p2 $0x1082  }
0x22: {  	[simem:s7], [sflag:s8] =	dma.local @!p0 [hbm:s6], $0xF7A  }
0x23: {  	s9 =	sor.u32 $0xD0000000, s2;
	s6 =	simm.s32 $0x108;
	_ =	swait.ge @!p0 [sflag:s8], $0x0  }
0x24: {  	s3 =	sadd.s32 $0x88, s3;
	s6 =	simm.s32 @!p1 $0x1082;
	[sflag:s4] =	ssyncset.s32 $0xFFFFF086  }
0x25: {  	[simem:s6], [sflag:s4] =	dma.local [hbm:s3], $0xF7A  }
0x26: {  	[smem:$0x3F9E] =	sst s1;
	(tag) =	ssettag s2;
	_ =	strace s9  }
0x27: {  	s1 =	sld [smem:$0x3FAE]  }
0x28: {  	s2 =	sld [smem:$0x3FAF]  }
0x29: {  	s4 =	sld [smem:$0x3FB1]  }
0x2a: {  	p0 =	seq.s32 s5, $0x0;
	s5 =	sld [smem:$0x3FB2]  }
0x2b: {  	s6 =	sld [smem:$0x3FB3]  }
0x2c: {  	s7 =	sld [smem:$0x3FB4]  }
0x2d: {  	s3 =	simm.s32 $0x108;
	s8 =	sld [smem:$0x3FB5]  }
0x2e: {  	s3 =	simm.s32 @!p0 $0x1082;
	s9 =	sld [smem:$0x3FB6]  }
0x2f: {  	lr =	sadd.s32 s0, s3;
	s0 =	sld [smem:$0x3FAD]  }
0x30: {  	s3 =	sld [smem:$0x3FB0]  }
0x31: {  	[smem:$0x3FB9] =	sst s10  }
0x32: {  	s10 =	sld [smem:$0x3FB7];
	_ =	sdelay $0x3  }
0x33: {  	p0 =	seq.s32 s10, $0x1;
	s10 =	sld [smem:$0x3FB9];
	_ =	sdelay $0x3  }
0x34: {  	[smem:$0x3FB9] =	sst s10  }
0x35: {  	s10 =	sld [smem:$0x3FB8];
	_ =	sdelay $0x3  }
0x36: {  	p1 =	seq.s32 s10, $0x1;
	s10 =	sld [smem:$0x3FB9];
	_ =	sdelay $0x3  }
0x37: {  	[smem:$0x3FB9] =	sst s10  }
0x38: {  	s10 =	sld [smem:$0x3FBA]  }
0x39: {  	_ = 	snop;
	(pc) =	sbr.ind lr, $3  }
0x3a: {  	_ = 	snop  }
0x3b: {  	_ = 	snop  }
0x3c: {  	p2 =	seq.s32 s10, $0x1;
	s10 =	sld [smem:$0x3FB9]  }
0x3d: {  	_ =	shalt  }
0x3e: {  	_ =	shalt  }
0x3f: {  	_ =	shalt  }
0x40: {  	_ =	shalt  }
0x41: {  	_ =	shalt  }
0x42: {  	_ =	shalt  }
0x43: {  	_ =	shalt  }
0x44: {  	_ =	shalt  }
0x45: {  	_ =	shalt  }
0x46: {  	_ =	shalt  }
0x47: {  	_ =	shalt  }
0x48: {  	_ =	shalt  }
0x49: {  	_ =	shalt  }
0x4a: {  	_ =	shalt  }
0x4b: {  	_ =	shalt  }
0x4c: {  	_ =	shalt  }
0x4d: {  	_ =	shalt  }
0x4e: {  	_ =	shalt  }
0x4f: {  	_ =	shalt  }
0x50: {  	_ =	shalt  }
0x51: {  	_ =	shalt  }
0x52: {  	_ =	shalt  }
0x53: {  	_ =	shalt  }
0x54: {  	_ =	shalt  }
0x55: {  	_ =	shalt  }
0x56: {  	_ =	shalt  }
0x57: {  	_ =	shalt  }
0x58: {  	_ =	shalt  }
0x59: {  	_ =	shalt  }
0x5a: {  	_ =	shalt  }
0x5b: {  	_ =	shalt  }
0x5c: {  	_ =	shalt  }
0x5d: {  	_ =	shalt  }
0x5e: {  	_ =	shalt  }
0x5f: {  	_ =	shalt  }
0x60: {  	_ =	shalt  }
0x61: {  	_ =	shalt  }
0x62: {  	_ =	shalt  }
0x63: {  	_ =	shalt  }
0x64: {  	_ =	shalt  }
0x65: {  	_ =	shalt  }
0x66: {  	_ =	shalt  }
0x67: {  	_ =	shalt  }
0x68: {  	_ =	shalt  }
0x69: {  	_ =	shalt  }
0x6a: {  	_ =	shalt  }
0x6b: {  	_ =	shalt  }
0x6c: {  	_ =	shalt  }
0x6d: {  	_ =	shalt  }
0x6e: {  	_ =	shalt  }
0x6f: {  	_ =	shalt  }
0x70: {  	_ =	shalt  }
0x71: {  	_ =	shalt  }
0x72: {  	_ =	shalt  }
0x73: {  	_ =	shalt  }
0x74: {  	_ =	shalt  }
0x75: {  	_ =	shalt  }
0x76: {  	_ =	shalt  }
0x77: {  	_ =	shalt  }
0x78: {  	_ =	shalt  }
0x79: {  	_ =	shalt  }
0x7a: {  	_ =	shalt  }
0x7b: {  	_ =	shalt  }
0x7c: {  	_ =	shalt  }
0x7d: {  	_ =	shalt  }
0x7e: {  	_ =	shalt  }
0x7f: {  	_ =	shalt  }
0x80: {  	_ =	shalt  }
0x81: {  	_ =	shalt  }
0x82: {  	_ =	shalt  }
0x83: {  	_ =	shalt  }
0x84: {  	_ =	shalt  }
0x85: {  	_ =	shalt  }
0x86: {  	_ =	shalt  }
0x87: {  	_ =	shalt  }
.Lfunc_end0:
.L_simem_size_0:
called_computation_lowered:
.L_overlay_start_0:
0x88: {  	s2 =	sld [smem:$0x3FD9]  }
0x89: {  	s3 =	sld [smem:$0x3FFE];
	_ =	sdelay $0x1  }
0x8a: {  	s1 =	srdreg.scid  }
0x8b: {  	s0 =	sand.u32 $0x1, s1  }
0x8c: {  	s17 =	sshll.u32 s0, $0xA;
	s2 =	sadd.s32 s3, s2  }
0x8d: {  	s2 =	sadd.s32 s2, s17  }
0x8e: {  	[smem:$0x3FC5] =	sst s2  }
0x8f: {  	_ = 	snop  }
0x90: {  	s2 =	sld [smem:$0x3FD0];
	(tm) =	ssettm $0x1  }
0x91: {  	s18 =	sld [smem:$0x3FFB];
	_ =	sdelay $0x3  }
0x92: {  	_ =	strace s18  }
0x93: {  	s3 =	sld [smem:$0x3FFC];
	_ =	sdelay $0x3  }
0x94: {  	_ =	strace s3  }
0x95: {  	s3 =	sld [smem:$0x3FFD];
	_ =	sdelay $0x3  }
0x96: {  	_ =	strace s3  }
0x97: {  	_ =	strace $0x8FFFFFFF  }
0x98: {  	s19 =	sld [smem:$0x3FDB];
	_ =	sdelay $0x1  }
0x99: {  	s4 =	simm.s32 $_scs_section_size  }
0x9a: {  	s5 =	simm.s32 $_size__tile_overlayer_lowered;
	s6 =	simm.s32 $_tile_overlayer_lowered  }
0x9b: {  	s22 =	simm.s32 $0x1BFF;
	s21 =	sshll.u32 s6, $0x1;
	s3 =	sadd.s32 s4, s19  }
0x9c: {  	s7 =	simm.s32 $0x0;
	s20 =	sshll.u32 s5, $0x1;
	s5 =	sadd.s32 s21, s3  }
0x9d: {  	[timem:s7], [sflag:s22] =	dma.local [hbm:s5], s20  }
0x9e: {  	_ =	swait.ge [sflag:s22], s20  }
0x9f: {  	s4 =	ssub.s32 $0x0, s20;
	[sflag:s22] =	ssyncset.done $0x0  }
0xa0: {  	[sflag:s22] =	ssyncadd.s32 s4;
	_ =	sdelay $0x1  }
0xa1: {  	s23 =	simm.s32 $0x1B8B  }
0xa2: {  	_ =	swait.ge [sflag:s23], $0x1  }
0xa3: {  	[sflag:s23] =	ssyncset.done $0x0  }
0xa4: {  	s25 =	simm.s32 $0x1B8E;
	s24 =	sld [smem:$0x3FFE];
	[sflag:s23] =	ssyncadd.s32 $0xFFFFFFFF  }
0xa5: {  	s26 =	simm.s32 $execute0_lowered;
	[smem:$0x3FD2] =	sst s25  }
0xa6: {  	s5 =	sshll.u32 s26, $0x1;
	_ =	strace $0x80000046;
	[dreg:$0x1] =	wrdreg $0xFFFFFFFF  }
0xa7: {  	s28 =	simm.s32 $_size_execute0_lowered;
	s3 =	sadd.s32 s3, s5;
	[dreg:$0x0] =	wrdreg $0x0  }
0xa8: {  	s5 =	sshll.u32 s28, $0x1;
	[dreg:$0x2] =	wrdreg s3  }
0xa9: {  	[dreg:$0x3] =	wrdreg s5  }
0xaa: {  	[dreg:$0x4] =	wrdreg $0xC0  }
0xab: {  	_ =	task [dreg:s7], $0x5FFFF  }
0xac: {  	[dreg:$0x1] =	wrdreg $0xFFFFFFFF  }
0xad: {  	[dreg:$0x0] =	wrdreg $0x60  }
0xae: {  	[dreg:$0x2] =	wrdreg s24  }
0xaf: {  	[dreg:$0x3] =	wrdreg s2  }
0xb0: {  	[dreg:$0x4] =	wrdreg $0x9  }
0xb1: {  	_ =	task.clear_ibuf [dreg:s7], $0x5FFFF;
	_ =	strace $0x90000046  }
0xb2: {  	s29 =	simm.s32 $0x9;
	_ =	strace $0x80000048  }
0xb3: {  	_ =	swait.ge [sflag:s29], $0x1  }
0xb4: {  	[sflag:s29] =	ssyncadd.s32 $0xFFFFFFFF  }
0xb5: {  	_ =	strace $0x90000048  }
0xb6: {  	_ =	sfence  }
0xb7: {  	s30 =	sld [smem:$0x0];
	_ =	sdelay $0x2  }
0xb8: {  	s31 =	sshll.u32 s1, $0xD;
	s1 =	sshrl.u32 s1, $0x2  }
0xb9: {  	s3 =	sand.u32 $0x4000, s31;
	s1 =	sadd.s32 s1, s30  }
0xba: {  	s0 =	sor.u32 s3, s0;
	s1 =	sshll.u32 s1, $0x11  }
0xbb: {  	s0 =	sor.u32 s1, s0  }
0xbc: {  	s0 =	sadd.s32 $0x8F2B, s0  }
0xbd: {  	[sflag:s0] =	ssyncadd.remote.s32 $0x1  }
0xbe: {  	_ =	sfence.sel $0xFFFF  }
0xbf: {  	[dreg:$0x0] =	wrdreg $0xFFFFFFFF;
	(pc) =	sbr.abs _section_cstart, $3  }
0xc0: {  	[dreg:$0x1] =	wrdreg $0xFFFFFFFF  }
0xc1: {  	_ =	task.clear_ibuf [dreg:s7], $0x2FFFF;
	_ =	strace $0x9FFFFFFF  }
0xc2: {  	(tm) =	ssettm $0x7FFFFFFF  }
0xc3: {  	_ =	shalt  }
tec
execute0_lowered:
.L_overlay_start_1:
0x0: {  	(tag) =	ssettag $0x1  }
0x1: {  	s1 =	srdreg.scid  }
0x2: {  	s0 =	stileid.u32;
	s4 =	sand.u32 $0x1, s1  }
0x3: {  	s1 =	sor.u32 s4, s0  }
0x4: {  	s6 =	rddreg [dreg:$0x0];
	p1 =	seq.s32 s4, $0x1;
	p0 =	seq.s32 s1, $0x0  }
0x5: {  	s7 =	rddreg [dreg:$0x1];
	s2 =	simm.s32 $0x0;
	p0 =	por !p0, !p1  }
0x6: {  	[smem:$0x7FF] =	sst s2;
	s1 =	simm.s32 $0x1;
	p0 =	por !p0, !p0  }
0x7: {  	s25 =	ssub.s32 $0x2, s4;
	s9 =	sshll.u32 s4, $0x11;
	s1 =	simm.s32 @!p0 $0x0  }
0x8: {  	s28 =	sshrl.u32 s25, $0x1;
	s11 =	sor.u32 $0x10000, s9;
	s5 =	ssub.s32 s0, s1  }
0x9: {  	s1 =	sshrl.u32 s5, $0x3;
	s24 =	sshll.u32 s5, $0x7;
	s26 =	sshll.u32 s5, $0x12  }
0xa: {  	s3 =	smul.u32 $0x1C000, s1;
	s8 =	sand.u32 $0x380, s24;
	s1 =	rddreg [dreg:$0x2]  }
0xb: {  	_ =	strace $0x80000047;
	s10 =	sor.u32 s9, s26;
	s30 =	sor.u32 s11, s26  }
0xc: {  	v0 =	vmov s9;
	v1 =	vmov s11;
	s9 =	simm.s32 $0x400;
	s11 =	simm.s32 $0x0;
	s3 =	sor.u32 s8, s3  }
0xd: {  	s29 =	sshrl.u32 s10, $0x3;
	s31 =	sshrl.u32 s30, $0x3;
	s8 =	sshrl.u32 s3, $0x3  }
0xe: {  	s10 =	simm.s32 $0x3800;
	s5 =	sadd.s32 s7, s29;
	s6 =	sadd.s32 s8, s6  }
0xf: {  	s3 =	simm.s32 $0x1;
	s8 =	ssub.s32 s25, s28;
	s4 =	sadd.s32 $0x2400, s6  }
0x10: {  	v2 =	vimm.f32 $0.0e+00;
	v3 =	vimm.f32 $2.550000000e+02;
	s6 =	sadd.s32 s7, s31;
	s7 =	smax.u32 s8, $0x1;
	s8 =	simm.s32 $0x80  }
.LBB2_1:
0x11: {  	[tilespmem:s2], [sflag:$0x1] =	stream.strided.gather [hbm4b:s4+s8], $0x3800, s9, s8, $0x38;
	[tilespmem:$0x13800] =	vst v63  }
0x12: {  	_ =	swait.ge [sflag:s3], $0x3800  }
0x13: {  	s12 =	sand.u32 $0xF000, s2;
	s13 =	sand.u32 $0x380, s2;
	[sflag:s3] =	ssyncset.done $0x0  }
0x14: {  	s12 =	sor.u32 s13, s12;
	[sflag:s3] =	ssyncadd.s32 $0xFFFFC800  }
0x15: {  	[tilespmem:s12+$0x4470] =	vst v2  }
0x16: {  	[tilespmem:s12+$0x3800] =	vst v2  }
0x17: {  	[tilespmem:s12+$0x3810] =	vst v2  }
0x18: {  	[tilespmem:s12+$0x3820] =	vst v2  }
0x19: {  	[tilespmem:s12+$0x3830] =	vst v2  }
0x1a: {  	[tilespmem:s12+$0x3840] =	vst v2  }
0x1b: {  	[tilespmem:s12+$0x3850] =	vst v2  }
0x1c: {  	[tilespmem:s12+$0x3860] =	vst v2  }
0x1d: {  	[tilespmem:s12+$0x3870] =	vst v2  }
0x1e: {  	[tilespmem:s12+$0x3C00] =	vst v2  }
0x1f: {  	[tilespmem:s12+$0x3C10] =	vst v2  }
0x20: {  	[tilespmem:s12+$0x3C20] =	vst v2  }
0x21: {  	[tilespmem:s12+$0x3C30] =	vst v2  }
0x22: {  	[tilespmem:s12+$0x3C40] =	vst v2  }
0x23: {  	[tilespmem:s12+$0x3C50] =	vst v2  }
0x24: {  	[tilespmem:s12+$0x3C60] =	vst v2  }
0x25: {  	[tilespmem:s12+$0x3C70] =	vst v2  }
0x26: {  	[tilespmem:s12+$0x4000] =	vst v2  }
0x27: {  	[tilespmem:s12+$0x4010] =	vst v2  }
0x28: {  	[tilespmem:s12+$0x4020] =	vst v2  }
0x29: {  	[tilespmem:s12+$0x4030] =	vst v2  }
0x2a: {  	[tilespmem:s12+$0x4040] =	vst v2  }
0x2b: {  	[tilespmem:s12+$0x4050] =	vst v2  }
0x2c: {  	[tilespmem:s12+$0x4060] =	vst v2  }
0x2d: {  	[tilespmem:s12+$0x4070] =	vst v2  }
0x2e: {  	[tilespmem:s12+$0x4400] =	vst v2  }
0x2f: {  	[tilespmem:s12+$0x4410] =	vst v2  }
0x30: {  	[tilespmem:s12+$0x4420] =	vst v2  }
0x31: {  	[tilespmem:s12+$0x4430] =	vst v2  }
0x32: {  	s14 =	simm.s32 $0x200;
	s13 =	simm.s32 $0x80;
	[tilespmem:s12+$0x4440] =	vst v2  }
0x33: {  	s15 =	sand.u32 $0xF000, s14;
	s14 =	simm.s32 $0x400;
	s16 =	sand.u32 $0x380, s13;
	[tilespmem:s12+$0x4450] =	vst v2  }
.LBB2_2:
0x34: {  	p0 =	sne.s32 s14, $0xFE00;
	[tilespmem:s12+$0x4460] =	vst v2;
	s12 =	sor.u32 s16, s15  }
0x35: {  	[tilespmem:s12+$0x4470] =	vst v2  }
0x36: {  	[tilespmem:s12+$0x3800] =	vst v2  }
0x37: {  	[tilespmem:s12+$0x3810] =	vst v2  }
0x38: {  	[tilespmem:s12+$0x3820] =	vst v2  }
0x39: {  	[tilespmem:s12+$0x3830] =	vst v2  }
0x3a: {  	[tilespmem:s12+$0x3840] =	vst v2  }
0x3b: {  	[tilespmem:s12+$0x3850] =	vst v2  }
0x3c: {  	[tilespmem:s12+$0x3860] =	vst v2  }
0x3d: {  	[tilespmem:s12+$0x3870] =	vst v2  }
0x3e: {  	[tilespmem:s12+$0x3C00] =	vst v2  }
0x3f: {  	[tilespmem:s12+$0x3C10] =	vst v2  }
0x40: {  	[tilespmem:s12+$0x3C20] =	vst v2  }
0x41: {  	[tilespmem:s12+$0x3C30] =	vst v2  }
0x42: {  	[tilespmem:s12+$0x3C40] =	vst v2  }
0x43: {  	[tilespmem:s12+$0x3C50] =	vst v2  }
0x44: {  	[tilespmem:s12+$0x3C60] =	vst v2  }
0x45: {  	[tilespmem:s12+$0x3C70] =	vst v2  }
0x46: {  	[tilespmem:s12+$0x4000] =	vst v2  }
0x47: {  	[tilespmem:s12+$0x4010] =	vst v2  }
0x48: {  	[tilespmem:s12+$0x4020] =	vst v2  }
0x49: {  	[tilespmem:s12+$0x4030] =	vst v2  }
0x4a: {  	[tilespmem:s12+$0x4040] =	vst v2  }
0x4b: {  	[tilespmem:s12+$0x4050] =	vst v2  }
0x4c: {  	[tilespmem:s12+$0x4060] =	vst v2  }
0x4d: {  	[tilespmem:s12+$0x4070] =	vst v2  }
0x4e: {  	[tilespmem:s12+$0x4400] =	vst v2  }
.Ltmp0:
0x4f: {  	[tilespmem:s12+$0x4410] =	vst v2;
	(pc) =	sbr.rel @p0 .LBB2_2-.Ltmp0, $4  }
0x50: {  	[tilespmem:s12+$0x4420] =	vst v2  }
0x51: {  	[tilespmem:s12+$0x4430] =	vst v2  }
0x52: {  	s13 =	sadd.s32 $0x80, s13;
	[tilespmem:s12+$0x4440] =	vst v2  }
0x53: {  	s15 =	sand.u32 $0xF000, s14;
	s14 =	sadd.s32 $0x200, s14;
	s16 =	sand.u32 $0x380, s13;
	[tilespmem:s12+$0x4450] =	vst v2  }
0x54: {  	s13 =	sor.u32 s16, s15;
	[tilespmem:s12+$0x4460] =	vst v2  }
0x55: {  	[tilespmem:s13+$0x4470] =	vst v2  }
0x56: {  	[tilespmem:s13+$0x3800] =	vst v2  }
0x57: {  	[tilespmem:s13+$0x3810] =	vst v2  }
0x58: {  	[tilespmem:s13+$0x3820] =	vst v2  }
0x59: {  	[tilespmem:s13+$0x3830] =	vst v2  }
0x5a: {  	[tilespmem:s13+$0x3840] =	vst v2  }
0x5b: {  	[tilespmem:s13+$0x3850] =	vst v2  }
0x5c: {  	[tilespmem:s13+$0x3860] =	vst v2  }
0x5d: {  	[tilespmem:s13+$0x3870] =	vst v2  }
0x5e: {  	[tilespmem:s13+$0x3C00] =	vst v2  }
0x5f: {  	[tilespmem:s13+$0x3C10] =	vst v2  }
0x60: {  	[tilespmem:s13+$0x3C20] =	vst v2  }
0x61: {  	[tilespmem:s13+$0x3C30] =	vst v2  }
0x62: {  	[tilespmem:s13+$0x3C40] =	vst v2  }
0x63: {  	[tilespmem:s13+$0x3C50] =	vst v2  }
0x64: {  	[tilespmem:s13+$0x3C60] =	vst v2  }
0x65: {  	[tilespmem:s13+$0x3C70] =	vst v2  }
0x66: {  	[tilespmem:s13+$0x4000] =	vst v2  }
0x67: {  	[tilespmem:s13+$0x4010] =	vst v2  }
0x68: {  	[tilespmem:s13+$0x4020] =	vst v2  }
0x69: {  	[tilespmem:s13+$0x4030] =	vst v2  }
0x6a: {  	[tilespmem:s13+$0x4040] =	vst v2  }
0x6b: {  	[tilespmem:s13+$0x4050] =	vst v2  }
0x6c: {  	[tilespmem:s13+$0x4060] =	vst v2  }
0x6d: {  	[tilespmem:s13+$0x4070] =	vst v2  }
0x6e: {  	[tilespmem:s13+$0x4400] =	vst v2  }
0x6f: {  	[tilespmem:s13+$0x4410] =	vst v2  }
0x70: {  	[tilespmem:s13+$0x4420] =	vst v2  }
0x71: {  	[tilespmem:s13+$0x4430] =	vst v2  }
0x72: {  	[tilespmem:s13+$0x4440] =	vst v2  }
0x73: {  	[tilespmem:s13+$0x4450] =	vst v2  }
0x74: {  	s12 =	simm.s32 $0xFFFFFFF8;
	[tilespmem:s13+$0x4460] =	vst v2;
	s13 =	simm.s32 $0x40  }
.LBB2_4:
0x75: {  	v4 =	vld [tilespmem:s13+$0xFFFFFFC0];
	_ =	sdelay $0x4  }
0x76: {  	v5 =	vshll.u32 v4, $0x3  }
0x77: {  	v6 =	vsub.s32 v4, v0;
	v7 =	vand.u32 $0x7F, v4;
	v5 =	vand.u32 $0xC00, v5  }
0x78: {  	v4 =	vshrl.u32 v4, $0x2;
	v42 =	vand.u32 $0xFFFFF000, v6;
	v5 =	vor.u32 v7, v5  }
0x79: {  	vm0 =	vlt.u32 v6, $0x10000;
	v4 =	vand.u32 $0x380, v4;
	v5 =	vor.u32 v42, v5  }
0x7a: {  	v4 =	vor.u32 v4, v5;
	_ =	sdelay $0x4  }
0x7b: {  	[tilespmem:v4+s10+$0x0] =	vst.idx.msk vm0, v3  }
0x7c: {  	v4 =	vld [tilespmem:s13+$0xFFFFFFD0];
	_ =	sdelay $0x4  }
0x7d: {  	v5 =	vshll.u32 v4, $0x3  }
0x7e: {  	v43 =	vsub.s32 v4, v0;
	v44 =	vand.u32 $0x7F, v4;
	v5 =	vand.u32 $0xC00, v5  }
0x7f: {  	v4 =	vshrl.u32 v4, $0x2;
	v45 =	vand.u32 $0xFFFFF000, v43;
	v5 =	vor.u32 v44, v5  }
0x80: {  	vm9 =	vlt.u32 v43, $0x10000;
	v4 =	vand.u32 $0x380, v4;
	v5 =	vor.u32 v45, v5  }
0x81: {  	v4 =	vor.u32 v4, v5;
	_ =	sdelay $0x4  }
0x82: {  	[tilespmem:v4+s10+$0x0] =	vst.idx.msk vm9, v3  }
0x83: {  	v4 =	vld [tilespmem:s13+$0xFFFFFFE0];
	_ =	sdelay $0x4  }
0x84: {  	v5 =	vshll.u32 v4, $0x3  }
0x85: {  	v46 =	vsub.s32 v4, v0;
	v47 =	vand.u32 $0x7F, v4;
	v5 =	vand.u32 $0xC00, v5  }
0x86: {  	v4 =	vshrl.u32 v4, $0x2;
	v48 =	vand.u32 $0xFFFFF000, v46;
	v5 =	vor.u32 v47, v5  }
0x87: {  	vm10 =	vlt.u32 v46, $0x10000;
	v4 =	vand.u32 $0x380, v4;
	v5 =	vor.u32 v48, v5  }
0x88: {  	v4 =	vor.u32 v4, v5;
	_ =	sdelay $0x4  }
0x89: {  	[tilespmem:v4+s10+$0x0] =	vst.idx.msk vm10, v3  }
0x8a: {  	v4 =	vld [tilespmem:s13+$0xFFFFFFF0];
	_ =	sdelay $0x4  }
0x8b: {  	v5 =	vshll.u32 v4, $0x3  }
0x8c: {  	v49 =	vsub.s32 v4, v0;
	v50 =	vand.u32 $0x7F, v4;
	v5 =	vand.u32 $0xC00, v5  }
0x8d: {  	v4 =	vshrl.u32 v4, $0x2;
	v51 =	vand.u32 $0xFFFFF000, v49;
	v5 =	vor.u32 v50, v5  }
0x8e: {  	vm11 =	vlt.u32 v49, $0x10000;
	v4 =	vand.u32 $0x380, v4;
	v5 =	vor.u32 v51, v5  }
0x8f: {  	v4 =	vor.u32 v4, v5;
	_ =	sdelay $0x4  }
0x90: {  	[tilespmem:v4+s10+$0x0] =	vst.idx.msk vm11, v3  }
0x91: {  	v4 =	vld [tilespmem:s13+$0x0];
	_ =	sdelay $0x4  }
0x92: {  	v5 =	vshll.u32 v4, $0x3  }
0x93: {  	v52 =	vsub.s32 v4, v0;
	v53 =	vand.u32 $0x7F, v4;
	v5 =	vand.u32 $0xC00, v5  }
0x94: {  	v4 =	vshrl.u32 v4, $0x2;
	v54 =	vand.u32 $0xFFFFF000, v52;
	v5 =	vor.u32 v53, v5  }
0x95: {  	vm12 =	vlt.u32 v52, $0x10000;
	v4 =	vand.u32 $0x380, v4;
	v5 =	vor.u32 v54, v5  }
0x96: {  	v4 =	vor.u32 v4, v5;
	_ =	sdelay $0x4  }
0x97: {  	[tilespmem:v4+s10+$0x0] =	vst.idx.msk vm12, v3  }
0x98: {  	v4 =	vld [tilespmem:s13+$0x10];
	_ =	sdelay $0x4  }
0x99: {  	v5 =	vshll.u32 v4, $0x3  }
0x9a: {  	v55 =	vsub.s32 v4, v0;
	v56 =	vand.u32 $0x7F, v4;
	v5 =	vand.u32 $0xC00, v5  }
0x9b: {  	v4 =	vshrl.u32 v4, $0x2;
	v57 =	vand.u32 $0xFFFFF000, v55;
	v5 =	vor.u32 v56, v5  }
0x9c: {  	vm13 =	vlt.u32 v55, $0x10000;
	v4 =	vand.u32 $0x380, v4;
	v5 =	vor.u32 v57, v5  }
0x9d: {  	v4 =	vor.u32 v4, v5;
	_ =	sdelay $0x4  }
0x9e: {  	[tilespmem:v4+s10+$0x0] =	vst.idx.msk vm13, v3  }
0x9f: {  	v4 =	vld [tilespmem:s13+$0x20];
	_ =	sdelay $0x4  }
0xa0: {  	v5 =	vshll.u32 v4, $0x3  }
0xa1: {  	v58 =	vsub.s32 v4, v0;
	v59 =	vand.u32 $0x7F, v4;
	v5 =	vand.u32 $0xC00, v5  }
0xa2: {  	v4 =	vshrl.u32 v4, $0x2;
	v60 =	vand.u32 $0xFFFFF000, v58;
	v5 =	vor.u32 v59, v5  }
0xa3: {  	vm14 =	vlt.u32 v58, $0x10000;
	v4 =	vand.u32 $0x380, v4;
	v5 =	vor.u32 v60, v5  }
0xa4: {  	v4 =	vor.u32 v4, v5;
	_ =	sdelay $0x4  }
0xa5: {  	[tilespmem:v4+s10+$0x0] =	vst.idx.msk vm14, v3  }
0xa6: {  	v4 =	vld [tilespmem:s13+$0x30];
	_ =	sdelay $0x4  }
0xa7: {  	v5 =	vshll.u32 v4, $0x3  }
0xa8: {  	v61 =	vsub.s32 v4, v0;
	v62 =	vand.u32 $0x7F, v4;
	v5 =	vand.u32 $0xC00, v5  }
0xa9: {  	v4 =	vshrl.u32 v4, $0x2;
	v63 =	vand.u32 $0xFFFFF000, v61;
	v5 =	vor.u32 v62, v5  }
0xaa: {  	s12 =	sadd.s32 $0x8, s12;
	vm15 =	vlt.u32 v61, $0x10000;
	v4 =	vand.u32 $0x380, v4;
	v5 =	vor.u32 v63, v5  }
0xab: {  	p0 =	slt.u32 s12, $0x378;
	v4 =	vor.u32 v4, v5  }
.Ltmp1:
0xac: {  	_ = 	snop;
	(pc) =	sbr.rel @p0 .LBB2_4-.Ltmp1, $2  }
0xad: {  	_ =	sdelay $0x2  }
0xae: {  	s13 =	sadd.s32 $0x80, s13;
	[tilespmem:v4+s10+$0x0] =	vst.idx.msk vm15, v3  }
0xaf: {  	s12 =	simm.s32 $0x0  }
0xb0: {  	[hbm4b:s5+s12] =	stream.linear.scatter [tilespmem:s10], [sflag:$0x1], $0x10000, $0x38;
	[tilespmem:$0x13800] =	vst v63  }
0xb1: {  	_ =	swait.ge [sflag:s3], $0x10000  }
0xb2: {  	s13 =	sand.u32 $0xF000, s12;
	s12 =	sand.u32 $0x380, s12;
	[sflag:s3] =	ssyncset.done $0x0  }
0xb3: {  	s12 =	sor.u32 s12, s13;
	[sflag:s3] =	ssyncadd.s32 $0xFFFF0000  }
0xb4: {  	[tilespmem:s12+$0x4470] =	vst v2  }
0xb5: {  	[tilespmem:s12+$0x3800] =	vst v2  }
0xb6: {  	[tilespmem:s12+$0x3810] =	vst v2  }
0xb7: {  	[tilespmem:s12+$0x3820] =	vst v2  }
0xb8: {  	[tilespmem:s12+$0x3830] =	vst v2  }
0xb9: {  	[tilespmem:s12+$0x3840] =	vst v2  }
0xba: {  	[tilespmem:s12+$0x3850] =	vst v2  }
0xbb: {  	[tilespmem:s12+$0x3860] =	vst v2  }
0xbc: {  	[tilespmem:s12+$0x3870] =	vst v2  }
0xbd: {  	[tilespmem:s12+$0x3C00] =	vst v2  }
0xbe: {  	[tilespmem:s12+$0x3C10] =	vst v2  }
0xbf: {  	[tilespmem:s12+$0x3C20] =	vst v2  }
0xc0: {  	[tilespmem:s12+$0x3C30] =	vst v2  }
0xc1: {  	[tilespmem:s12+$0x3C40] =	vst v2  }
0xc2: {  	[tilespmem:s12+$0x3C50] =	vst v2  }
0xc3: {  	[tilespmem:s12+$0x3C60] =	vst v2  }
0xc4: {  	[tilespmem:s12+$0x3C70] =	vst v2  }
0xc5: {  	[tilespmem:s12+$0x4000] =	vst v2  }
0xc6: {  	[tilespmem:s12+$0x4010] =	vst v2  }
0xc7: {  	[tilespmem:s12+$0x4020] =	vst v2  }
0xc8: {  	[tilespmem:s12+$0x4030] =	vst v2  }
0xc9: {  	[tilespmem:s12+$0x4040] =	vst v2  }
0xca: {  	[tilespmem:s12+$0x4050] =	vst v2  }
0xcb: {  	[tilespmem:s12+$0x4060] =	vst v2  }
0xcc: {  	[tilespmem:s12+$0x4070] =	vst v2  }
0xcd: {  	[tilespmem:s12+$0x4400] =	vst v2  }
0xce: {  	[tilespmem:s12+$0x4410] =	vst v2  }
0xcf: {  	[tilespmem:s12+$0x4420] =	vst v2  }
0xd0: {  	[tilespmem:s12+$0x4430] =	vst v2  }
0xd1: {  	s14 =	simm.s32 $0x200;
	s13 =	simm.s32 $0x80;
	[tilespmem:s12+$0x4440] =	vst v2  }
0xd2: {  	s15 =	sand.u32 $0xF000, s14;
	s14 =	simm.s32 $0x400;
	s16 =	sand.u32 $0x380, s13;
	[tilespmem:s12+$0x4450] =	vst v2  }
.LBB2_6:
0xd3: {  	p0 =	sne.s32 s14, $0xFE00;
	[tilespmem:s12+$0x4460] =	vst v2;
	s12 =	sor.u32 s16, s15  }
0xd4: {  	[tilespmem:s12+$0x4470] =	vst v2  }
0xd5: {  	[tilespmem:s12+$0x3800] =	vst v2  }
0xd6: {  	[tilespmem:s12+$0x3810] =	vst v2  }
0xd7: {  	[tilespmem:s12+$0x3820] =	vst v2  }
0xd8: {  	[tilespmem:s12+$0x3830] =	vst v2  }
0xd9: {  	[tilespmem:s12+$0x3840] =	vst v2  }
0xda: {  	[tilespmem:s12+$0x3850] =	vst v2  }
0xdb: {  	[tilespmem:s12+$0x3860] =	vst v2  }
0xdc: {  	[tilespmem:s12+$0x3870] =	vst v2  }
0xdd: {  	[tilespmem:s12+$0x3C00] =	vst v2  }
0xde: {  	[tilespmem:s12+$0x3C10] =	vst v2  }
0xdf: {  	[tilespmem:s12+$0x3C20] =	vst v2  }
0xe0: {  	[tilespmem:s12+$0x3C30] =	vst v2  }
0xe1: {  	[tilespmem:s12+$0x3C40] =	vst v2  }
0xe2: {  	[tilespmem:s12+$0x3C50] =	vst v2  }
0xe3: {  	[tilespmem:s12+$0x3C60] =	vst v2  }
0xe4: {  	[tilespmem:s12+$0x3C70] =	vst v2  }
0xe5: {  	[tilespmem:s12+$0x4000] =	vst v2  }
0xe6: {  	[tilespmem:s12+$0x4010] =	vst v2  }
0xe7: {  	[tilespmem:s12+$0x4020] =	vst v2  }
0xe8: {  	[tilespmem:s12+$0x4030] =	vst v2  }
0xe9: {  	[tilespmem:s12+$0x4040] =	vst v2  }
0xea: {  	[tilespmem:s12+$0x4050] =	vst v2  }
0xeb: {  	[tilespmem:s12+$0x4060] =	vst v2  }
0xec: {  	[tilespmem:s12+$0x4070] =	vst v2  }
0xed: {  	[tilespmem:s12+$0x4400] =	vst v2  }
.Ltmp2:
0xee: {  	[tilespmem:s12+$0x4410] =	vst v2;
	(pc) =	sbr.rel @p0 .LBB2_6-.Ltmp2, $4  }
0xef: {  	[tilespmem:s12+$0x4420] =	vst v2  }
0xf0: {  	[tilespmem:s12+$0x4430] =	vst v2  }
0xf1: {  	s13 =	sadd.s32 $0x80, s13;
	[tilespmem:s12+$0x4440] =	vst v2  }
0xf2: {  	s15 =	sand.u32 $0xF000, s14;
	s14 =	sadd.s32 $0x200, s14;
	s16 =	sand.u32 $0x380, s13;
	[tilespmem:s12+$0x4450] =	vst v2  }
0xf3: {  	s13 =	sor.u32 s16, s15;
	[tilespmem:s12+$0x4460] =	vst v2  }
0xf4: {  	[tilespmem:s13+$0x4470] =	vst v2  }
0xf5: {  	[tilespmem:s13+$0x3800] =	vst v2  }
0xf6: {  	[tilespmem:s13+$0x3810] =	vst v2  }
0xf7: {  	[tilespmem:s13+$0x3820] =	vst v2  }
0xf8: {  	[tilespmem:s13+$0x3830] =	vst v2  }
0xf9: {  	[tilespmem:s13+$0x3840] =	vst v2  }
0xfa: {  	[tilespmem:s13+$0x3850] =	vst v2  }
0xfb: {  	[tilespmem:s13+$0x3860] =	vst v2  }
0xfc: {  	[tilespmem:s13+$0x3870] =	vst v2  }
0xfd: {  	[tilespmem:s13+$0x3C00] =	vst v2  }
0xfe: {  	[tilespmem:s13+$0x3C10] =	vst v2  }
0xff: {  	[tilespmem:s13+$0x3C20] =	vst v2  }
0x100: {  	[tilespmem:s13+$0x3C30] =	vst v2  }
0x101: {  	[tilespmem:s13+$0x3C40] =	vst v2  }
0x102: {  	[tilespmem:s13+$0x3C50] =	vst v2  }
0x103: {  	[tilespmem:s13+$0x3C60] =	vst v2  }
0x104: {  	[tilespmem:s13+$0x3C70] =	vst v2  }
0x105: {  	[tilespmem:s13+$0x4000] =	vst v2  }
0x106: {  	[tilespmem:s13+$0x4010] =	vst v2  }
0x107: {  	[tilespmem:s13+$0x4020] =	vst v2  }
0x108: {  	[tilespmem:s13+$0x4030] =	vst v2  }
0x109: {  	[tilespmem:s13+$0x4040] =	vst v2  }
0x10a: {  	[tilespmem:s13+$0x4050] =	vst v2  }
0x10b: {  	[tilespmem:s13+$0x4060] =	vst v2  }
0x10c: {  	[tilespmem:s13+$0x4070] =	vst v2  }
0x10d: {  	[tilespmem:s13+$0x4400] =	vst v2  }
0x10e: {  	[tilespmem:s13+$0x4410] =	vst v2  }
0x10f: {  	[tilespmem:s13+$0x4420] =	vst v2  }
0x110: {  	[tilespmem:s13+$0x4430] =	vst v2  }
0x111: {  	[tilespmem:s13+$0x4440] =	vst v2  }
0x112: {  	[tilespmem:s13+$0x4450] =	vst v2  }
0x113: {  	s12 =	simm.s32 $0xFFFFFFF8;
	[tilespmem:s13+$0x4460] =	vst v2;
	s13 =	simm.s32 $0x40  }
.LBB2_8:
0x114: {  	v4 =	vld [tilespmem:s13+$0xFFFFFFC0];
	_ =	sdelay $0x4  }
0x115: {  	v5 =	vshll.u32 v4, $0x3  }
0x116: {  	v6 =	vsub.s32 v4, v1;
	v7 =	vand.u32 $0x7F, v4;
	v5 =	vand.u32 $0xC00, v5  }
0x117: {  	v4 =	vshrl.u32 v4, $0x2;
	v42 =	vand.u32 $0xFFFFF000, v6;
	v5 =	vor.u32 v7, v5  }
0x118: {  	vm0 =	vlt.u32 v6, $0x10000;
	v4 =	vand.u32 $0x380, v4;
	v5 =	vor.u32 v42, v5  }
0x119: {  	v4 =	vor.u32 v4, v5;
	_ =	sdelay $0x4  }
0x11a: {  	[tilespmem:v4+s10+$0x0] =	vst.idx.msk vm0, v3  }
0x11b: {  	v4 =	vld [tilespmem:s13+$0xFFFFFFD0];
	_ =	sdelay $0x4  }
0x11c: {  	v5 =	vshll.u32 v4, $0x3  }
0x11d: {  	v43 =	vsub.s32 v4, v1;
	v44 =	vand.u32 $0x7F, v4;
	v5 =	vand.u32 $0xC00, v5  }
0x11e: {  	v4 =	vshrl.u32 v4, $0x2;
	v45 =	vand.u32 $0xFFFFF000, v43;
	v5 =	vor.u32 v44, v5  }
0x11f: {  	vm9 =	vlt.u32 v43, $0x10000;
	v4 =	vand.u32 $0x380, v4;
	v5 =	vor.u32 v45, v5  }
0x120: {  	v4 =	vor.u32 v4, v5;
	_ =	sdelay $0x4  }
0x121: {  	[tilespmem:v4+s10+$0x0] =	vst.idx.msk vm9, v3  }
0x122: {  	v4 =	vld [tilespmem:s13+$0xFFFFFFE0];
	_ =	sdelay $0x4  }
0x123: {  	v5 =	vshll.u32 v4, $0x3  }
0x124: {  	v46 =	vsub.s32 v4, v1;
	v47 =	vand.u32 $0x7F, v4;
	v5 =	vand.u32 $0xC00, v5  }
0x125: {  	v4 =	vshrl.u32 v4, $0x2;
	v48 =	vand.u32 $0xFFFFF000, v46;
	v5 =	vor.u32 v47, v5  }
0x126: {  	vm10 =	vlt.u32 v46, $0x10000;
	v4 =	vand.u32 $0x380, v4;
	v5 =	vor.u32 v48, v5  }
0x127: {  	v4 =	vor.u32 v4, v5;
	_ =	sdelay $0x4  }
0x128: {  	[tilespmem:v4+s10+$0x0] =	vst.idx.msk vm10, v3  }
0x129: {  	v4 =	vld [tilespmem:s13+$0xFFFFFFF0];
	_ =	sdelay $0x4  }
0x12a: {  	v5 =	vshll.u32 v4, $0x3  }
0x12b: {  	v49 =	vsub.s32 v4, v1;
	v50 =	vand.u32 $0x7F, v4;
	v5 =	vand.u32 $0xC00, v5  }
0x12c: {  	v4 =	vshrl.u32 v4, $0x2;
	v51 =	vand.u32 $0xFFFFF000, v49;
	v5 =	vor.u32 v50, v5  }
0x12d: {  	vm11 =	vlt.u32 v49, $0x10000;
	v4 =	vand.u32 $0x380, v4;
	v5 =	vor.u32 v51, v5  }
0x12e: {  	v4 =	vor.u32 v4, v5;
	_ =	sdelay $0x4  }
0x12f: {  	[tilespmem:v4+s10+$0x0] =	vst.idx.msk vm11, v3  }
0x130: {  	v4 =	vld [tilespmem:s13+$0x0];
	_ =	sdelay $0x4  }
0x131: {  	v5 =	vshll.u32 v4, $0x3  }
0x132: {  	v52 =	vsub.s32 v4, v1;
	v53 =	vand.u32 $0x7F, v4;
	v5 =	vand.u32 $0xC00, v5  }
0x133: {  	v4 =	vshrl.u32 v4, $0x2;
	v54 =	vand.u32 $0xFFFFF000, v52;
	v5 =	vor.u32 v53, v5  }
0x134: {  	vm12 =	vlt.u32 v52, $0x10000;
	v4 =	vand.u32 $0x380, v4;
	v5 =	vor.u32 v54, v5  }
0x135: {  	v4 =	vor.u32 v4, v5;
	_ =	sdelay $0x4  }
0x136: {  	[tilespmem:v4+s10+$0x0] =	vst.idx.msk vm12, v3  }
0x137: {  	v4 =	vld [tilespmem:s13+$0x10];
	_ =	sdelay $0x4  }
0x138: {  	v5 =	vshll.u32 v4, $0x3  }
0x139: {  	v55 =	vsub.s32 v4, v1;
	v56 =	vand.u32 $0x7F, v4;
	v5 =	vand.u32 $0xC00, v5  }
0x13a: {  	v4 =	vshrl.u32 v4, $0x2;
	v57 =	vand.u32 $0xFFFFF000, v55;
	v5 =	vor.u32 v56, v5  }
0x13b: {  	vm13 =	vlt.u32 v55, $0x10000;
	v4 =	vand.u32 $0x380, v4;
	v5 =	vor.u32 v57, v5  }
0x13c: {  	v4 =	vor.u32 v4, v5;
	_ =	sdelay $0x4  }
0x13d: {  	[tilespmem:v4+s10+$0x0] =	vst.idx.msk vm13, v3  }
0x13e: {  	v4 =	vld [tilespmem:s13+$0x20];
	_ =	sdelay $0x4  }
0x13f: {  	v5 =	vshll.u32 v4, $0x3  }
0x140: {  	v58 =	vsub.s32 v4, v1;
	v59 =	vand.u32 $0x7F, v4;
	v5 =	vand.u32 $0xC00, v5  }
0x141: {  	v4 =	vshrl.u32 v4, $0x2;
	v60 =	vand.u32 $0xFFFFF000, v58;
	v5 =	vor.u32 v59, v5  }
0x142: {  	vm14 =	vlt.u32 v58, $0x10000;
	v4 =	vand.u32 $0x380, v4;
	v5 =	vor.u32 v60, v5  }
0x143: {  	v4 =	vor.u32 v4, v5;
	_ =	sdelay $0x4  }
0x144: {  	[tilespmem:v4+s10+$0x0] =	vst.idx.msk vm14, v3  }
0x145: {  	v4 =	vld [tilespmem:s13+$0x30];
	_ =	sdelay $0x4  }
0x146: {  	v5 =	vshll.u32 v4, $0x3  }
0x147: {  	v61 =	vsub.s32 v4, v1;
	v62 =	vand.u32 $0x7F, v4;
	v5 =	vand.u32 $0xC00, v5  }
0x148: {  	v4 =	vshrl.u32 v4, $0x2;
	v63 =	vand.u32 $0xFFFFF000, v61;
	v5 =	vor.u32 v62, v5  }
0x149: {  	s12 =	sadd.s32 $0x8, s12;
	vm15 =	vlt.u32 v61, $0x10000;
	v4 =	vand.u32 $0x380, v4;
	v5 =	vor.u32 v63, v5  }
0x14a: {  	p0 =	slt.u32 s12, $0x378;
	v4 =	vor.u32 v4, v5  }
.Ltmp3:
0x14b: {  	_ = 	snop;
	(pc) =	sbr.rel @p0 .LBB2_8-.Ltmp3, $2  }
0x14c: {  	_ =	sdelay $0x2  }
0x14d: {  	s13 =	sadd.s32 $0x80, s13;
	[tilespmem:v4+s10+$0x0] =	vst.idx.msk vm15, v3  }
0x14e: {  	s11 =	sadd.s32 $0x1, s11  }
0x14f: {  	p0 =	sne.s32 s11, s7  }
.Ltmp4:
0x150: {  	_ = 	snop;
	(pc) =	sbr.rel @p0 .LBB2_1-.Ltmp4, $4  }
0x151: {  	[hbm4b:s6+s2] =	stream.linear.scatter [tilespmem:s10], [sflag:$0x1], $0x10000, $0x38;
	[tilespmem:$0x13800] =	vst v63  }
0x152: {  	_ =	swait.ge [sflag:s3], $0x10000  }
0x153: {  	[sflag:s3] =	ssyncset.done $0x0  }
0x154: {  	[sflag:s3] =	ssyncadd.s32 $0xFFFF0000  }
0x155: {  	_ =	sfence.sel $0x180000  }
0x156: {  	[bflag:$0x0] =	sbarrier.arrive $0xFFFF  }
0x157: {  	p0 =	sne.s32 s0, $0x0;
	_ =	strace $0x90000047  }
0x158: {  	s0 =	sadd.s32 @!p0 $0x100000, s1;
	[bflag:$0x2] =	sbarrier.arrive $0xFFFF  }
0x159: {  	[sflag:s0] =	ssyncadd.tile.s32 @!p0 $0x1;
	_ =	shalt  }
.Lfunc_end2:
_tile_overlayer_lowered:
.L_overlay_start_2:
0x15a: {  	(tag) =	ssettag $0x2  }
0x15b: {  	s0 =	rddreg [dreg:$0x0];
	s2 =	stileid.u32  }
0x15c: {  	s1 =	rddreg [dreg:$0x1];
	p0 =	sne.s32 s2, $0x0  }
0x15d: {  	s3 =	rddreg [dreg:$0x2];
	[bflag:$0x3] =	sbarrier.arrive $0xFFFF;
	s2 =	simm.s32 @!p0 $0x1C01  }
0x15e: {  	[timem:s3], [sflag:s2] =	dma.local @!p0 [hbm:s0], s1  }
0x15f: {  	s0 =	simm.s32 @!p0 $0x1  }
0x160: {  	_ =	swait.ge @!p0 [sflag:s0], s1  }
0x161: {  	s1 =	ssub.s32 @!p0 $0x0, s1;
	[sflag:s0] =	ssyncset.done @!p0 $0x0  }
0x162: {  	[sflag:s0] =	ssyncadd.s32 @!p0 s1  }
0x163: {  	[bflag:$0x3] =	sbarrier.arrive $0xFFFF  }
0x164: {  	_ =	shalt  }

// kernel: kernel.14.cloned.1.call-start
scs
__scs_entry_jumppad:
0x0: {  	(pc) =	sbr.rel $0x88, $3  }
0x1: {  	(tag) =	ssettag $0x0;
	lr =	simm.s32 $0x1  }
0x2: {  	[smem:$0x3F9E] =	sst lr;
	_ =	strace $0xD0000000  }
0x3: {  	_ = 	snop  }
0x4: {  	_ = 	snop  }
0x5: {  	_ = 	snop  }
0x6: {  	_ = 	snop  }
0x7: {  	_ = 	snop  }
__scs_overlays_trampoline_lowered:
0x8: {  	[smem:$0x3FAD] =	sst s0  }
0x9: {  	[smem:$0x3FAE] =	sst s1  }
0xa: {  	[smem:$0x3FAF] =	sst s2  }
0xb: {  	[smem:$0x3FB0] =	sst s3  }
0xc: {  	[smem:$0x3FB1] =	sst s4  }
0xd: {  	[smem:$0x3FB2] =	sst s5  }
0xe: {  	[smem:$0x3FB3] =	sst s6  }
0xf: {  	[smem:$0x3FB4] =	sst s7  }
0x10: {  	[smem:$0x3FB5] =	sst s8  }
0x11: {  	[smem:$0x3FB6] =	sst s9;
	s0 =	simm.s32 @!p0 $0x0  }
0x12: {  	s1 =	sld [smem:$0x3F9C];
	s0 =	simm.s32 @p0 $0x1  }
0x13: {  	[smem:$0x3FB7] =	sst s0;
	s0 =	simm.s32 @!p1 $0x0  }
0x14: {  	s2 =	sld [smem:$0x3F9B];
	s0 =	simm.s32 @p1 $0x1  }
0x15: {  	[smem:$0x3FB8] =	sst s0;
	s0 =	simm.s32 @!p2 $0x0  }
0x16: {  	s3 =	sld [smem:$0x3FDB];
	s0 =	simm.s32 @p2 $0x1  }
0x17: {  	s4 =	simm.s32 $0x1BF5;
	[smem:$0x3FBA] =	sst s0  }
0x18: {  	s0 =	sld [smem:$0x3F9D];
	_ =	swait.ge [sflag:s4], $0x0  }
0x19: {  	s7 =	sld [smem:$0x3F9E]  }
0x1a: {  	s8 =	sadd.s32 $0xFFFFE003, lr  }
0x1b: {  	s9 =	sadd.s32 $0xFFFFFEF7, lr;
	s5 =	simm.s32 $0xFFFFFFFF;
	p2 =	slt.u32 s8, $0xFFFFF086  }
0x1c: {  	p1 =	slt.u32 s9, $0xF7A;
	s5 =	simm.s32 @!p2 $0x0  }
0x1d: {  	s5 =	simm.s32 @p1 $0x1;
	p0 =	seq.s32 s7, s2  }
0x1e: {  	s7 =	smul.u32 @!p0 $0xF7A, s2;
	p2 =	seq.s32 @!p0 s5, $0x0  }
0x1f: {  	s9 =	smul.u32 $0xF7A, s1;
	s8 =	simm.s32 @!p0 $0x1BF5;
	p2 =	por !p2, p0  }
0x20: {  	[sflag:s8] =	ssyncset.s32 @!p0 $0xFFFFF086;
	s6 =	sadd.s32 @!p0 s3, s7;
	s7 =	simm.s32 @!p0 $0x108  }
0x21: {  	s3 =	sadd.s32 s3, s9;
	s6 =	sadd.s32 @!p0 $0x88, s6;
	s7 =	simm.s32 @p2 $0x1082  }
0x22: {  	[simem:s7], [sflag:s8] =	dma.local @!p0 [hbm:s6], $0xF7A  }
0x23: {  	s9 =	sor.u32 $0xD0000000, s2;
	s6 =	simm.s32 $0x108;
	_ =	swait.ge @!p0 [sflag:s8], $0x0  }
0x24: {  	s3 =	sadd.s32 $0x88, s3;
	s6 =	simm.s32 @!p1 $0x1082;
	[sflag:s4] =	ssyncset.s32 $0xFFFFF086  }
0x25: {  	[simem:s6], [sflag:s4] =	dma.local [hbm:s3], $0xF7A  }
0x26: {  	[smem:$0x3F9E] =	sst s1;
	(tag) =	ssettag s2;
	_ =	strace s9  }
0x27: {  	s1 =	sld [smem:$0x3FAE]  }
0x28: {  	s2 =	sld [smem:$0x3FAF]  }
0x29: {  	s4 =	sld [smem:$0x3FB1]  }
0x2a: {  	p0 =	seq.s32 s5, $0x0;
	s5 =	sld [smem:$0x3FB2]  }
0x2b: {  	s6 =	sld [smem:$0x3FB3]  }
0x2c: {  	s7 =	sld [smem:$0x3FB4]  }
0x2d: {  	s3 =	simm.s32 $0x108;
	s8 =	sld [smem:$0x3FB5]  }
0x2e: {  	s3 =	simm.s32 @!p0 $0x1082;
	s9 =	sld [smem:$0x3FB6]  }
0x2f: {  	lr =	sadd.s32 s0, s3;
	s0 =	sld [smem:$0x3FAD]  }
0x30: {  	s3 =	sld [smem:$0x3FB0]  }
0x31: {  	[smem:$0x3FB9] =	sst s10  }
0x32: {  	s10 =	sld [smem:$0x3FB7];
	_ =	sdelay $0x3  }
0x33: {  	p0 =	seq.s32 s10, $0x1;
	s10 =	sld [smem:$0x3FB9];
	_ =	sdelay $0x3  }
0x34: {  	[smem:$0x3FB9] =	sst s10  }
0x35: {  	s10 =	sld [smem:$0x3FB8];
	_ =	sdelay $0x3  }
0x36: {  	p1 =	seq.s32 s10, $0x1;
	s10 =	sld [smem:$0x3FB9];
	_ =	sdelay $0x3  }
0x37: {  	[smem:$0x3FB9] =	sst s10  }
0x38: {  	s10 =	sld [smem:$0x3FBA]  }
0x39: {  	_ = 	snop;
	(pc) =	sbr.ind lr, $3  }
0x3a: {  	_ = 	snop  }
0x3b: {  	_ = 	snop  }
0x3c: {  	p2 =	seq.s32 s10, $0x1;
	s10 =	sld [smem:$0x3FB9]  }
0x3d: {  	_ =	shalt  }
0x3e: {  	_ =	shalt  }
0x3f: {  	_ =	shalt  }
0x40: {  	_ =	shalt  }
0x41: {  	_ =	shalt  }
0x42: {  	_ =	shalt  }
0x43: {  	_ =	shalt  }
0x44: {  	_ =	shalt  }
0x45: {  	_ =	shalt  }
0x46: {  	_ =	shalt  }
0x47: {  	_ =	shalt  }
0x48: {  	_ =	shalt  }
0x49: {  	_ =	shalt  }
0x4a: {  	_ =	shalt  }
0x4b: {  	_ =	shalt  }
0x4c: {  	_ =	shalt  }
0x4d: {  	_ =	shalt  }
0x4e: {  	_ =	shalt  }
0x4f: {  	_ =	shalt  }
0x50: {  	_ =	shalt  }
0x51: {  	_ =	shalt  }
0x52: {  	_ =	shalt  }
0x53: {  	_ =	shalt  }
0x54: {  	_ =	shalt  }
0x55: {  	_ =	shalt  }
0x56: {  	_ =	shalt  }
0x57: {  	_ =	shalt  }
0x58: {  	_ =	shalt  }
0x59: {  	_ =	shalt  }
0x5a: {  	_ =	shalt  }
0x5b: {  	_ =	shalt  }
0x5c: {  	_ =	shalt  }
0x5d: {  	_ =	shalt  }
0x5e: {  	_ =	shalt  }
0x5f: {  	_ =	shalt  }
0x60: {  	_ =	shalt  }
0x61: {  	_ =	shalt  }
0x62: {  	_ =	shalt  }
0x63: {  	_ =	shalt  }
0x64: {  	_ =	shalt  }
0x65: {  	_ =	shalt  }
0x66: {  	_ =	shalt  }
0x67: {  	_ =	shalt  }
0x68: {  	_ =	shalt  }
0x69: {  	_ =	shalt  }
0x6a: {  	_ =	shalt  }
0x6b: {  	_ =	shalt  }
0x6c: {  	_ =	shalt  }
0x6d: {  	_ =	shalt  }
0x6e: {  	_ =	shalt  }
0x6f: {  	_ =	shalt  }
0x70: {  	_ =	shalt  }
0x71: {  	_ =	shalt  }
0x72: {  	_ =	shalt  }
0x73: {  	_ =	shalt  }
0x74: {  	_ =	shalt  }
0x75: {  	_ =	shalt  }
0x76: {  	_ =	shalt  }
0x77: {  	_ =	shalt  }
0x78: {  	_ =	shalt  }
0x79: {  	_ =	shalt  }
0x7a: {  	_ =	shalt  }
0x7b: {  	_ =	shalt  }
0x7c: {  	_ =	shalt  }
0x7d: {  	_ =	shalt  }
0x7e: {  	_ =	shalt  }
0x7f: {  	_ =	shalt  }
0x80: {  	_ =	shalt  }
0x81: {  	_ =	shalt  }
0x82: {  	_ =	shalt  }
0x83: {  	_ =	shalt  }
0x84: {  	_ =	shalt  }
0x85: {  	_ =	shalt  }
0x86: {  	_ =	shalt  }
0x87: {  	_ =	shalt  }
.Lfunc_end0:
.L_simem_size_0:
called_computation.1_lowered:
.L_overlay_start_0:
0x88: {  	s2 =	sld [smem:$0x3FD9]  }
0x89: {  	s3 =	sld [smem:$0x3FFE];
	_ =	sdelay $0x1  }
0x8a: {  	s1 =	srdreg.scid  }
0x8b: {  	s0 =	sand.u32 $0x1, s1  }
0x8c: {  	s17 =	sshll.u32 s0, $0xA;
	s2 =	sadd.s32 s3, s2  }
0x8d: {  	s2 =	sadd.s32 s2, s17  }
0x8e: {  	[smem:$0x3FC5] =	sst s2  }
0x8f: {  	_ = 	snop  }
0x90: {  	(tm) =	ssettm $0x1  }
0x91: {  	s18 =	sld [smem:$0x3FFB];
	_ =	sdelay $0x3  }
0x92: {  	_ =	strace s18  }
0x93: {  	s2 =	sld [smem:$0x3FFC];
	_ =	sdelay $0x3  }
0x94: {  	_ =	strace s2  }
0x95: {  	s2 =	sld [smem:$0x3FFD];
	_ =	sdelay $0x3  }
0x96: {  	_ =	strace s2  }
0x97: {  	_ =	strace $0x8FFFFFFF  }
0x98: {  	s19 =	sld [smem:$0x3FDB];
	_ =	sdelay $0x1  }
0x99: {  	s20 =	simm.s32 $_scs_section_size  }
0x9a: {  	s4 =	simm.s32 $_size__tile_overlayer_lowered;
	s5 =	simm.s32 $_tile_overlayer_lowered  }
0x9b: {  	s6 =	simm.s32 $0x1BFF;
	s21 =	sshll.u32 s5, $0x1;
	s3 =	sadd.s32 s20, s19  }
0x9c: {  	s22 =	simm.s32 $0x0;
	s4 =	sshll.u32 s4, $0x1;
	s5 =	sadd.s32 s21, s3  }
0x9d: {  	[timem:s22], [sflag:s6] =	dma.local [hbm:s5], s4  }
0x9e: {  	_ =	swait.ge [sflag:s6], s4  }
0x9f: {  	s4 =	ssub.s32 $0x0, s4;
	[sflag:s6] =	ssyncset.done $0x0  }
0xa0: {  	[sflag:s6] =	ssyncadd.s32 s4;
	_ =	sdelay $0x1  }
0xa1: {  	s23 =	simm.s32 $0x1B8B  }
0xa2: {  	_ =	swait.ge [sflag:s23], $0x1  }
0xa3: {  	[sflag:s23] =	ssyncset.done $0x0  }
0xa4: {  	[sflag:s23] =	ssyncadd.s32 $0xFFFFFFFF  }
0xa5: {  	s4 =	sld [smem:$0x0]  }
0xa6: {  	s5 =	sand.u32 $0xFFFFFFFE, s1  }
0xa7: {  	p0 =	sne.s32 s1, s5  }
0xa8: {  	s5 =	sshll.u32 @p0 s5, $0xE  }
0xa9: {  	s5 =	sadd.s32 @p0 $0x11B8D, s5;
	s6 =	sshll.u32 @p0 s4, $0x11  }
0xaa: {  	s5 =	sor.u32 @p0 s6, s5  }
0xab: {  	[sflag:s5] =	ssyncadd.remote.s32 @p0 $0x1;
	_ =	sdelay $0x1  }
0xac: {  	s5 =	simm.s32 @p0 $0x1B8D  }
0xad: {  	_ =	swait.eq @p0 [sflag:s5], $0x1  }
0xae: {  	[sflag:s5] =	ssyncadd.s32 @p0 $0xFFFFFFFF  }
0xaf: {  	s6 =	sshll.u32 @!p0 s1, $0xE  }
0xb0: {  	s6 =	sor.u32 @!p0 $0x4000, s6;
	s5 =	simm.s32 @!p0 $0x1B8D  }
0xb1: {  	s4 =	sshll.u32 @!p0 s4, $0x11;
	s6 =	sadd.s32 @!p0 $0x11B8D, s6;
	_ =	swait.eq @!p0 [sflag:s5], $0x1  }
0xb2: {  	s4 =	sor.u32 @!p0 s4, s6;
	[sflag:s5] =	ssyncadd.s32 @!p0 $0xFFFFFFFF  }
0xb3: {  	s25 =	simm.s32 $0x1B8E;
	s24 =	sld [smem:$0x3FFE];
	[sflag:s4] =	ssyncadd.remote.s32 @!p0 $0x1  }
0xb4: {  	s26 =	simm.s32 $execute0_lowered;
	[smem:$0x3FD2] =	sst s25  }
0xb5: {  	s5 =	sshll.u32 s26, $0x1;
	_ =	strace $0x80000049;
	[dreg:$0x1] =	wrdreg $0xFFFFFFFF  }
0xb6: {  	s28 =	simm.s32 $_size_execute0_lowered;
	s3 =	sadd.s32 s3, s5;
	[dreg:$0x0] =	wrdreg $0x0  }
0xb7: {  	s5 =	sshll.u32 s28, $0x1;
	[dreg:$0x2] =	wrdreg s3  }
0xb8: {  	[dreg:$0x3] =	wrdreg s5  }
0xb9: {  	[dreg:$0x4] =	wrdreg $0xC0  }
0xba: {  	_ =	task [dreg:s22], $0x5FFFF  }
0xbb: {  	[dreg:$0x1] =	wrdreg $0xFFFFFFFF  }
0xbc: {  	[dreg:$0x0] =	wrdreg $0x60  }
0xbd: {  	[dreg:$0x2] =	wrdreg s24  }
0xbe: {  	[dreg:$0x3] =	wrdreg $0xA  }
0xbf: {  	_ =	task.clear_ibuf [dreg:s22], $0x4FFFF;
	_ =	strace $0x90000049  }
0xc0: {  	s29 =	simm.s32 $0xA;
	_ =	strace $0x8000004B  }
0xc1: {  	_ =	swait.ge [sflag:s29], $0x1  }
0xc2: {  	[sflag:s29] =	ssyncadd.s32 $0xFFFFFFFF  }
0xc3: {  	_ =	strace $0x9000004B  }
0xc4: {  	_ =	sfence  }
0xc5: {  	s30 =	sld [smem:$0x0];
	_ =	sdelay $0x2  }
0xc6: {  	s31 =	sshll.u32 s1, $0xD;
	s1 =	sshrl.u32 s1, $0x2  }
0xc7: {  	s4 =	sand.u32 $0x4000, s31;
	s1 =	sadd.s32 s1, s30  }
0xc8: {  	s0 =	sor.u32 s4, s0;
	s1 =	sshll.u32 s1, $0x11  }
0xc9: {  	s0 =	sor.u32 s1, s0  }
0xca: {  	s0 =	sadd.s32 $0x8F2B, s0  }
0xcb: {  	[sflag:s0] =	ssyncadd.remote.s32 $0x1  }
0xcc: {  	_ =	sfence.sel $0xFFFF  }
0xcd: {  	[dreg:$0x0] =	wrdreg $0xFFFFFFFF;
	(pc) =	sbr.abs _section_cstart, $3  }
0xce: {  	[dreg:$0x1] =	wrdreg $0xFFFFFFFF  }
0xcf: {  	_ =	task.clear_ibuf [dreg:s22], $0x2FFFF;
	_ =	strace $0x9FFFFFFF  }
0xd0: {  	(tm) =	ssettm $0x7FFFFFFF  }
0xd1: {  	_ =	shalt  }
tec
execute0_lowered:
.L_overlay_start_1:
0x0: {  	(tag) =	ssettag $0x1  }
0x1: {  	s1 =	srdreg.scid  }
0x2: {  	s0 =	stileid.u32;
	s4 =	sand.u32 $0x1, s1  }
0x3: {  	s1 =	sor.u32 s4, s0  }
0x4: {  	p1 =	seq.s32 s4, $0x1;
	p0 =	seq.s32 s1, $0x0  }
0x5: {  	s6 =	rddreg [dreg:$0x0];
	p0 =	por !p0, !p1  }
0x6: {  	s2 =	simm.s32 $0x0;
	s1 =	simm.s32 $0x1;
	p0 =	por !p0, !p0  }
0x7: {  	[smem:$0x7FF] =	sst s2;
	s8 =	ssub.s32 $0x2, s4;
	s1 =	simm.s32 @!p0 $0x0  }
0x8: {  	s9 =	sshll.u32 s4, $0x11;
	s28 =	sshrl.u32 s8, $0x1;
	s5 =	ssub.s32 s0, s1  }
0x9: {  	s11 =	sor.u32 $0x10000, s9;
	s8 =	ssub.s32 s8, s28;
	s1 =	sadd.s32 $0x10, s5  }
0xa: {  	s7 =	sshll.u32 s5, $0x7;
	s26 =	sshll.u32 s5, $0x12;
	s1 =	sshrl.u32 s1, $0x3  }
0xb: {  	s7 =	sand.u32 $0x380, s7;
	s10 =	sor.u32 s9, s26;
	s3 =	smul.u32 $0x1C000, s1  }
0xc: {  	v0 =	vmov s9;
	v1 =	vmov s11;
	s30 =	sor.u32 s11, s26;
	s9 =	simm.s32 $0x400;
	s11 =	simm.s32 $0x0  }
0xd: {  	s1 =	rddreg [dreg:$0x1];
	_ =	strace $0x8000004A;
	s3 =	sor.u32 s7, s3  }
0xe: {  	s29 =	sshrl.u32 s10, $0x3;
	s31 =	sshrl.u32 s30, $0x3;
	s7 =	sshrl.u32 s3, $0x3  }
0xf: {  	s10 =	simm.s32 $0x3800;
	s7 =	sadd.s32 s7, s6;
	s6 =	sadd.s32 $0x1E400, s6  }
0x10: {  	s3 =	simm.s32 $0x1;
	s4 =	sadd.s32 $0x2400, s7;
	s5 =	sadd.s32 s6, s29  }
0x11: {  	v2 =	vimm.f32 $0.0e+00;
	v3 =	vimm.f32 $2.550000000e+02;
	s6 =	sadd.s32 s6, s31;
	s7 =	smax.u32 s8, $0x1;
	s8 =	simm.s32 $0x80  }
.LBB2_1:
0x12: {  	[tilespmem:s2], [sflag:$0x1] =	stream.strided.gather [hbm4b:s4+s8], $0x3800, s9, s8, $0x38;
	[tilespmem:$0x13800] =	vst v63  }
0x13: {  	_ =	swait.ge [sflag:s3], $0x3800  }
0x14: {  	s12 =	sand.u32 $0xF000, s2;
	s13 =	sand.u32 $0x380, s2;
	[sflag:s3] =	ssyncset.done $0x0  }
0x15: {  	s12 =	sor.u32 s13, s12;
	[sflag:s3] =	ssyncadd.s32 $0xFFFFC800  }
0x16: {  	[tilespmem:s12+$0x4470] =	vst v2  }
0x17: {  	[tilespmem:s12+$0x3800] =	vst v2  }
0x18: {  	[tilespmem:s12+$0x3810] =	vst v2  }
0x19: {  	[tilespmem:s12+$0x3820] =	vst v2  }
0x1a: {  	[tilespmem:s12+$0x3830] =	vst v2  }
0x1b: {  	[tilespmem:s12+$0x3840] =	vst v2  }
0x1c: {  	[tilespmem:s12+$0x3850] =	vst v2  }
0x1d: {  	[tilespmem:s12+$0x3860] =	vst v2  }
0x1e: {  	[tilespmem:s12+$0x3870] =	vst v2  }
0x1f: {  	[tilespmem:s12+$0x3C00] =	vst v2  }
0x20: {  	[tilespmem:s12+$0x3C10] =	vst v2  }
0x21: {  	[tilespmem:s12+$0x3C20] =	vst v2  }
0x22: {  	[tilespmem:s12+$0x3C30] =	vst v2  }
0x23: {  	[tilespmem:s12+$0x3C40] =	vst v2  }
0x24: {  	[tilespmem:s12+$0x3C50] =	vst v2  }
0x25: {  	[tilespmem:s12+$0x3C60] =	vst v2  }
0x26: {  	[tilespmem:s12+$0x3C70] =	vst v2  }
0x27: {  	[tilespmem:s12+$0x4000] =	vst v2  }
0x28: {  	[tilespmem:s12+$0x4010] =	vst v2  }
0x29: {  	[tilespmem:s12+$0x4020] =	vst v2  }
0x2a: {  	[tilespmem:s12+$0x4030] =	vst v2  }
0x2b: {  	[tilespmem:s12+$0x4040] =	vst v2  }
0x2c: {  	[tilespmem:s12+$0x4050] =	vst v2  }
0x2d: {  	[tilespmem:s12+$0x4060] =	vst v2  }
0x2e: {  	[tilespmem:s12+$0x4070] =	vst v2  }
0x2f: {  	[tilespmem:s12+$0x4400] =	vst v2  }
0x30: {  	[tilespmem:s12+$0x4410] =	vst v2  }
0x31: {  	[tilespmem:s12+$0x4420] =	vst v2  }
0x32: {  	[tilespmem:s12+$0x4430] =	vst v2  }
0x33: {  	s14 =	simm.s32 $0x200;
	s13 =	simm.s32 $0x80;
	[tilespmem:s12+$0x4440] =	vst v2  }
0x34: {  	s15 =	sand.u32 $0xF000, s14;
	s14 =	simm.s32 $0x400;
	s16 =	sand.u32 $0x380, s13;
	[tilespmem:s12+$0x4450] =	vst v2  }
.LBB2_2:
0x35: {  	p0 =	sne.s32 s14, $0xFE00;
	[tilespmem:s12+$0x4460] =	vst v2;
	s12 =	sor.u32 s16, s15  }
0x36: {  	[tilespmem:s12+$0x4470] =	vst v2  }
0x37: {  	[tilespmem:s12+$0x3800] =	vst v2  }
0x38: {  	[tilespmem:s12+$0x3810] =	vst v2  }
0x39: {  	[tilespmem:s12+$0x3820] =	vst v2  }
0x3a: {  	[tilespmem:s12+$0x3830] =	vst v2  }
0x3b: {  	[tilespmem:s12+$0x3840] =	vst v2  }
0x3c: {  	[tilespmem:s12+$0x3850] =	vst v2  }
0x3d: {  	[tilespmem:s12+$0x3860] =	vst v2  }
0x3e: {  	[tilespmem:s12+$0x3870] =	vst v2  }
0x3f: {  	[tilespmem:s12+$0x3C00] =	vst v2  }
0x40: {  	[tilespmem:s12+$0x3C10] =	vst v2  }
0x41: {  	[tilespmem:s12+$0x3C20] =	vst v2  }
0x42: {  	[tilespmem:s12+$0x3C30] =	vst v2  }
0x43: {  	[tilespmem:s12+$0x3C40] =	vst v2  }
0x44: {  	[tilespmem:s12+$0x3C50] =	vst v2  }
0x45: {  	[tilespmem:s12+$0x3C60] =	vst v2  }
0x46: {  	[tilespmem:s12+$0x3C70] =	vst v2  }
0x47: {  	[tilespmem:s12+$0x4000] =	vst v2  }
0x48: {  	[tilespmem:s12+$0x4010] =	vst v2  }
0x49: {  	[tilespmem:s12+$0x4020] =	vst v2  }
0x4a: {  	[tilespmem:s12+$0x4030] =	vst v2  }
0x4b: {  	[tilespmem:s12+$0x4040] =	vst v2  }
0x4c: {  	[tilespmem:s12+$0x4050] =	vst v2  }
0x4d: {  	[tilespmem:s12+$0x4060] =	vst v2  }
0x4e: {  	[tilespmem:s12+$0x4070] =	vst v2  }
0x4f: {  	[tilespmem:s12+$0x4400] =	vst v2  }
.Ltmp0:
0x50: {  	[tilespmem:s12+$0x4410] =	vst v2;
	(pc) =	sbr.rel @p0 .LBB2_2-.Ltmp0, $4  }
0x51: {  	[tilespmem:s12+$0x4420] =	vst v2  }
0x52: {  	[tilespmem:s12+$0x4430] =	vst v2  }
0x53: {  	s13 =	sadd.s32 $0x80, s13;
	[tilespmem:s12+$0x4440] =	vst v2  }
0x54: {  	s15 =	sand.u32 $0xF000, s14;
	s14 =	sadd.s32 $0x200, s14;
	s16 =	sand.u32 $0x380, s13;
	[tilespmem:s12+$0x4450] =	vst v2  }
0x55: {  	s13 =	sor.u32 s16, s15;
	[tilespmem:s12+$0x4460] =	vst v2  }
0x56: {  	[tilespmem:s13+$0x4470] =	vst v2  }
0x57: {  	[tilespmem:s13+$0x3800] =	vst v2  }
0x58: {  	[tilespmem:s13+$0x3810] =	vst v2  }
0x59: {  	[tilespmem:s13+$0x3820] =	vst v2  }
0x5a: {  	[tilespmem:s13+$0x3830] =	vst v2  }
0x5b: {  	[tilespmem:s13+$0x3840] =	vst v2  }
0x5c: {  	[tilespmem:s13+$0x3850] =	vst v2  }
0x5d: {  	[tilespmem:s13+$0x3860] =	vst v2  }
0x5e: {  	[tilespmem:s13+$0x3870] =	vst v2  }
0x5f: {  	[tilespmem:s13+$0x3C00] =	vst v2  }
0x60: {  	[tilespmem:s13+$0x3C10] =	vst v2  }
0x61: {  	[tilespmem:s13+$0x3C20] =	vst v2  }
0x62: {  	[tilespmem:s13+$0x3C30] =	vst v2  }
0x63: {  	[tilespmem:s13+$0x3C40] =	vst v2  }
0x64: {  	[tilespmem:s13+$0x3C50] =	vst v2  }
0x65: {  	[tilespmem:s13+$0x3C60] =	vst v2  }
0x66: {  	[tilespmem:s13+$0x3C70] =	vst v2  }
0x67: {  	[tilespmem:s13+$0x4000] =	vst v2  }
0x68: {  	[tilespmem:s13+$0x4010] =	vst v2  }
0x69: {  	[tilespmem:s13+$0x4020] =	vst v2  }
0x6a: {  	[tilespmem:s13+$0x4030] =	vst v2  }
0x6b: {  	[tilespmem:s13+$0x4040] =	vst v2  }
0x6c: {  	[tilespmem:s13+$0x4050] =	vst v2  }
0x6d: {  	[tilespmem:s13+$0x4060] =	vst v2  }
0x6e: {  	[tilespmem:s13+$0x4070] =	vst v2  }
0x6f: {  	[tilespmem:s13+$0x4400] =	vst v2  }
0x70: {  	[tilespmem:s13+$0x4410] =	vst v2  }
0x71: {  	[tilespmem:s13+$0x4420] =	vst v2  }
0x72: {  	[tilespmem:s13+$0x4430] =	vst v2  }
0x73: {  	[tilespmem:s13+$0x4440] =	vst v2  }
0x74: {  	[tilespmem:s13+$0x4450] =	vst v2  }
0x75: {  	s12 =	simm.s32 $0xFFFFFFF8;
	[tilespmem:s13+$0x4460] =	vst v2;
	s13 =	simm.s32 $0x40  }
.LBB2_4:
0x76: {  	v4 =	vld [tilespmem:s13+$0xFFFFFFC0];
	_ =	sdelay $0x4  }
0x77: {  	v5 =	vshll.u32 v4, $0x3  }
0x78: {  	v6 =	vsub.s32 v4, v0;
	v7 =	vand.u32 $0x7F, v4;
	v5 =	vand.u32 $0xC00, v5  }
0x79: {  	v4 =	vshrl.u32 v4, $0x2;
	v42 =	vand.u32 $0xFFFFF000, v6;
	v5 =	vor.u32 v7, v5  }
0x7a: {  	vm0 =	vlt.u32 v6, $0x10000;
	v4 =	vand.u32 $0x380, v4;
	v5 =	vor.u32 v42, v5  }
0x7b: {  	v4 =	vor.u32 v4, v5;
	_ =	sdelay $0x4  }
0x7c: {  	[tilespmem:v4+s10+$0x0] =	vst.idx.msk vm0, v3  }
0x7d: {  	v4 =	vld [tilespmem:s13+$0xFFFFFFD0];
	_ =	sdelay $0x4  }
0x7e: {  	v5 =	vshll.u32 v4, $0x3  }
0x7f: {  	v43 =	vsub.s32 v4, v0;
	v44 =	vand.u32 $0x7F, v4;
	v5 =	vand.u32 $0xC00, v5  }
0x80: {  	v4 =	vshrl.u32 v4, $0x2;
	v45 =	vand.u32 $0xFFFFF000, v43;
	v5 =	vor.u32 v44, v5  }
0x81: {  	vm9 =	vlt.u32 v43, $0x10000;
	v4 =	vand.u32 $0x380, v4;
	v5 =	vor.u32 v45, v5  }
0x82: {  	v4 =	vor.u32 v4, v5;
	_ =	sdelay $0x4  }
0x83: {  	[tilespmem:v4+s10+$0x0] =	vst.idx.msk vm9, v3  }
0x84: {  	v4 =	vld [tilespmem:s13+$0xFFFFFFE0];
	_ =	sdelay $0x4  }
0x85: {  	v5 =	vshll.u32 v4, $0x3  }
0x86: {  	v46 =	vsub.s32 v4, v0;
	v47 =	vand.u32 $0x7F, v4;
	v5 =	vand.u32 $0xC00, v5  }
0x87: {  	v4 =	vshrl.u32 v4, $0x2;
	v48 =	vand.u32 $0xFFFFF000, v46;
	v5 =	vor.u32 v47, v5  }
0x88: {  	vm10 =	vlt.u32 v46, $0x10000;
	v4 =	vand.u32 $0x380, v4;
	v5 =	vor.u32 v48, v5  }
0x89: {  	v4 =	vor.u32 v4, v5;
	_ =	sdelay $0x4  }
0x8a: {  	[tilespmem:v4+s10+$0x0] =	vst.idx.msk vm10, v3  }
0x8b: {  	v4 =	vld [tilespmem:s13+$0xFFFFFFF0];
	_ =	sdelay $0x4  }
0x8c: {  	v5 =	vshll.u32 v4, $0x3  }
0x8d: {  	v49 =	vsub.s32 v4, v0;
	v50 =	vand.u32 $0x7F, v4;
	v5 =	vand.u32 $0xC00, v5  }
0x8e: {  	v4 =	vshrl.u32 v4, $0x2;
	v51 =	vand.u32 $0xFFFFF000, v49;
	v5 =	vor.u32 v50, v5  }
0x8f: {  	vm11 =	vlt.u32 v49, $0x10000;
	v4 =	vand.u32 $0x380, v4;
	v5 =	vor.u32 v51, v5  }
0x90: {  	v4 =	vor.u32 v4, v5;
	_ =	sdelay $0x4  }
0x91: {  	[tilespmem:v4+s10+$0x0] =	vst.idx.msk vm11, v3  }
0x92: {  	v4 =	vld [tilespmem:s13+$0x0];
	_ =	sdelay $0x4  }
0x93: {  	v5 =	vshll.u32 v4, $0x3  }
0x94: {  	v52 =	vsub.s32 v4, v0;
	v53 =	vand.u32 $0x7F, v4;
	v5 =	vand.u32 $0xC00, v5  }
0x95: {  	v4 =	vshrl.u32 v4, $0x2;
	v54 =	vand.u32 $0xFFFFF000, v52;
	v5 =	vor.u32 v53, v5  }
0x96: {  	vm12 =	vlt.u32 v52, $0x10000;
	v4 =	vand.u32 $0x380, v4;
	v5 =	vor.u32 v54, v5  }
0x97: {  	v4 =	vor.u32 v4, v5;
	_ =	sdelay $0x4  }
0x98: {  	[tilespmem:v4+s10+$0x0] =	vst.idx.msk vm12, v3  }
0x99: {  	v4 =	vld [tilespmem:s13+$0x10];
	_ =	sdelay $0x4  }
0x9a: {  	v5 =	vshll.u32 v4, $0x3  }
0x9b: {  	v55 =	vsub.s32 v4, v0;
	v56 =	vand.u32 $0x7F, v4;
	v5 =	vand.u32 $0xC00, v5  }
0x9c: {  	v4 =	vshrl.u32 v4, $0x2;
	v57 =	vand.u32 $0xFFFFF000, v55;
	v5 =	vor.u32 v56, v5  }
0x9d: {  	vm13 =	vlt.u32 v55, $0x10000;
	v4 =	vand.u32 $0x380, v4;
	v5 =	vor.u32 v57, v5  }
0x9e: {  	v4 =	vor.u32 v4, v5;
	_ =	sdelay $0x4  }
0x9f: {  	[tilespmem:v4+s10+$0x0] =	vst.idx.msk vm13, v3  }
0xa0: {  	v4 =	vld [tilespmem:s13+$0x20];
	_ =	sdelay $0x4  }
0xa1: {  	v5 =	vshll.u32 v4, $0x3  }
0xa2: {  	v58 =	vsub.s32 v4, v0;
	v59 =	vand.u32 $0x7F, v4;
	v5 =	vand.u32 $0xC00, v5  }
0xa3: {  	v4 =	vshrl.u32 v4, $0x2;
	v60 =	vand.u32 $0xFFFFF000, v58;
	v5 =	vor.u32 v59, v5  }
0xa4: {  	vm14 =	vlt.u32 v58, $0x10000;
	v4 =	vand.u32 $0x380, v4;
	v5 =	vor.u32 v60, v5  }
0xa5: {  	v4 =	vor.u32 v4, v5;
	_ =	sdelay $0x4  }
0xa6: {  	[tilespmem:v4+s10+$0x0] =	vst.idx.msk vm14, v3  }
0xa7: {  	v4 =	vld [tilespmem:s13+$0x30];
	_ =	sdelay $0x4  }
0xa8: {  	v5 =	vshll.u32 v4, $0x3  }
0xa9: {  	v61 =	vsub.s32 v4, v0;
	v62 =	vand.u32 $0x7F, v4;
	v5 =	vand.u32 $0xC00, v5  }
0xaa: {  	v4 =	vshrl.u32 v4, $0x2;
	v63 =	vand.u32 $0xFFFFF000, v61;
	v5 =	vor.u32 v62, v5  }
0xab: {  	s12 =	sadd.s32 $0x8, s12;
	vm15 =	vlt.u32 v61, $0x10000;
	v4 =	vand.u32 $0x380, v4;
	v5 =	vor.u32 v63, v5  }
0xac: {  	p0 =	slt.u32 s12, $0x378;
	v4 =	vor.u32 v4, v5  }
.Ltmp1:
0xad: {  	_ = 	snop;
	(pc) =	sbr.rel @p0 .LBB2_4-.Ltmp1, $2  }
0xae: {  	_ =	sdelay $0x2  }
0xaf: {  	s13 =	sadd.s32 $0x80, s13;
	[tilespmem:v4+s10+$0x0] =	vst.idx.msk vm15, v3  }
0xb0: {  	s12 =	simm.s32 $0x0  }
0xb1: {  	[hbm4b:s5+s12] =	stream.linear.scatter [tilespmem:s10], [sflag:$0x1], $0x10000, $0x38;
	[tilespmem:$0x13800] =	vst v63  }
0xb2: {  	_ =	swait.ge [sflag:s3], $0x10000  }
0xb3: {  	s13 =	sand.u32 $0xF000, s12;
	s12 =	sand.u32 $0x380, s12;
	[sflag:s3] =	ssyncset.done $0x0  }
0xb4: {  	s12 =	sor.u32 s12, s13;
	[sflag:s3] =	ssyncadd.s32 $0xFFFF0000  }
0xb5: {  	[tilespmem:s12+$0x4470] =	vst v2  }
0xb6: {  	[tilespmem:s12+$0x3800] =	vst v2  }
0xb7: {  	[tilespmem:s12+$0x3810] =	vst v2  }
0xb8: {  	[tilespmem:s12+$0x3820] =	vst v2  }
0xb9: {  	[tilespmem:s12+$0x3830] =	vst v2  }
0xba: {  	[tilespmem:s12+$0x3840] =	vst v2  }
0xbb: {  	[tilespmem:s12+$0x3850] =	vst v2  }
0xbc: {  	[tilespmem:s12+$0x3860] =	vst v2  }
0xbd: {  	[tilespmem:s12+$0x3870] =	vst v2  }
0xbe: {  	[tilespmem:s12+$0x3C00] =	vst v2  }
0xbf: {  	[tilespmem:s12+$0x3C10] =	vst v2  }
0xc0: {  	[tilespmem:s12+$0x3C20] =	vst v2  }
0xc1: {  	[tilespmem:s12+$0x3C30] =	vst v2  }
0xc2: {  	[tilespmem:s12+$0x3C40] =	vst v2  }
0xc3: {  	[tilespmem:s12+$0x3C50] =	vst v2  }
0xc4: {  	[tilespmem:s12+$0x3C60] =	vst v2  }
0xc5: {  	[tilespmem:s12+$0x3C70] =	vst v2  }
0xc6: {  	[tilespmem:s12+$0x4000] =	vst v2  }
0xc7: {  	[tilespmem:s12+$0x4010] =	vst v2  }
0xc8: {  	[tilespmem:s12+$0x4020] =	vst v2  }
0xc9: {  	[tilespmem:s12+$0x4030] =	vst v2  }
0xca: {  	[tilespmem:s12+$0x4040] =	vst v2  }
0xcb: {  	[tilespmem:s12+$0x4050] =	vst v2  }
0xcc: {  	[tilespmem:s12+$0x4060] =	vst v2  }
0xcd: {  	[tilespmem:s12+$0x4070] =	vst v2  }
0xce: {  	[tilespmem:s12+$0x4400] =	vst v2  }
0xcf: {  	[tilespmem:s12+$0x4410] =	vst v2  }
0xd0: {  	[tilespmem:s12+$0x4420] =	vst v2  }
0xd1: {  	[tilespmem:s12+$0x4430] =	vst v2  }
0xd2: {  	s14 =	simm.s32 $0x200;
	s13 =	simm.s32 $0x80;
	[tilespmem:s12+$0x4440] =	vst v2  }
0xd3: {  	s15 =	sand.u32 $0xF000, s14;
	s14 =	simm.s32 $0x400;
	s16 =	sand.u32 $0x380, s13;
	[tilespmem:s12+$0x4450] =	vst v2  }
.LBB2_6:
0xd4: {  	p0 =	sne.s32 s14, $0xFE00;
	[tilespmem:s12+$0x4460] =	vst v2;
	s12 =	sor.u32 s16, s15  }
0xd5: {  	[tilespmem:s12+$0x4470] =	vst v2  }
0xd6: {  	[tilespmem:s12+$0x3800] =	vst v2  }
0xd7: {  	[tilespmem:s12+$0x3810] =	vst v2  }
0xd8: {  	[tilespmem:s12+$0x3820] =	vst v2  }
0xd9: {  	[tilespmem:s12+$0x3830] =	vst v2  }
0xda: {  	[tilespmem:s12+$0x3840] =	vst v2  }
0xdb: {  	[tilespmem:s12+$0x3850] =	vst v2  }
0xdc: {  	[tilespmem:s12+$0x3860] =	vst v2  }
0xdd: {  	[tilespmem:s12+$0x3870] =	vst v2  }
0xde: {  	[tilespmem:s12+$0x3C00] =	vst v2  }
0xdf: {  	[tilespmem:s12+$0x3C10] =	vst v2  }
0xe0: {  	[tilespmem:s12+$0x3C20] =	vst v2  }
0xe1: {  	[tilespmem:s12+$0x3C30] =	vst v2  }
0xe2: {  	[tilespmem:s12+$0x3C40] =	vst v2  }
0xe3: {  	[tilespmem:s12+$0x3C50] =	vst v2  }
0xe4: {  	[tilespmem:s12+$0x3C60] =	vst v2  }
0xe5: {  	[tilespmem:s12+$0x3C70] =	vst v2  }
0xe6: {  	[tilespmem:s12+$0x4000] =	vst v2  }
0xe7: {  	[tilespmem:s12+$0x4010] =	vst v2  }
0xe8: {  	[tilespmem:s12+$0x4020] =	vst v2  }
0xe9: {  	[tilespmem:s12+$0x4030] =	vst v2  }
0xea: {  	[tilespmem:s12+$0x4040] =	vst v2  }
0xeb: {  	[tilespmem:s12+$0x4050] =	vst v2  }
0xec: {  	[tilespmem:s12+$0x4060] =	vst v2  }
0xed: {  	[tilespmem:s12+$0x4070] =	vst v2  }
0xee: {  	[tilespmem:s12+$0x4400] =	vst v2  }
.Ltmp2:
0xef: {  	[tilespmem:s12+$0x4410] =	vst v2;
	(pc) =	sbr.rel @p0 .LBB2_6-.Ltmp2, $4  }
0xf0: {  	[tilespmem:s12+$0x4420] =	vst v2  }
0xf1: {  	[tilespmem:s12+$0x4430] =	vst v2  }
0xf2: {  	s13 =	sadd.s32 $0x80, s13;
	[tilespmem:s12+$0x4440] =	vst v2  }
0xf3: {  	s15 =	sand.u32 $0xF000, s14;
	s14 =	sadd.s32 $0x200, s14;
	s16 =	sand.u32 $0x380, s13;
	[tilespmem:s12+$0x4450] =	vst v2  }
0xf4: {  	s13 =	sor.u32 s16, s15;
	[tilespmem:s12+$0x4460] =	vst v2  }
0xf5: {  	[tilespmem:s13+$0x4470] =	vst v2  }
0xf6: {  	[tilespmem:s13+$0x3800] =	vst v2  }
0xf7: {  	[tilespmem:s13+$0x3810] =	vst v2  }
0xf8: {  	[tilespmem:s13+$0x3820] =	vst v2  }
0xf9: {  	[tilespmem:s13+$0x3830] =	vst v2  }
0xfa: {  	[tilespmem:s13+$0x3840] =	vst v2  }
0xfb: {  	[tilespmem:s13+$0x3850] =	vst v2  }
0xfc: {  	[tilespmem:s13+$0x3860] =	vst v2  }
0xfd: {  	[tilespmem:s13+$0x3870] =	vst v2  }
0xfe: {  	[tilespmem:s13+$0x3C00] =	vst v2  }
0xff: {  	[tilespmem:s13+$0x3C10] =	vst v2  }
0x100: {  	[tilespmem:s13+$0x3C20] =	vst v2  }
0x101: {  	[tilespmem:s13+$0x3C30] =	vst v2  }
0x102: {  	[tilespmem:s13+$0x3C40] =	vst v2  }
0x103: {  	[tilespmem:s13+$0x3C50] =	vst v2  }
0x104: {  	[tilespmem:s13+$0x3C60] =	vst v2  }
0x105: {  	[tilespmem:s13+$0x3C70] =	vst v2  }
0x106: {  	[tilespmem:s13+$0x4000] =	vst v2  }
0x107: {  	[tilespmem:s13+$0x4010] =	vst v2  }
0x108: {  	[tilespmem:s13+$0x4020] =	vst v2  }
0x109: {  	[tilespmem:s13+$0x4030] =	vst v2  }
0x10a: {  	[tilespmem:s13+$0x4040] =	vst v2  }
0x10b: {  	[tilespmem:s13+$0x4050] =	vst v2  }
0x10c: {  	[tilespmem:s13+$0x4060] =	vst v2  }
0x10d: {  	[tilespmem:s13+$0x4070] =	vst v2  }
0x10e: {  	[tilespmem:s13+$0x4400] =	vst v2  }
0x10f: {  	[tilespmem:s13+$0x4410] =	vst v2  }
0x110: {  	[tilespmem:s13+$0x4420] =	vst v2  }
0x111: {  	[tilespmem:s13+$0x4430] =	vst v2  }
0x112: {  	[tilespmem:s13+$0x4440] =	vst v2  }
0x113: {  	[tilespmem:s13+$0x4450] =	vst v2  }
0x114: {  	s12 =	simm.s32 $0xFFFFFFF8;
	[tilespmem:s13+$0x4460] =	vst v2;
	s13 =	simm.s32 $0x40  }
.LBB2_8:
0x115: {  	v4 =	vld [tilespmem:s13+$0xFFFFFFC0];
	_ =	sdelay $0x4  }
0x116: {  	v5 =	vshll.u32 v4, $0x3  }
0x117: {  	v6 =	vsub.s32 v4, v1;
	v7 =	vand.u32 $0x7F, v4;
	v5 =	vand.u32 $0xC00, v5  }
0x118: {  	v4 =	vshrl.u32 v4, $0x2;
	v42 =	vand.u32 $0xFFFFF000, v6;
	v5 =	vor.u32 v7, v5  }
0x119: {  	vm0 =	vlt.u32 v6, $0x10000;
	v4 =	vand.u32 $0x380, v4;
	v5 =	vor.u32 v42, v5  }
0x11a: {  	v4 =	vor.u32 v4, v5;
	_ =	sdelay $0x4  }
0x11b: {  	[tilespmem:v4+s10+$0x0] =	vst.idx.msk vm0, v3  }
0x11c: {  	v4 =	vld [tilespmem:s13+$0xFFFFFFD0];
	_ =	sdelay $0x4  }
0x11d: {  	v5 =	vshll.u32 v4, $0x3  }
0x11e: {  	v43 =	vsub.s32 v4, v1;
	v44 =	vand.u32 $0x7F, v4;
	v5 =	vand.u32 $0xC00, v5  }
0x11f: {  	v4 =	vshrl.u32 v4, $0x2;
	v45 =	vand.u32 $0xFFFFF000, v43;
	v5 =	vor.u32 v44, v5  }
0x120: {  	vm9 =	vlt.u32 v43, $0x10000;
	v4 =	vand.u32 $0x380, v4;
	v5 =	vor.u32 v45, v5  }
0x121: {  	v4 =	vor.u32 v4, v5;
	_ =	sdelay $0x4  }
0x122: {  	[tilespmem:v4+s10+$0x0] =	vst.idx.msk vm9, v3  }
0x123: {  	v4 =	vld [tilespmem:s13+$0xFFFFFFE0];
	_ =	sdelay $0x4  }
0x124: {  	v5 =	vshll.u32 v4, $0x3  }
0x125: {  	v46 =	vsub.s32 v4, v1;
	v47 =	vand.u32 $0x7F, v4;
	v5 =	vand.u32 $0xC00, v5  }
0x126: {  	v4 =	vshrl.u32 v4, $0x2;
	v48 =	vand.u32 $0xFFFFF000, v46;
	v5 =	vor.u32 v47, v5  }
0x127: {  	vm10 =	vlt.u32 v46, $0x10000;
	v4 =	vand.u32 $0x380, v4;
	v5 =	vor.u32 v48, v5  }
0x128: {  	v4 =	vor.u32 v4, v5;
	_ =	sdelay $0x4  }
0x129: {  	[tilespmem:v4+s10+$0x0] =	vst.idx.msk vm10, v3  }
0x12a: {  	v4 =	vld [tilespmem:s13+$0xFFFFFFF0];
	_ =	sdelay $0x4  }
0x12b: {  	v5 =	vshll.u32 v4, $0x3  }
0x12c: {  	v49 =	vsub.s32 v4, v1;
	v50 =	vand.u32 $0x7F, v4;
	v5 =	vand.u32 $0xC00, v5  }
0x12d: {  	v4 =	vshrl.u32 v4, $0x2;
	v51 =	vand.u32 $0xFFFFF000, v49;
	v5 =	vor.u32 v50, v5  }
0x12e: {  	vm11 =	vlt.u32 v49, $0x10000;
	v4 =	vand.u32 $0x380, v4;
	v5 =	vor.u32 v51, v5  }
0x12f: {  	v4 =	vor.u32 v4, v5;
	_ =	sdelay $0x4  }
0x130: {  	[tilespmem:v4+s10+$0x0] =	vst.idx.msk vm11, v3  }
0x131: {  	v4 =	vld [tilespmem:s13+$0x0];
	_ =	sdelay $0x4  }
0x132: {  	v5 =	vshll.u32 v4, $0x3  }
0x133: {  	v52 =	vsub.s32 v4, v1;
	v53 =	vand.u32 $0x7F, v4;
	v5 =	vand.u32 $0xC00, v5  }
0x134: {  	v4 =	vshrl.u32 v4, $0x2;
	v54 =	vand.u32 $0xFFFFF000, v52;
	v5 =	vor.u32 v53, v5  }
0x135: {  	vm12 =	vlt.u32 v52, $0x10000;
	v4 =	vand.u32 $0x380, v4;
	v5 =	vor.u32 v54, v5  }
0x136: {  	v4 =	vor.u32 v4, v5;
	_ =	sdelay $0x4  }
0x137: {  	[tilespmem:v4+s10+$0x0] =	vst.idx.msk vm12, v3  }
0x138: {  	v4 =	vld [tilespmem:s13+$0x10];
	_ =	sdelay $0x4  }
0x139: {  	v5 =	vshll.u32 v4, $0x3  }
0x13a: {  	v55 =	vsub.s32 v4, v1;
	v56 =	vand.u32 $0x7F, v4;
	v5 =	vand.u32 $0xC00, v5  }
0x13b: {  	v4 =	vshrl.u32 v4, $0x2;
	v57 =	vand.u32 $0xFFFFF000, v55;
	v5 =	vor.u32 v56, v5  }
0x13c: {  	vm13 =	vlt.u32 v55, $0x10000;
	v4 =	vand.u32 $0x380, v4;
	v5 =	vor.u32 v57, v5  }
0x13d: {  	v4 =	vor.u32 v4, v5;
	_ =	sdelay $0x4  }
0x13e: {  	[tilespmem:v4+s10+$0x0] =	vst.idx.msk vm13, v3  }
0x13f: {  	v4 =	vld [tilespmem:s13+$0x20];
	_ =	sdelay $0x4  }
0x140: {  	v5 =	vshll.u32 v4, $0x3  }
0x141: {  	v58 =	vsub.s32 v4, v1;
	v59 =	vand.u32 $0x7F, v4;
	v5 =	vand.u32 $0xC00, v5  }
0x142: {  	v4 =	vshrl.u32 v4, $0x2;
	v60 =	vand.u32 $0xFFFFF000, v58;
	v5 =	vor.u32 v59, v5  }
0x143: {  	vm14 =	vlt.u32 v58, $0x10000;
	v4 =	vand.u32 $0x380, v4;
	v5 =	vor.u32 v60, v5  }
0x144: {  	v4 =	vor.u32 v4, v5;
	_ =	sdelay $0x4  }
0x145: {  	[tilespmem:v4+s10+$0x0] =	vst.idx.msk vm14, v3  }
0x146: {  	v4 =	vld [tilespmem:s13+$0x30];
	_ =	sdelay $0x4  }
0x147: {  	v5 =	vshll.u32 v4, $0x3  }
0x148: {  	v61 =	vsub.s32 v4, v1;
	v62 =	vand.u32 $0x7F, v4;
	v5 =	vand.u32 $0xC00, v5  }
0x149: {  	v4 =	vshrl.u32 v4, $0x2;
	v63 =	vand.u32 $0xFFFFF000, v61;
	v5 =	vor.u32 v62, v5  }
0x14a: {  	s12 =	sadd.s32 $0x8, s12;
	vm15 =	vlt.u32 v61, $0x10000;
	v4 =	vand.u32 $0x380, v4;
	v5 =	vor.u32 v63, v5  }
0x14b: {  	p0 =	slt.u32 s12, $0x378;
	v4 =	vor.u32 v4, v5  }
.Ltmp3:
0x14c: {  	_ = 	snop;
	(pc) =	sbr.rel @p0 .LBB2_8-.Ltmp3, $2  }
0x14d: {  	_ =	sdelay $0x2  }
0x14e: {  	s13 =	sadd.s32 $0x80, s13;
	[tilespmem:v4+s10+$0x0] =	vst.idx.msk vm15, v3  }
0x14f: {  	s11 =	sadd.s32 $0x1, s11  }
0x150: {  	p0 =	sne.s32 s11, s7  }
.Ltmp4:
0x151: {  	_ = 	snop;
	(pc) =	sbr.rel @p0 .LBB2_1-.Ltmp4, $4  }
0x152: {  	[hbm4b:s6+s2] =	stream.linear.scatter [tilespmem:s10], [sflag:$0x1], $0x10000, $0x38;
	[tilespmem:$0x13800] =	vst v63  }
0x153: {  	_ =	swait.ge [sflag:s3], $0x10000  }
0x154: {  	[sflag:s3] =	ssyncset.done $0x0  }
0x155: {  	[sflag:s3] =	ssyncadd.s32 $0xFFFF0000  }
0x156: {  	_ =	sfence.sel $0x180000  }
0x157: {  	[bflag:$0x0] =	sbarrier.arrive $0xFFFF  }
0x158: {  	p0 =	sne.s32 s0, $0x0;
	_ =	strace $0x9000004A  }
0x159: {  	s0 =	sadd.s32 @!p0 $0x100000, s1;
	[bflag:$0x2] =	sbarrier.arrive $0xFFFF  }
0x15a: {  	[sflag:s0] =	ssyncadd.tile.s32 @!p0 $0x1;
	_ =	shalt  }
.Lfunc_end2:
_tile_overlayer_lowered:
.L_overlay_start_2:
0x15b: {  	(tag) =	ssettag $0x2  }
0x15c: {  	s0 =	rddreg [dreg:$0x0];
	s2 =	stileid.u32  }
0x15d: {  	s1 =	rddreg [dreg:$0x1];
	p0 =	sne.s32 s2, $0x0  }
0x15e: {  	s3 =	rddreg [dreg:$0x2];
	[bflag:$0x3] =	sbarrier.arrive $0xFFFF;
	s2 =	simm.s32 @!p0 $0x1C01  }
0x15f: {  	[timem:s3], [sflag:s2] =	dma.local @!p0 [hbm:s0], s1  }
0x160: {  	s0 =	simm.s32 @!p0 $0x1  }
0x161: {  	_ =	swait.ge @!p0 [sflag:s0], s1  }
0x162: {  	s1 =	ssub.s32 @!p0 $0x0, s1;
	[sflag:s0] =	ssyncset.done @!p0 $0x0  }
0x163: {  	[sflag:s0] =	ssyncadd.s32 @!p0 s1  }
0x164: {  	[bflag:$0x3] =	sbarrier.arrive $0xFFFF  }
0x165: {  	_ =	shalt  }

// kernel: kernel.17.cloned.1.call-start
scs
__scs_entry_jumppad:
0x0: {  	(pc) =	sbr.rel $0x88, $3  }
0x1: {  	(tag) =	ssettag $0x0;
	lr =	simm.s32 $0x1  }
0x2: {  	[smem:$0x3F9E] =	sst lr;
	_ =	strace $0xD0000000  }
0x3: {  	_ = 	snop  }
0x4: {  	_ = 	snop  }
0x5: {  	_ = 	snop  }
0x6: {  	_ = 	snop  }
0x7: {  	_ = 	snop  }
__scs_overlays_trampoline_lowered:
0x8: {  	[smem:$0x3FAD] =	sst s0  }
0x9: {  	[smem:$0x3FAE] =	sst s1  }
0xa: {  	[smem:$0x3FAF] =	sst s2  }
0xb: {  	[smem:$0x3FB0] =	sst s3  }
0xc: {  	[smem:$0x3FB1] =	sst s4  }
0xd: {  	[smem:$0x3FB2] =	sst s5  }
0xe: {  	[smem:$0x3FB3] =	sst s6  }
0xf: {  	[smem:$0x3FB4] =	sst s7  }
0x10: {  	[smem:$0x3FB5] =	sst s8  }
0x11: {  	[smem:$0x3FB6] =	sst s9;
	s0 =	simm.s32 @!p0 $0x0  }
0x12: {  	s1 =	sld [smem:$0x3F9C];
	s0 =	simm.s32 @p0 $0x1  }
0x13: {  	[smem:$0x3FB7] =	sst s0;
	s0 =	simm.s32 @!p1 $0x0  }
0x14: {  	s2 =	sld [smem:$0x3F9B];
	s0 =	simm.s32 @p1 $0x1  }
0x15: {  	[smem:$0x3FB8] =	sst s0;
	s0 =	simm.s32 @!p2 $0x0  }
0x16: {  	s3 =	sld [smem:$0x3FDB];
	s0 =	simm.s32 @p2 $0x1  }
0x17: {  	s4 =	simm.s32 $0x1BF5;
	[smem:$0x3FBA] =	sst s0  }
0x18: {  	s0 =	sld [smem:$0x3F9D];
	_ =	swait.ge [sflag:s4], $0x0  }
0x19: {  	s7 =	sld [smem:$0x3F9E]  }
0x1a: {  	s8 =	sadd.s32 $0xFFFFE003, lr  }
0x1b: {  	s9 =	sadd.s32 $0xFFFFFEF7, lr;
	s5 =	simm.s32 $0xFFFFFFFF;
	p2 =	slt.u32 s8, $0xFFFFF086  }
0x1c: {  	p1 =	slt.u32 s9, $0xF7A;
	s5 =	simm.s32 @!p2 $0x0  }
0x1d: {  	s5 =	simm.s32 @p1 $0x1;
	p0 =	seq.s32 s7, s2  }
0x1e: {  	s7 =	smul.u32 @!p0 $0xF7A, s2;
	p2 =	seq.s32 @!p0 s5, $0x0  }
0x1f: {  	s9 =	smul.u32 $0xF7A, s1;
	s8 =	simm.s32 @!p0 $0x1BF5;
	p2 =	por !p2, p0  }
0x20: {  	[sflag:s8] =	ssyncset.s32 @!p0 $0xFFFFF086;
	s6 =	sadd.s32 @!p0 s3, s7;
	s7 =	simm.s32 @!p0 $0x108  }
0x21: {  	s3 =	sadd.s32 s3, s9;
	s6 =	sadd.s32 @!p0 $0x88, s6;
	s7 =	simm.s32 @p2 $0x1082  }
0x22: {  	[simem:s7], [sflag:s8] =	dma.local @!p0 [hbm:s6], $0xF7A  }
0x23: {  	s9 =	sor.u32 $0xD0000000, s2;
	s6 =	simm.s32 $0x108;
	_ =	swait.ge @!p0 [sflag:s8], $0x0  }
0x24: {  	s3 =	sadd.s32 $0x88, s3;
	s6 =	simm.s32 @!p1 $0x1082;
	[sflag:s4] =	ssyncset.s32 $0xFFFFF086  }
0x25: {  	[simem:s6], [sflag:s4] =	dma.local [hbm:s3], $0xF7A  }
0x26: {  	[smem:$0x3F9E] =	sst s1;
	(tag) =	ssettag s2;
	_ =	strace s9  }
0x27: {  	s1 =	sld [smem:$0x3FAE]  }
0x28: {  	s2 =	sld [smem:$0x3FAF]  }
0x29: {  	s4 =	sld [smem:$0x3FB1]  }
0x2a: {  	p0 =	seq.s32 s5, $0x0;
	s5 =	sld [smem:$0x3FB2]  }
0x2b: {  	s6 =	sld [smem:$0x3FB3]  }
0x2c: {  	s7 =	sld [smem:$0x3FB4]  }
0x2d: {  	s3 =	simm.s32 $0x108;
	s8 =	sld [smem:$0x3FB5]  }
0x2e: {  	s3 =	simm.s32 @!p0 $0x1082;
	s9 =	sld [smem:$0x3FB6]  }
0x2f: {  	lr =	sadd.s32 s0, s3;
	s0 =	sld [smem:$0x3FAD]  }
0x30: {  	s3 =	sld [smem:$0x3FB0]  }
0x31: {  	[smem:$0x3FB9] =	sst s10  }
0x32: {  	s10 =	sld [smem:$0x3FB7];
	_ =	sdelay $0x3  }
0x33: {  	p0 =	seq.s32 s10, $0x1;
	s10 =	sld [smem:$0x3FB9];
	_ =	sdelay $0x3  }
0x34: {  	[smem:$0x3FB9] =	sst s10  }
0x35: {  	s10 =	sld [smem:$0x3FB8];
	_ =	sdelay $0x3  }
0x36: {  	p1 =	seq.s32 s10, $0x1;
	s10 =	sld [smem:$0x3FB9];
	_ =	sdelay $0x3  }
0x37: {  	[smem:$0x3FB9] =	sst s10  }
0x38: {  	s10 =	sld [smem:$0x3FBA]  }
0x39: {  	_ = 	snop;
	(pc) =	sbr.ind lr, $3  }
0x3a: {  	_ = 	snop  }
0x3b: {  	_ = 	snop  }
0x3c: {  	p2 =	seq.s32 s10, $0x1;
	s10 =	sld [smem:$0x3FB9]  }
0x3d: {  	_ =	shalt  }
0x3e: {  	_ =	shalt  }
0x3f: {  	_ =	shalt  }
0x40: {  	_ =	shalt  }
0x41: {  	_ =	shalt  }
0x42: {  	_ =	shalt  }
0x43: {  	_ =	shalt  }
0x44: {  	_ =	shalt  }
0x45: {  	_ =	shalt  }
0x46: {  	_ =	shalt  }
0x47: {  	_ =	shalt  }
0x48: {  	_ =	shalt  }
0x49: {  	_ =	shalt  }
0x4a: {  	_ =	shalt  }
0x4b: {  	_ =	shalt  }
0x4c: {  	_ =	shalt  }
0x4d: {  	_ =	shalt  }
0x4e: {  	_ =	shalt  }
0x4f: {  	_ =	shalt  }
0x50: {  	_ =	shalt  }
0x51: {  	_ =	shalt  }
0x52: {  	_ =	shalt  }
0x53: {  	_ =	shalt  }
0x54: {  	_ =	shalt  }
0x55: {  	_ =	shalt  }
0x56: {  	_ =	shalt  }
0x57: {  	_ =	shalt  }
0x58: {  	_ =	shalt  }
0x59: {  	_ =	shalt  }
0x5a: {  	_ =	shalt  }
0x5b: {  	_ =	shalt  }
0x5c: {  	_ =	shalt  }
0x5d: {  	_ =	shalt  }
0x5e: {  	_ =	shalt  }
0x5f: {  	_ =	shalt  }
0x60: {  	_ =	shalt  }
0x61: {  	_ =	shalt  }
0x62: {  	_ =	shalt  }
0x63: {  	_ =	shalt  }
0x64: {  	_ =	shalt  }
0x65: {  	_ =	shalt  }
0x66: {  	_ =	shalt  }
0x67: {  	_ =	shalt  }
0x68: {  	_ =	shalt  }
0x69: {  	_ =	shalt  }
0x6a: {  	_ =	shalt  }
0x6b: {  	_ =	shalt  }
0x6c: {  	_ =	shalt  }
0x6d: {  	_ =	shalt  }
0x6e: {  	_ =	shalt  }
0x6f: {  	_ =	shalt  }
0x70: {  	_ =	shalt  }
0x71: {  	_ =	shalt  }
0x72: {  	_ =	shalt  }
0x73: {  	_ =	shalt  }
0x74: {  	_ =	shalt  }
0x75: {  	_ =	shalt  }
0x76: {  	_ =	shalt  }
0x77: {  	_ =	shalt  }
0x78: {  	_ =	shalt  }
0x79: {  	_ =	shalt  }
0x7a: {  	_ =	shalt  }
0x7b: {  	_ =	shalt  }
0x7c: {  	_ =	shalt  }
0x7d: {  	_ =	shalt  }
0x7e: {  	_ =	shalt  }
0x7f: {  	_ =	shalt  }
0x80: {  	_ =	shalt  }
0x81: {  	_ =	shalt  }
0x82: {  	_ =	shalt  }
0x83: {  	_ =	shalt  }
0x84: {  	_ =	shalt  }
0x85: {  	_ =	shalt  }
0x86: {  	_ =	shalt  }
0x87: {  	_ =	shalt  }
.Lfunc_end0:
.L_simem_size_0:
called_computation.2_lowered:
.L_overlay_start_0:
0x88: {  	s2 =	sld [smem:$0x3FD9]  }
0x89: {  	s3 =	sld [smem:$0x3FFE];
	_ =	sdelay $0x1  }
0x8a: {  	s1 =	srdreg.scid  }
0x8b: {  	s0 =	sand.u32 $0x1, s1  }
0x8c: {  	s17 =	sshll.u32 s0, $0xA;
	s2 =	sadd.s32 s3, s2  }
0x8d: {  	s2 =	sadd.s32 s2, s17  }
0x8e: {  	[smem:$0x3FC5] =	sst s2  }
0x8f: {  	_ = 	snop  }
0x90: {  	(tm) =	ssettm $0x1  }
0x91: {  	s18 =	sld [smem:$0x3FFB];
	_ =	sdelay $0x3  }
0x92: {  	_ =	strace s18  }
0x93: {  	s2 =	sld [smem:$0x3FFC];
	_ =	sdelay $0x3  }
0x94: {  	_ =	strace s2  }
0x95: {  	s2 =	sld [smem:$0x3FFD];
	_ =	sdelay $0x3  }
0x96: {  	_ =	strace s2  }
0x97: {  	_ =	strace $0x8FFFFFFF  }
0x98: {  	s19 =	sld [smem:$0x3FDB];
	_ =	sdelay $0x1  }
0x99: {  	s20 =	simm.s32 $_scs_section_size  }
0x9a: {  	s4 =	simm.s32 $_size__tile_overlayer_lowered;
	s5 =	simm.s32 $_tile_overlayer_lowered  }
0x9b: {  	s6 =	simm.s32 $0x1BFF;
	s21 =	sshll.u32 s5, $0x1;
	s3 =	sadd.s32 s20, s19  }
0x9c: {  	s22 =	simm.s32 $0x0;
	s4 =	sshll.u32 s4, $0x1;
	s5 =	sadd.s32 s21, s3  }
0x9d: {  	[timem:s22], [sflag:s6] =	dma.local [hbm:s5], s4  }
0x9e: {  	_ =	swait.ge [sflag:s6], s4  }
0x9f: {  	s4 =	ssub.s32 $0x0, s4;
	[sflag:s6] =	ssyncset.done $0x0  }
0xa0: {  	[sflag:s6] =	ssyncadd.s32 s4;
	_ =	sdelay $0x1  }
0xa1: {  	s23 =	simm.s32 $0x1B8B  }
0xa2: {  	_ =	swait.ge [sflag:s23], $0x1  }
0xa3: {  	[sflag:s23] =	ssyncset.done $0x0  }
0xa4: {  	[sflag:s23] =	ssyncadd.s32 $0xFFFFFFFF  }
0xa5: {  	s4 =	sld [smem:$0x0]  }
0xa6: {  	s5 =	sand.u32 $0xFFFFFFFE, s1  }
0xa7: {  	p0 =	sne.s32 s1, s5  }
0xa8: {  	s5 =	sshll.u32 @p0 s5, $0xE  }
0xa9: {  	s5 =	sadd.s32 @p0 $0x11B8D, s5;
	s6 =	sshll.u32 @p0 s4, $0x11  }
0xaa: {  	s5 =	sor.u32 @p0 s6, s5  }
0xab: {  	[sflag:s5] =	ssyncadd.remote.s32 @p0 $0x1;
	_ =	sdelay $0x1  }
0xac: {  	s5 =	simm.s32 @p0 $0x1B8D  }
0xad: {  	_ =	swait.eq @p0 [sflag:s5], $0x1  }
0xae: {  	[sflag:s5] =	ssyncadd.s32 @p0 $0xFFFFFFFF  }
0xaf: {  	s6 =	sshll.u32 @!p0 s1, $0xE  }
0xb0: {  	s6 =	sor.u32 @!p0 $0x4000, s6;
	s5 =	simm.s32 @!p0 $0x1B8D  }
0xb1: {  	s4 =	sshll.u32 @!p0 s4, $0x11;
	s6 =	sadd.s32 @!p0 $0x11B8D, s6;
	_ =	swait.eq @!p0 [sflag:s5], $0x1  }
0xb2: {  	s4 =	sor.u32 @!p0 s4, s6;
	[sflag:s5] =	ssyncadd.s32 @!p0 $0xFFFFFFFF  }
0xb3: {  	s25 =	simm.s32 $0x1B8E;
	s24 =	sld [smem:$0x3FFE];
	[sflag:s4] =	ssyncadd.remote.s32 @!p0 $0x1  }
0xb4: {  	s26 =	simm.s32 $execute0_lowered;
	[smem:$0x3FD2] =	sst s25  }
0xb5: {  	s5 =	sshll.u32 s26, $0x1;
	_ =	strace $0x8000004C;
	[dreg:$0x1] =	wrdreg $0xFFFFFFFF  }
0xb6: {  	s28 =	simm.s32 $_size_execute0_lowered;
	s3 =	sadd.s32 s3, s5;
	[dreg:$0x0] =	wrdreg $0x0  }
0xb7: {  	s5 =	sshll.u32 s28, $0x1;
	[dreg:$0x2] =	wrdreg s3  }
0xb8: {  	[dreg:$0x3] =	wrdreg s5  }
0xb9: {  	[dreg:$0x4] =	wrdreg $0xC0  }
0xba: {  	_ =	task [dreg:s22], $0x5FFFF  }
0xbb: {  	[dreg:$0x1] =	wrdreg $0xFFFFFFFF  }
0xbc: {  	[dreg:$0x0] =	wrdreg $0x60  }
0xbd: {  	[dreg:$0x2] =	wrdreg s24  }
0xbe: {  	[dreg:$0x3] =	wrdreg $0xB  }
0xbf: {  	_ =	task.clear_ibuf [dreg:s22], $0x4FFFF;
	_ =	strace $0x9000004C  }
0xc0: {  	s29 =	simm.s32 $0xB;
	_ =	strace $0x8000004E  }
0xc1: {  	_ =	swait.ge [sflag:s29], $0x1  }
0xc2: {  	[sflag:s29] =	ssyncadd.s32 $0xFFFFFFFF  }
0xc3: {  	_ =	strace $0x9000004E  }
0xc4: {  	_ =	sfence  }
0xc5: {  	s30 =	sld [smem:$0x0];
	_ =	sdelay $0x2  }
0xc6: {  	s31 =	sshll.u32 s1, $0xD;
	s1 =	sshrl.u32 s1, $0x2  }
0xc7: {  	s4 =	sand.u32 $0x4000, s31;
	s1 =	sadd.s32 s1, s30  }
0xc8: {  	s0 =	sor.u32 s4, s0;
	s1 =	sshll.u32 s1, $0x11  }
0xc9: {  	s0 =	sor.u32 s1, s0  }
0xca: {  	s0 =	sadd.s32 $0x8F2B, s0  }
0xcb: {  	[sflag:s0] =	ssyncadd.remote.s32 $0x1  }
0xcc: {  	_ =	sfence.sel $0xFFFF  }
0xcd: {  	[dreg:$0x0] =	wrdreg $0xFFFFFFFF;
	(pc) =	sbr.abs _section_cstart, $3  }
0xce: {  	[dreg:$0x1] =	wrdreg $0xFFFFFFFF  }
0xcf: {  	_ =	task.clear_ibuf [dreg:s22], $0x2FFFF;
	_ =	strace $0x9FFFFFFF  }
0xd0: {  	(tm) =	ssettm $0x7FFFFFFF  }
0xd1: {  	_ =	shalt  }
tec
execute0_lowered:
.L_overlay_start_1:
0x0: {  	(tag) =	ssettag $0x1  }
0x1: {  	s1 =	srdreg.scid  }
0x2: {  	s0 =	stileid.u32;
	s4 =	sand.u32 $0x1, s1  }
0x3: {  	s1 =	sor.u32 s4, s0  }
0x4: {  	p1 =	seq.s32 s4, $0x1;
	p0 =	seq.s32 s1, $0x0  }
0x5: {  	s6 =	rddreg [dreg:$0x0];
	p0 =	por !p0, !p1  }
0x6: {  	s2 =	simm.s32 $0x0;
	s1 =	simm.s32 $0x1;
	p0 =	por !p0, !p0  }
0x7: {  	[smem:$0x7FF] =	sst s2;
	s8 =	ssub.s32 $0x2, s4;
	s1 =	simm.s32 @!p0 $0x0  }
0x8: {  	s9 =	sshll.u32 s4, $0x11;
	s28 =	sshrl.u32 s8, $0x1;
	s5 =	ssub.s32 s0, s1  }
0x9: {  	s11 =	sor.u32 $0x10000, s9;
	s8 =	ssub.s32 s8, s28;
	s1 =	sadd.s32 $0x20, s5  }
0xa: {  	s7 =	sshll.u32 s5, $0x7;
	s26 =	sshll.u32 s5, $0x12;
	s1 =	sshrl.u32 s1, $0x3  }
0xb: {  	s7 =	sand.u32 $0x380, s7;
	s10 =	sor.u32 s9, s26;
	s3 =	smul.u32 $0x1C000, s1  }
0xc: {  	v0 =	vmov s9;
	v1 =	vmov s11;
	s30 =	sor.u32 s11, s26;
	s9 =	simm.s32 $0x400;
	s11 =	simm.s32 $0x0  }
0xd: {  	s1 =	rddreg [dreg:$0x1];
	_ =	strace $0x8000004D;
	s3 =	sor.u32 s7, s3  }
0xe: {  	s29 =	sshrl.u32 s10, $0x3;
	s31 =	sshrl.u32 s30, $0x3;
	s7 =	sshrl.u32 s3, $0x3  }
0xf: {  	s10 =	simm.s32 $0x3800;
	s7 =	sadd.s32 s7, s6;
	s6 =	sadd.s32 $0x9E400, s6  }
0x10: {  	s3 =	simm.s32 $0x1;
	s4 =	sadd.s32 $0x2400, s7;
	s5 =	sadd.s32 s6, s29  }
0x11: {  	v2 =	vimm.f32 $0.0e+00;
	v3 =	vimm.f32 $2.550000000e+02;
	s6 =	sadd.s32 s6, s31;
	s7 =	smax.u32 s8, $0x1;
	s8 =	simm.s32 $0x80  }
.LBB2_1:
0x12: {  	[tilespmem:s2], [sflag:$0x1] =	stream.strided.gather [hbm4b:s4+s8], $0x3800, s9, s8, $0x38;
	[tilespmem:$0x13800] =	vst v63  }
0x13: {  	_ =	swait.ge [sflag:s3], $0x3800  }
0x14: {  	s12 =	sand.u32 $0xF000, s2;
	s13 =	sand.u32 $0x380, s2;
	[sflag:s3] =	ssyncset.done $0x0  }
0x15: {  	s12 =	sor.u32 s13, s12;
	[sflag:s3] =	ssyncadd.s32 $0xFFFFC800  }
0x16: {  	[tilespmem:s12+$0x4470] =	vst v2  }
0x17: {  	[tilespmem:s12+$0x3800] =	vst v2  }
0x18: {  	[tilespmem:s12+$0x3810] =	vst v2  }
0x19: {  	[tilespmem:s12+$0x3820] =	vst v2  }
0x1a: {  	[tilespmem:s12+$0x3830] =	vst v2  }
0x1b: {  	[tilespmem:s12+$0x3840] =	vst v2  }
0x1c: {  	[tilespmem:s12+$0x3850] =	vst v2  }
0x1d: {  	[tilespmem:s12+$0x3860] =	vst v2  }
0x1e: {  	[tilespmem:s12+$0x3870] =	vst v2  }
0x1f: {  	[tilespmem:s12+$0x3C00] =	vst v2  }
0x20: {  	[tilespmem:s12+$0x3C10] =	vst v2  }
0x21: {  	[tilespmem:s12+$0x3C20] =	vst v2  }
0x22: {  	[tilespmem:s12+$0x3C30] =	vst v2  }
0x23: {  	[tilespmem:s12+$0x3C40] =	vst v2  }
0x24: {  	[tilespmem:s12+$0x3C50] =	vst v2  }
0x25: {  	[tilespmem:s12+$0x3C60] =	vst v2  }
0x26: {  	[tilespmem:s12+$0x3C70] =	vst v2  }
0x27: {  	[tilespmem:s12+$0x4000] =	vst v2  }
0x28: {  	[tilespmem:s12+$0x4010] =	vst v2  }
0x29: {  	[tilespmem:s12+$0x4020] =	vst v2  }
0x2a: {  	[tilespmem:s12+$0x4030] =	vst v2  }
0x2b: {  	[tilespmem:s12+$0x4040] =	vst v2  }
0x2c: {  	[tilespmem:s12+$0x4050] =	vst v2  }
0x2d: {  	[tilespmem:s12+$0x4060] =	vst v2  }
0x2e: {  	[tilespmem:s12+$0x4070] =	vst v2  }
0x2f: {  	[tilespmem:s12+$0x4400] =	vst v2  }
0x30: {  	[tilespmem:s12+$0x4410] =	vst v2  }
0x31: {  	[tilespmem:s12+$0x4420] =	vst v2  }
0x32: {  	[tilespmem:s12+$0x4430] =	vst v2  }
0x33: {  	s14 =	simm.s32 $0x200;
	s13 =	simm.s32 $0x80;
	[tilespmem:s12+$0x4440] =	vst v2  }
0x34: {  	s15 =	sand.u32 $0xF000, s14;
	s14 =	simm.s32 $0x400;
	s16 =	sand.u32 $0x380, s13;
	[tilespmem:s12+$0x4450] =	vst v2  }
.LBB2_2:
0x35: {  	p0 =	sne.s32 s14, $0xFE00;
	[tilespmem:s12+$0x4460] =	vst v2;
	s12 =	sor.u32 s16, s15  }
0x36: {  	[tilespmem:s12+$0x4470] =	vst v2  }
0x37: {  	[tilespmem:s12+$0x3800] =	vst v2  }
0x38: {  	[tilespmem:s12+$0x3810] =	vst v2  }
0x39: {  	[tilespmem:s12+$0x3820] =	vst v2  }
0x3a: {  	[tilespmem:s12+$0x3830] =	vst v2  }
0x3b: {  	[tilespmem:s12+$0x3840] =	vst v2  }
0x3c: {  	[tilespmem:s12+$0x3850] =	vst v2  }
0x3d: {  	[tilespmem:s12+$0x3860] =	vst v2  }
0x3e: {  	[tilespmem:s12+$0x3870] =	vst v2  }
0x3f: {  	[tilespmem:s12+$0x3C00] =	vst v2  }
0x40: {  	[tilespmem:s12+$0x3C10] =	vst v2  }
0x41: {  	[tilespmem:s12+$0x3C20] =	vst v2  }
0x42: {  	[tilespmem:s12+$0x3C30] =	vst v2  }
0x43: {  	[tilespmem:s12+$0x3C40] =	vst v2  }
0x44: {  	[tilespmem:s12+$0x3C50] =	vst v2  }
0x45: {  	[tilespmem:s12+$0x3C60] =	vst v2  }
0x46: {  	[tilespmem:s12+$0x3C70] =	vst v2  }
0x47: {  	[tilespmem:s12+$0x4000] =	vst v2  }
0x48: {  	[tilespmem:s12+$0x4010] =	vst v2  }
0x49: {  	[tilespmem:s12+$0x4020] =	vst v2  }
0x4a: {  	[tilespmem:s12+$0x4030] =	vst v2  }
0x4b: {  	[tilespmem:s12+$0x4040] =	vst v2  }
0x4c: {  	[tilespmem:s12+$0x4050] =	vst v2  }
0x4d: {  	[tilespmem:s12+$0x4060] =	vst v2  }
0x4e: {  	[tilespmem:s12+$0x4070] =	vst v2  }
0x4f: {  	[tilespmem:s12+$0x4400] =	vst v2  }
.Ltmp0:
0x50: {  	[tilespmem:s12+$0x4410] =	vst v2;
	(pc) =	sbr.rel @p0 .LBB2_2-.Ltmp0, $4  }
0x51: {  	[tilespmem:s12+$0x4420] =	vst v2  }
0x52: {  	[tilespmem:s12+$0x4430] =	vst v2  }
0x53: {  	s13 =	sadd.s32 $0x80, s13;
	[tilespmem:s12+$0x4440] =	vst v2  }
0x54: {  	s15 =	sand.u32 $0xF000, s14;
	s14 =	sadd.s32 $0x200, s14;
	s16 =	sand.u32 $0x380, s13;
	[tilespmem:s12+$0x4450] =	vst v2  }
0x55: {  	s13 =	sor.u32 s16, s15;
	[tilespmem:s12+$0x4460] =	vst v2  }
0x56: {  	[tilespmem:s13+$0x4470] =	vst v2  }
0x57: {  	[tilespmem:s13+$0x3800] =	vst v2  }
0x58: {  	[tilespmem:s13+$0x3810] =	vst v2  }
0x59: {  	[tilespmem:s13+$0x3820] =	vst v2  }
0x5a: {  	[tilespmem:s13+$0x3830] =	vst v2  }
0x5b: {  	[tilespmem:s13+$0x3840] =	vst v2  }
0x5c: {  	[tilespmem:s13+$0x3850] =	vst v2  }
0x5d: {  	[tilespmem:s13+$0x3860] =	vst v2  }
0x5e: {  	[tilespmem:s13+$0x3870] =	vst v2  }
0x5f: {  	[tilespmem:s13+$0x3C00] =	vst v2  }
0x60: {  	[tilespmem:s13+$0x3C10] =	vst v2  }
0x61: {  	[tilespmem:s13+$0x3C20] =	vst v2  }
0x62: {  	[tilespmem:s13+$0x3C30] =	vst v2  }
0x63: {  	[tilespmem:s13+$0x3C40] =	vst v2  }
0x64: {  	[tilespmem:s13+$0x3C50] =	vst v2  }
0x65: {  	[tilespmem:s13+$0x3C60] =	vst v2  }
0x66: {  	[tilespmem:s13+$0x3C70] =	vst v2  }
0x67: {  	[tilespmem:s13+$0x4000] =	vst v2  }
0x68: {  	[tilespmem:s13+$0x4010] =	vst v2  }
0x69: {  	[tilespmem:s13+$0x4020] =	vst v2  }
0x6a: {  	[tilespmem:s13+$0x4030] =	vst v2  }
0x6b: {  	[tilespmem:s13+$0x4040] =	vst v2  }
0x6c: {  	[tilespmem:s13+$0x4050] =	vst v2  }
0x6d: {  	[tilespmem:s13+$0x4060] =	vst v2  }
0x6e: {  	[tilespmem:s13+$0x4070] =	vst v2  }
0x6f: {  	[tilespmem:s13+$0x4400] =	vst v2  }
0x70: {  	[tilespmem:s13+$0x4410] =	vst v2  }
0x71: {  	[tilespmem:s13+$0x4420] =	vst v2  }
0x72: {  	[tilespmem:s13+$0x4430] =	vst v2  }
0x73: {  	[tilespmem:s13+$0x4440] =	vst v2  }
0x74: {  	[tilespmem:s13+$0x4450] =	vst v2  }
0x75: {  	s12 =	simm.s32 $0xFFFFFFF8;
	[tilespmem:s13+$0x4460] =	vst v2;
	s13 =	simm.s32 $0x40  }
.LBB2_4:
0x76: {  	v4 =	vld [tilespmem:s13+$0xFFFFFFC0];
	_ =	sdelay $0x4  }
0x77: {  	v5 =	vshll.u32 v4, $0x3  }
0x78: {  	v6 =	vsub.s32 v4, v0;
	v7 =	vand.u32 $0x7F, v4;
	v5 =	vand.u32 $0xC00, v5  }
0x79: {  	v4 =	vshrl.u32 v4, $0x2;
	v42 =	vand.u32 $0xFFFFF000, v6;
	v5 =	vor.u32 v7, v5  }
0x7a: {  	vm0 =	vlt.u32 v6, $0x10000;
	v4 =	vand.u32 $0x380, v4;
	v5 =	vor.u32 v42, v5  }
0x7b: {  	v4 =	vor.u32 v4, v5;
	_ =	sdelay $0x4  }
0x7c: {  	[tilespmem:v4+s10+$0x0] =	vst.idx.msk vm0, v3  }
0x7d: {  	v4 =	vld [tilespmem:s13+$0xFFFFFFD0];
	_ =	sdelay $0x4  }
0x7e: {  	v5 =	vshll.u32 v4, $0x3  }
0x7f: {  	v43 =	vsub.s32 v4, v0;
	v44 =	vand.u32 $0x7F, v4;
	v5 =	vand.u32 $0xC00, v5  }
0x80: {  	v4 =	vshrl.u32 v4, $0x2;
	v45 =	vand.u32 $0xFFFFF000, v43;
	v5 =	vor.u32 v44, v5  }
0x81: {  	vm9 =	vlt.u32 v43, $0x10000;
	v4 =	vand.u32 $0x380, v4;
	v5 =	vor.u32 v45, v5  }
0x82: {  	v4 =	vor.u32 v4, v5;
	_ =	sdelay $0x4  }
0x83: {  	[tilespmem:v4+s10+$0x0] =	vst.idx.msk vm9, v3  }
0x84: {  	v4 =	vld [tilespmem:s13+$0xFFFFFFE0];
	_ =	sdelay $0x4  }
0x85: {  	v5 =	vshll.u32 v4, $0x3  }
0x86: {  	v46 =	vsub.s32 v4, v0;
	v47 =	vand.u32 $0x7F, v4;
	v5 =	vand.u32 $0xC00, v5  }
0x87: {  	v4 =	vshrl.u32 v4, $0x2;
	v48 =	vand.u32 $0xFFFFF000, v46;
	v5 =	vor.u32 v47, v5  }
0x88: {  	vm10 =	vlt.u32 v46, $0x10000;
	v4 =	vand.u32 $0x380, v4;
	v5 =	vor.u32 v48, v5  }
0x89: {  	v4 =	vor.u32 v4, v5;
	_ =	sdelay $0x4  }
0x8a: {  	[tilespmem:v4+s10+$0x0] =	vst.idx.msk vm10, v3  }
0x8b: {  	v4 =	vld [tilespmem:s13+$0xFFFFFFF0];
	_ =	sdelay $0x4  }
0x8c: {  	v5 =	vshll.u32 v4, $0x3  }
0x8d: {  	v49 =	vsub.s32 v4, v0;
	v50 =	vand.u32 $0x7F, v4;
	v5 =	vand.u32 $0xC00, v5  }
0x8e: {  	v4 =	vshrl.u32 v4, $0x2;
	v51 =	vand.u32 $0xFFFFF000, v49;
	v5 =	vor.u32 v50, v5  }
0x8f: {  	vm11 =	vlt.u32 v49, $0x10000;
	v4 =	vand.u32 $0x380, v4;
	v5 =	vor.u32 v51, v5  }
0x90: {  	v4 =	vor.u32 v4, v5;
	_ =	sdelay $0x4  }
0x91: {  	[tilespmem:v4+s10+$0x0] =	vst.idx.msk vm11, v3  }
0x92: {  	v4 =	vld [tilespmem:s13+$0x0];
	_ =	sdelay $0x4  }
0x93: {  	v5 =	vshll.u32 v4, $0x3  }
0x94: {  	v52 =	vsub.s32 v4, v0;
	v53 =	vand.u32 $0x7F, v4;
	v5 =	vand.u32 $0xC00, v5  }
0x95: {  	v4 =	vshrl.u32 v4, $0x2;
	v54 =	vand.u32 $0xFFFFF000, v52;
	v5 =	vor.u32 v53, v5  }
0x96: {  	vm12 =	vlt.u32 v52, $0x10000;
	v4 =	vand.u32 $0x380, v4;
	v5 =	vor.u32 v54, v5  }
0x97: {  	v4 =	vor.u32 v4, v5;
	_ =	sdelay $0x4  }
0x98: {  	[tilespmem:v4+s10+$0x0] =	vst.idx.msk vm12, v3  }
0x99: {  	v4 =	vld [tilespmem:s13+$0x10];
	_ =	sdelay $0x4  }
0x9a: {  	v5 =	vshll.u32 v4, $0x3  }
0x9b: {  	v55 =	vsub.s32 v4, v0;
	v56 =	vand.u32 $0x7F, v4;
	v5 =	vand.u32 $0xC00, v5  }
0x9c: {  	v4 =	vshrl.u32 v4, $0x2;
	v57 =	vand.u32 $0xFFFFF000, v55;
	v5 =	vor.u32 v56, v5  }
0x9d: {  	vm13 =	vlt.u32 v55, $0x10000;
	v4 =	vand.u32 $0x380, v4;
	v5 =	vor.u32 v57, v5  }
0x9e: {  	v4 =	vor.u32 v4, v5;
	_ =	sdelay $0x4  }
0x9f: {  	[tilespmem:v4+s10+$0x0] =	vst.idx.msk vm13, v3  }
0xa0: {  	v4 =	vld [tilespmem:s13+$0x20];
	_ =	sdelay $0x4  }
0xa1: {  	v5 =	vshll.u32 v4, $0x3  }
0xa2: {  	v58 =	vsub.s32 v4, v0;
	v59 =	vand.u32 $0x7F, v4;
	v5 =	vand.u32 $0xC00, v5  }
0xa3: {  	v4 =	vshrl.u32 v4, $0x2;
	v60 =	vand.u32 $0xFFFFF000, v58;
	v5 =	vor.u32 v59, v5  }
0xa4: {  	vm14 =	vlt.u32 v58, $0x10000;
	v4 =	vand.u32 $0x380, v4;
	v5 =	vor.u32 v60, v5  }
0xa5: {  	v4 =	vor.u32 v4, v5;
	_ =	sdelay $0x4  }
0xa6: {  	[tilespmem:v4+s10+$0x0] =	vst.idx.msk vm14, v3  }
0xa7: {  	v4 =	vld [tilespmem:s13+$0x30];
	_ =	sdelay $0x4  }
0xa8: {  	v5 =	vshll.u32 v4, $0x3  }
0xa9: {  	v61 =	vsub.s32 v4, v0;
	v62 =	vand.u32 $0x7F, v4;
	v5 =	vand.u32 $0xC00, v5  }
0xaa: {  	v4 =	vshrl.u32 v4, $0x2;
	v63 =	vand.u32 $0xFFFFF000, v61;
	v5 =	vor.u32 v62, v5  }
0xab: {  	s12 =	sadd.s32 $0x8, s12;
	vm15 =	vlt.u32 v61, $0x10000;
	v4 =	vand.u32 $0x380, v4;
	v5 =	vor.u32 v63, v5  }
0xac: {  	p0 =	slt.u32 s12, $0x378;
	v4 =	vor.u32 v4, v5  }
.Ltmp1:
0xad: {  	_ = 	snop;
	(pc) =	sbr.rel @p0 .LBB2_4-.Ltmp1, $2  }
0xae: {  	_ =	sdelay $0x2  }
0xaf: {  	s13 =	sadd.s32 $0x80, s13;
	[tilespmem:v4+s10+$0x0] =	vst.idx.msk vm15, v3  }
0xb0: {  	s12 =	simm.s32 $0x0  }
0xb1: {  	[hbm4b:s5+s12] =	stream.linear.scatter [tilespmem:s10], [sflag:$0x1], $0x10000, $0x38;
	[tilespmem:$0x13800] =	vst v63  }
0xb2: {  	_ =	swait.ge [sflag:s3], $0x10000  }
0xb3: {  	s13 =	sand.u32 $0xF000, s12;
	s12 =	sand.u32 $0x380, s12;
	[sflag:s3] =	ssyncset.done $0x0  }
0xb4: {  	s12 =	sor.u32 s12, s13;
	[sflag:s3] =	ssyncadd.s32 $0xFFFF0000  }
0xb5: {  	[tilespmem:s12+$0x4470] =	vst v2  }
0xb6: {  	[tilespmem:s12+$0x3800] =	vst v2  }
0xb7: {  	[tilespmem:s12+$0x3810] =	vst v2  }
0xb8: {  	[tilespmem:s12+$0x3820] =	vst v2  }
0xb9: {  	[tilespmem:s12+$0x3830] =	vst v2  }
0xba: {  	[tilespmem:s12+$0x3840] =	vst v2  }
0xbb: {  	[tilespmem:s12+$0x3850] =	vst v2  }
0xbc: {  	[tilespmem:s12+$0x3860] =	vst v2  }
0xbd: {  	[tilespmem:s12+$0x3870] =	vst v2  }
0xbe: {  	[tilespmem:s12+$0x3C00] =	vst v2  }
0xbf: {  	[tilespmem:s12+$0x3C10] =	vst v2  }
0xc0: {  	[tilespmem:s12+$0x3C20] =	vst v2  }
0xc1: {  	[tilespmem:s12+$0x3C30] =	vst v2  }
0xc2: {  	[tilespmem:s12+$0x3C40] =	vst v2  }
0xc3: {  	[tilespmem:s12+$0x3C50] =	vst v2  }
0xc4: {  	[tilespmem:s12+$0x3C60] =	vst v2  }
0xc5: {  	[tilespmem:s12+$0x3C70] =	vst v2  }
0xc6: {  	[tilespmem:s12+$0x4000] =	vst v2  }
0xc7: {  	[tilespmem:s12+$0x4010] =	vst v2  }
0xc8: {  	[tilespmem:s12+$0x4020] =	vst v2  }
0xc9: {  	[tilespmem:s12+$0x4030] =	vst v2  }
0xca: {  	[tilespmem:s12+$0x4040] =	vst v2  }
0xcb: {  	[tilespmem:s12+$0x4050] =	vst v2  }
0xcc: {  	[tilespmem:s12+$0x4060] =	vst v2  }
0xcd: {  	[tilespmem:s12+$0x4070] =	vst v2  }
0xce: {  	[tilespmem:s12+$0x4400] =	vst v2  }
0xcf: {  	[tilespmem:s12+$0x4410] =	vst v2  }
0xd0: {  	[tilespmem:s12+$0x4420] =	vst v2  }
0xd1: {  	[tilespmem:s12+$0x4430] =	vst v2  }
0xd2: {  	s14 =	simm.s32 $0x200;
	s13 =	simm.s32 $0x80;
	[tilespmem:s12+$0x4440] =	vst v2  }
0xd3: {  	s15 =	sand.u32 $0xF000, s14;
	s14 =	simm.s32 $0x400;
	s16 =	sand.u32 $0x380, s13;
	[tilespmem:s12+$0x4450] =	vst v2  }
.LBB2_6:
0xd4: {  	p0 =	sne.s32 s14, $0xFE00;
	[tilespmem:s12+$0x4460] =	vst v2;
	s12 =	sor.u32 s16, s15  }
0xd5: {  	[tilespmem:s12+$0x4470] =	vst v2  }
0xd6: {  	[tilespmem:s12+$0x3800] =	vst v2  }
0xd7: {  	[tilespmem:s12+$0x3810] =	vst v2  }
0xd8: {  	[tilespmem:s12+$0x3820] =	vst v2  }
0xd9: {  	[tilespmem:s12+$0x3830] =	vst v2  }
0xda: {  	[tilespmem:s12+$0x3840] =	vst v2  }
0xdb: {  	[tilespmem:s12+$0x3850] =	vst v2  }
0xdc: {  	[tilespmem:s12+$0x3860] =	vst v2  }
0xdd: {  	[tilespmem:s12+$0x3870] =	vst v2  }
0xde: {  	[tilespmem:s12+$0x3C00] =	vst v2  }
0xdf: {  	[tilespmem:s12+$0x3C10] =	vst v2  }
0xe0: {  	[tilespmem:s12+$0x3C20] =	vst v2  }
0xe1: {  	[tilespmem:s12+$0x3C30] =	vst v2  }
0xe2: {  	[tilespmem:s12+$0x3C40] =	vst v2  }
0xe3: {  	[tilespmem:s12+$0x3C50] =	vst v2  }
0xe4: {  	[tilespmem:s12+$0x3C60] =	vst v2  }
0xe5: {  	[tilespmem:s12+$0x3C70] =	vst v2  }
0xe6: {  	[tilespmem:s12+$0x4000] =	vst v2  }
0xe7: {  	[tilespmem:s12+$0x4010] =	vst v2  }
0xe8: {  	[tilespmem:s12+$0x4020] =	vst v2  }
0xe9: {  	[tilespmem:s12+$0x4030] =	vst v2  }
0xea: {  	[tilespmem:s12+$0x4040] =	vst v2  }
0xeb: {  	[tilespmem:s12+$0x4050] =	vst v2  }
0xec: {  	[tilespmem:s12+$0x4060] =	vst v2  }
0xed: {  	[tilespmem:s12+$0x4070] =	vst v2  }
0xee: {  	[tilespmem:s12+$0x4400] =	vst v2  }
.Ltmp2:
0xef: {  	[tilespmem:s12+$0x4410] =	vst v2;
	(pc) =	sbr.rel @p0 .LBB2_6-.Ltmp2, $4  }
0xf0: {  	[tilespmem:s12+$0x4420] =	vst v2  }
0xf1: {  	[tilespmem:s12+$0x4430] =	vst v2  }
0xf2: {  	s13 =	sadd.s32 $0x80, s13;
	[tilespmem:s12+$0x4440] =	vst v2  }
0xf3: {  	s15 =	sand.u32 $0xF000, s14;
	s14 =	sadd.s32 $0x200, s14;
	s16 =	sand.u32 $0x380, s13;
	[tilespmem:s12+$0x4450] =	vst v2  }
0xf4: {  	s13 =	sor.u32 s16, s15;
	[tilespmem:s12+$0x4460] =	vst v2  }
0xf5: {  	[tilespmem:s13+$0x4470] =	vst v2  }
0xf6: {  	[tilespmem:s13+$0x3800] =	vst v2  }
0xf7: {  	[tilespmem:s13+$0x3810] =	vst v2  }
0xf8: {  	[tilespmem:s13+$0x3820] =	vst v2  }
0xf9: {  	[tilespmem:s13+$0x3830] =	vst v2  }
0xfa: {  	[tilespmem:s13+$0x3840] =	vst v2  }
0xfb: {  	[tilespmem:s13+$0x3850] =	vst v2  }
0xfc: {  	[tilespmem:s13+$0x3860] =	vst v2  }
0xfd: {  	[tilespmem:s13+$0x3870] =	vst v2  }
0xfe: {  	[tilespmem:s13+$0x3C00] =	vst v2  }
0xff: {  	[tilespmem:s13+$0x3C10] =	vst v2  }
0x100: {  	[tilespmem:s13+$0x3C20] =	vst v2  }
0x101: {  	[tilespmem:s13+$0x3C30] =	vst v2  }
0x102: {  	[tilespmem:s13+$0x3C40] =	vst v2  }
0x103: {  	[tilespmem:s13+$0x3C50] =	vst v2  }
0x104: {  	[tilespmem:s13+$0x3C60] =	vst v2  }
0x105: {  	[tilespmem:s13+$0x3C70] =	vst v2  }
0x106: {  	[tilespmem:s13+$0x4000] =	vst v2  }
0x107: {  	[tilespmem:s13+$0x4010] =	vst v2  }
0x108: {  	[tilespmem:s13+$0x4020] =	vst v2  }
0x109: {  	[tilespmem:s13+$0x4030] =	vst v2  }
0x10a: {  	[tilespmem:s13+$0x4040] =	vst v2  }
0x10b: {  	[tilespmem:s13+$0x4050] =	vst v2  }
0x10c: {  	[tilespmem:s13+$0x4060] =	vst v2  }
0x10d: {  	[tilespmem:s13+$0x4070] =	vst v2  }
0x10e: {  	[tilespmem:s13+$0x4400] =	vst v2  }
0x10f: {  	[tilespmem:s13+$0x4410] =	vst v2  }
0x110: {  	[tilespmem:s13+$0x4420] =	vst v2  }
0x111: {  	[tilespmem:s13+$0x4430] =	vst v2  }
0x112: {  	[tilespmem:s13+$0x4440] =	vst v2  }
0x113: {  	[tilespmem:s13+$0x4450] =	vst v2  }
0x114: {  	s12 =	simm.s32 $0xFFFFFFF8;
	[tilespmem:s13+$0x4460] =	vst v2;
	s13 =	simm.s32 $0x40  }
.LBB2_8:
0x115: {  	v4 =	vld [tilespmem:s13+$0xFFFFFFC0];
	_ =	sdelay $0x4  }
0x116: {  	v5 =	vshll.u32 v4, $0x3  }
0x117: {  	v6 =	vsub.s32 v4, v1;
	v7 =	vand.u32 $0x7F, v4;
	v5 =	vand.u32 $0xC00, v5  }
0x118: {  	v4 =	vshrl.u32 v4, $0x2;
	v42 =	vand.u32 $0xFFFFF000, v6;
	v5 =	vor.u32 v7, v5  }
0x119: {  	vm0 =	vlt.u32 v6, $0x10000;
	v4 =	vand.u32 $0x380, v4;
	v5 =	vor.u32 v42, v5  }
0x11a: {  	v4 =	vor.u32 v4, v5;
	_ =	sdelay $0x4  }
0x11b: {  	[tilespmem:v4+s10+$0x0] =	vst.idx.msk vm0, v3  }
0x11c: {  	v4 =	vld [tilespmem:s13+$0xFFFFFFD0];
	_ =	sdelay $0x4  }
0x11d: {  	v5 =	vshll.u32 v4, $0x3  }
0x11e: {  	v43 =	vsub.s32 v4, v1;
	v44 =	vand.u32 $0x7F, v4;
	v5 =	vand.u32 $0xC00, v5  }
0x11f: {  	v4 =	vshrl.u32 v4, $0x2;
	v45 =	vand.u32 $0xFFFFF000, v43;
	v5 =	vor.u32 v44, v5  }
0x120: {  	vm9 =	vlt.u32 v43, $0x10000;
	v4 =	vand.u32 $0x380, v4;
	v5 =	vor.u32 v45, v5  }
0x121: {  	v4 =	vor.u32 v4, v5;
	_ =	sdelay $0x4  }
0x122: {  	[tilespmem:v4+s10+$0x0] =	vst.idx.msk vm9, v3  }
0x123: {  	v4 =	vld [tilespmem:s13+$0xFFFFFFE0];
	_ =	sdelay $0x4  }
0x124: {  	v5 =	vshll.u32 v4, $0x3  }
0x125: {  	v46 =	vsub.s32 v4, v1;
	v47 =	vand.u32 $0x7F, v4;
	v5 =	vand.u32 $0xC00, v5  }
0x126: {  	v4 =	vshrl.u32 v4, $0x2;
	v48 =	vand.u32 $0xFFFFF000, v46;
	v5 =	vor.u32 v47, v5  }
0x127: {  	vm10 =	vlt.u32 v46, $0x10000;
	v4 =	vand.u32 $0x380, v4;
	v5 =	vor.u32 v48, v5  }
0x128: {  	v4 =	vor.u32 v4, v5;
	_ =	sdelay $0x4  }
0x129: {  	[tilespmem:v4+s10+$0x0] =	vst.idx.msk vm10, v3  }
0x12a: {  	v4 =	vld [tilespmem:s13+$0xFFFFFFF0];
	_ =	sdelay $0x4  }
0x12b: {  	v5 =	vshll.u32 v4, $0x3  }
0x12c: {  	v49 =	vsub.s32 v4, v1;
	v50 =	vand.u32 $0x7F, v4;
	v5 =	vand.u32 $0xC00, v5  }
0x12d: {  	v4 =	vshrl.u32 v4, $0x2;
	v51 =	vand.u32 $0xFFFFF000, v49;
	v5 =	vor.u32 v50, v5  }
0x12e: {  	vm11 =	vlt.u32 v49, $0x10000;
	v4 =	vand.u32 $0x380, v4;
	v5 =	vor.u32 v51, v5  }
0x12f: {  	v4 =	vor.u32 v4, v5;
	_ =	sdelay $0x4  }
0x130: {  	[tilespmem:v4+s10+$0x0] =	vst.idx.msk vm11, v3  }
0x131: {  	v4 =	vld [tilespmem:s13+$0x0];
	_ =	sdelay $0x4  }
0x132: {  	v5 =	vshll.u32 v4, $0x3  }
0x133: {  	v52 =	vsub.s32 v4, v1;
	v53 =	vand.u32 $0x7F, v4;
	v5 =	vand.u32 $0xC00, v5  }
0x134: {  	v4 =	vshrl.u32 v4, $0x2;
	v54 =	vand.u32 $0xFFFFF000, v52;
	v5 =	vor.u32 v53, v5  }
0x135: {  	vm12 =	vlt.u32 v52, $0x10000;
	v4 =	vand.u32 $0x380, v4;
	v5 =	vor.u32 v54, v5  }
0x136: {  	v4 =	vor.u32 v4, v5;
	_ =	sdelay $0x4  }
0x137: {  	[tilespmem:v4+s10+$0x0] =	vst.idx.msk vm12, v3  }
0x138: {  	v4 =	vld [tilespmem:s13+$0x10];
	_ =	sdelay $0x4  }
0x139: {  	v5 =	vshll.u32 v4, $0x3  }
0x13a: {  	v55 =	vsub.s32 v4, v1;
	v56 =	vand.u32 $0x7F, v4;
	v5 =	vand.u32 $0xC00, v5  }
0x13b: {  	v4 =	vshrl.u32 v4, $0x2;
	v57 =	vand.u32 $0xFFFFF000, v55;
	v5 =	vor.u32 v56, v5  }
0x13c: {  	vm13 =	vlt.u32 v55, $0x10000;
	v4 =	vand.u32 $0x380, v4;
	v5 =	vor.u32 v57, v5  }
0x13d: {  	v4 =	vor.u32 v4, v5;
	_ =	sdelay $0x4  }
0x13e: {  	[tilespmem:v4+s10+$0x0] =	vst.idx.msk vm13, v3  }
0x13f: {  	v4 =	vld [tilespmem:s13+$0x20];
	_ =	sdelay $0x4  }
0x140: {  	v5 =	vshll.u32 v4, $0x3  }
0x141: {  	v58 =	vsub.s32 v4, v1;
	v59 =	vand.u32 $0x7F, v4;
	v5 =	vand.u32 $0xC00, v5  }
0x142: {  	v4 =	vshrl.u32 v4, $0x2;
	v60 =	vand.u32 $0xFFFFF000, v58;
	v5 =	vor.u32 v59, v5  }
0x143: {  	vm14 =	vlt.u32 v58, $0x10000;
	v4 =	vand.u32 $0x380, v4;
	v5 =	vor.u32 v60, v5  }
0x144: {  	v4 =	vor.u32 v4, v5;
	_ =	sdelay $0x4  }
0x145: {  	[tilespmem:v4+s10+$0x0] =	vst.idx.msk vm14, v3  }
0x146: {  	v4 =	vld [tilespmem:s13+$0x30];
	_ =	sdelay $0x4  }
0x147: {  	v5 =	vshll.u32 v4, $0x3  }
0x148: {  	v61 =	vsub.s32 v4, v1;
	v62 =	vand.u32 $0x7F, v4;
	v5 =	vand.u32 $0xC00, v5  }
0x149: {  	v4 =	vshrl.u32 v4, $0x2;
	v63 =	vand.u32 $0xFFFFF000, v61;
	v5 =	vor.u32 v62, v5  }
0x14a: {  	s12 =	sadd.s32 $0x8, s12;
	vm15 =	vlt.u32 v61, $0x10000;
	v4 =	vand.u32 $0x380, v4;
	v5 =	vor.u32 v63, v5  }
0x14b: {  	p0 =	slt.u32 s12, $0x378;
	v4 =	vor.u32 v4, v5  }
.Ltmp3:
0x14c: {  	_ = 	snop;
	(pc) =	sbr.rel @p0 .LBB2_8-.Ltmp3, $2  }
0x14d: {  	_ =	sdelay $0x2  }
0x14e: {  	s13 =	sadd.s32 $0x80, s13;
	[tilespmem:v4+s10+$0x0] =	vst.idx.msk vm15, v3  }
0x14f: {  	s11 =	sadd.s32 $0x1, s11  }
0x150: {  	p0 =	sne.s32 s11, s7  }
.Ltmp4:
0x151: {  	_ = 	snop;
	(pc) =	sbr.rel @p0 .LBB2_1-.Ltmp4, $4  }
0x152: {  	[hbm4b:s6+s2] =	stream.linear.scatter [tilespmem:s10], [sflag:$0x1], $0x10000, $0x38;
	[tilespmem:$0x13800] =	vst v63  }
0x153: {  	_ =	swait.ge [sflag:s3], $0x10000  }
0x154: {  	[sflag:s3] =	ssyncset.done $0x0  }
0x155: {  	[sflag:s3] =	ssyncadd.s32 $0xFFFF0000  }
0x156: {  	_ =	sfence.sel $0x180000  }
0x157: {  	[bflag:$0x0] =	sbarrier.arrive $0xFFFF  }
0x158: {  	p0 =	sne.s32 s0, $0x0;
	_ =	strace $0x9000004D  }
0x159: {  	s0 =	sadd.s32 @!p0 $0x100000, s1;
	[bflag:$0x2] =	sbarrier.arrive $0xFFFF  }
0x15a: {  	[sflag:s0] =	ssyncadd.tile.s32 @!p0 $0x1;
	_ =	shalt  }
.Lfunc_end2:
_tile_overlayer_lowered:
.L_overlay_start_2:
0x15b: {  	(tag) =	ssettag $0x2  }
0x15c: {  	s0 =	rddreg [dreg:$0x0];
	s2 =	stileid.u32  }
0x15d: {  	s1 =	rddreg [dreg:$0x1];
	p0 =	sne.s32 s2, $0x0  }
0x15e: {  	s3 =	rddreg [dreg:$0x2];
	[bflag:$0x3] =	sbarrier.arrive $0xFFFF;
	s2 =	simm.s32 @!p0 $0x1C01  }
0x15f: {  	[timem:s3], [sflag:s2] =	dma.local @!p0 [hbm:s0], s1  }
0x160: {  	s0 =	simm.s32 @!p0 $0x1  }
0x161: {  	_ =	swait.ge @!p0 [sflag:s0], s1  }
0x162: {  	s1 =	ssub.s32 @!p0 $0x0, s1;
	[sflag:s0] =	ssyncset.done @!p0 $0x0  }
0x163: {  	[sflag:s0] =	ssyncadd.s32 @!p0 s1  }
0x164: {  	[bflag:$0x3] =	sbarrier.arrive $0xFFFF  }
0x165: {  	_ =	shalt  }

// kernel: kernel.20.cloned.1.call-start
scs
__scs_entry_jumppad:
0x0: {  	(pc) =	sbr.rel $0x88, $3  }
0x1: {  	(tag) =	ssettag $0x0;
	lr =	simm.s32 $0x1  }
0x2: {  	[smem:$0x3F9E] =	sst lr;
	_ =	strace $0xD0000000  }
0x3: {  	_ = 	snop  }
0x4: {  	_ = 	snop  }
0x5: {  	_ = 	snop  }
0x6: {  	_ = 	snop  }
0x7: {  	_ = 	snop  }
__scs_overlays_trampoline_lowered:
0x8: {  	[smem:$0x3FAD] =	sst s0  }
0x9: {  	[smem:$0x3FAE] =	sst s1  }
0xa: {  	[smem:$0x3FAF] =	sst s2  }
0xb: {  	[smem:$0x3FB0] =	sst s3  }
0xc: {  	[smem:$0x3FB1] =	sst s4  }
0xd: {  	[smem:$0x3FB2] =	sst s5  }
0xe: {  	[smem:$0x3FB3] =	sst s6  }
0xf: {  	[smem:$0x3FB4] =	sst s7  }
0x10: {  	[smem:$0x3FB5] =	sst s8  }
0x11: {  	[smem:$0x3FB6] =	sst s9;
	s0 =	simm.s32 @!p0 $0x0  }
0x12: {  	s1 =	sld [smem:$0x3F9C];
	s0 =	simm.s32 @p0 $0x1  }
0x13: {  	[smem:$0x3FB7] =	sst s0;
	s0 =	simm.s32 @!p1 $0x0  }
0x14: {  	s2 =	sld [smem:$0x3F9B];
	s0 =	simm.s32 @p1 $0x1  }
0x15: {  	[smem:$0x3FB8] =	sst s0;
	s0 =	simm.s32 @!p2 $0x0  }
0x16: {  	s3 =	sld [smem:$0x3FDB];
	s0 =	simm.s32 @p2 $0x1  }
0x17: {  	s4 =	simm.s32 $0x1BF5;
	[smem:$0x3FBA] =	sst s0  }
0x18: {  	s0 =	sld [smem:$0x3F9D];
	_ =	swait.ge [sflag:s4], $0x0  }
0x19: {  	s7 =	sld [smem:$0x3F9E]  }
0x1a: {  	s8 =	sadd.s32 $0xFFFFE003, lr  }
0x1b: {  	s9 =	sadd.s32 $0xFFFFFEF7, lr;
	s5 =	simm.s32 $0xFFFFFFFF;
	p2 =	slt.u32 s8, $0xFFFFF086  }
0x1c: {  	p1 =	slt.u32 s9, $0xF7A;
	s5 =	simm.s32 @!p2 $0x0  }
0x1d: {  	s5 =	simm.s32 @p1 $0x1;
	p0 =	seq.s32 s7, s2  }
0x1e: {  	s7 =	smul.u32 @!p0 $0xF7A, s2;
	p2 =	seq.s32 @!p0 s5, $0x0  }
0x1f: {  	s9 =	smul.u32 $0xF7A, s1;
	s8 =	simm.s32 @!p0 $0x1BF5;
	p2 =	por !p2, p0  }
0x20: {  	[sflag:s8] =	ssyncset.s32 @!p0 $0xFFFFF086;
	s6 =	sadd.s32 @!p0 s3, s7;
	s7 =	simm.s32 @!p0 $0x108  }
0x21: {  	s3 =	sadd.s32 s3, s9;
	s6 =	sadd.s32 @!p0 $0x88, s6;
	s7 =	simm.s32 @p2 $0x1082  }
0x22: {  	[simem:s7], [sflag:s8] =	dma.local @!p0 [hbm:s6], $0xF7A  }
0x23: {  	s9 =	sor.u32 $0xD0000000, s2;
	s6 =	simm.s32 $0x108;
	_ =	swait.ge @!p0 [sflag:s8], $0x0  }
0x24: {  	s3 =	sadd.s32 $0x88, s3;
	s6 =	simm.s32 @!p1 $0x1082;
	[sflag:s4] =	ssyncset.s32 $0xFFFFF086  }
0x25: {  	[simem:s6], [sflag:s4] =	dma.local [hbm:s3], $0xF7A  }
0x26: {  	[smem:$0x3F9E] =	sst s1;
	(tag) =	ssettag s2;
	_ =	strace s9  }
0x27: {  	s1 =	sld [smem:$0x3FAE]  }
0x28: {  	s2 =	sld [smem:$0x3FAF]  }
0x29: {  	s4 =	sld [smem:$0x3FB1]  }
0x2a: {  	p0 =	seq.s32 s5, $0x0;
	s5 =	sld [smem:$0x3FB2]  }
0x2b: {  	s6 =	sld [smem:$0x3FB3]  }
0x2c: {  	s7 =	sld [smem:$0x3FB4]  }
0x2d: {  	s3 =	simm.s32 $0x108;
	s8 =	sld [smem:$0x3FB5]  }
0x2e: {  	s3 =	simm.s32 @!p0 $0x1082;
	s9 =	sld [smem:$0x3FB6]  }
0x2f: {  	lr =	sadd.s32 s0, s3;
	s0 =	sld [smem:$0x3FAD]  }
0x30: {  	s3 =	sld [smem:$0x3FB0]  }
0x31: {  	[smem:$0x3FB9] =	sst s10  }
0x32: {  	s10 =	sld [smem:$0x3FB7];
	_ =	sdelay $0x3  }
0x33: {  	p0 =	seq.s32 s10, $0x1;
	s10 =	sld [smem:$0x3FB9];
	_ =	sdelay $0x3  }
0x34: {  	[smem:$0x3FB9] =	sst s10  }
0x35: {  	s10 =	sld [smem:$0x3FB8];
	_ =	sdelay $0x3  }
0x36: {  	p1 =	seq.s32 s10, $0x1;
	s10 =	sld [smem:$0x3FB9];
	_ =	sdelay $0x3  }
0x37: {  	[smem:$0x3FB9] =	sst s10  }
0x38: {  	s10 =	sld [smem:$0x3FBA]  }
0x39: {  	_ = 	snop;
	(pc) =	sbr.ind lr, $3  }
0x3a: {  	_ = 	snop  }
0x3b: {  	_ = 	snop  }
0x3c: {  	p2 =	seq.s32 s10, $0x1;
	s10 =	sld [smem:$0x3FB9]  }
0x3d: {  	_ =	shalt  }
0x3e: {  	_ =	shalt  }
0x3f: {  	_ =	shalt  }
0x40: {  	_ =	shalt  }
0x41: {  	_ =	shalt  }
0x42: {  	_ =	shalt  }
0x43: {  	_ =	shalt  }
0x44: {  	_ =	shalt  }
0x45: {  	_ =	shalt  }
0x46: {  	_ =	shalt  }
0x47: {  	_ =	shalt  }
0x48: {  	_ =	shalt  }
0x49: {  	_ =	shalt  }
0x4a: {  	_ =	shalt  }
0x4b: {  	_ =	shalt  }
0x4c: {  	_ =	shalt  }
0x4d: {  	_ =	shalt  }
0x4e: {  	_ =	shalt  }
0x4f: {  	_ =	shalt  }
0x50: {  	_ =	shalt  }
0x51: {  	_ =	shalt  }
0x52: {  	_ =	shalt  }
0x53: {  	_ =	shalt  }
0x54: {  	_ =	shalt  }
0x55: {  	_ =	shalt  }
0x56: {  	_ =	shalt  }
0x57: {  	_ =	shalt  }
0x58: {  	_ =	shalt  }
0x59: {  	_ =	shalt  }
0x5a: {  	_ =	shalt  }
0x5b: {  	_ =	shalt  }
0x5c: {  	_ =	shalt  }
0x5d: {  	_ =	shalt  }
0x5e: {  	_ =	shalt  }
0x5f: {  	_ =	shalt  }
0x60: {  	_ =	shalt  }
0x61: {  	_ =	shalt  }
0x62: {  	_ =	shalt  }
0x63: {  	_ =	shalt  }
0x64: {  	_ =	shalt  }
0x65: {  	_ =	shalt  }
0x66: {  	_ =	shalt  }
0x67: {  	_ =	shalt  }
0x68: {  	_ =	shalt  }
0x69: {  	_ =	shalt  }
0x6a: {  	_ =	shalt  }
0x6b: {  	_ =	shalt  }
0x6c: {  	_ =	shalt  }
0x6d: {  	_ =	shalt  }
0x6e: {  	_ =	shalt  }
0x6f: {  	_ =	shalt  }
0x70: {  	_ =	shalt  }
0x71: {  	_ =	shalt  }
0x72: {  	_ =	shalt  }
0x73: {  	_ =	shalt  }
0x74: {  	_ =	shalt  }
0x75: {  	_ =	shalt  }
0x76: {  	_ =	shalt  }
0x77: {  	_ =	shalt  }
0x78: {  	_ =	shalt  }
0x79: {  	_ =	shalt  }
0x7a: {  	_ =	shalt  }
0x7b: {  	_ =	shalt  }
0x7c: {  	_ =	shalt  }
0x7d: {  	_ =	shalt  }
0x7e: {  	_ =	shalt  }
0x7f: {  	_ =	shalt  }
0x80: {  	_ =	shalt  }
0x81: {  	_ =	shalt  }
0x82: {  	_ =	shalt  }
0x83: {  	_ =	shalt  }
0x84: {  	_ =	shalt  }
0x85: {  	_ =	shalt  }
0x86: {  	_ =	shalt  }
0x87: {  	_ =	shalt  }
.Lfunc_end0:
.L_simem_size_0:
called_computation.3_lowered:
.L_overlay_start_0:
0x88: {  	s2 =	sld [smem:$0x3FD9]  }
0x89: {  	s3 =	sld [smem:$0x3FFE];
	_ =	sdelay $0x1  }
0x8a: {  	s1 =	srdreg.scid  }
0x8b: {  	s0 =	sand.u32 $0x1, s1  }
0x8c: {  	s17 =	sshll.u32 s0, $0xA;
	s2 =	sadd.s32 s3, s2  }
0x8d: {  	s2 =	sadd.s32 s2, s17  }
0x8e: {  	[smem:$0x3FC5] =	sst s2  }
0x8f: {  	_ = 	snop  }
0x90: {  	(tm) =	ssettm $0x1  }
0x91: {  	s18 =	sld [smem:$0x3FFB];
	_ =	sdelay $0x3  }
0x92: {  	_ =	strace s18  }
0x93: {  	s2 =	sld [smem:$0x3FFC];
	_ =	sdelay $0x3  }
0x94: {  	_ =	strace s2  }
0x95: {  	s2 =	sld [smem:$0x3FFD];
	_ =	sdelay $0x3  }
0x96: {  	_ =	strace s2  }
0x97: {  	_ =	strace $0x8FFFFFFF  }
0x98: {  	s19 =	sld [smem:$0x3FDB];
	_ =	sdelay $0x1  }
0x99: {  	s20 =	simm.s32 $_scs_section_size  }
0x9a: {  	s4 =	simm.s32 $_size__tile_overlayer_lowered;
	s5 =	simm.s32 $_tile_overlayer_lowered  }
0x9b: {  	s6 =	simm.s32 $0x1BFF;
	s21 =	sshll.u32 s5, $0x1;
	s3 =	sadd.s32 s20, s19  }
0x9c: {  	s22 =	simm.s32 $0x0;
	s4 =	sshll.u32 s4, $0x1;
	s5 =	sadd.s32 s21, s3  }
0x9d: {  	[timem:s22], [sflag:s6] =	dma.local [hbm:s5], s4  }
0x9e: {  	_ =	swait.ge [sflag:s6], s4  }
0x9f: {  	s4 =	ssub.s32 $0x0, s4;
	[sflag:s6] =	ssyncset.done $0x0  }
0xa0: {  	[sflag:s6] =	ssyncadd.s32 s4;
	_ =	sdelay $0x1  }
0xa1: {  	s23 =	simm.s32 $0x1B8B  }
0xa2: {  	_ =	swait.ge [sflag:s23], $0x1  }
0xa3: {  	[sflag:s23] =	ssyncset.done $0x0  }
0xa4: {  	[sflag:s23] =	ssyncadd.s32 $0xFFFFFFFF  }
0xa5: {  	s4 =	sld [smem:$0x0]  }
0xa6: {  	s5 =	sand.u32 $0xFFFFFFFE, s1  }
0xa7: {  	p0 =	sne.s32 s1, s5  }
0xa8: {  	s5 =	sshll.u32 @p0 s5, $0xE  }
0xa9: {  	s5 =	sadd.s32 @p0 $0x11B8D, s5;
	s6 =	sshll.u32 @p0 s4, $0x11  }
0xaa: {  	s5 =	sor.u32 @p0 s6, s5  }
0xab: {  	[sflag:s5] =	ssyncadd.remote.s32 @p0 $0x1;
	_ =	sdelay $0x1  }
0xac: {  	s5 =	simm.s32 @p0 $0x1B8D  }
0xad: {  	_ =	swait.eq @p0 [sflag:s5], $0x1  }
0xae: {  	[sflag:s5] =	ssyncadd.s32 @p0 $0xFFFFFFFF  }
0xaf: {  	s6 =	sshll.u32 @!p0 s1, $0xE  }
0xb0: {  	s6 =	sor.u32 @!p0 $0x4000, s6;
	s5 =	simm.s32 @!p0 $0x1B8D  }
0xb1: {  	s4 =	sshll.u32 @!p0 s4, $0x11;
	s6 =	sadd.s32 @!p0 $0x11B8D, s6;
	_ =	swait.eq @!p0 [sflag:s5], $0x1  }
0xb2: {  	s4 =	sor.u32 @!p0 s4, s6;
	[sflag:s5] =	ssyncadd.s32 @!p0 $0xFFFFFFFF  }
0xb3: {  	s25 =	simm.s32 $0x1B8E;
	s24 =	sld [smem:$0x3FFE];
	[sflag:s4] =	ssyncadd.remote.s32 @!p0 $0x1  }
0xb4: {  	s26 =	simm.s32 $execute0_lowered;
	[smem:$0x3FD2] =	sst s25  }
0xb5: {  	s5 =	sshll.u32 s26, $0x1;
	_ =	strace $0x8000004F;
	[dreg:$0x1] =	wrdreg $0xFFFFFFFF  }
0xb6: {  	s28 =	simm.s32 $_size_execute0_lowered;
	s3 =	sadd.s32 s3, s5;
	[dreg:$0x0] =	wrdreg $0x0  }
0xb7: {  	s5 =	sshll.u32 s28, $0x1;
	[dreg:$0x2] =	wrdreg s3  }
0xb8: {  	[dreg:$0x3] =	wrdreg s5  }
0xb9: {  	[dreg:$0x4] =	wrdreg $0xC0  }
0xba: {  	_ =	task [dreg:s22], $0x5FFFF  }
0xbb: {  	[dreg:$0x1] =	wrdreg $0xFFFFFFFF  }
0xbc: {  	[dreg:$0x0] =	wrdreg $0x60  }
0xbd: {  	[dreg:$0x2] =	wrdreg s24  }
0xbe: {  	[dreg:$0x3] =	wrdreg $0xC  }
0xbf: {  	_ =	task.clear_ibuf [dreg:s22], $0x4FFFF;
	_ =	strace $0x9000004F  }
0xc0: {  	s29 =	simm.s32 $0xC;
	_ =	strace $0x80000051  }
0xc1: {  	_ =	swait.ge [sflag:s29], $0x1  }
0xc2: {  	[sflag:s29] =	ssyncadd.s32 $0xFFFFFFFF  }
0xc3: {  	_ =	strace $0x90000051  }
0xc4: {  	_ =	sfence  }
0xc5: {  	s30 =	sld [smem:$0x0];
	_ =	sdelay $0x2  }
0xc6: {  	s31 =	sshll.u32 s1, $0xD;
	s1 =	sshrl.u32 s1, $0x2  }
0xc7: {  	s4 =	sand.u32 $0x4000, s31;
	s1 =	sadd.s32 s1, s30  }
0xc8: {  	s0 =	sor.u32 s4, s0;
	s1 =	sshll.u32 s1, $0x11  }
0xc9: {  	s0 =	sor.u32 s1, s0  }
0xca: {  	s0 =	sadd.s32 $0x8F2B, s0  }
0xcb: {  	[sflag:s0] =	ssyncadd.remote.s32 $0x1  }
0xcc: {  	_ =	sfence.sel $0xFFFF  }
0xcd: {  	[dreg:$0x0] =	wrdreg $0xFFFFFFFF;
	(pc) =	sbr.abs _section_cstart, $3  }
0xce: {  	[dreg:$0x1] =	wrdreg $0xFFFFFFFF  }
0xcf: {  	_ =	task.clear_ibuf [dreg:s22], $0x2FFFF;
	_ =	strace $0x9FFFFFFF  }
0xd0: {  	(tm) =	ssettm $0x7FFFFFFF  }
0xd1: {  	_ =	shalt  }
tec
execute0_lowered:
.L_overlay_start_1:
0x0: {  	(tag) =	ssettag $0x1  }
0x1: {  	s1 =	srdreg.scid  }
0x2: {  	s0 =	stileid.u32;
	s4 =	sand.u32 $0x1, s1  }
0x3: {  	s1 =	sor.u32 s4, s0  }
0x4: {  	p1 =	seq.s32 s4, $0x1;
	p0 =	seq.s32 s1, $0x0  }
0x5: {  	s6 =	rddreg [dreg:$0x0];
	p0 =	por !p0, !p1  }
0x6: {  	s2 =	simm.s32 $0x0;
	s1 =	simm.s32 $0x1;
	p0 =	por !p0, !p0  }
0x7: {  	[smem:$0x7FF] =	sst s2;
	s8 =	ssub.s32 $0x2, s4;
	s1 =	simm.s32 @!p0 $0x0  }
0x8: {  	s9 =	sshll.u32 s4, $0x11;
	s28 =	sshrl.u32 s8, $0x1;
	s5 =	ssub.s32 s0, s1  }
0x9: {  	s11 =	sor.u32 $0x10000, s9;
	s8 =	ssub.s32 s8, s28;
	s1 =	sadd.s32 $0x30, s5  }
0xa: {  	s7 =	sshll.u32 s5, $0x7;
	s26 =	sshll.u32 s5, $0x12;
	s1 =	sshrl.u32 s1, $0x3  }
0xb: {  	s7 =	sand.u32 $0x380, s7;
	s10 =	sor.u32 s9, s26;
	s3 =	smul.u32 $0x1C000, s1  }
0xc: {  	v0 =	vmov s9;
	v1 =	vmov s11;
	s30 =	sor.u32 s11, s26;
	s9 =	simm.s32 $0x400;
	s11 =	simm.s32 $0x0  }
0xd: {  	s1 =	rddreg [dreg:$0x1];
	_ =	strace $0x80000050;
	s3 =	sor.u32 s7, s3  }
0xe: {  	s29 =	sshrl.u32 s10, $0x3;
	s31 =	sshrl.u32 s30, $0x3;
	s7 =	sshrl.u32 s3, $0x3  }
0xf: {  	s10 =	simm.s32 $0x3800;
	s7 =	sadd.s32 s7, s6;
	s6 =	sadd.s32 $0x11E400, s6  }
0x10: {  	s3 =	simm.s32 $0x1;
	s4 =	sadd.s32 $0x2400, s7;
	s5 =	sadd.s32 s6, s29  }
0x11: {  	v2 =	vimm.f32 $0.0e+00;
	v3 =	vimm.f32 $2.550000000e+02;
	s6 =	sadd.s32 s6, s31;
	s7 =	smax.u32 s8, $0x1;
	s8 =	simm.s32 $0x80  }
.LBB2_1:
0x12: {  	[tilespmem:s2], [sflag:$0x1] =	stream.strided.gather [hbm4b:s4+s8], $0x3800, s9, s8, $0x38;
	[tilespmem:$0x13800] =	vst v63  }
0x13: {  	_ =	swait.ge [sflag:s3], $0x3800  }
0x14: {  	s12 =	sand.u32 $0xF000, s2;
	s13 =	sand.u32 $0x380, s2;
	[sflag:s3] =	ssyncset.done $0x0  }
0x15: {  	s12 =	sor.u32 s13, s12;
	[sflag:s3] =	ssyncadd.s32 $0xFFFFC800  }
0x16: {  	[tilespmem:s12+$0x4470] =	vst v2  }
0x17: {  	[tilespmem:s12+$0x3800] =	vst v2  }
0x18: {  	[tilespmem:s12+$0x3810] =	vst v2  }
0x19: {  	[tilespmem:s12+$0x3820] =	vst v2  }
0x1a: {  	[tilespmem:s12+$0x3830] =	vst v2  }
0x1b: {  	[tilespmem:s12+$0x3840] =	vst v2  }
0x1c: {  	[tilespmem:s12+$0x3850] =	vst v2  }
0x1d: {  	[tilespmem:s12+$0x3860] =	vst v2  }
0x1e: {  	[tilespmem:s12+$0x3870] =	vst v2  }
0x1f: {  	[tilespmem:s12+$0x3C00] =	vst v2  }
0x20: {  	[tilespmem:s12+$0x3C10] =	vst v2  }
0x21: {  	[tilespmem:s12+$0x3C20] =	vst v2  }
0x22: {  	[tilespmem:s12+$0x3C30] =	vst v2  }
0x23: {  	[tilespmem:s12+$0x3C40] =	vst v2  }
0x24: {  	[tilespmem:s12+$0x3C50] =	vst v2  }
0x25: {  	[tilespmem:s12+$0x3C60] =	vst v2  }
0x26: {  	[tilespmem:s12+$0x3C70] =	vst v2  }
0x27: {  	[tilespmem:s12+$0x4000] =	vst v2  }
0x28: {  	[tilespmem:s12+$0x4010] =	vst v2  }
0x29: {  	[tilespmem:s12+$0x4020] =	vst v2  }
0x2a: {  	[tilespmem:s12+$0x4030] =	vst v2  }
0x2b: {  	[tilespmem:s12+$0x4040] =	vst v2  }
0x2c: {  	[tilespmem:s12+$0x4050] =	vst v2  }
0x2d: {  	[tilespmem:s12+$0x4060] =	vst v2  }
0x2e: {  	[tilespmem:s12+$0x4070] =	vst v2  }
0x2f: {  	[tilespmem:s12+$0x4400] =	vst v2  }
0x30: {  	[tilespmem:s12+$0x4410] =	vst v2  }
0x31: {  	[tilespmem:s12+$0x4420] =	vst v2  }
0x32: {  	[tilespmem:s12+$0x4430] =	vst v2  }
0x33: {  	s14 =	simm.s32 $0x200;
	s13 =	simm.s32 $0x80;
	[tilespmem:s12+$0x4440] =	vst v2  }
0x34: {  	s15 =	sand.u32 $0xF000, s14;
	s14 =	simm.s32 $0x400;
	s16 =	sand.u32 $0x380, s13;
	[tilespmem:s12+$0x4450] =	vst v2  }
.LBB2_2:
0x35: {  	p0 =	sne.s32 s14, $0xFE00;
	[tilespmem:s12+$0x4460] =	vst v2;
	s12 =	sor.u32 s16, s15  }
0x36: {  	[tilespmem:s12+$0x4470] =	vst v2  }
0x37: {  	[tilespmem:s12+$0x3800] =	vst v2  }
0x38: {  	[tilespmem:s12+$0x3810] =	vst v2  }
0x39: {  	[tilespmem:s12+$0x3820] =	vst v2  }
0x3a: {  	[tilespmem:s12+$0x3830] =	vst v2  }
0x3b: {  	[tilespmem:s12+$0x3840] =	vst v2  }
0x3c: {  	[tilespmem:s12+$0x3850] =	vst v2  }
0x3d: {  	[tilespmem:s12+$0x3860] =	vst v2  }
0x3e: {  	[tilespmem:s12+$0x3870] =	vst v2  }
0x3f: {  	[tilespmem:s12+$0x3C00] =	vst v2  }
0x40: {  	[tilespmem:s12+$0x3C10] =	vst v2  }
0x41: {  	[tilespmem:s12+$0x3C20] =	vst v2  }
0x42: {  	[tilespmem:s12+$0x3C30] =	vst v2  }
0x43: {  	[tilespmem:s12+$0x3C40] =	vst v2  }
0x44: {  	[tilespmem:s12+$0x3C50] =	vst v2  }
0x45: {  	[tilespmem:s12+$0x3C60] =	vst v2  }
0x46: {  	[tilespmem:s12+$0x3C70] =	vst v2  }
0x47: {  	[tilespmem:s12+$0x4000] =	vst v2  }
0x48: {  	[tilespmem:s12+$0x4010] =	vst v2  }
0x49: {  	[tilespmem:s12+$0x4020] =	vst v2  }
0x4a: {  	[tilespmem:s12+$0x4030] =	vst v2  }
0x4b: {  	[tilespmem:s12+$0x4040] =	vst v2  }
0x4c: {  	[tilespmem:s12+$0x4050] =	vst v2  }
0x4d: {  	[tilespmem:s12+$0x4060] =	vst v2  }
0x4e: {  	[tilespmem:s12+$0x4070] =	vst v2  }
0x4f: {  	[tilespmem:s12+$0x4400] =	vst v2  }
.Ltmp0:
0x50: {  	[tilespmem:s12+$0x4410] =	vst v2;
	(pc) =	sbr.rel @p0 .LBB2_2-.Ltmp0, $4  }
0x51: {  	[tilespmem:s12+$0x4420] =	vst v2  }
0x52: {  	[tilespmem:s12+$0x4430] =	vst v2  }
0x53: {  	s13 =	sadd.s32 $0x80, s13;
	[tilespmem:s12+$0x4440] =	vst v2  }
0x54: {  	s15 =	sand.u32 $0xF000, s14;
	s14 =	sadd.s32 $0x200, s14;
	s16 =	sand.u32 $0x380, s13;
	[tilespmem:s12+$0x4450] =	vst v2  }
0x55: {  	s13 =	sor.u32 s16, s15;
	[tilespmem:s12+$0x4460] =	vst v2  }
0x56: {  	[tilespmem:s13+$0x4470] =	vst v2  }
0x57: {  	[tilespmem:s13+$0x3800] =	vst v2  }
0x58: {  	[tilespmem:s13+$0x3810] =	vst v2  }
0x59: {  	[tilespmem:s13+$0x3820] =	vst v2  }
0x5a: {  	[tilespmem:s13+$0x3830] =	vst v2  }
0x5b: {  	[tilespmem:s13+$0x3840] =	vst v2  }
0x5c: {  	[tilespmem:s13+$0x3850] =	vst v2  }
0x5d: {  	[tilespmem:s13+$0x3860] =	vst v2  }
0x5e: {  	[tilespmem:s13+$0x3870] =	vst v2  }
0x5f: {  	[tilespmem:s13+$0x3C00] =	vst v2  }
0x60: {  	[tilespmem:s13+$0x3C10] =	vst v2  }
0x61: {  	[tilespmem:s13+$0x3C20] =	vst v2  }
0x62: {  	[tilespmem:s13+$0x3C30] =	vst v2  }
0x63: {  	[tilespmem:s13+$0x3C40] =	vst v2  }
0x64: {  	[tilespmem:s13+$0x3C50] =	vst v2  }
0x65: {  	[tilespmem:s13+$0x3C60] =	vst v2  }
0x66: {  	[tilespmem:s13+$0x3C70] =	vst v2  }
0x67: {  	[tilespmem:s13+$0x4000] =	vst v2  }
0x68: {  	[tilespmem:s13+$0x4010] =	vst v2  }
0x69: {  	[tilespmem:s13+$0x4020] =	vst v2  }
0x6a: {  	[tilespmem:s13+$0x4030] =	vst v2  }
0x6b: {  	[tilespmem:s13+$0x4040] =	vst v2  }
0x6c: {  	[tilespmem:s13+$0x4050] =	vst v2  }
0x6d: {  	[tilespmem:s13+$0x4060] =	vst v2  }
0x6e: {  	[tilespmem:s13+$0x4070] =	vst v2  }
0x6f: {  	[tilespmem:s13+$0x4400] =	vst v2  }
0x70: {  	[tilespmem:s13+$0x4410] =	vst v2  }
0x71: {  	[tilespmem:s13+$0x4420] =	vst v2  }
0x72: {  	[tilespmem:s13+$0x4430] =	vst v2  }
0x73: {  	[tilespmem:s13+$0x4440] =	vst v2  }
0x74: {  	[tilespmem:s13+$0x4450] =	vst v2  }
0x75: {  	s12 =	simm.s32 $0xFFFFFFF8;
	[tilespmem:s13+$0x4460] =	vst v2;
	s13 =	simm.s32 $0x40  }
.LBB2_4:
0x76: {  	v4 =	vld [tilespmem:s13+$0xFFFFFFC0];
	_ =	sdelay $0x4  }
0x77: {  	v5 =	vshll.u32 v4, $0x3  }
0x78: {  	v6 =	vsub.s32 v4, v0;
	v7 =	vand.u32 $0x7F, v4;
	v5 =	vand.u32 $0xC00, v5  }
0x79: {  	v4 =	vshrl.u32 v4, $0x2;
	v42 =	vand.u32 $0xFFFFF000, v6;
	v5 =	vor.u32 v7, v5  }
0x7a: {  	vm0 =	vlt.u32 v6, $0x10000;
	v4 =	vand.u32 $0x380, v4;
	v5 =	vor.u32 v42, v5  }
0x7b: {  	v4 =	vor.u32 v4, v5;
	_ =	sdelay $0x4  }
0x7c: {  	[tilespmem:v4+s10+$0x0] =	vst.idx.msk vm0, v3  }
0x7d: {  	v4 =	vld [tilespmem:s13+$0xFFFFFFD0];
	_ =	sdelay $0x4  }
0x7e: {  	v5 =	vshll.u32 v4, $0x3  }
0x7f: {  	v43 =	vsub.s32 v4, v0;
	v44 =	vand.u32 $0x7F, v4;
	v5 =	vand.u32 $0xC00, v5  }
0x80: {  	v4 =	vshrl.u32 v4, $0x2;
	v45 =	vand.u32 $0xFFFFF000, v43;
	v5 =	vor.u32 v44, v5  }
0x81: {  	vm9 =	vlt.u32 v43, $0x10000;
	v4 =	vand.u32 $0x380, v4;
	v5 =	vor.u32 v45, v5  }
0x82: {  	v4 =	vor.u32 v4, v5;
	_ =	sdelay $0x4  }
0x83: {  	[tilespmem:v4+s10+$0x0] =	vst.idx.msk vm9, v3  }
0x84: {  	v4 =	vld [tilespmem:s13+$0xFFFFFFE0];
	_ =	sdelay $0x4  }
0x85: {  	v5 =	vshll.u32 v4, $0x3  }
0x86: {  	v46 =	vsub.s32 v4, v0;
	v47 =	vand.u32 $0x7F, v4;
	v5 =	vand.u32 $0xC00, v5  }
0x87: {  	v4 =	vshrl.u32 v4, $0x2;
	v48 =	vand.u32 $0xFFFFF000, v46;
	v5 =	vor.u32 v47, v5  }
0x88: {  	vm10 =	vlt.u32 v46, $0x10000;
	v4 =	vand.u32 $0x380, v4;
	v5 =	vor.u32 v48, v5  }
0x89: {  	v4 =	vor.u32 v4, v5;
	_ =	sdelay $0x4  }
0x8a: {  	[tilespmem:v4+s10+$0x0] =	vst.idx.msk vm10, v3  }
0x8b: {  	v4 =	vld [tilespmem:s13+$0xFFFFFFF0];
	_ =	sdelay $0x4  }
0x8c: {  	v5 =	vshll.u32 v4, $0x3  }
0x8d: {  	v49 =	vsub.s32 v4, v0;
	v50 =	vand.u32 $0x7F, v4;
	v5 =	vand.u32 $0xC00, v5  }
0x8e: {  	v4 =	vshrl.u32 v4, $0x2;
	v51 =	vand.u32 $0xFFFFF000, v49;
	v5 =	vor.u32 v50, v5  }
0x8f: {  	vm11 =	vlt.u32 v49, $0x10000;
	v4 =	vand.u32 $0x380, v4;
	v5 =	vor.u32 v51, v5  }
0x90: {  	v4 =	vor.u32 v4, v5;
	_ =	sdelay $0x4  }
0x91: {  	[tilespmem:v4+s10+$0x0] =	vst.idx.msk vm11, v3  }
0x92: {  	v4 =	vld [tilespmem:s13+$0x0];
	_ =	sdelay $0x4  }
0x93: {  	v5 =	vshll.u32 v4, $0x3  }
0x94: {  	v52 =	vsub.s32 v4, v0;
	v53 =	vand.u32 $0x7F, v4;
	v5 =	vand.u32 $0xC00, v5  }
0x95: {  	v4 =	vshrl.u32 v4, $0x2;
	v54 =	vand.u32 $0xFFFFF000, v52;
	v5 =	vor.u32 v53, v5  }
0x96: {  	vm12 =	vlt.u32 v52, $0x10000;
	v4 =	vand.u32 $0x380, v4;
	v5 =	vor.u32 v54, v5  }
0x97: {  	v4 =	vor.u32 v4, v5;
	_ =	sdelay $0x4  }
0x98: {  	[tilespmem:v4+s10+$0x0] =	vst.idx.msk vm12, v3  }
0x99: {  	v4 =	vld [tilespmem:s13+$0x10];
	_ =	sdelay $0x4  }
0x9a: {  	v5 =	vshll.u32 v4, $0x3  }
0x9b: {  	v55 =	vsub.s32 v4, v0;
	v56 =	vand.u32 $0x7F, v4;
	v5 =	vand.u32 $0xC00, v5  }
0x9c: {  	v4 =	vshrl.u32 v4, $0x2;
	v57 =	vand.u32 $0xFFFFF000, v55;
	v5 =	vor.u32 v56, v5  }
0x9d: {  	vm13 =	vlt.u32 v55, $0x10000;
	v4 =	vand.u32 $0x380, v4;
	v5 =	vor.u32 v57, v5  }
0x9e: {  	v4 =	vor.u32 v4, v5;
	_ =	sdelay $0x4  }
0x9f: {  	[tilespmem:v4+s10+$0x0] =	vst.idx.msk vm13, v3  }
0xa0: {  	v4 =	vld [tilespmem:s13+$0x20];
	_ =	sdelay $0x4  }
0xa1: {  	v5 =	vshll.u32 v4, $0x3  }
0xa2: {  	v58 =	vsub.s32 v4, v0;
	v59 =	vand.u32 $0x7F, v4;
	v5 =	vand.u32 $0xC00, v5  }
0xa3: {  	v4 =	vshrl.u32 v4, $0x2;
	v60 =	vand.u32 $0xFFFFF000, v58;
	v5 =	vor.u32 v59, v5  }
0xa4: {  	vm14 =	vlt.u32 v58, $0x10000;
	v4 =	vand.u32 $0x380, v4;
	v5 =	vor.u32 v60, v5  }
0xa5: {  	v4 =	vor.u32 v4, v5;
	_ =	sdelay $0x4  }
0xa6: {  	[tilespmem:v4+s10+$0x0] =	vst.idx.msk vm14, v3  }
0xa7: {  	v4 =	vld [tilespmem:s13+$0x30];
	_ =	sdelay $0x4  }
0xa8: {  	v5 =	vshll.u32 v4, $0x3  }
0xa9: {  	v61 =	vsub.s32 v4, v0;
	v62 =	vand.u32 $0x7F, v4;
	v5 =	vand.u32 $0xC00, v5  }
0xaa: {  	v4 =	vshrl.u32 v4, $0x2;
	v63 =	vand.u32 $0xFFFFF000, v61;
	v5 =	vor.u32 v62, v5  }
0xab: {  	s12 =	sadd.s32 $0x8, s12;
	vm15 =	vlt.u32 v61, $0x10000;
	v4 =	vand.u32 $0x380, v4;
	v5 =	vor.u32 v63, v5  }
0xac: {  	p0 =	slt.u32 s12, $0x378;
	v4 =	vor.u32 v4, v5  }
.Ltmp1:
0xad: {  	_ = 	snop;
	(pc) =	sbr.rel @p0 .LBB2_4-.Ltmp1, $2  }
0xae: {  	_ =	sdelay $0x2  }
0xaf: {  	s13 =	sadd.s32 $0x80, s13;
	[tilespmem:v4+s10+$0x0] =	vst.idx.msk vm15, v3  }
0xb0: {  	s12 =	simm.s32 $0x0  }
0xb1: {  	[hbm4b:s5+s12] =	stream.linear.scatter [tilespmem:s10], [sflag:$0x1], $0x10000, $0x38;
	[tilespmem:$0x13800] =	vst v63  }
0xb2: {  	_ =	swait.ge [sflag:s3], $0x10000  }
0xb3: {  	s13 =	sand.u32 $0xF000, s12;
	s12 =	sand.u32 $0x380, s12;
	[sflag:s3] =	ssyncset.done $0x0  }
0xb4: {  	s12 =	sor.u32 s12, s13;
	[sflag:s3] =	ssyncadd.s32 $0xFFFF0000  }
0xb5: {  	[tilespmem:s12+$0x4470] =	vst v2  }
0xb6: {  	[tilespmem:s12+$0x3800] =	vst v2  }
0xb7: {  	[tilespmem:s12+$0x3810] =	vst v2  }
0xb8: {  	[tilespmem:s12+$0x3820] =	vst v2  }
0xb9: {  	[tilespmem:s12+$0x3830] =	vst v2  }
0xba: {  	[tilespmem:s12+$0x3840] =	vst v2  }
0xbb: {  	[tilespmem:s12+$0x3850] =	vst v2  }
0xbc: {  	[tilespmem:s12+$0x3860] =	vst v2  }
0xbd: {  	[tilespmem:s12+$0x3870] =	vst v2  }
0xbe: {  	[tilespmem:s12+$0x3C00] =	vst v2  }
0xbf: {  	[tilespmem:s12+$0x3C10] =	vst v2  }
0xc0: {  	[tilespmem:s12+$0x3C20] =	vst v2  }
0xc1: {  	[tilespmem:s12+$0x3C30] =	vst v2  }
0xc2: {  	[tilespmem:s12+$0x3C40] =	vst v2  }
0xc3: {  	[tilespmem:s12+$0x3C50] =	vst v2  }
0xc4: {  	[tilespmem:s12+$0x3C60] =	vst v2  }
0xc5: {  	[tilespmem:s12+$0x3C70] =	vst v2  }
0xc6: {  	[tilespmem:s12+$0x4000] =	vst v2  }
0xc7: {  	[tilespmem:s12+$0x4010] =	vst v2  }
0xc8: {  	[tilespmem:s12+$0x4020] =	vst v2  }
0xc9: {  	[tilespmem:s12+$0x4030] =	vst v2  }
0xca: {  	[tilespmem:s12+$0x4040] =	vst v2  }
0xcb: {  	[tilespmem:s12+$0x4050] =	vst v2  }
0xcc: {  	[tilespmem:s12+$0x4060] =	vst v2  }
0xcd: {  	[tilespmem:s12+$0x4070] =	vst v2  }
0xce: {  	[tilespmem:s12+$0x4400] =	vst v2  }
0xcf: {  	[tilespmem:s12+$0x4410] =	vst v2  }
0xd0: {  	[tilespmem:s12+$0x4420] =	vst v2  }
0xd1: {  	[tilespmem:s12+$0x4430] =	vst v2  }
0xd2: {  	s14 =	simm.s32 $0x200;
	s13 =	simm.s32 $0x80;
	[tilespmem:s12+$0x4440] =	vst v2  }
0xd3: {  	s15 =	sand.u32 $0xF000, s14;
	s14 =	simm.s32 $0x400;
	s16 =	sand.u32 $0x380, s13;
	[tilespmem:s12+$0x4450] =	vst v2  }
.LBB2_6:
0xd4: {  	p0 =	sne.s32 s14, $0xFE00;
	[tilespmem:s12+$0x4460] =	vst v2;
	s12 =	sor.u32 s16, s15  }
0xd5: {  	[tilespmem:s12+$0x4470] =	vst v2  }
0xd6: {  	[tilespmem:s12+$0x3800] =	vst v2  }
0xd7: {  	[tilespmem:s12+$0x3810] =	vst v2  }
0xd8: {  	[tilespmem:s12+$0x3820] =	vst v2  }
0xd9: {  	[tilespmem:s12+$0x3830] =	vst v2  }
0xda: {  	[tilespmem:s12+$0x3840] =	vst v2  }
0xdb: {  	[tilespmem:s12+$0x3850] =	vst v2  }
0xdc: {  	[tilespmem:s12+$0x3860] =	vst v2  }
0xdd: {  	[tilespmem:s12+$0x3870] =	vst v2  }
0xde: {  	[tilespmem:s12+$0x3C00] =	vst v2  }
0xdf: {  	[tilespmem:s12+$0x3C10] =	vst v2  }
0xe0: {  	[tilespmem:s12+$0x3C20] =	vst v2  }
0xe1: {  	[tilespmem:s12+$0x3C30] =	vst v2  }
0xe2: {  	[tilespmem:s12+$0x3C40] =	vst v2  }
0xe3: {  	[tilespmem:s12+$0x3C50] =	vst v2  }
0xe4: {  	[tilespmem:s12+$0x3C60] =	vst v2  }
0xe5: {  	[tilespmem:s12+$0x3C70] =	vst v2  }
0xe6: {  	[tilespmem:s12+$0x4000] =	vst v2  }
0xe7: {  	[tilespmem:s12+$0x4010] =	vst v2  }
0xe8: {  	[tilespmem:s12+$0x4020] =	vst v2  }
0xe9: {  	[tilespmem:s12+$0x4030] =	vst v2  }
0xea: {  	[tilespmem:s12+$0x4040] =	vst v2  }
0xeb: {  	[tilespmem:s12+$0x4050] =	vst v2  }
0xec: {  	[tilespmem:s12+$0x4060] =	vst v2  }
0xed: {  	[tilespmem:s12+$0x4070] =	vst v2  }
0xee: {  	[tilespmem:s12+$0x4400] =	vst v2  }
.Ltmp2:
0xef: {  	[tilespmem:s12+$0x4410] =	vst v2;
	(pc) =	sbr.rel @p0 .LBB2_6-.Ltmp2, $4  }
0xf0: {  	[tilespmem:s12+$0x4420] =	vst v2  }
0xf1: {  	[tilespmem:s12+$0x4430] =	vst v2  }
0xf2: {  	s13 =	sadd.s32 $0x80, s13;
	[tilespmem:s12+$0x4440] =	vst v2  }
0xf3: {  	s15 =	sand.u32 $0xF000, s14;
	s14 =	sadd.s32 $0x200, s14;
	s16 =	sand.u32 $0x380, s13;
	[tilespmem:s12+$0x4450] =	vst v2  }
0xf4: {  	s13 =	sor.u32 s16, s15;
	[tilespmem:s12+$0x4460] =	vst v2  }
0xf5: {  	[tilespmem:s13+$0x4470] =	vst v2  }
0xf6: {  	[tilespmem:s13+$0x3800] =	vst v2  }
0xf7: {  	[tilespmem:s13+$0x3810] =	vst v2  }
0xf8: {  	[tilespmem:s13+$0x3820] =	vst v2  }
0xf9: {  	[tilespmem:s13+$0x3830] =	vst v2  }
0xfa: {  	[tilespmem:s13+$0x3840] =	vst v2  }
0xfb: {  	[tilespmem:s13+$0x3850] =	vst v2  }
0xfc: {  	[tilespmem:s13+$0x3860] =	vst v2  }
0xfd: {  	[tilespmem:s13+$0x3870] =	vst v2  }
0xfe: {  	[tilespmem:s13+$0x3C00] =	vst v2  }
0xff: {  	[tilespmem:s13+$0x3C10] =	vst v2  }
0x100: {  	[tilespmem:s13+$0x3C20] =	vst v2  }
0x101: {  	[tilespmem:s13+$0x3C30] =	vst v2  }
0x102: {  	[tilespmem:s13+$0x3C40] =	vst v2  }
0x103: {  	[tilespmem:s13+$0x3C50] =	vst v2  }
0x104: {  	[tilespmem:s13+$0x3C60] =	vst v2  }
0x105: {  	[tilespmem:s13+$0x3C70] =	vst v2  }
0x106: {  	[tilespmem:s13+$0x4000] =	vst v2  }
0x107: {  	[tilespmem:s13+$0x4010] =	vst v2  }
0x108: {  	[tilespmem:s13+$0x4020] =	vst v2  }
0x109: {  	[tilespmem:s13+$0x4030] =	vst v2  }
0x10a: {  	[tilespmem:s13+$0x4040] =	vst v2  }
0x10b: {  	[tilespmem:s13+$0x4050] =	vst v2  }
0x10c: {  	[tilespmem:s13+$0x4060] =	vst v2  }
0x10d: {  	[tilespmem:s13+$0x4070] =	vst v2  }
0x10e: {  	[tilespmem:s13+$0x4400] =	vst v2  }
0x10f: {  	[tilespmem:s13+$0x4410] =	vst v2  }
0x110: {  	[tilespmem:s13+$0x4420] =	vst v2  }
0x111: {  	[tilespmem:s13+$0x4430] =	vst v2  }
0x112: {  	[tilespmem:s13+$0x4440] =	vst v2  }
0x113: {  	[tilespmem:s13+$0x4450] =	vst v2  }
0x114: {  	s12 =	simm.s32 $0xFFFFFFF8;
	[tilespmem:s13+$0x4460] =	vst v2;
	s13 =	simm.s32 $0x40  }
.LBB2_8:
0x115: {  	v4 =	vld [tilespmem:s13+$0xFFFFFFC0];
	_ =	sdelay $0x4  }
0x116: {  	v5 =	vshll.u32 v4, $0x3  }
0x117: {  	v6 =	vsub.s32 v4, v1;
	v7 =	vand.u32 $0x7F, v4;
	v5 =	vand.u32 $0xC00, v5  }
0x118: {  	v4 =	vshrl.u32 v4, $0x2;
	v42 =	vand.u32 $0xFFFFF000, v6;
	v5 =	vor.u32 v7, v5  }
0x119: {  	vm0 =	vlt.u32 v6, $0x10000;
	v4 =	vand.u32 $0x380, v4;
	v5 =	vor.u32 v42, v5  }
0x11a: {  	v4 =	vor.u32 v4, v5;
	_ =	sdelay $0x4  }
0x11b: {  	[tilespmem:v4+s10+$0x0] =	vst.idx.msk vm0, v3  }
0x11c: {  	v4 =	vld [tilespmem:s13+$0xFFFFFFD0];
	_ =	sdelay $0x4  }
0x11d: {  	v5 =	vshll.u32 v4, $0x3  }
0x11e: {  	v43 =	vsub.s32 v4, v1;
	v44 =	vand.u32 $0x7F, v4;
	v5 =	vand.u32 $0xC00, v5  }
0x11f: {  	v4 =	vshrl.u32 v4, $0x2;
	v45 =	vand.u32 $0xFFFFF000, v43;
	v5 =	vor.u32 v44, v5  }
0x120: {  	vm9 =	vlt.u32 v43, $0x10000;
	v4 =	vand.u32 $0x380, v4;
	v5 =	vor.u32 v45, v5  }
0x121: {  	v4 =	vor.u32 v4, v5;
	_ =	sdelay $0x4  }
0x122: {  	[tilespmem:v4+s10+$0x0] =	vst.idx.msk vm9, v3  }
0x123: {  	v4 =	vld [tilespmem:s13+$0xFFFFFFE0];
	_ =	sdelay $0x4  }
0x124: {  	v5 =	vshll.u32 v4, $0x3  }
0x125: {  	v46 =	vsub.s32 v4, v1;
	v47 =	vand.u32 $0x7F, v4;
	v5 =	vand.u32 $0xC00, v5  }
0x126: {  	v4 =	vshrl.u32 v4, $0x2;
	v48 =	vand.u32 $0xFFFFF000, v46;
	v5 =	vor.u32 v47, v5  }
0x127: {  	vm10 =	vlt.u32 v46, $0x10000;
	v4 =	vand.u32 $0x380, v4;
	v5 =	vor.u32 v48, v5  }
0x128: {  	v4 =	vor.u32 v4, v5;
	_ =	sdelay $0x4  }
0x129: {  	[tilespmem:v4+s10+$0x0] =	vst.idx.msk vm10, v3  }
0x12a: {  	v4 =	vld [tilespmem:s13+$0xFFFFFFF0];
	_ =	sdelay $0x4  }
0x12b: {  	v5 =	vshll.u32 v4, $0x3  }
0x12c: {  	v49 =	vsub.s32 v4, v1;
	v50 =	vand.u32 $0x7F, v4;
	v5 =	vand.u32 $0xC00, v5  }
0x12d: {  	v4 =	vshrl.u32 v4, $0x2;
	v51 =	vand.u32 $0xFFFFF000, v49;
	v5 =	vor.u32 v50, v5  }
0x12e: {  	vm11 =	vlt.u32 v49, $0x10000;
	v4 =	vand.u32 $0x380, v4;
	v5 =	vor.u32 v51, v5  }
0x12f: {  	v4 =	vor.u32 v4, v5;
	_ =	sdelay $0x4  }
0x130: {  	[tilespmem:v4+s10+$0x0] =	vst.idx.msk vm11, v3  }
0x131: {  	v4 =	vld [tilespmem:s13+$0x0];
	_ =	sdelay $0x4  }
0x132: {  	v5 =	vshll.u32 v4, $0x3  }
0x133: {  	v52 =	vsub.s32 v4, v1;
	v53 =	vand.u32 $0x7F, v4;
	v5 =	vand.u32 $0xC00, v5  }
0x134: {  	v4 =	vshrl.u32 v4, $0x2;
	v54 =	vand.u32 $0xFFFFF000, v52;
	v5 =	vor.u32 v53, v5  }
0x135: {  	vm12 =	vlt.u32 v52, $0x10000;
	v4 =	vand.u32 $0x380, v4;
	v5 =	vor.u32 v54, v5  }
0x136: {  	v4 =	vor.u32 v4, v5;
	_ =	sdelay $0x4  }
0x137: {  	[tilespmem:v4+s10+$0x0] =	vst.idx.msk vm12, v3  }
0x138: {  	v4 =	vld [tilespmem:s13+$0x10];
	_ =	sdelay $0x4  }
0x139: {  	v5 =	vshll.u32 v4, $0x3  }
0x13a: {  	v55 =	vsub.s32 v4, v1;
	v56 =	vand.u32 $0x7F, v4;
	v5 =	vand.u32 $0xC00, v5  }
0x13b: {  	v4 =	vshrl.u32 v4, $0x2;
	v57 =	vand.u32 $0xFFFFF000, v55;
	v5 =	vor.u32 v56, v5  }
0x13c: {  	vm13 =	vlt.u32 v55, $0x10000;
	v4 =	vand.u32 $0x380, v4;
	v5 =	vor.u32 v57, v5  }
0x13d: {  	v4 =	vor.u32 v4, v5;
	_ =	sdelay $0x4  }
0x13e: {  	[tilespmem:v4+s10+$0x0] =	vst.idx.msk vm13, v3  }
0x13f: {  	v4 =	vld [tilespmem:s13+$0x20];
	_ =	sdelay $0x4  }
0x140: {  	v5 =	vshll.u32 v4, $0x3  }
0x141: {  	v58 =	vsub.s32 v4, v1;
	v59 =	vand.u32 $0x7F, v4;
	v5 =	vand.u32 $0xC00, v5  }
0x142: {  	v4 =	vshrl.u32 v4, $0x2;
	v60 =	vand.u32 $0xFFFFF000, v58;
	v5 =	vor.u32 v59, v5  }
0x143: {  	vm14 =	vlt.u32 v58, $0x10000;
	v4 =	vand.u32 $0x380, v4;
	v5 =	vor.u32 v60, v5  }
0x144: {  	v4 =	vor.u32 v4, v5;
	_ =	sdelay $0x4  }
0x145: {  	[tilespmem:v4+s10+$0x0] =	vst.idx.msk vm14, v3  }
0x146: {  	v4 =	vld [tilespmem:s13+$0x30];
	_ =	sdelay $0x4  }
0x147: {  	v5 =	vshll.u32 v4, $0x3  }
0x148: {  	v61 =	vsub.s32 v4, v1;
	v62 =	vand.u32 $0x7F, v4;
	v5 =	vand.u32 $0xC00, v5  }
0x149: {  	v4 =	vshrl.u32 v4, $0x2;
	v63 =	vand.u32 $0xFFFFF000, v61;
	v5 =	vor.u32 v62, v5  }
0x14a: {  	s12 =	sadd.s32 $0x8, s12;
	vm15 =	vlt.u32 v61, $0x10000;
	v4 =	vand.u32 $0x380, v4;
	v5 =	vor.u32 v63, v5  }
0x14b: {  	p0 =	slt.u32 s12, $0x378;
	v4 =	vor.u32 v4, v5  }
.Ltmp3:
0x14c: {  	_ = 	snop;
	(pc) =	sbr.rel @p0 .LBB2_8-.Ltmp3, $2  }
0x14d: {  	_ =	sdelay $0x2  }
0x14e: {  	s13 =	sadd.s32 $0x80, s13;
	[tilespmem:v4+s10+$0x0] =	vst.idx.msk vm15, v3  }
0x14f: {  	s11 =	sadd.s32 $0x1, s11  }
0x150: {  	p0 =	sne.s32 s11, s7  }
.Ltmp4:
0x151: {  	_ = 	snop;
	(pc) =	sbr.rel @p0 .LBB2_1-.Ltmp4, $4  }
0x152: {  	[hbm4b:s6+s2] =	stream.linear.scatter [tilespmem:s10], [sflag:$0x1], $0x10000, $0x38;
	[tilespmem:$0x13800] =	vst v63  }
0x153: {  	_ =	swait.ge [sflag:s3], $0x10000  }
0x154: {  	[sflag:s3] =	ssyncset.done $0x0  }
0x155: {  	[sflag:s3] =	ssyncadd.s32 $0xFFFF0000  }
0x156: {  	_ =	sfence.sel $0x180000  }
0x157: {  	[bflag:$0x0] =	sbarrier.arrive $0xFFFF  }
0x158: {  	p0 =	sne.s32 s0, $0x0;
	_ =	strace $0x90000050  }
0x159: {  	s0 =	sadd.s32 @!p0 $0x100000, s1;
	[bflag:$0x2] =	sbarrier.arrive $0xFFFF  }
0x15a: {  	[sflag:s0] =	ssyncadd.tile.s32 @!p0 $0x1;
	_ =	shalt  }
.Lfunc_end2:
_tile_overlayer_lowered:
.L_overlay_start_2:
0x15b: {  	(tag) =	ssettag $0x2  }
0x15c: {  	s0 =	rddreg [dreg:$0x0];
	s2 =	stileid.u32  }
0x15d: {  	s1 =	rddreg [dreg:$0x1];
	p0 =	sne.s32 s2, $0x0  }
0x15e: {  	s3 =	rddreg [dreg:$0x2];
	[bflag:$0x3] =	sbarrier.arrive $0xFFFF;
	s2 =	simm.s32 @!p0 $0x1C01  }
0x15f: {  	[timem:s3], [sflag:s2] =	dma.local @!p0 [hbm:s0], s1  }
0x160: {  	s0 =	simm.s32 @!p0 $0x1  }
0x161: {  	_ =	swait.ge @!p0 [sflag:s0], s1  }
0x162: {  	s1 =	ssub.s32 @!p0 $0x0, s1;
	[sflag:s0] =	ssyncset.done @!p0 $0x0  }
0x163: {  	[sflag:s0] =	ssyncadd.s32 @!p0 s1  }
0x164: {  	[bflag:$0x3] =	sbarrier.arrive $0xFFFF  }
0x165: {  	_ =	shalt  }

</sc_bundles>
